<compile_context>
chip_gen: v7x
topology: tpu7x:2x2x1
jax: 0.10.2.dev20260603
libtpu: 0.0.44.dev20260713+nightly
codegen_flags: <defaults>
</compile_context>

<pallas_src>
import functools

import jax
import jax.numpy as jnp
from jax import lax
from jax.experimental import pallas as pl
from jax.experimental.pallas import tpu as pltpu
from jax.experimental.pallas import tpu_sc as plsc

_L = 16
_NC = 2
_NS = 16
_NW = _NC * _NS
_CHUNK = 16384
_NBINS = 9
_IL = 8

_GATHER_DNUMS = lax.GatherDimensionNumbers(
    offset_dims=(), collapsed_slice_dims=(0,), start_index_map=(0,))


def _dyn_gather(vals, idx):
    return lax.gather(vals, idx[:, None], _GATHER_DNUMS, slice_sizes=(1,),
                      mode=lax.GatherScatterMode.PROMISE_IN_BOUNDS)


def _make_sc_digitize(n):
    assert n % (_NW * _CHUNK) == 0
    epw = n // _NW
    chunks = epw // _CHUNK
    assert chunks >= 4 and chunks % 2 == 0

    mesh = plsc.VectorSubcoreMesh(
        core_axis_name="c", subcore_axis_name="s",
        num_cores=_NC, num_subcores=_NS)

    @functools.partial(
        pl.kernel,
        out_type=jax.ShapeDtypeStruct((n,), jnp.int32),
        mesh=mesh,
        scratch_types=[
            pltpu.VMEM((_L,), jnp.float32),
            pltpu.VMEM((_CHUNK,), jnp.float32),
            pltpu.VMEM((_CHUNK,), jnp.float32),
            pltpu.VMEM((_CHUNK,), jnp.int32),
            pltpu.VMEM((_CHUNK,), jnp.int32),
            pltpu.SemaphoreType.DMA,
            pltpu.SemaphoreType.DMA,
            pltpu.SemaphoreType.DMA,
            pltpu.SemaphoreType.DMA,
        ],
    )
    def sc_digitize(x_hbm, binsp_hbm, out_hbm, binsp_v,
                    in0, in1, ot0, ot1, si0, si1, so0, so1):
        ins, outs = (in0, in1), (ot0, ot1)
        isems, osems = (si0, si1), (so0, so1)
        wid = lax.axis_index("s") * _NC + lax.axis_index("c")
        pltpu.sync_copy(binsp_hbm, binsp_v)
        ball = binsp_v[...]
        idx7 = jnp.full((_L,), 7, jnp.int32)
        b7 = _dyn_gather(ball, idx7)
        lanes = lax.iota(jnp.int32, _L)
        t2 = _dyn_gather(ball, lanes | 3)
        t1 = _dyn_gather(ball, lanes | 1)
        base0 = wid * epw

        def src(g):
            return x_hbm.at[pl.ds(base0 + g * _CHUNK, _CHUNK)]

        def dst(g):
            return out_hbm.at[pl.ds(base0 + g * _CHUNK, _CHUNK)]

        def in_start(g, b):
            pltpu.async_copy(src(g), ins[b], isems[b])

        def in_wait(g, b):
            pltpu.make_async_copy(src(g), ins[b], isems[b]).wait()

        def out_start(g, b):
            pltpu.async_copy(outs[b], dst(g), osems[b])

        def out_wait(g, b):
            pltpu.make_async_copy(outs[b], dst(g), osems[b]).wait()

        def compute(b):
            in_v, out_v = ins[b], outs[b]

            @plsc.parallel_loop(0, _CHUNK // (_L * _IL), 1, unroll=2)
            def vec_body(i):
                sls = [pl.ds((i * _IL + k) * _L, _L) for k in range(_IL)]
                xs = [in_v[sl] for sl in sls]
                cs = [jnp.where(x >= b7, 8, 0) for x in xs]
                vs = [_dyn_gather(t2, c0) for c0 in cs]
                cs = [c0 | jnp.where(x >= v, 4, 0)
                      for c0, v, x in zip(cs, vs, xs)]
                vs = [_dyn_gather(t1, c0) for c0 in cs]
                cs = [c0 | jnp.where(x >= v, 2, 0)
                      for c0, v, x in zip(cs, vs, xs)]
                vs = [_dyn_gather(ball, c0) for c0 in cs]
                cs = [c0 | jnp.where(x >= v, 1, 0)
                      for c0, v, x in zip(cs, vs, xs)]
                for sl, c0 in zip(sls, cs):
                    out_v[sl] = c0

        in_start(0, 0)
        in_start(1, 1)
        for g in (0, 1):
            in_wait(g, g)
            compute(g)
            out_start(g, g)
            in_start(g + 2, g)

        def steady(i, carry):
            for b in (0, 1):
                g = 2 * i + b
                in_wait(g, b)
                out_wait(g - 2, b)
                compute(b)
                out_start(g, b)
                in_start(g + 2, b)
            return carry

        lax.fori_loop(1, chunks // 2 - 1, steady, 0)

        for b in (0, 1):
            g = chunks - 2 + b
            in_wait(g, b)
            out_wait(g - 2, b)
            compute(b)
            out_start(g, b)
        out_wait(chunks - 2, 0)
        out_wait(chunks - 1, 1)

    return sc_digitize


def kernel(input, OH_bins):
    n = input.shape[0]
    binsp = jnp.concatenate(
        [OH_bins, jnp.full((_L - _NBINS,), jnp.inf, jnp.float32)])
    return _make_sc_digitize(n)(input, binsp)

# --- scband reference (transcript-rebuilt; emitter-appended) ---
"""Pipeline reference for scband-bin-log-ohlabels-84421877170522 (READ-ONLY COPY).

The authoritative reference and input builder live on the scoring server;
editing this copy changes nothing except your own understanding.
"""

import jax, jax.numpy as jnp
import numpy as np

# Bin edges produced by get_OH_bins_and_labels('default'): 9 monotonically
# increasing edges -> 10 labels (len(OH_labels) == len(OH_bins) + 1).
OH_BINS = np.array([-2.0, -1.0, -0.5, -0.25, 0.0, 0.25, 0.5, 1.0, 2.0], dtype=np.float32)


def setup_inputs(seed: int = 0) -> dict:
    key = jax.random.key(seed)
    x = jax.random.normal(key, (16777216,), dtype=jnp.float32)
    bins = jnp.asarray(OH_BINS)
    return {"input": x, "OH_bins": bins}


def reference(input, OH_bins):
    # np.digitize(input, bins) with right=False (default): returns index i such
    # that bins[i-1] <= x < bins[i]; output in [0, len(bins)].
    encoded_output = jnp.digitize(input, OH_bins)
    return encoded_output

if __name__ == "__main__":
    import jax
    _d = setup_inputs()
    print(jax.jit(kernel)(*tuple(_d.values())))

</pallas_src>

<mosaic_0001>
#map = affine_map<(d0, d1) -> (0)>
module attributes {stable_mosaic.version = 14 : i64} {
  func.func @sc_digitize(%arg0: i32, %arg1: i32, %arg2: memref<16777216xf32, #tpu.memory_space<hbm>>, %arg3: memref<16xf32, #tpu.memory_space<hbm>>, %arg4: memref<16777216xi32, #tpu.memory_space<hbm>>, %arg5: memref<16xf32, #tpu.memory_space<vmem>>, %arg6: memref<16384xf32, #tpu.memory_space<vmem>>, %arg7: memref<16384xf32, #tpu.memory_space<vmem>>, %arg8: memref<16384xi32, #tpu.memory_space<vmem>>, %arg9: memref<16384xi32, #tpu.memory_space<vmem>>, %arg10: memref<!tpu.dma_semaphore, #tpu.memory_space<semaphore_mem>>, %arg11: memref<!tpu.dma_semaphore, #tpu.memory_space<semaphore_mem>>, %arg12: memref<!tpu.dma_semaphore, #tpu.memory_space<semaphore_mem>>, %arg13: memref<!tpu.dma_semaphore, #tpu.memory_space<semaphore_mem>>) attributes {dimension_semantics = [#tpu.dimension_semantics<core_parallel>, #tpu.dimension_semantics<subcore_parallel>], iteration_bounds = array<i64: 2, 16>, scalar_prefetch = 0 : i64, scratch_operands = 9 : i64, tpu.core_type = #tpu.core_type<sc_vector_subcore>, window_params = [{transform_indices = #map}, {transform_indices = #map}, {transform_indices = #map}]} {
    %mul3A = arith.constant 2 : i32
    %mul3A_0 = arith.muli %arg1, %mul3A : i32
    %add3A = arith.addi %mul3A_0, %arg0 : i32
    "tpu.region"() ({
      %run_scoped3A = tpu.sem_alloc : memref<!tpu.dma_semaphore, #tpu.memory_space<semaphore_mem>>
      tpu.enqueue_dma source(%arg3 : memref<16xf32, #tpu.memory_space<hbm>>) target(%arg5 : memref<16xf32, #tpu.memory_space<vmem>>) target_semaphore(%run_scoped3A : memref<!tpu.dma_semaphore, #tpu.memory_space<semaphore_mem>>)
      tpu.wait_dma2 semaphore(%run_scoped3A : memref<!tpu.dma_semaphore, #tpu.memory_space<semaphore_mem>>) src(%arg3 : memref<16xf32, #tpu.memory_space<hbm>>) dst(%arg5 : memref<16xf32, #tpu.memory_space<vmem>>)
      tpu.yield
    }) : () -> ()
    %get3A = arith.constant 0 : index
    %get3A_1 = tpu.vector_load %arg5[%get3A] {strides = array<i32>} : memref<16xf32, #tpu.memory_space<vmem>>, vector<16xf32>,
    %get3A_2 = vector.shape_cast %get3A_1 : vector<16xf32> to vector<16xf32>
    %broadcast_in_dim3A = arith.constant 7 : i32
    %broadcast_in_dim3A_3 = vector.broadcast %broadcast_in_dim3A : i32 to vector<16xi32>
    %broadcast_in_dim3A_4 = vector.shape_cast %broadcast_in_dim3A_3 : vector<16xi32> to vector<16x1xi32>
    %gather3A = vector.shape_cast %broadcast_in_dim3A_4 : vector<16x1xi32> to vector<16xi32>
    %gather3A_5 = tpu.dynamic_gather %get3A_2[%gather3A] in [0] : vector<16xf32>, vector<16xi32> -> vector<16xf32>
    %iota3A = tpu.iota {dimensions = array<i32: 0>} : vector<16xi32>
    %or3A = arith.constant 3 : i32
    %or3A_6 = vector.broadcast %or3A : i32 to vector<16xi32>
    %or3A_7 = arith.ori %iota3A, %or3A_6 : vector<16xi32>
    %broadcast_in_dim3A_8 = vector.shape_cast %or3A_7 : vector<16xi32> to vector<16x1xi32>
    %gather3A_9 = vector.shape_cast %broadcast_in_dim3A_8 : vector<16x1xi32> to vector<16xi32>
    %gather3A_10 = tpu.dynamic_gather %get3A_2[%gather3A_9] in [0] : vector<16xf32>, vector<16xi32> -> vector<16xf32>
    %or3A_11 = arith.constant 1 : i32
    %or3A_12 = vector.broadcast %or3A_11 : i32 to vector<16xi32>
    %or3A_13 = arith.ori %iota3A, %or3A_12 : vector<16xi32>
    %broadcast_in_dim3A_14 = vector.shape_cast %or3A_13 : vector<16xi32> to vector<16x1xi32>
    %gather3A_15 = vector.shape_cast %broadcast_in_dim3A_14 : vector<16x1xi32> to vector<16xi32>
    %gather3A_16 = tpu.dynamic_gather %get3A_2[%gather3A_15] in [0] : vector<16xf32>, vector<16xi32> -> vector<16xf32>
    %mul3A_17 = arith.constant 524288 : i32
    %mul3A_18 = arith.muli %add3A, %mul3A_17 : i32
    %add3A_19 = arith.constant 0 : i32
    %add3A_20 = arith.addi %mul3A_18, %add3A_19 : i32
    %dma_start3A = tpu.memref_slice %arg2[%add3A_20] : memref<16777216xf32, #tpu.memory_space<hbm>> -> memref<16384xf32, #tpu.memory_space<hbm>>
    %dma_start3A_21 = tpu.memref_slice %arg2[%add3A_20] : memref<16777216xf32, #tpu.memory_space<hbm>> -> memref<16384xf32, #tpu.memory_space<hbm>>
    tpu.enqueue_dma source(%dma_start3A_21 : memref<16384xf32, #tpu.memory_space<hbm>>) target(%arg6 : memref<16384xf32, #tpu.memory_space<vmem>>) target_semaphore(%arg10 : memref<!tpu.dma_semaphore, #tpu.memory_space<semaphore_mem>>)
    %add3A_22 = arith.constant 16384 : i32
    %add3A_23 = arith.addi %mul3A_18, %add3A_22 : i32
    %dma_start3A_24 = tpu.memref_slice %arg2[%add3A_23] : memref<16777216xf32, #tpu.memory_space<hbm>> -> memref<16384xf32, #tpu.memory_space<hbm>>
    %dma_start3A_25 = tpu.memref_slice %arg2[%add3A_23] : memref<16777216xf32, #tpu.memory_space<hbm>> -> memref<16384xf32, #tpu.memory_space<hbm>>
    tpu.enqueue_dma source(%dma_start3A_25 : memref<16384xf32, #tpu.memory_space<hbm>>) target(%arg7 : memref<16384xf32, #tpu.memory_space<vmem>>) target_semaphore(%arg11 : memref<!tpu.dma_semaphore, #tpu.memory_space<semaphore_mem>>)
    %add3A_26 = arith.constant 0 : i32
    %add3A_27 = arith.addi %mul3A_18, %add3A_26 : i32
    %dma_wait3A = tpu.memref_slice %arg2[%add3A_27] : memref<16777216xf32, #tpu.memory_space<hbm>> -> memref<16384xf32, #tpu.memory_space<hbm>>
    %dma_wait3A_28 = tpu.memref_slice %arg2[%add3A_27] : memref<16777216xf32, #tpu.memory_space<hbm>> -> memref<16384xf32, #tpu.memory_space<hbm>>
    tpu.wait_dma2 semaphore(%arg10 : memref<!tpu.dma_semaphore, #tpu.memory_space<semaphore_mem>>) src(%dma_wait3A_28 : memref<16384xf32, #tpu.memory_space<hbm>>) dst(%arg6 : memref<16384xf32, #tpu.memory_space<vmem>>)
    %parallel_loop3A = arith.constant 0 : i32
    %parallel_loop3A_29 = arith.constant 128 : i32
    %parallel_loop3A_30 = arith.constant 1 : i32
    scf.for %parallel_loop3A_97 = %parallel_loop3A to %parallel_loop3A_29 step %parallel_loop3A_30  : i32 {
      %parallel_loop3A_98 = arith.constant 8 : i32
      %parallel_loop3A_99 = arith.muli %parallel_loop3A_97, %parallel_loop3A_98 : i32
      %parallel_loop3A_100 = arith.constant 0 : i32
      %parallel_loop3A_101 = arith.addi %parallel_loop3A_99, %parallel_loop3A_100 : i32
      %parallel_loop3A_102 = arith.constant 16 : i32
      %parallel_loop3A_103 = arith.muli %parallel_loop3A_101, %parallel_loop3A_102 : i32
      %parallel_loop3A_104 = arith.constant 8 : i32
      %parallel_loop3A_105 = arith.muli %parallel_loop3A_97, %parallel_loop3A_104 : i32
      %parallel_loop3A_106 = arith.constant 1 : i32
      %parallel_loop3A_107 = arith.addi %parallel_loop3A_105, %parallel_loop3A_106 : i32
      %parallel_loop3A_108 = arith.constant 16 : i32
      %parallel_loop3A_109 = arith.muli %parallel_loop3A_107, %parallel_loop3A_108 : i32
      %parallel_loop3A_110 = arith.constant 8 : i32
      %parallel_loop3A_111 = arith.muli %parallel_loop3A_97, %parallel_loop3A_110 : i32
      %parallel_loop3A_112 = arith.constant 2 : i32
      %parallel_loop3A_113 = arith.addi %parallel_loop3A_111, %parallel_loop3A_112 : i32
      %parallel_loop3A_114 = arith.constant 16 : i32
      %parallel_loop3A_115 = arith.muli %parallel_loop3A_113, %parallel_loop3A_114 : i32
      %parallel_loop3A_116 = arith.constant 8 : i32
      %parallel_loop3A_117 = arith.muli %parallel_loop3A_97, %parallel_loop3A_116 : i32
      %parallel_loop3A_118 = arith.constant 3 : i32
      %parallel_loop3A_119 = arith.addi %parallel_loop3A_117, %parallel_loop3A_118 : i32
      %parallel_loop3A_120 = arith.constant 16 : i32
      %parallel_loop3A_121 = arith.muli %parallel_loop3A_119, %parallel_loop3A_120 : i32
      %parallel_loop3A_122 = arith.constant 8 : i32
      %parallel_loop3A_123 = arith.muli %parallel_loop3A_97, %parallel_loop3A_122 : i32
      %parallel_loop3A_124 = arith.constant 4 : i32
      %parallel_loop3A_125 = arith.addi %parallel_loop3A_123, %parallel_loop3A_124 : i32
      %parallel_loop3A_126 = arith.constant 16 : i32
      %parallel_loop3A_127 = arith.muli %parallel_loop3A_125, %parallel_loop3A_126 : i32
      %parallel_loop3A_128 = arith.constant 8 : i32
      %parallel_loop3A_129 = arith.muli %parallel_loop3A_97, %parallel_loop3A_128 : i32
      %parallel_loop3A_130 = arith.constant 5 : i32
      %parallel_loop3A_131 = arith.addi %parallel_loop3A_129, %parallel_loop3A_130 : i32
      %parallel_loop3A_132 = arith.constant 16 : i32
      %parallel_loop3A_133 = arith.muli %parallel_loop3A_131, %parallel_loop3A_132 : i32
      %parallel_loop3A_134 = arith.constant 8 : i32
      %parallel_loop3A_135 = arith.muli %parallel_loop3A_97, %parallel_loop3A_134 : i32
      %parallel_loop3A_136 = arith.constant 6 : i32
      %parallel_loop3A_137 = arith.addi %parallel_loop3A_135, %parallel_loop3A_136 : i32
      %parallel_loop3A_138 = arith.constant 16 : i32
      %parallel_loop3A_139 = arith.muli %parallel_loop3A_137, %parallel_loop3A_138 : i32
      %parallel_loop3A_140 = arith.constant 8 : i32
      %parallel_loop3A_141 = arith.muli %parallel_loop3A_97, %parallel_loop3A_140 : i32
      %parallel_loop3A_142 = arith.constant 7 : i32
      %parallel_loop3A_143 = arith.addi %parallel_loop3A_141, %parallel_loop3A_142 : i32
      %parallel_loop3A_144 = arith.constant 16 : i32
      %parallel_loop3A_145 = arith.muli %parallel_loop3A_143, %parallel_loop3A_144 : i32
      %parallel_loop3A_146 = arith.index_cast %parallel_loop3A_103 : i32 to index
      %parallel_loop3A_147 = tpu.vector_load %arg6[%parallel_loop3A_146] {strides = array<i32>} : memref<16384xf32, #tpu.memory_space<vmem>>, vector<16xf32>,
      %parallel_loop3A_148 = vector.shape_cast %parallel_loop3A_147 : vector<16xf32> to vector<16xf32>
      %parallel_loop3A_149 = arith.index_cast %parallel_loop3A_109 : i32 to index
      %parallel_loop3A_150 = tpu.vector_load %arg6[%parallel_loop3A_149] {strides = array<i32>} : memref<16384xf32, #tpu.memory_space<vmem>>, vector<16xf32>,
      %parallel_loop3A_151 = vector.shape_cast %parallel_loop3A_150 : vector<16xf32> to vector<16xf32>
      %parallel_loop3A_152 = arith.index_cast %parallel_loop3A_115 : i32 to index
      %parallel_loop3A_153 = tpu.vector_load %arg6[%parallel_loop3A_152] {strides = array<i32>} : memref<16384xf32, #tpu.memory_space<vmem>>, vector<16xf32>,
      %parallel_loop3A_154 = vector.shape_cast %parallel_loop3A_153 : vector<16xf32> to vector<16xf32>
      %parallel_loop3A_155 = arith.index_cast %parallel_loop3A_121 : i32 to index
      %parallel_loop3A_156 = tpu.vector_load %arg6[%parallel_loop3A_155] {strides = array<i32>} : memref<16384xf32, #tpu.memory_space<vmem>>, vector<16xf32>,
      %parallel_loop3A_157 = vector.shape_cast %parallel_loop3A_156 : vector<16xf32> to vector<16xf32>
      %parallel_loop3A_158 = arith.index_cast %parallel_loop3A_127 : i32 to index
      %parallel_loop3A_159 = tpu.vector_load %arg6[%parallel_loop3A_158] {strides = array<i32>} : memref<16384xf32, #tpu.memory_space<vmem>>, vector<16xf32>,
      %parallel_loop3A_160 = vector.shape_cast %parallel_loop3A_159 : vector<16xf32> to vector<16xf32>
      %parallel_loop3A_161 = arith.index_cast %parallel_loop3A_133 : i32 to index
      %parallel_loop3A_162 = tpu.vector_load %arg6[%parallel_loop3A_161] {strides = array<i32>} : memref<16384xf32, #tpu.memory_space<vmem>>, vector<16xf32>,
      %parallel_loop3A_163 = vector.shape_cast %parallel_loop3A_162 : vector<16xf32> to vector<16xf32>
      %parallel_loop3A_164 = arith.index_cast %parallel_loop3A_139 : i32 to index
      %parallel_loop3A_165 = tpu.vector_load %arg6[%parallel_loop3A_164] {strides = array<i32>} : memref<16384xf32, #tpu.memory_space<vmem>>, vector<16xf32>,
      %parallel_loop3A_166 = vector.shape_cast %parallel_loop3A_165 : vector<16xf32> to vector<16xf32>
      %parallel_loop3A_167 = arith.index_cast %parallel_loop3A_145 : i32 to index
      %parallel_loop3A_168 = tpu.vector_load %arg6[%parallel_loop3A_167] {strides = array<i32>} : memref<16384xf32, #tpu.memory_space<vmem>>, vector<16xf32>,
      %parallel_loop3A_169 = vector.shape_cast %parallel_loop3A_168 : vector<16xf32> to vector<16xf32>
      %parallel_loop3A_170 = arith.cmpf oge, %parallel_loop3A_148, %gather3A_5 : vector<16xf32>
      %parallel_loop3A_171 = arith.constant 8 : i32
      %parallel_loop3A_172 = arith.constant 0 : i32
      %parallel_loop3A_173 = vector.broadcast %parallel_loop3A_171 : i32 to vector<16xi32>
      %parallel_loop3A_174 = vector.broadcast %parallel_loop3A_172 : i32 to vector<16xi32>
      %parallel_loop3A_175 = arith.select %parallel_loop3A_170, %parallel_loop3A_173, %parallel_loop3A_174 : vector<16xi1>, vector<16xi32>
      %parallel_loop3A_176 = arith.cmpf oge, %parallel_loop3A_151, %gather3A_5 : vector<16xf32>
      %parallel_loop3A_177 = arith.constant 8 : i32
      %parallel_loop3A_178 = arith.constant 0 : i32
      %parallel_loop3A_179 = vector.broadcast %parallel_loop3A_177 : i32 to vector<16xi32>
      %parallel_loop3A_180 = vector.broadcast %parallel_loop3A_178 : i32 to vector<16xi32>
      %parallel_loop3A_181 = arith.select %parallel_loop3A_176, %parallel_loop3A_179, %parallel_loop3A_180 : vector<16xi1>, vector<16xi32>
      %parallel_loop3A_182 = arith.cmpf oge, %parallel_loop3A_154, %gather3A_5 : vector<16xf32>
      %parallel_loop3A_183 = arith.constant 8 : i32
      %parallel_loop3A_184 = arith.constant 0 : i32
      %parallel_loop3A_185 = vector.broadcast %parallel_loop3A_183 : i32 to vector<16xi32>
      %parallel_loop3A_186 = vector.broadcast %parallel_loop3A_184 : i32 to vector<16xi32>
      %parallel_loop3A_187 = arith.select %parallel_loop3A_182, %parallel_loop3A_185, %parallel_loop3A_186 : vector<16xi1>, vector<16xi32>
      %parallel_loop3A_188 = arith.cmpf oge, %parallel_loop3A_157, %gather3A_5 : vector<16xf32>
      %parallel_loop3A_189 = arith.constant 8 : i32
      %parallel_loop3A_190 = arith.constant 0 : i32
      %parallel_loop3A_191 = vector.broadcast %parallel_loop3A_189 : i32 to vector<16xi32>
      %parallel_loop3A_192 = vector.broadcast %parallel_loop3A_190 : i32 to vector<16xi32>
      %parallel_loop3A_193 = arith.select %parallel_loop3A_188, %parallel_loop3A_191, %parallel_loop3A_192 : vector<16xi1>, vector<16xi32>
      %parallel_loop3A_194 = arith.cmpf oge, %parallel_loop3A_160, %gather3A_5 : vector<16xf32>
      %parallel_loop3A_195 = arith.constant 8 : i32
      %parallel_loop3A_196 = arith.constant 0 : i32
      %parallel_loop3A_197 = vector.broadcast %parallel_loop3A_195 : i32 to vector<16xi32>
      %parallel_loop3A_198 = vector.broadcast %parallel_loop3A_196 : i32 to vector<16xi32>
      %parallel_loop3A_199 = arith.select %parallel_loop3A_194, %parallel_loop3A_197, %parallel_loop3A_198 : vector<16xi1>, vector<16xi32>
      %parallel_loop3A_200 = arith.cmpf oge, %parallel_loop3A_163, %gather3A_5 : vector<16xf32>
      %parallel_loop3A_201 = arith.constant 8 : i32
      %parallel_loop3A_202 = arith.constant 0 : i32
      %parallel_loop3A_203 = vector.broadcast %parallel_loop3A_201 : i32 to vector<16xi32>
      %parallel_loop3A_204 = vector.broadcast %parallel_loop3A_202 : i32 to vector<16xi32>
      %parallel_loop3A_205 = arith.select %parallel_loop3A_200, %parallel_loop3A_203, %parallel_loop3A_204 : vector<16xi1>, vector<16xi32>
      %parallel_loop3A_206 = arith.cmpf oge, %parallel_loop3A_166, %gather3A_5 : vector<16xf32>
      %parallel_loop3A_207 = arith.constant 8 : i32
      %parallel_loop3A_208 = arith.constant 0 : i32
      %parallel_loop3A_209 = vector.broadcast %parallel_loop3A_207 : i32 to vector<16xi32>
      %parallel_loop3A_210 = vector.broadcast %parallel_loop3A_208 : i32 to vector<16xi32>
      %parallel_loop3A_211 = arith.select %parallel_loop3A_206, %parallel_loop3A_209, %parallel_loop3A_210 : vector<16xi1>, vector<16xi32>
      %parallel_loop3A_212 = arith.cmpf oge, %parallel_loop3A_169, %gather3A_5 : vector<16xf32>
      %parallel_loop3A_213 = arith.constant 8 : i32
      %parallel_loop3A_214 = arith.constant 0 : i32
      %parallel_loop3A_215 = vector.broadcast %parallel_loop3A_213 : i32 to vector<16xi32>
      %parallel_loop3A_216 = vector.broadcast %parallel_loop3A_214 : i32 to vector<16xi32>
      %parallel_loop3A_217 = arith.select %parallel_loop3A_212, %parallel_loop3A_215, %parallel_loop3A_216 : vector<16xi1>, vector<16xi32>
      %parallel_loop3A_218 = vector.shape_cast %parallel_loop3A_175 : vector<16xi32> to vector<16x1xi32>
      %parallel_loop3A_219 = vector.shape_cast %parallel_loop3A_218 : vector<16x1xi32> to vector<16xi32>
      %parallel_loop3A_220 = tpu.dynamic_gather %gather3A_10[%parallel_loop3A_219] in [0] : vector<16xf32>, vector<16xi32> -> vector<16xf32>
      %parallel_loop3A_221 = vector.shape_cast %parallel_loop3A_181 : vector<16xi32> to vector<16x1xi32>
      %parallel_loop3A_222 = vector.shape_cast %parallel_loop3A_221 : vector<16x1xi32> to vector<16xi32>
      %parallel_loop3A_223 = tpu.dynamic_gather %gather3A_10[%parallel_loop3A_222] in [0] : vector<16xf32>, vector<16xi32> -> vector<16xf32>
      %parallel_loop3A_224 = vector.shape_cast %parallel_loop3A_187 : vector<16xi32> to vector<16x1xi32>
      %parallel_loop3A_225 = vector.shape_cast %parallel_loop3A_224 : vector<16x1xi32> to vector<16xi32>
      %parallel_loop3A_226 = tpu.dynamic_gather %gather3A_10[%parallel_loop3A_225] in [0] : vector<16xf32>, vector<16xi32> -> vector<16xf32>
      %parallel_loop3A_227 = vector.shape_cast %parallel_loop3A_193 : vector<16xi32> to vector<16x1xi32>
      %parallel_loop3A_228 = vector.shape_cast %parallel_loop3A_227 : vector<16x1xi32> to vector<16xi32>
      %parallel_loop3A_229 = tpu.dynamic_gather %gather3A_10[%parallel_loop3A_228] in [0] : vector<16xf32>, vector<16xi32> -> vector<16xf32>
      %parallel_loop3A_230 = vector.shape_cast %parallel_loop3A_199 : vector<16xi32> to vector<16x1xi32>
      %parallel_loop3A_231 = vector.shape_cast %parallel_loop3A_230 : vector<16x1xi32> to vector<16xi32>
      %parallel_loop3A_232 = tpu.dynamic_gather %gather3A_10[%parallel_loop3A_231] in [0] : vector<16xf32>, vector<16xi32> -> vector<16xf32>
      %parallel_loop3A_233 = vector.shape_cast %parallel_loop3A_205 : vector<16xi32> to vector<16x1xi32>
      %parallel_loop3A_234 = vector.shape_cast %parallel_loop3A_233 : vector<16x1xi32> to vector<16xi32>
      %parallel_loop3A_235 = tpu.dynamic_gather %gather3A_10[%parallel_loop3A_234] in [0] : vector<16xf32>, vector<16xi32> -> vector<16xf32>
      %parallel_loop3A_236 = vector.shape_cast %parallel_loop3A_211 : vector<16xi32> to vector<16x1xi32>
      %parallel_loop3A_237 = vector.shape_cast %parallel_loop3A_236 : vector<16x1xi32> to vector<16xi32>
      %parallel_loop3A_238 = tpu.dynamic_gather %gather3A_10[%parallel_loop3A_237] in [0] : vector<16xf32>, vector<16xi32> -> vector<16xf32>
      %parallel_loop3A_239 = vector.shape_cast %parallel_loop3A_217 : vector<16xi32> to vector<16x1xi32>
      %parallel_loop3A_240 = vector.shape_cast %parallel_loop3A_239 : vector<16x1xi32> to vector<16xi32>
      %parallel_loop3A_241 = tpu.dynamic_gather %gather3A_10[%parallel_loop3A_240] in [0] : vector<16xf32>, vector<16xi32> -> vector<16xf32>
      %parallel_loop3A_242 = arith.cmpf oge, %parallel_loop3A_148, %parallel_loop3A_220 : vector<16xf32>
      %parallel_loop3A_243 = arith.constant 4 : i32
      %parallel_loop3A_244 = arith.constant 0 : i32
      %parallel_loop3A_245 = vector.broadcast %parallel_loop3A_243 : i32 to vector<16xi32>
      %parallel_loop3A_246 = vector.broadcast %parallel_loop3A_244 : i32 to vector<16xi32>
      %parallel_loop3A_247 = arith.select %parallel_loop3A_242, %parallel_loop3A_245, %parallel_loop3A_246 : vector<16xi1>, vector<16xi32>
      %parallel_loop3A_248 = arith.ori %parallel_loop3A_175, %parallel_loop3A_247 : vector<16xi32>
      %parallel_loop3A_249 = arith.cmpf oge, %parallel_loop3A_151, %parallel_loop3A_223 : vector<16xf32>
      %parallel_loop3A_250 = arith.constant 4 : i32
      %parallel_loop3A_251 = arith.constant 0 : i32
      %parallel_loop3A_252 = vector.broadcast %parallel_loop3A_250 : i32 to vector<16xi32>
      %parallel_loop3A_253 = vector.broadcast %parallel_loop3A_251 : i32 to vector<16xi32>
      %parallel_loop3A_254 = arith.select %parallel_loop3A_249, %parallel_loop3A_252, %parallel_loop3A_253 : vector<16xi1>, vector<16xi32>
      %parallel_loop3A_255 = arith.ori %parallel_loop3A_181, %parallel_loop3A_254 : vector<16xi32>
      %parallel_loop3A_256 = arith.cmpf oge, %parallel_loop3A_154, %parallel_loop3A_226 : vector<16xf32>
      %parallel_loop3A_257 = arith.constant 4 : i32
      %parallel_loop3A_258 = arith.constant 0 : i32
      %parallel_loop3A_259 = vector.broadcast %parallel_loop3A_257 : i32 to vector<16xi32>
      %parallel_loop3A_260 = vector.broadcast %parallel_loop3A_258 : i32 to vector<16xi32>
      %parallel_loop3A_261 = arith.select %parallel_loop3A_256, %parallel_loop3A_259, %parallel_loop3A_260 : vector<16xi1>, vector<16xi32>
      %parallel_loop3A_262 = arith.ori %parallel_loop3A_187, %parallel_loop3A_261 : vector<16xi32>
      %parallel_loop3A_263 = arith.cmpf oge, %parallel_loop3A_157, %parallel_loop3A_229 : vector<16xf32>
      %parallel_loop3A_264 = arith.constant 4 : i32
      %parallel_loop3A_265 = arith.constant 0 : i32
      %parallel_loop3A_266 = vector.broadcast %parallel_loop3A_264 : i32 to vector<16xi32>
      %parallel_loop3A_267 = vector.broadcast %parallel_loop3A_265 : i32 to vector<16xi32>
      %parallel_loop3A_268 = arith.select %parallel_loop3A_263, %parallel_loop3A_266, %parallel_loop3A_267 : vector<16xi1>, vector<16xi32>
      %parallel_loop3A_269 = arith.ori %parallel_loop3A_193, %parallel_loop3A_268 : vector<16xi32>
      %parallel_loop3A_270 = arith.cmpf oge, %parallel_loop3A_160, %parallel_loop3A_232 : vector<16xf32>
      %parallel_loop3A_271 = arith.constant 4 : i32
      %parallel_loop3A_272 = arith.constant 0 : i32
      %parallel_loop3A_273 = vector.broadcast %parallel_loop3A_271 : i32 to vector<16xi32>
      %parallel_loop3A_274 = vector.broadcast %parallel_loop3A_272 : i32 to vector<16xi32>
      %parallel_loop3A_275 = arith.select %parallel_loop3A_270, %parallel_loop3A_273, %parallel_loop3A_274 : vector<16xi1>, vector<16xi32>
      %parallel_loop3A_276 = arith.ori %parallel_loop3A_199, %parallel_loop3A_275 : vector<16xi32>
      %parallel_loop3A_277 = arith.cmpf oge, %parallel_loop3A_163, %parallel_loop3A_235 : vector<16xf32>
      %parallel_loop3A_278 = arith.constant 4 : i32
      %parallel_loop3A_279 = arith.constant 0 : i32
      %parallel_loop3A_280 = vector.broadcast %parallel_loop3A_278 : i32 to vector<16xi32>
      %parallel_loop3A_281 = vector.broadcast %parallel_loop3A_279 : i32 to vector<16xi32>
      %parallel_loop3A_282 = arith.select %parallel_loop3A_277, %parallel_loop3A_280, %parallel_loop3A_281 : vector<16xi1>, vector<16xi32>
      %parallel_loop3A_283 = arith.ori %parallel_loop3A_205, %parallel_loop3A_282 : vector<16xi32>
      %parallel_loop3A_284 = arith.cmpf oge, %parallel_loop3A_166, %parallel_loop3A_238 : vector<16xf32>
      %parallel_loop3A_285 = arith.constant 4 : i32
      %parallel_loop3A_286 = arith.constant 0 : i32
      %parallel_loop3A_287 = vector.broadcast %parallel_loop3A_285 : i32 to vector<16xi32>
      %parallel_loop3A_288 = vector.broadcast %parallel_loop3A_286 : i32 to vector<16xi32>
      %parallel_loop3A_289 = arith.select %parallel_loop3A_284, %parallel_loop3A_287, %parallel_loop3A_288 : vector<16xi1>, vector<16xi32>
      %parallel_loop3A_290 = arith.ori %parallel_loop3A_211, %parallel_loop3A_289 : vector<16xi32>
      %parallel_loop3A_291 = arith.cmpf oge, %parallel_loop3A_169, %parallel_loop3A_241 : vector<16xf32>
      %parallel_loop3A_292 = arith.constant 4 : i32
      %parallel_loop3A_293 = arith.constant 0 : i32
      %parallel_loop3A_294 = vector.broadcast %parallel_loop3A_292 : i32 to vector<16xi32>
      %parallel_loop3A_295 = vector.broadcast %parallel_loop3A_293 : i32 to vector<16xi32>
      %parallel_loop3A_296 = arith.select %parallel_loop3A_291, %parallel_loop3A_294, %parallel_loop3A_295 : vector<16xi1>, vector<16xi32>
      %parallel_loop3A_297 = arith.ori %parallel_loop3A_217, %parallel_loop3A_296 : vector<16xi32>
      %parallel_loop3A_298 = vector.shape_cast %parallel_loop3A_248 : vector<16xi32> to vector<16x1xi32>
      %parallel_loop3A_299 = vector.shape_cast %parallel_loop3A_298 : vector<16x1xi32> to vector<16xi32>
      %parallel_loop3A_300 = tpu.dynamic_gather %gather3A_16[%parallel_loop3A_299] in [0] : vector<16xf32>, vector<16xi32> -> vector<16xf32>
      %parallel_loop3A_301 = vector.shape_cast %parallel_loop3A_255 : vector<16xi32> to vector<16x1xi32>
      %parallel_loop3A_302 = vector.shape_cast %parallel_loop3A_301 : vector<16x1xi32> to vector<16xi32>
      %parallel_loop3A_303 = tpu.dynamic_gather %gather3A_16[%parallel_loop3A_302] in [0] : vector<16xf32>, vector<16xi32> -> vector<16xf32>
      %parallel_loop3A_304 = vector.shape_cast %parallel_loop3A_262 : vector<16xi32> to vector<16x1xi32>
      %parallel_loop3A_305 = vector.shape_cast %parallel_loop3A_304 : vector<16x1xi32> to vector<16xi32>
      %parallel_loop3A_306 = tpu.dynamic_gather %gather3A_16[%parallel_loop3A_305] in [0] : vector<16xf32>, vector<16xi32> -> vector<16xf32>
      %parallel_loop3A_307 = vector.shape_cast %parallel_loop3A_269 : vector<16xi32> to vector<16x1xi32>
      %parallel_loop3A_308 = vector.shape_cast %parallel_loop3A_307 : vector<16x1xi32> to vector<16xi32>
      %parallel_loop3A_309 = tpu.dynamic_gather %gather3A_16[%parallel_loop3A_308] in [0] : vector<16xf32>, vector<16xi32> -> vector<16xf32>
      %parallel_loop3A_310 = vector.shape_cast %parallel_loop3A_276 : vector<16xi32> to vector<16x1xi32>
      %parallel_loop3A_311 = vector.shape_cast %parallel_loop3A_310 : vector<16x1xi32> to vector<16xi32>
      %parallel_loop3A_312 = tpu.dynamic_gather %gather3A_16[%parallel_loop3A_311] in [0] : vector<16xf32>, vector<16xi32> -> vector<16xf32>
      %parallel_loop3A_313 = vector.shape_cast %parallel_loop3A_283 : vector<16xi32> to vector<16x1xi32>
      %parallel_loop3A_314 = vector.shape_cast %parallel_loop3A_313 : vector<16x1xi32> to vector<16xi32>
      %parallel_loop3A_315 = tpu.dynamic_gather %gather3A_16[%parallel_loop3A_314] in [0] : vector<16xf32>, vector<16xi32> -> vector<16xf32>
      %parallel_loop3A_316 = vector.shape_cast %parallel_loop3A_290 : vector<16xi32> to vector<16x1xi32>
      %parallel_loop3A_317 = vector.shape_cast %parallel_loop3A_316 : vector<16x1xi32> to vector<16xi32>
      %parallel_loop3A_318 = tpu.dynamic_gather %gather3A_16[%parallel_loop3A_317] in [0] : vector<16xf32>, vector<16xi32> -> vector<16xf32>
      %parallel_loop3A_319 = vector.shape_cast %parallel_loop3A_297 : vector<16xi32> to vector<16x1xi32>
      %parallel_loop3A_320 = vector.shape_cast %parallel_loop3A_319 : vector<16x1xi32> to vector<16xi32>
      %parallel_loop3A_321 = tpu.dynamic_gather %gather3A_16[%parallel_loop3A_320] in [0] : vector<16xf32>, vector<16xi32> -> vector<16xf32>
      %parallel_loop3A_322 = arith.cmpf oge, %parallel_loop3A_148, %parallel_loop3A_300 : vector<16xf32>
      %parallel_loop3A_323 = arith.constant 2 : i32
      %parallel_loop3A_324 = arith.constant 0 : i32
      %parallel_loop3A_325 = vector.broadcast %parallel_loop3A_323 : i32 to vector<16xi32>
      %parallel_loop3A_326 = vector.broadcast %parallel_loop3A_324 : i32 to vector<16xi32>
      %parallel_loop3A_327 = arith.select %parallel_loop3A_322, %parallel_loop3A_325, %parallel_loop3A_326 : vector<16xi1>, vector<16xi32>
      %parallel_loop3A_328 = arith.ori %parallel_loop3A_248, %parallel_loop3A_327 : vector<16xi32>
      %parallel_loop3A_329 = arith.cmpf oge, %parallel_loop3A_151, %parallel_loop3A_303 : vector<16xf32>
      %parallel_loop3A_330 = arith.constant 2 : i32
      %parallel_loop3A_331 = arith.constant 0 : i32
      %parallel_loop3A_332 = vector.broadcast %parallel_loop3A_330 : i32 to vector<16xi32>
      %parallel_loop3A_333 = vector.broadcast %parallel_loop3A_331 : i32 to vector<16xi32>
      %parallel_loop3A_334 = arith.select %parallel_loop3A_329, %parallel_loop3A_332, %parallel_loop3A_333 : vector<16xi1>, vector<16xi32>
      %parallel_loop3A_335 = arith.ori %parallel_loop3A_255, %parallel_loop3A_334 : vector<16xi32>
      %parallel_loop3A_336 = arith.cmpf oge, %parallel_loop3A_154, %parallel_loop3A_306 : vector<16xf32>
      %parallel_loop3A_337 = arith.constant 2 : i32
      %parallel_loop3A_338 = arith.constant 0 : i32
      %parallel_loop3A_339 = vector.broadcast %parallel_loop3A_337 : i32 to vector<16xi32>
      %parallel_loop3A_340 = vector.broadcast %parallel_loop3A_338 : i32 to vector<16xi32>
      %parallel_loop3A_341 = arith.select %parallel_loop3A_336, %parallel_loop3A_339, %parallel_loop3A_340 : vector<16xi1>, vector<16xi32>
      %parallel_loop3A_342 = arith.ori %parallel_loop3A_262, %parallel_loop3A_341 : vector<16xi32>
      %parallel_loop3A_343 = arith.cmpf oge, %parallel_loop3A_157, %parallel_loop3A_309 : vector<16xf32>
      %parallel_loop3A_344 = arith.constant 2 : i32
      %parallel_loop3A_345 = arith.constant 0 : i32
      %parallel_loop3A_346 = vector.broadcast %parallel_loop3A_344 : i32 to vector<16xi32>
      %parallel_loop3A_347 = vector.broadcast %parallel_loop3A_345 : i32 to vector<16xi32>
      %parallel_loop3A_348 = arith.select %parallel_loop3A_343, %parallel_loop3A_346, %parallel_loop3A_347 : vector<16xi1>, vector<16xi32>
      %parallel_loop3A_349 = arith.ori %parallel_loop3A_269, %parallel_loop3A_348 : vector<16xi32>
      %parallel_loop3A_350 = arith.cmpf oge, %parallel_loop3A_160, %parallel_loop3A_312 : vector<16xf32>
      %parallel_loop3A_351 = arith.constant 2 : i32
      %parallel_loop3A_352 = arith.constant 0 : i32
      %parallel_loop3A_353 = vector.broadcast %parallel_loop3A_351 : i32 to vector<16xi32>
      %parallel_loop3A_354 = vector.broadcast %parallel_loop3A_352 : i32 to vector<16xi32>
      %parallel_loop3A_355 = arith.select %parallel_loop3A_350, %parallel_loop3A_353, %parallel_loop3A_354 : vector<16xi1>, vector<16xi32>
      %parallel_loop3A_356 = arith.ori %parallel_loop3A_276, %parallel_loop3A_355 : vector<16xi32>
      %parallel_loop3A_357 = arith.cmpf oge, %parallel_loop3A_163, %parallel_loop3A_315 : vector<16xf32>
      %parallel_loop3A_358 = arith.constant 2 : i32
      %parallel_loop3A_359 = arith.constant 0 : i32
      %parallel_loop3A_360 = vector.broadcast %parallel_loop3A_358 : i32 to vector<16xi32>
      %parallel_loop3A_361 = vector.broadcast %parallel_loop3A_359 : i32 to vector<16xi32>
      %parallel_loop3A_362 = arith.select %parallel_loop3A_357, %parallel_loop3A_360, %parallel_loop3A_361 : vector<16xi1>, vector<16xi32>
      %parallel_loop3A_363 = arith.ori %parallel_loop3A_283, %parallel_loop3A_362 : vector<16xi32>
      %parallel_loop3A_364 = arith.cmpf oge, %parallel_loop3A_166, %parallel_loop3A_318 : vector<16xf32>
      %parallel_loop3A_365 = arith.constant 2 : i32
      %parallel_loop3A_366 = arith.constant 0 : i32
      %parallel_loop3A_367 = vector.broadcast %parallel_loop3A_365 : i32 to vector<16xi32>
      %parallel_loop3A_368 = vector.broadcast %parallel_loop3A_366 : i32 to vector<16xi32>
      %parallel_loop3A_369 = arith.select %parallel_loop3A_364, %parallel_loop3A_367, %parallel_loop3A_368 : vector<16xi1>, vector<16xi32>
      %parallel_loop3A_370 = arith.ori %parallel_loop3A_290, %parallel_loop3A_369 : vector<16xi32>
      %parallel_loop3A_371 = arith.cmpf oge, %parallel_loop3A_169, %parallel_loop3A_321 : vector<16xf32>
      %parallel_loop3A_372 = arith.constant 2 : i32
      %parallel_loop3A_373 = arith.constant 0 : i32
      %parallel_loop3A_374 = vector.broadcast %parallel_loop3A_372 : i32 to vector<16xi32>
      %parallel_loop3A_375 = vector.broadcast %parallel_loop3A_373 : i32 to vector<16xi32>
      %parallel_loop3A_376 = arith.select %parallel_loop3A_371, %parallel_loop3A_374, %parallel_loop3A_375 : vector<16xi1>, vector<16xi32>
      %parallel_loop3A_377 = arith.ori %parallel_loop3A_297, %parallel_loop3A_376 : vector<16xi32>
      %parallel_loop3A_378 = vector.shape_cast %parallel_loop3A_328 : vector<16xi32> to vector<16x1xi32>
      %parallel_loop3A_379 = vector.shape_cast %parallel_loop3A_378 : vector<16x1xi32> to vector<16xi32>
      %parallel_loop3A_380 = tpu.dynamic_gather %get3A_2[%parallel_loop3A_379] in [0] : vector<16xf32>, vector<16xi32> -> vector<16xf32>
      %parallel_loop3A_381 = vector.shape_cast %parallel_loop3A_335 : vector<16xi32> to vector<16x1xi32>
      %parallel_loop3A_382 = vector.shape_cast %parallel_loop3A_381 : vector<16x1xi32> to vector<16xi32>
      %parallel_loop3A_383 = tpu.dynamic_gather %get3A_2[%parallel_loop3A_382] in [0] : vector<16xf32>, vector<16xi32> -> vector<16xf32>
      %parallel_loop3A_384 = vector.shape_cast %parallel_loop3A_342 : vector<16xi32> to vector<16x1xi32>
      %parallel_loop3A_385 = vector.shape_cast %parallel_loop3A_384 : vector<16x1xi32> to vector<16xi32>
      %parallel_loop3A_386 = tpu.dynamic_gather %get3A_2[%parallel_loop3A_385] in [0] : vector<16xf32>, vector<16xi32> -> vector<16xf32>
      %parallel_loop3A_387 = vector.shape_cast %parallel_loop3A_349 : vector<16xi32> to vector<16x1xi32>
      %parallel_loop3A_388 = vector.shape_cast %parallel_loop3A_387 : vector<16x1xi32> to vector<16xi32>
      %parallel_loop3A_389 = tpu.dynamic_gather %get3A_2[%parallel_loop3A_388] in [0] : vector<16xf32>, vector<16xi32> -> vector<16xf32>
      %parallel_loop3A_390 = vector.shape_cast %parallel_loop3A_356 : vector<16xi32> to vector<16x1xi32>
      %parallel_loop3A_391 = vector.shape_cast %parallel_loop3A_390 : vector<16x1xi32> to vector<16xi32>
      %parallel_loop3A_392 = tpu.dynamic_gather %get3A_2[%parallel_loop3A_391] in [0] : vector<16xf32>, vector<16xi32> -> vector<16xf32>
      %parallel_loop3A_393 = vector.shape_cast %parallel_loop3A_363 : vector<16xi32> to vector<16x1xi32>
      %parallel_loop3A_394 = vector.shape_cast %parallel_loop3A_393 : vector<16x1xi32> to vector<16xi32>
      %parallel_loop3A_395 = tpu.dynamic_gather %get3A_2[%parallel_loop3A_394] in [0] : vector<16xf32>, vector<16xi32> -> vector<16xf32>
      %parallel_loop3A_396 = vector.shape_cast %parallel_loop3A_370 : vector<16xi32> to vector<16x1xi32>
      %parallel_loop3A_397 = vector.shape_cast %parallel_loop3A_396 : vector<16x1xi32> to vector<16xi32>
      %parallel_loop3A_398 = tpu.dynamic_gather %get3A_2[%parallel_loop3A_397] in [0] : vector<16xf32>, vector<16xi32> -> vector<16xf32>
      %parallel_loop3A_399 = vector.shape_cast %parallel_loop3A_377 : vector<16xi32> to vector<16x1xi32>
      %parallel_loop3A_400 = vector.shape_cast %parallel_loop3A_399 : vector<16x1xi32> to vector<16xi32>
      %parallel_loop3A_401 = tpu.dynamic_gather %get3A_2[%parallel_loop3A_400] in [0] : vector<16xf32>, vector<16xi32> -> vector<16xf32>
      %parallel_loop3A_402 = arith.cmpf oge, %parallel_loop3A_148, %parallel_loop3A_380 : vector<16xf32>
      %parallel_loop3A_403 = arith.constant 1 : i32
      %parallel_loop3A_404 = arith.constant 0 : i32
      %parallel_loop3A_405 = vector.broadcast %parallel_loop3A_403 : i32 to vector<16xi32>
      %parallel_loop3A_406 = vector.broadcast %parallel_loop3A_404 : i32 to vector<16xi32>
      %parallel_loop3A_407 = arith.select %parallel_loop3A_402, %parallel_loop3A_405, %parallel_loop3A_406 : vector<16xi1>, vector<16xi32>
      %parallel_loop3A_408 = arith.ori %parallel_loop3A_328, %parallel_loop3A_407 : vector<16xi32>
      %parallel_loop3A_409 = arith.cmpf oge, %parallel_loop3A_151, %parallel_loop3A_383 : vector<16xf32>
      %parallel_loop3A_410 = arith.constant 1 : i32
      %parallel_loop3A_411 = arith.constant 0 : i32
      %parallel_loop3A_412 = vector.broadcast %parallel_loop3A_410 : i32 to vector<16xi32>
      %parallel_loop3A_413 = vector.broadcast %parallel_loop3A_411 : i32 to vector<16xi32>
      %parallel_loop3A_414 = arith.select %parallel_loop3A_409, %parallel_loop3A_412, %parallel_loop3A_413 : vector<16xi1>, vector<16xi32>
      %parallel_loop3A_415 = arith.ori %parallel_loop3A_335, %parallel_loop3A_414 : vector<16xi32>
      %parallel_loop3A_416 = arith.cmpf oge, %parallel_loop3A_154, %parallel_loop3A_386 : vector<16xf32>
      %parallel_loop3A_417 = arith.constant 1 : i32
      %parallel_loop3A_418 = arith.constant 0 : i32
      %parallel_loop3A_419 = vector.broadcast %parallel_loop3A_417 : i32 to vector<16xi32>
      %parallel_loop3A_420 = vector.broadcast %parallel_loop3A_418 : i32 to vector<16xi32>
      %parallel_loop3A_421 = arith.select %parallel_loop3A_416, %parallel_loop3A_419, %parallel_loop3A_420 : vector<16xi1>, vector<16xi32>
      %parallel_loop3A_422 = arith.ori %parallel_loop3A_342, %parallel_loop3A_421 : vector<16xi32>
      %parallel_loop3A_423 = arith.cmpf oge, %parallel_loop3A_157, %parallel_loop3A_389 : vector<16xf32>
      %parallel_loop3A_424 = arith.constant 1 : i32
      %parallel_loop3A_425 = arith.constant 0 : i32
      %parallel_loop3A_426 = vector.broadcast %parallel_loop3A_424 : i32 to vector<16xi32>
      %parallel_loop3A_427 = vector.broadcast %parallel_loop3A_425 : i32 to vector<16xi32>
      %parallel_loop3A_428 = arith.select %parallel_loop3A_423, %parallel_loop3A_426, %parallel_loop3A_427 : vector<16xi1>, vector<16xi32>
      %parallel_loop3A_429 = arith.ori %parallel_loop3A_349, %parallel_loop3A_428 : vector<16xi32>
      %parallel_loop3A_430 = arith.cmpf oge, %parallel_loop3A_160, %parallel_loop3A_392 : vector<16xf32>
      %parallel_loop3A_431 = arith.constant 1 : i32
      %parallel_loop3A_432 = arith.constant 0 : i32
      %parallel_loop3A_433 = vector.broadcast %parallel_loop3A_431 : i32 to vector<16xi32>
      %parallel_loop3A_434 = vector.broadcast %parallel_loop3A_432 : i32 to vector<16xi32>
      %parallel_loop3A_435 = arith.select %parallel_loop3A_430, %parallel_loop3A_433, %parallel_loop3A_434 : vector<16xi1>, vector<16xi32>
      %parallel_loop3A_436 = arith.ori %parallel_loop3A_356, %parallel_loop3A_435 : vector<16xi32>
      %parallel_loop3A_437 = arith.cmpf oge, %parallel_loop3A_163, %parallel_loop3A_395 : vector<16xf32>
      %parallel_loop3A_438 = arith.constant 1 : i32
      %parallel_loop3A_439 = arith.constant 0 : i32
      %parallel_loop3A_440 = vector.broadcast %parallel_loop3A_438 : i32 to vector<16xi32>
      %parallel_loop3A_441 = vector.broadcast %parallel_loop3A_439 : i32 to vector<16xi32>
      %parallel_loop3A_442 = arith.select %parallel_loop3A_437, %parallel_loop3A_440, %parallel_loop3A_441 : vector<16xi1>, vector<16xi32>
      %parallel_loop3A_443 = arith.ori %parallel_loop3A_363, %parallel_loop3A_442 : vector<16xi32>
      %parallel_loop3A_444 = arith.cmpf oge, %parallel_loop3A_166, %parallel_loop3A_398 : vector<16xf32>
      %parallel_loop3A_445 = arith.constant 1 : i32
      %parallel_loop3A_446 = arith.constant 0 : i32
      %parallel_loop3A_447 = vector.broadcast %parallel_loop3A_445 : i32 to vector<16xi32>
      %parallel_loop3A_448 = vector.broadcast %parallel_loop3A_446 : i32 to vector<16xi32>
      %parallel_loop3A_449 = arith.select %parallel_loop3A_444, %parallel_loop3A_447, %parallel_loop3A_448 : vector<16xi1>, vector<16xi32>
      %parallel_loop3A_450 = arith.ori %parallel_loop3A_370, %parallel_loop3A_449 : vector<16xi32>
      %parallel_loop3A_451 = arith.cmpf oge, %parallel_loop3A_169, %parallel_loop3A_401 : vector<16xf32>
      %parallel_loop3A_452 = arith.constant 1 : i32
      %parallel_loop3A_453 = arith.constant 0 : i32
      %parallel_loop3A_454 = vector.broadcast %parallel_loop3A_452 : i32 to vector<16xi32>
      %parallel_loop3A_455 = vector.broadcast %parallel_loop3A_453 : i32 to vector<16xi32>
      %parallel_loop3A_456 = arith.select %parallel_loop3A_451, %parallel_loop3A_454, %parallel_loop3A_455 : vector<16xi1>, vector<16xi32>
      %parallel_loop3A_457 = arith.ori %parallel_loop3A_377, %parallel_loop3A_456 : vector<16xi32>
      %parallel_loop3A_458 = arith.index_cast %parallel_loop3A_103 : i32 to index
      %parallel_loop3A_459 = tpu.vector_load %arg8[%parallel_loop3A_458] {strides = array<i32>} : memref<16384xi32, #tpu.memory_space<vmem>>, vector<16xi32>,
      %parallel_loop3A_460 = vector.shape_cast %parallel_loop3A_459 : vector<16xi32> to vector<16xi32>
      %parallel_loop3A_461 = vector.shape_cast %parallel_loop3A_408 : vector<16xi32> to vector<16xi32>
      tpu.vector_store %arg8[%parallel_loop3A_458], %parallel_loop3A_461 {strides = array<i32>} : memref<16384xi32, #tpu.memory_space<vmem>>, vector<16xi32>,
      %parallel_loop3A_462 = arith.index_cast %parallel_loop3A_109 : i32 to index
      %parallel_loop3A_463 = tpu.vector_load %arg8[%parallel_loop3A_462] {strides = array<i32>} : memref<16384xi32, #tpu.memory_space<vmem>>, vector<16xi32>,
      %parallel_loop3A_464 = vector.shape_cast %parallel_loop3A_463 : vector<16xi32> to vector<16xi32>
      %parallel_loop3A_465 = vector.shape_cast %parallel_loop3A_415 : vector<16xi32> to vector<16xi32>
      tpu.vector_store %arg8[%parallel_loop3A_462], %parallel_loop3A_465 {strides = array<i32>} : memref<16384xi32, #tpu.memory_space<vmem>>, vector<16xi32>,
      %parallel_loop3A_466 = arith.index_cast %parallel_loop3A_115 : i32 to index
      %parallel_loop3A_467 = tpu.vector_load %arg8[%parallel_loop3A_466] {strides = array<i32>} : memref<16384xi32, #tpu.memory_space<vmem>>, vector<16xi32>,
      %parallel_loop3A_468 = vector.shape_cast %parallel_loop3A_467 : vector<16xi32> to vector<16xi32>
      %parallel_loop3A_469 = vector.shape_cast %parallel_loop3A_422 : vector<16xi32> to vector<16xi32>
      tpu.vector_store %arg8[%parallel_loop3A_466], %parallel_loop3A_469 {strides = array<i32>} : memref<16384xi32, #tpu.memory_space<vmem>>, vector<16xi32>,
      %parallel_loop3A_470 = arith.index_cast %parallel_loop3A_121 : i32 to index
      %parallel_loop3A_471 = tpu.vector_load %arg8[%parallel_loop3A_470] {strides = array<i32>} : memref<16384xi32, #tpu.memory_space<vmem>>, vector<16xi32>,
      %parallel_loop3A_472 = vector.shape_cast %parallel_loop3A_471 : vector<16xi32> to vector<16xi32>
      %parallel_loop3A_473 = vector.shape_cast %parallel_loop3A_429 : vector<16xi32> to vector<16xi32>
      tpu.vector_store %arg8[%parallel_loop3A_470], %parallel_loop3A_473 {strides = array<i32>} : memref<16384xi32, #tpu.memory_space<vmem>>, vector<16xi32>,
      %parallel_loop3A_474 = arith.index_cast %parallel_loop3A_127 : i32 to index
      %parallel_loop3A_475 = tpu.vector_load %arg8[%parallel_loop3A_474] {strides = array<i32>} : memref<16384xi32, #tpu.memory_space<vmem>>, vector<16xi32>,
      %parallel_loop3A_476 = vector.shape_cast %parallel_loop3A_475 : vector<16xi32> to vector<16xi32>
      %parallel_loop3A_477 = vector.shape_cast %parallel_loop3A_436 : vector<16xi32> to vector<16xi32>
      tpu.vector_store %arg8[%parallel_loop3A_474], %parallel_loop3A_477 {strides = array<i32>} : memref<16384xi32, #tpu.memory_space<vmem>>, vector<16xi32>,
      %parallel_loop3A_478 = arith.index_cast %parallel_loop3A_133 : i32 to index
      %parallel_loop3A_479 = tpu.vector_load %arg8[%parallel_loop3A_478] {strides = array<i32>} : memref<16384xi32, #tpu.memory_space<vmem>>, vector<16xi32>,
      %parallel_loop3A_480 = vector.shape_cast %parallel_loop3A_479 : vector<16xi32> to vector<16xi32>
      %parallel_loop3A_481 = vector.shape_cast %parallel_loop3A_443 : vector<16xi32> to vector<16xi32>
      tpu.vector_store %arg8[%parallel_loop3A_478], %parallel_loop3A_481 {strides = array<i32>} : memref<16384xi32, #tpu.memory_space<vmem>>, vector<16xi32>,
      %parallel_loop3A_482 = arith.index_cast %parallel_loop3A_139 : i32 to index
      %parallel_loop3A_483 = tpu.vector_load %arg8[%parallel_loop3A_482] {strides = array<i32>} : memref<16384xi32, #tpu.memory_space<vmem>>, vector<16xi32>,
      %parallel_loop3A_484 = vector.shape_cast %parallel_loop3A_483 : vector<16xi32> to vector<16xi32>
      %parallel_loop3A_485 = vector.shape_cast %parallel_loop3A_450 : vector<16xi32> to vector<16xi32>
      tpu.vector_store %arg8[%parallel_loop3A_482], %parallel_loop3A_485 {strides = array<i32>} : memref<16384xi32, #tpu.memory_space<vmem>>, vector<16xi32>,
      %parallel_loop3A_486 = arith.index_cast %parallel_loop3A_145 : i32 to index
      %parallel_loop3A_487 = tpu.vector_load %arg8[%parallel_loop3A_486] {strides = array<i32>} : memref<16384xi32, #tpu.memory_space<vmem>>, vector<16xi32>,
      %parallel_loop3A_488 = vector.shape_cast %parallel_loop3A_487 : vector<16xi32> to vector<16xi32>
      %parallel_loop3A_489 = vector.shape_cast %parallel_loop3A_457 : vector<16xi32> to vector<16xi32>
      tpu.vector_store %arg8[%parallel_loop3A_486], %parallel_loop3A_489 {strides = array<i32>} : memref<16384xi32, #tpu.memory_space<vmem>>, vector<16xi32>,
    } {sc.loop_unroll_factor = 2 : i64, sc.parallel_access}
    %add3A_31 = arith.constant 0 : i32
    %add3A_32 = arith.addi %mul3A_18, %add3A_31 : i32
    %dma_start3A_33 = tpu.memref_slice %arg4[%add3A_32] : memref<16777216xi32, #tpu.memory_space<hbm>> -> memref<16384xi32, #tpu.memory_space<hbm>>
    %dma_start3A_34 = tpu.memref_slice %arg4[%add3A_32] : memref<16777216xi32, #tpu.memory_space<hbm>> -> memref<16384xi32, #tpu.memory_space<hbm>>
    tpu.enqueue_dma source(%arg8 : memref<16384xi32, #tpu.memory_space<vmem>>) target(%dma_start3A_34 : memref<16384xi32, #tpu.memory_space<hbm>>) target_semaphore(%arg12 : memref<!tpu.dma_semaphore, #tpu.memory_space<semaphore_mem>>)
    %add3A_35 = arith.constant 32768 : i32
    %add3A_36 = arith.addi %mul3A_18, %add3A_35 : i32
    %dma_start3A_37 = tpu.memref_slice %arg2[%add3A_36] : memref<16777216xf32, #tpu.memory_space<hbm>> -> memref<16384xf32, #tpu.memory_space<hbm>>
    %dma_start3A_38 = tpu.memref_slice %arg2[%add3A_36] : memref<16777216xf32, #tpu.memory_space<hbm>> -> memref<16384xf32, #tpu.memory_space<hbm>>
    tpu.enqueue_dma source(%dma_start3A_38 : memref<16384xf32, #tpu.memory_space<hbm>>) target(%arg6 : memref<16384xf32, #tpu.memory_space<vmem>>) target_semaphore(%arg10 : memref<!tpu.dma_semaphore, #tpu.memory_space<semaphore_mem>>)
    %add3A_39 = arith.constant 16384 : i32
    %add3A_40 = arith.addi %mul3A_18, %add3A_39 : i32
    %dma_wait3A_41 = tpu.memref_slice %arg2[%add3A_40] : memref<16777216xf32, #tpu.memory_space<hbm>> -> memref<16384xf32, #tpu.memory_space<hbm>>
    %dma_wait3A_42 = tpu.memref_slice %arg2[%add3A_40] : memref<16777216xf32, #tpu.memory_space<hbm>> -> memref<16384xf32, #tpu.memory_space<hbm>>
    tpu.wait_dma2 semaphore(%arg11 : memref<!tpu.dma_semaphore, #tpu.memory_space<semaphore_mem>>) src(%dma_wait3A_42 : memref<16384xf32, #tpu.memory_space<hbm>>) dst(%arg7 : memref<16384xf32, #tpu.memory_space<vmem>>)
    %parallel_loop3A_43 = arith.constant 0 : i32
    %parallel_loop3A_44 = arith.constant 128 : i32
    %parallel_loop3A_45 = arith.constant 1 : i32
    scf.for %parallel_loop3A_97 = %parallel_loop3A_43 to %parallel_loop3A_44 step %parallel_loop3A_45  : i32 {
      %parallel_loop3A_98 = arith.constant 8 : i32
      %parallel_loop3A_99 = arith.muli %parallel_loop3A_97, %parallel_loop3A_98 : i32
      %parallel_loop3A_100 = arith.constant 0 : i32
      %parallel_loop3A_101 = arith.addi %parallel_loop3A_99, %parallel_loop3A_100 : i32
      %parallel_loop3A_102 = arith.constant 16 : i32
      %parallel_loop3A_103 = arith.muli %parallel_loop3A_101, %parallel_loop3A_102 : i32
      %parallel_loop3A_104 = arith.constant 8 : i32
      %parallel_loop3A_105 = arith.muli %parallel_loop3A_97, %parallel_loop3A_104 : i32
      %parallel_loop3A_106 = arith.constant 1 : i32
      %parallel_loop3A_107 = arith.addi %parallel_loop3A_105, %parallel_loop3A_106 : i32
      %parallel_loop3A_108 = arith.constant 16 : i32
      %parallel_loop3A_109 = arith.muli %parallel_loop3A_107, %parallel_loop3A_108 : i32
      %parallel_loop3A_110 = arith.constant 8 : i32
      %parallel_loop3A_111 = arith.muli %parallel_loop3A_97, %parallel_loop3A_110 : i32
      %parallel_loop3A_112 = arith.constant 2 : i32
      %parallel_loop3A_113 = arith.addi %parallel_loop3A_111, %parallel_loop3A_112 : i32
      %parallel_loop3A_114 = arith.constant 16 : i32
      %parallel_loop3A_115 = arith.muli %parallel_loop3A_113, %parallel_loop3A_114 : i32
      %parallel_loop3A_116 = arith.constant 8 : i32
      %parallel_loop3A_117 = arith.muli %parallel_loop3A_97, %parallel_loop3A_116 : i32
      %parallel_loop3A_118 = arith.constant 3 : i32
      %parallel_loop3A_119 = arith.addi %parallel_loop3A_117, %parallel_loop3A_118 : i32
      %parallel_loop3A_120 = arith.constant 16 : i32
      %parallel_loop3A_121 = arith.muli %parallel_loop3A_119, %parallel_loop3A_120 : i32
      %parallel_loop3A_122 = arith.constant 8 : i32
      %parallel_loop3A_123 = arith.muli %parallel_loop3A_97, %parallel_loop3A_122 : i32
      %parallel_loop3A_124 = arith.constant 4 : i32
      %parallel_loop3A_125 = arith.addi %parallel_loop3A_123, %parallel_loop3A_124 : i32
      %parallel_loop3A_126 = arith.constant 16 : i32
      %parallel_loop3A_127 = arith.muli %parallel_loop3A_125, %parallel_loop3A_126 : i32
      %parallel_loop3A_128 = arith.constant 8 : i32
      %parallel_loop3A_129 = arith.muli %parallel_loop3A_97, %parallel_loop3A_128 : i32
      %parallel_loop3A_130 = arith.constant 5 : i32
      %parallel_loop3A_131 = arith.addi %parallel_loop3A_129, %parallel_loop3A_130 : i32
      %parallel_loop3A_132 = arith.constant 16 : i32
      %parallel_loop3A_133 = arith.muli %parallel_loop3A_131, %parallel_loop3A_132 : i32
      %parallel_loop3A_134 = arith.constant 8 : i32
      %parallel_loop3A_135 = arith.muli %parallel_loop3A_97, %parallel_loop3A_134 : i32
      %parallel_loop3A_136 = arith.constant 6 : i32
      %parallel_loop3A_137 = arith.addi %parallel_loop3A_135, %parallel_loop3A_136 : i32
      %parallel_loop3A_138 = arith.constant 16 : i32
      %parallel_loop3A_139 = arith.muli %parallel_loop3A_137, %parallel_loop3A_138 : i32
      %parallel_loop3A_140 = arith.constant 8 : i32
      %parallel_loop3A_141 = arith.muli %parallel_loop3A_97, %parallel_loop3A_140 : i32
      %parallel_loop3A_142 = arith.constant 7 : i32
      %parallel_loop3A_143 = arith.addi %parallel_loop3A_141, %parallel_loop3A_142 : i32
      %parallel_loop3A_144 = arith.constant 16 : i32
      %parallel_loop3A_145 = arith.muli %parallel_loop3A_143, %parallel_loop3A_144 : i32
      %parallel_loop3A_146 = arith.index_cast %parallel_loop3A_103 : i32 to index
      %parallel_loop3A_147 = tpu.vector_load %arg7[%parallel_loop3A_146] {strides = array<i32>} : memref<16384xf32, #tpu.memory_space<vmem>>, vector<16xf32>,
      %parallel_loop3A_148 = vector.shape_cast %parallel_loop3A_147 : vector<16xf32> to vector<16xf32>
      %parallel_loop3A_149 = arith.index_cast %parallel_loop3A_109 : i32 to index
      %parallel_loop3A_150 = tpu.vector_load %arg7[%parallel_loop3A_149] {strides = array<i32>} : memref<16384xf32, #tpu.memory_space<vmem>>, vector<16xf32>,
      %parallel_loop3A_151 = vector.shape_cast %parallel_loop3A_150 : vector<16xf32> to vector<16xf32>
      %parallel_loop3A_152 = arith.index_cast %parallel_loop3A_115 : i32 to index
      %parallel_loop3A_153 = tpu.vector_load %arg7[%parallel_loop3A_152] {strides = array<i32>} : memref<16384xf32, #tpu.memory_space<vmem>>, vector<16xf32>,
      %parallel_loop3A_154 = vector.shape_cast %parallel_loop3A_153 : vector<16xf32> to vector<16xf32>
      %parallel_loop3A_155 = arith.index_cast %parallel_loop3A_121 : i32 to index
      %parallel_loop3A_156 = tpu.vector_load %arg7[%parallel_loop3A_155] {strides = array<i32>} : memref<16384xf32, #tpu.memory_space<vmem>>, vector<16xf32>,
      %parallel_loop3A_157 = vector.shape_cast %parallel_loop3A_156 : vector<16xf32> to vector<16xf32>
      %parallel_loop3A_158 = arith.index_cast %parallel_loop3A_127 : i32 to index
      %parallel_loop3A_159 = tpu.vector_load %arg7[%parallel_loop3A_158] {strides = array<i32>} : memref<16384xf32, #tpu.memory_space<vmem>>, vector<16xf32>,
      %parallel_loop3A_160 = vector.shape_cast %parallel_loop3A_159 : vector<16xf32> to vector<16xf32>
      %parallel_loop3A_161 = arith.index_cast %parallel_loop3A_133 : i32 to index
      %parallel_loop3A_162 = tpu.vector_load %arg7[%parallel_loop3A_161] {strides = array<i32>} : memref<16384xf32, #tpu.memory_space<vmem>>, vector<16xf32>,
      %parallel_loop3A_163 = vector.shape_cast %parallel_loop3A_162 : vector<16xf32> to vector<16xf32>
      %parallel_loop3A_164 = arith.index_cast %parallel_loop3A_139 : i32 to index
      %parallel_loop3A_165 = tpu.vector_load %arg7[%parallel_loop3A_164] {strides = array<i32>} : memref<16384xf32, #tpu.memory_space<vmem>>, vector<16xf32>,
      %parallel_loop3A_166 = vector.shape_cast %parallel_loop3A_165 : vector<16xf32> to vector<16xf32>
      %parallel_loop3A_167 = arith.index_cast %parallel_loop3A_145 : i32 to index
      %parallel_loop3A_168 = tpu.vector_load %arg7[%parallel_loop3A_167] {strides = array<i32>} : memref<16384xf32, #tpu.memory_space<vmem>>, vector<16xf32>,
      %parallel_loop3A_169 = vector.shape_cast %parallel_loop3A_168 : vector<16xf32> to vector<16xf32>
      %parallel_loop3A_170 = arith.cmpf oge, %parallel_loop3A_148, %gather3A_5 : vector<16xf32>
      %parallel_loop3A_171 = arith.constant 8 : i32
      %parallel_loop3A_172 = arith.constant 0 : i32
      %parallel_loop3A_173 = vector.broadcast %parallel_loop3A_171 : i32 to vector<16xi32>
      %parallel_loop3A_174 = vector.broadcast %parallel_loop3A_172 : i32 to vector<16xi32>
      %parallel_loop3A_175 = arith.select %parallel_loop3A_170, %parallel_loop3A_173, %parallel_loop3A_174 : vector<16xi1>, vector<16xi32>
      %parallel_loop3A_176 = arith.cmpf oge, %parallel_loop3A_151, %gather3A_5 : vector<16xf32>
      %parallel_loop3A_177 = arith.constant 8 : i32
      %parallel_loop3A_178 = arith.constant 0 : i32
      %parallel_loop3A_179 = vector.broadcast %parallel_loop3A_177 : i32 to vector<16xi32>
      %parallel_loop3A_180 = vector.broadcast %parallel_loop3A_178 : i32 to vector<16xi32>
      %parallel_loop3A_181 = arith.select %parallel_loop3A_176, %parallel_loop3A_179, %parallel_loop3A_180 : vector<16xi1>, vector<16xi32>
      %parallel_loop3A_182 = arith.cmpf oge, %parallel_loop3A_154, %gather3A_5 : vector<16xf32>
      %parallel_loop3A_183 = arith.constant 8 : i32
      %parallel_loop3A_184 = arith.constant 0 : i32
      %parallel_loop3A_185 = vector.broadcast %parallel_loop3A_183 : i32 to vector<16xi32>
      %parallel_loop3A_186 = vector.broadcast %parallel_loop3A_184 : i32 to vector<16xi32>
      %parallel_loop3A_187 = arith.select %parallel_loop3A_182, %parallel_loop3A_185, %parallel_loop3A_186 : vector<16xi1>, vector<16xi32>
      %parallel_loop3A_188 = arith.cmpf oge, %parallel_loop3A_157, %gather3A_5 : vector<16xf32>
      %parallel_loop3A_189 = arith.constant 8 : i32
      %parallel_loop3A_190 = arith.constant 0 : i32
      %parallel_loop3A_191 = vector.broadcast %parallel_loop3A_189 : i32 to vector<16xi32>
      %parallel_loop3A_192 = vector.broadcast %parallel_loop3A_190 : i32 to vector<16xi32>
      %parallel_loop3A_193 = arith.select %parallel_loop3A_188, %parallel_loop3A_191, %parallel_loop3A_192 : vector<16xi1>, vector<16xi32>
      %parallel_loop3A_194 = arith.cmpf oge, %parallel_loop3A_160, %gather3A_5 : vector<16xf32>
      %parallel_loop3A_195 = arith.constant 8 : i32
      %parallel_loop3A_196 = arith.constant 0 : i32
      %parallel_loop3A_197 = vector.broadcast %parallel_loop3A_195 : i32 to vector<16xi32>
      %parallel_loop3A_198 = vector.broadcast %parallel_loop3A_196 : i32 to vector<16xi32>
      %parallel_loop3A_199 = arith.select %parallel_loop3A_194, %parallel_loop3A_197, %parallel_loop3A_198 : vector<16xi1>, vector<16xi32>
      %parallel_loop3A_200 = arith.cmpf oge, %parallel_loop3A_163, %gather3A_5 : vector<16xf32>
      %parallel_loop3A_201 = arith.constant 8 : i32
      %parallel_loop3A_202 = arith.constant 0 : i32
      %parallel_loop3A_203 = vector.broadcast %parallel_loop3A_201 : i32 to vector<16xi32>
      %parallel_loop3A_204 = vector.broadcast %parallel_loop3A_202 : i32 to vector<16xi32>
      %parallel_loop3A_205 = arith.select %parallel_loop3A_200, %parallel_loop3A_203, %parallel_loop3A_204 : vector<16xi1>, vector<16xi32>
      %parallel_loop3A_206 = arith.cmpf oge, %parallel_loop3A_166, %gather3A_5 : vector<16xf32>
      %parallel_loop3A_207 = arith.constant 8 : i32
      %parallel_loop3A_208 = arith.constant 0 : i32
      %parallel_loop3A_209 = vector.broadcast %parallel_loop3A_207 : i32 to vector<16xi32>
      %parallel_loop3A_210 = vector.broadcast %parallel_loop3A_208 : i32 to vector<16xi32>
      %parallel_loop3A_211 = arith.select %parallel_loop3A_206, %parallel_loop3A_209, %parallel_loop3A_210 : vector<16xi1>, vector<16xi32>
      %parallel_loop3A_212 = arith.cmpf oge, %parallel_loop3A_169, %gather3A_5 : vector<16xf32>
      %parallel_loop3A_213 = arith.constant 8 : i32
      %parallel_loop3A_214 = arith.constant 0 : i32
      %parallel_loop3A_215 = vector.broadcast %parallel_loop3A_213 : i32 to vector<16xi32>
      %parallel_loop3A_216 = vector.broadcast %parallel_loop3A_214 : i32 to vector<16xi32>
      %parallel_loop3A_217 = arith.select %parallel_loop3A_212, %parallel_loop3A_215, %parallel_loop3A_216 : vector<16xi1>, vector<16xi32>
      %parallel_loop3A_218 = vector.shape_cast %parallel_loop3A_175 : vector<16xi32> to vector<16x1xi32>
      %parallel_loop3A_219 = vector.shape_cast %parallel_loop3A_218 : vector<16x1xi32> to vector<16xi32>
      %parallel_loop3A_220 = tpu.dynamic_gather %gather3A_10[%parallel_loop3A_219] in [0] : vector<16xf32>, vector<16xi32> -> vector<16xf32>
      %parallel_loop3A_221 = vector.shape_cast %parallel_loop3A_181 : vector<16xi32> to vector<16x1xi32>
      %parallel_loop3A_222 = vector.shape_cast %parallel_loop3A_221 : vector<16x1xi32> to vector<16xi32>
      %parallel_loop3A_223 = tpu.dynamic_gather %gather3A_10[%parallel_loop3A_222] in [0] : vector<16xf32>, vector<16xi32> -> vector<16xf32>
      %parallel_loop3A_224 = vector.shape_cast %parallel_loop3A_187 : vector<16xi32> to vector<16x1xi32>
      %parallel_loop3A_225 = vector.shape_cast %parallel_loop3A_224 : vector<16x1xi32> to vector<16xi32>
      %parallel_loop3A_226 = tpu.dynamic_gather %gather3A_10[%parallel_loop3A_225] in [0] : vector<16xf32>, vector<16xi32> -> vector<16xf32>
      %parallel_loop3A_227 = vector.shape_cast %parallel_loop3A_193 : vector<16xi32> to vector<16x1xi32>
      %parallel_loop3A_228 = vector.shape_cast %parallel_loop3A_227 : vector<16x1xi32> to vector<16xi32>
      %parallel_loop3A_229 = tpu.dynamic_gather %gather3A_10[%parallel_loop3A_228] in [0] : vector<16xf32>, vector<16xi32> -> vector<16xf32>
      %parallel_loop3A_230 = vector.shape_cast %parallel_loop3A_199 : vector<16xi32> to vector<16x1xi32>
      %parallel_loop3A_231 = vector.shape_cast %parallel_loop3A_230 : vector<16x1xi32> to vector<16xi32>
      %parallel_loop3A_232 = tpu.dynamic_gather %gather3A_10[%parallel_loop3A_231] in [0] : vector<16xf32>, vector<16xi32> -> vector<16xf32>
      %parallel_loop3A_233 = vector.shape_cast %parallel_loop3A_205 : vector<16xi32> to vector<16x1xi32>
      %parallel_loop3A_234 = vector.shape_cast %parallel_loop3A_233 : vector<16x1xi32> to vector<16xi32>
      %parallel_loop3A_235 = tpu.dynamic_gather %gather3A_10[%parallel_loop3A_234] in [0] : vector<16xf32>, vector<16xi32> -> vector<16xf32>
      %parallel_loop3A_236 = vector.shape_cast %parallel_loop3A_211 : vector<16xi32> to vector<16x1xi32>
      %parallel_loop3A_237 = vector.shape_cast %parallel_loop3A_236 : vector<16x1xi32> to vector<16xi32>
      %parallel_loop3A_238 = tpu.dynamic_gather %gather3A_10[%parallel_loop3A_237] in [0] : vector<16xf32>, vector<16xi32> -> vector<16xf32>
      %parallel_loop3A_239 = vector.shape_cast %parallel_loop3A_217 : vector<16xi32> to vector<16x1xi32>
      %parallel_loop3A_240 = vector.shape_cast %parallel_loop3A_239 : vector<16x1xi32> to vector<16xi32>
      %parallel_loop3A_241 = tpu.dynamic_gather %gather3A_10[%parallel_loop3A_240] in [0] : vector<16xf32>, vector<16xi32> -> vector<16xf32>
      %parallel_loop3A_242 = arith.cmpf oge, %parallel_loop3A_148, %parallel_loop3A_220 : vector<16xf32>
      %parallel_loop3A_243 = arith.constant 4 : i32
      %parallel_loop3A_244 = arith.constant 0 : i32
      %parallel_loop3A_245 = vector.broadcast %parallel_loop3A_243 : i32 to vector<16xi32>
      %parallel_loop3A_246 = vector.broadcast %parallel_loop3A_244 : i32 to vector<16xi32>
      %parallel_loop3A_247 = arith.select %parallel_loop3A_242, %parallel_loop3A_245, %parallel_loop3A_246 : vector<16xi1>, vector<16xi32>
      %parallel_loop3A_248 = arith.ori %parallel_loop3A_175, %parallel_loop3A_247 : vector<16xi32>
      %parallel_loop3A_249 = arith.cmpf oge, %parallel_loop3A_151, %parallel_loop3A_223 : vector<16xf32>
      %parallel_loop3A_250 = arith.constant 4 : i32
      %parallel_loop3A_251 = arith.constant 0 : i32
      %parallel_loop3A_252 = vector.broadcast %parallel_loop3A_250 : i32 to vector<16xi32>
      %parallel_loop3A_253 = vector.broadcast %parallel_loop3A_251 : i32 to vector<16xi32>
      %parallel_loop3A_254 = arith.select %parallel_loop3A_249, %parallel_loop3A_252, %parallel_loop3A_253 : vector<16xi1>, vector<16xi32>
      %parallel_loop3A_255 = arith.ori %parallel_loop3A_181, %parallel_loop3A_254 : vector<16xi32>
      %parallel_loop3A_256 = arith.cmpf oge, %parallel_loop3A_154, %parallel_loop3A_226 : vector<16xf32>
      %parallel_loop3A_257 = arith.constant 4 : i32
      %parallel_loop3A_258 = arith.constant 0 : i32
      %parallel_loop3A_259 = vector.broadcast %parallel_loop3A_257 : i32 to vector<16xi32>
      %parallel_loop3A_260 = vector.broadcast %parallel_loop3A_258 : i32 to vector<16xi32>
      %parallel_loop3A_261 = arith.select %parallel_loop3A_256, %parallel_loop3A_259, %parallel_loop3A_260 : vector<16xi1>, vector<16xi32>
      %parallel_loop3A_262 = arith.ori %parallel_loop3A_187, %parallel_loop3A_261 : vector<16xi32>
      %parallel_loop3A_263 = arith.cmpf oge, %parallel_loop3A_157, %parallel_loop3A_229 : vector<16xf32>
      %parallel_loop3A_264 = arith.constant 4 : i32
      %parallel_loop3A_265 = arith.constant 0 : i32
      %parallel_loop3A_266 = vector.broadcast %parallel_loop3A_264 : i32 to vector<16xi32>
      %parallel_loop3A_267 = vector.broadcast %parallel_loop3A_265 : i32 to vector<16xi32>
      %parallel_loop3A_268 = arith.select %parallel_loop3A_263, %parallel_loop3A_266, %parallel_loop3A_267 : vector<16xi1>, vector<16xi32>
      %parallel_loop3A_269 = arith.ori %parallel_loop3A_193, %parallel_loop3A_268 : vector<16xi32>
      %parallel_loop3A_270 = arith.cmpf oge, %parallel_loop3A_160, %parallel_loop3A_232 : vector<16xf32>
      %parallel_loop3A_271 = arith.constant 4 : i32
      %parallel_loop3A_272 = arith.constant 0 : i32
      %parallel_loop3A_273 = vector.broadcast %parallel_loop3A_271 : i32 to vector<16xi32>
      %parallel_loop3A_274 = vector.broadcast %parallel_loop3A_272 : i32 to vector<16xi32>
      %parallel_loop3A_275 = arith.select %parallel_loop3A_270, %parallel_loop3A_273, %parallel_loop3A_274 : vector<16xi1>, vector<16xi32>
      %parallel_loop3A_276 = arith.ori %parallel_loop3A_199, %parallel_loop3A_275 : vector<16xi32>
      %parallel_loop3A_277 = arith.cmpf oge, %parallel_loop3A_163, %parallel_loop3A_235 : vector<16xf32>
      %parallel_loop3A_278 = arith.constant 4 : i32
      %parallel_loop3A_279 = arith.constant 0 : i32
      %parallel_loop3A_280 = vector.broadcast %parallel_loop3A_278 : i32 to vector<16xi32>
      %parallel_loop3A_281 = vector.broadcast %parallel_loop3A_279 : i32 to vector<16xi32>
      %parallel_loop3A_282 = arith.select %parallel_loop3A_277, %parallel_loop3A_280, %parallel_loop3A_281 : vector<16xi1>, vector<16xi32>
      %parallel_loop3A_283 = arith.ori %parallel_loop3A_205, %parallel_loop3A_282 : vector<16xi32>
      %parallel_loop3A_284 = arith.cmpf oge, %parallel_loop3A_166, %parallel_loop3A_238 : vector<16xf32>
      %parallel_loop3A_285 = arith.constant 4 : i32
      %parallel_loop3A_286 = arith.constant 0 : i32
      %parallel_loop3A_287 = vector.broadcast %parallel_loop3A_285 : i32 to vector<16xi32>
      %parallel_loop3A_288 = vector.broadcast %parallel_loop3A_286 : i32 to vector<16xi32>
      %parallel_loop3A_289 = arith.select %parallel_loop3A_284, %parallel_loop3A_287, %parallel_loop3A_288 : vector<16xi1>, vector<16xi32>
      %parallel_loop3A_290 = arith.ori %parallel_loop3A_211, %parallel_loop3A_289 : vector<16xi32>
      %parallel_loop3A_291 = arith.cmpf oge, %parallel_loop3A_169, %parallel_loop3A_241 : vector<16xf32>
      %parallel_loop3A_292 = arith.constant 4 : i32
      %parallel_loop3A_293 = arith.constant 0 : i32
      %parallel_loop3A_294 = vector.broadcast %parallel_loop3A_292 : i32 to vector<16xi32>
      %parallel_loop3A_295 = vector.broadcast %parallel_loop3A_293 : i32 to vector<16xi32>
      %parallel_loop3A_296 = arith.select %parallel_loop3A_291, %parallel_loop3A_294, %parallel_loop3A_295 : vector<16xi1>, vector<16xi32>
      %parallel_loop3A_297 = arith.ori %parallel_loop3A_217, %parallel_loop3A_296 : vector<16xi32>
      %parallel_loop3A_298 = vector.shape_cast %parallel_loop3A_248 : vector<16xi32> to vector<16x1xi32>
      %parallel_loop3A_299 = vector.shape_cast %parallel_loop3A_298 : vector<16x1xi32> to vector<16xi32>
      %parallel_loop3A_300 = tpu.dynamic_gather %gather3A_16[%parallel_loop3A_299] in [0] : vector<16xf32>, vector<16xi32> -> vector<16xf32>
      %parallel_loop3A_301 = vector.shape_cast %parallel_loop3A_255 : vector<16xi32> to vector<16x1xi32>
      %parallel_loop3A_302 = vector.shape_cast %parallel_loop3A_301 : vector<16x1xi32> to vector<16xi32>
      %parallel_loop3A_303 = tpu.dynamic_gather %gather3A_16[%parallel_loop3A_302] in [0] : vector<16xf32>, vector<16xi32> -> vector<16xf32>
      %parallel_loop3A_304 = vector.shape_cast %parallel_loop3A_262 : vector<16xi32> to vector<16x1xi32>
      %parallel_loop3A_305 = vector.shape_cast %parallel_loop3A_304 : vector<16x1xi32> to vector<16xi32>
      %parallel_loop3A_306 = tpu.dynamic_gather %gather3A_16[%parallel_loop3A_305] in [0] : vector<16xf32>, vector<16xi32> -> vector<16xf32>
      %parallel_loop3A_307 = vector.shape_cast %parallel_loop3A_269 : vector<16xi32> to vector<16x1xi32>
      %parallel_loop3A_308 = vector.shape_cast %parallel_loop3A_307 : vector<16x1xi32> to vector<16xi32>
      %parallel_loop3A_309 = tpu.dynamic_gather %gather3A_16[%parallel_loop3A_308] in [0] : vector<16xf32>, vector<16xi32> -> vector<16xf32>
      %parallel_loop3A_310 = vector.shape_cast %parallel_loop3A_276 : vector<16xi32> to vector<16x1xi32>
      %parallel_loop3A_311 = vector.shape_cast %parallel_loop3A_310 : vector<16x1xi32> to vector<16xi32>
      %parallel_loop3A_312 = tpu.dynamic_gather %gather3A_16[%parallel_loop3A_311] in [0] : vector<16xf32>, vector<16xi32> -> vector<16xf32>
      %parallel_loop3A_313 = vector.shape_cast %parallel_loop3A_283 : vector<16xi32> to vector<16x1xi32>
      %parallel_loop3A_314 = vector.shape_cast %parallel_loop3A_313 : vector<16x1xi32> to vector<16xi32>
      %parallel_loop3A_315 = tpu.dynamic_gather %gather3A_16[%parallel_loop3A_314] in [0] : vector<16xf32>, vector<16xi32> -> vector<16xf32>
      %parallel_loop3A_316 = vector.shape_cast %parallel_loop3A_290 : vector<16xi32> to vector<16x1xi32>
      %parallel_loop3A_317 = vector.shape_cast %parallel_loop3A_316 : vector<16x1xi32> to vector<16xi32>
      %parallel_loop3A_318 = tpu.dynamic_gather %gather3A_16[%parallel_loop3A_317] in [0] : vector<16xf32>, vector<16xi32> -> vector<16xf32>
      %parallel_loop3A_319 = vector.shape_cast %parallel_loop3A_297 : vector<16xi32> to vector<16x1xi32>
      %parallel_loop3A_320 = vector.shape_cast %parallel_loop3A_319 : vector<16x1xi32> to vector<16xi32>
      %parallel_loop3A_321 = tpu.dynamic_gather %gather3A_16[%parallel_loop3A_320] in [0] : vector<16xf32>, vector<16xi32> -> vector<16xf32>
      %parallel_loop3A_322 = arith.cmpf oge, %parallel_loop3A_148, %parallel_loop3A_300 : vector<16xf32>
      %parallel_loop3A_323 = arith.constant 2 : i32
      %parallel_loop3A_324 = arith.constant 0 : i32
      %parallel_loop3A_325 = vector.broadcast %parallel_loop3A_323 : i32 to vector<16xi32>
      %parallel_loop3A_326 = vector.broadcast %parallel_loop3A_324 : i32 to vector<16xi32>
      %parallel_loop3A_327 = arith.select %parallel_loop3A_322, %parallel_loop3A_325, %parallel_loop3A_326 : vector<16xi1>, vector<16xi32>
      %parallel_loop3A_328 = arith.ori %parallel_loop3A_248, %parallel_loop3A_327 : vector<16xi32>
      %parallel_loop3A_329 = arith.cmpf oge, %parallel_loop3A_151, %parallel_loop3A_303 : vector<16xf32>
      %parallel_loop3A_330 = arith.constant 2 : i32
      %parallel_loop3A_331 = arith.constant 0 : i32
      %parallel_loop3A_332 = vector.broadcast %parallel_loop3A_330 : i32 to vector<16xi32>
      %parallel_loop3A_333 = vector.broadcast %parallel_loop3A_331 : i32 to vector<16xi32>
      %parallel_loop3A_334 = arith.select %parallel_loop3A_329, %parallel_loop3A_332, %parallel_loop3A_333 : vector<16xi1>, vector<16xi32>
      %parallel_loop3A_335 = arith.ori %parallel_loop3A_255, %parallel_loop3A_334 : vector<16xi32>
      %parallel_loop3A_336 = arith.cmpf oge, %parallel_loop3A_154, %parallel_loop3A_306 : vector<16xf32>
      %parallel_loop3A_337 = arith.constant 2 : i32
      %parallel_loop3A_338 = arith.constant 0 : i32
      %parallel_loop3A_339 = vector.broadcast %parallel_loop3A_337 : i32 to vector<16xi32>
      %parallel_loop3A_340 = vector.broadcast %parallel_loop3A_338 : i32 to vector<16xi32>
      %parallel_loop3A_341 = arith.select %parallel_loop3A_336, %parallel_loop3A_339, %parallel_loop3A_340 : vector<16xi1>, vector<16xi32>
      %parallel_loop3A_342 = arith.ori %parallel_loop3A_262, %parallel_loop3A_341 : vector<16xi32>
      %parallel_loop3A_343 = arith.cmpf oge, %parallel_loop3A_157, %parallel_loop3A_309 : vector<16xf32>
      %parallel_loop3A_344 = arith.constant 2 : i32
      %parallel_loop3A_345 = arith.constant 0 : i32
      %parallel_loop3A_346 = vector.broadcast %parallel_loop3A_344 : i32 to vector<16xi32>
      %parallel_loop3A_347 = vector.broadcast %parallel_loop3A_345 : i32 to vector<16xi32>
      %parallel_loop3A_348 = arith.select %parallel_loop3A_343, %parallel_loop3A_346, %parallel_loop3A_347 : vector<16xi1>, vector<16xi32>
      %parallel_loop3A_349 = arith.ori %parallel_loop3A_269, %parallel_loop3A_348 : vector<16xi32>
      %parallel_loop3A_350 = arith.cmpf oge, %parallel_loop3A_160, %parallel_loop3A_312 : vector<16xf32>
      %parallel_loop3A_351 = arith.constant 2 : i32
      %parallel_loop3A_352 = arith.constant 0 : i32
      %parallel_loop3A_353 = vector.broadcast %parallel_loop3A_351 : i32 to vector<16xi32>
      %parallel_loop3A_354 = vector.broadcast %parallel_loop3A_352 : i32 to vector<16xi32>
      %parallel_loop3A_355 = arith.select %parallel_loop3A_350, %parallel_loop3A_353, %parallel_loop3A_354 : vector<16xi1>, vector<16xi32>
      %parallel_loop3A_356 = arith.ori %parallel_loop3A_276, %parallel_loop3A_355 : vector<16xi32>
      %parallel_loop3A_357 = arith.cmpf oge, %parallel_loop3A_163, %parallel_loop3A_315 : vector<16xf32>
      %parallel_loop3A_358 = arith.constant 2 : i32
      %parallel_loop3A_359 = arith.constant 0 : i32
      %parallel_loop3A_360 = vector.broadcast %parallel_loop3A_358 : i32 to vector<16xi32>
      %parallel_loop3A_361 = vector.broadcast %parallel_loop3A_359 : i32 to vector<16xi32>
      %parallel_loop3A_362 = arith.select %parallel_loop3A_357, %parallel_loop3A_360, %parallel_loop3A_361 : vector<16xi1>, vector<16xi32>
      %parallel_loop3A_363 = arith.ori %parallel_loop3A_283, %parallel_loop3A_362 : vector<16xi32>
      %parallel_loop3A_364 = arith.cmpf oge, %parallel_loop3A_166, %parallel_loop3A_318 : vector<16xf32>
      %parallel_loop3A_365 = arith.constant 2 : i32
      %parallel_loop3A_366 = arith.constant 0 : i32
      %parallel_loop3A_367 = vector.broadcast %parallel_loop3A_365 : i32 to vector<16xi32>
      %parallel_loop3A_368 = vector.broadcast %parallel_loop3A_366 : i32 to vector<16xi32>
      %parallel_loop3A_369 = arith.select %parallel_loop3A_364, %parallel_loop3A_367, %parallel_loop3A_368 : vector<16xi1>, vector<16xi32>
      %parallel_loop3A_370 = arith.ori %parallel_loop3A_290, %parallel_loop3A_369 : vector<16xi32>
      %parallel_loop3A_371 = arith.cmpf oge, %parallel_loop3A_169, %parallel_loop3A_321 : vector<16xf32>
      %parallel_loop3A_372 = arith.constant 2 : i32
      %parallel_loop3A_373 = arith.constant 0 : i32
      %parallel_loop3A_374 = vector.broadcast %parallel_loop3A_372 : i32 to vector<16xi32>
      %parallel_loop3A_375 = vector.broadcast %parallel_loop3A_373 : i32 to vector<16xi32>
      %parallel_loop3A_376 = arith.select %parallel_loop3A_371, %parallel_loop3A_374, %parallel_loop3A_375 : vector<16xi1>, vector<16xi32>
      %parallel_loop3A_377 = arith.ori %parallel_loop3A_297, %parallel_loop3A_376 : vector<16xi32>
      %parallel_loop3A_378 = vector.shape_cast %parallel_loop3A_328 : vector<16xi32> to vector<16x1xi32>
      %parallel_loop3A_379 = vector.shape_cast %parallel_loop3A_378 : vector<16x1xi32> to vector<16xi32>
      %parallel_loop3A_380 = tpu.dynamic_gather %get3A_2[%parallel_loop3A_379] in [0] : vector<16xf32>, vector<16xi32> -> vector<16xf32>
      %parallel_loop3A_381 = vector.shape_cast %parallel_loop3A_335 : vector<16xi32> to vector<16x1xi32>
      %parallel_loop3A_382 = vector.shape_cast %parallel_loop3A_381 : vector<16x1xi32> to vector<16xi32>
      %parallel_loop3A_383 = tpu.dynamic_gather %get3A_2[%parallel_loop3A_382] in [0] : vector<16xf32>, vector<16xi32> -> vector<16xf32>
      %parallel_loop3A_384 = vector.shape_cast %parallel_loop3A_342 : vector<16xi32> to vector<16x1xi32>
      %parallel_loop3A_385 = vector.shape_cast %parallel_loop3A_384 : vector<16x1xi32> to vector<16xi32>
      %parallel_loop3A_386 = tpu.dynamic_gather %get3A_2[%parallel_loop3A_385] in [0] : vector<16xf32>, vector<16xi32> -> vector<16xf32>
      %parallel_loop3A_387 = vector.shape_cast %parallel_loop3A_349 : vector<16xi32> to vector<16x1xi32>
      %parallel_loop3A_388 = vector.shape_cast %parallel_loop3A_387 : vector<16x1xi32> to vector<16xi32>
      %parallel_loop3A_389 = tpu.dynamic_gather %get3A_2[%parallel_loop3A_388] in [0] : vector<16xf32>, vector<16xi32> -> vector<16xf32>
      %parallel_loop3A_390 = vector.shape_cast %parallel_loop3A_356 : vector<16xi32> to vector<16x1xi32>
      %parallel_loop3A_391 = vector.shape_cast %parallel_loop3A_390 : vector<16x1xi32> to vector<16xi32>
      %parallel_loop3A_392 = tpu.dynamic_gather %get3A_2[%parallel_loop3A_391] in [0] : vector<16xf32>, vector<16xi32> -> vector<16xf32>
      %parallel_loop3A_393 = vector.shape_cast %parallel_loop3A_363 : vector<16xi32> to vector<16x1xi32>
      %parallel_loop3A_394 = vector.shape_cast %parallel_loop3A_393 : vector<16x1xi32> to vector<16xi32>
      %parallel_loop3A_395 = tpu.dynamic_gather %get3A_2[%parallel_loop3A_394] in [0] : vector<16xf32>, vector<16xi32> -> vector<16xf32>
      %parallel_loop3A_396 = vector.shape_cast %parallel_loop3A_370 : vector<16xi32> to vector<16x1xi32>
      %parallel_loop3A_397 = vector.shape_cast %parallel_loop3A_396 : vector<16x1xi32> to vector<16xi32>
      %parallel_loop3A_398 = tpu.dynamic_gather %get3A_2[%parallel_loop3A_397] in [0] : vector<16xf32>, vector<16xi32> -> vector<16xf32>
      %parallel_loop3A_399 = vector.shape_cast %parallel_loop3A_377 : vector<16xi32> to vector<16x1xi32>
      %parallel_loop3A_400 = vector.shape_cast %parallel_loop3A_399 : vector<16x1xi32> to vector<16xi32>
      %parallel_loop3A_401 = tpu.dynamic_gather %get3A_2[%parallel_loop3A_400] in [0] : vector<16xf32>, vector<16xi32> -> vector<16xf32>
      %parallel_loop3A_402 = arith.cmpf oge, %parallel_loop3A_148, %parallel_loop3A_380 : vector<16xf32>
      %parallel_loop3A_403 = arith.constant 1 : i32
      %parallel_loop3A_404 = arith.constant 0 : i32
      %parallel_loop3A_405 = vector.broadcast %parallel_loop3A_403 : i32 to vector<16xi32>
      %parallel_loop3A_406 = vector.broadcast %parallel_loop3A_404 : i32 to vector<16xi32>
      %parallel_loop3A_407 = arith.select %parallel_loop3A_402, %parallel_loop3A_405, %parallel_loop3A_406 : vector<16xi1>, vector<16xi32>
      %parallel_loop3A_408 = arith.ori %parallel_loop3A_328, %parallel_loop3A_407 : vector<16xi32>
      %parallel_loop3A_409 = arith.cmpf oge, %parallel_loop3A_151, %parallel_loop3A_383 : vector<16xf32>
      %parallel_loop3A_410 = arith.constant 1 : i32
      %parallel_loop3A_411 = arith.constant 0 : i32
      %parallel_loop3A_412 = vector.broadcast %parallel_loop3A_410 : i32 to vector<16xi32>
      %parallel_loop3A_413 = vector.broadcast %parallel_loop3A_411 : i32 to vector<16xi32>
      %parallel_loop3A_414 = arith.select %parallel_loop3A_409, %parallel_loop3A_412, %parallel_loop3A_413 : vector<16xi1>, vector<16xi32>
      %parallel_loop3A_415 = arith.ori %parallel_loop3A_335, %parallel_loop3A_414 : vector<16xi32>
      %parallel_loop3A_416 = arith.cmpf oge, %parallel_loop3A_154, %parallel_loop3A_386 : vector<16xf32>
      %parallel_loop3A_417 = arith.constant 1 : i32
      %parallel_loop3A_418 = arith.constant 0 : i32
      %parallel_loop3A_419 = vector.broadcast %parallel_loop3A_417 : i32 to vector<16xi32>
      %parallel_loop3A_420 = vector.broadcast %parallel_loop3A_418 : i32 to vector<16xi32>
      %parallel_loop3A_421 = arith.select %parallel_loop3A_416, %parallel_loop3A_419, %parallel_loop3A_420 : vector<16xi1>, vector<16xi32>
      %parallel_loop3A_422 = arith.ori %parallel_loop3A_342, %parallel_loop3A_421 : vector<16xi32>
      %parallel_loop3A_423 = arith.cmpf oge, %parallel_loop3A_157, %parallel_loop3A_389 : vector<16xf32>
      %parallel_loop3A_424 = arith.constant 1 : i32
      %parallel_loop3A_425 = arith.constant 0 : i32
      %parallel_loop3A_426 = vector.broadcast %parallel_loop3A_424 : i32 to vector<16xi32>
      %parallel_loop3A_427 = vector.broadcast %parallel_loop3A_425 : i32 to vector<16xi32>
      %parallel_loop3A_428 = arith.select %parallel_loop3A_423, %parallel_loop3A_426, %parallel_loop3A_427 : vector<16xi1>, vector<16xi32>
      %parallel_loop3A_429 = arith.ori %parallel_loop3A_349, %parallel_loop3A_428 : vector<16xi32>
      %parallel_loop3A_430 = arith.cmpf oge, %parallel_loop3A_160, %parallel_loop3A_392 : vector<16xf32>
      %parallel_loop3A_431 = arith.constant 1 : i32
      %parallel_loop3A_432 = arith.constant 0 : i32
      %parallel_loop3A_433 = vector.broadcast %parallel_loop3A_431 : i32 to vector<16xi32>
      %parallel_loop3A_434 = vector.broadcast %parallel_loop3A_432 : i32 to vector<16xi32>
      %parallel_loop3A_435 = arith.select %parallel_loop3A_430, %parallel_loop3A_433, %parallel_loop3A_434 : vector<16xi1>, vector<16xi32>
      %parallel_loop3A_436 = arith.ori %parallel_loop3A_356, %parallel_loop3A_435 : vector<16xi32>
      %parallel_loop3A_437 = arith.cmpf oge, %parallel_loop3A_163, %parallel_loop3A_395 : vector<16xf32>
      %parallel_loop3A_438 = arith.constant 1 : i32
      %parallel_loop3A_439 = arith.constant 0 : i32
      %parallel_loop3A_440 = vector.broadcast %parallel_loop3A_438 : i32 to vector<16xi32>
      %parallel_loop3A_441 = vector.broadcast %parallel_loop3A_439 : i32 to vector<16xi32>
      %parallel_loop3A_442 = arith.select %parallel_loop3A_437, %parallel_loop3A_440, %parallel_loop3A_441 : vector<16xi1>, vector<16xi32>
      %parallel_loop3A_443 = arith.ori %parallel_loop3A_363, %parallel_loop3A_442 : vector<16xi32>
      %parallel_loop3A_444 = arith.cmpf oge, %parallel_loop3A_166, %parallel_loop3A_398 : vector<16xf32>
      %parallel_loop3A_445 = arith.constant 1 : i32
      %parallel_loop3A_446 = arith.constant 0 : i32
      %parallel_loop3A_447 = vector.broadcast %parallel_loop3A_445 : i32 to vector<16xi32>
      %parallel_loop3A_448 = vector.broadcast %parallel_loop3A_446 : i32 to vector<16xi32>
      %parallel_loop3A_449 = arith.select %parallel_loop3A_444, %parallel_loop3A_447, %parallel_loop3A_448 : vector<16xi1>, vector<16xi32>
      %parallel_loop3A_450 = arith.ori %parallel_loop3A_370, %parallel_loop3A_449 : vector<16xi32>
      %parallel_loop3A_451 = arith.cmpf oge, %parallel_loop3A_169, %parallel_loop3A_401 : vector<16xf32>
      %parallel_loop3A_452 = arith.constant 1 : i32
      %parallel_loop3A_453 = arith.constant 0 : i32
      %parallel_loop3A_454 = vector.broadcast %parallel_loop3A_452 : i32 to vector<16xi32>
      %parallel_loop3A_455 = vector.broadcast %parallel_loop3A_453 : i32 to vector<16xi32>
      %parallel_loop3A_456 = arith.select %parallel_loop3A_451, %parallel_loop3A_454, %parallel_loop3A_455 : vector<16xi1>, vector<16xi32>
      %parallel_loop3A_457 = arith.ori %parallel_loop3A_377, %parallel_loop3A_456 : vector<16xi32>
      %parallel_loop3A_458 = arith.index_cast %parallel_loop3A_103 : i32 to index
      %parallel_loop3A_459 = tpu.vector_load %arg9[%parallel_loop3A_458] {strides = array<i32>} : memref<16384xi32, #tpu.memory_space<vmem>>, vector<16xi32>,
      %parallel_loop3A_460 = vector.shape_cast %parallel_loop3A_459 : vector<16xi32> to vector<16xi32>
      %parallel_loop3A_461 = vector.shape_cast %parallel_loop3A_408 : vector<16xi32> to vector<16xi32>
      tpu.vector_store %arg9[%parallel_loop3A_458], %parallel_loop3A_461 {strides = array<i32>} : memref<16384xi32, #tpu.memory_space<vmem>>, vector<16xi32>,
      %parallel_loop3A_462 = arith.index_cast %parallel_loop3A_109 : i32 to index
      %parallel_loop3A_463 = tpu.vector_load %arg9[%parallel_loop3A_462] {strides = array<i32>} : memref<16384xi32, #tpu.memory_space<vmem>>, vector<16xi32>,
      %parallel_loop3A_464 = vector.shape_cast %parallel_loop3A_463 : vector<16xi32> to vector<16xi32>
      %parallel_loop3A_465 = vector.shape_cast %parallel_loop3A_415 : vector<16xi32> to vector<16xi32>
      tpu.vector_store %arg9[%parallel_loop3A_462], %parallel_loop3A_465 {strides = array<i32>} : memref<16384xi32, #tpu.memory_space<vmem>>, vector<16xi32>,
      %parallel_loop3A_466 = arith.index_cast %parallel_loop3A_115 : i32 to index
      %parallel_loop3A_467 = tpu.vector_load %arg9[%parallel_loop3A_466] {strides = array<i32>} : memref<16384xi32, #tpu.memory_space<vmem>>, vector<16xi32>,
      %parallel_loop3A_468 = vector.shape_cast %parallel_loop3A_467 : vector<16xi32> to vector<16xi32>
      %parallel_loop3A_469 = vector.shape_cast %parallel_loop3A_422 : vector<16xi32> to vector<16xi32>
      tpu.vector_store %arg9[%parallel_loop3A_466], %parallel_loop3A_469 {strides = array<i32>} : memref<16384xi32, #tpu.memory_space<vmem>>, vector<16xi32>,
      %parallel_loop3A_470 = arith.index_cast %parallel_loop3A_121 : i32 to index
      %parallel_loop3A_471 = tpu.vector_load %arg9[%parallel_loop3A_470] {strides = array<i32>} : memref<16384xi32, #tpu.memory_space<vmem>>, vector<16xi32>,
      %parallel_loop3A_472 = vector.shape_cast %parallel_loop3A_471 : vector<16xi32> to vector<16xi32>
      %parallel_loop3A_473 = vector.shape_cast %parallel_loop3A_429 : vector<16xi32> to vector<16xi32>
      tpu.vector_store %arg9[%parallel_loop3A_470], %parallel_loop3A_473 {strides = array<i32>} : memref<16384xi32, #tpu.memory_space<vmem>>, vector<16xi32>,
      %parallel_loop3A_474 = arith.index_cast %parallel_loop3A_127 : i32 to index
      %parallel_loop3A_475 = tpu.vector_load %arg9[%parallel_loop3A_474] {strides = array<i32>} : memref<16384xi32, #tpu.memory_space<vmem>>, vector<16xi32>,
      %parallel_loop3A_476 = vector.shape_cast %parallel_loop3A_475 : vector<16xi32> to vector<16xi32>
      %parallel_loop3A_477 = vector.shape_cast %parallel_loop3A_436 : vector<16xi32> to vector<16xi32>
      tpu.vector_store %arg9[%parallel_loop3A_474], %parallel_loop3A_477 {strides = array<i32>} : memref<16384xi32, #tpu.memory_space<vmem>>, vector<16xi32>,
      %parallel_loop3A_478 = arith.index_cast %parallel_loop3A_133 : i32 to index
      %parallel_loop3A_479 = tpu.vector_load %arg9[%parallel_loop3A_478] {strides = array<i32>} : memref<16384xi32, #tpu.memory_space<vmem>>, vector<16xi32>,
      %parallel_loop3A_480 = vector.shape_cast %parallel_loop3A_479 : vector<16xi32> to vector<16xi32>
      %parallel_loop3A_481 = vector.shape_cast %parallel_loop3A_443 : vector<16xi32> to vector<16xi32>
      tpu.vector_store %arg9[%parallel_loop3A_478], %parallel_loop3A_481 {strides = array<i32>} : memref<16384xi32, #tpu.memory_space<vmem>>, vector<16xi32>,
      %parallel_loop3A_482 = arith.index_cast %parallel_loop3A_139 : i32 to index
      %parallel_loop3A_483 = tpu.vector_load %arg9[%parallel_loop3A_482] {strides = array<i32>} : memref<16384xi32, #tpu.memory_space<vmem>>, vector<16xi32>,
      %parallel_loop3A_484 = vector.shape_cast %parallel_loop3A_483 : vector<16xi32> to vector<16xi32>
      %parallel_loop3A_485 = vector.shape_cast %parallel_loop3A_450 : vector<16xi32> to vector<16xi32>
      tpu.vector_store %arg9[%parallel_loop3A_482], %parallel_loop3A_485 {strides = array<i32>} : memref<16384xi32, #tpu.memory_space<vmem>>, vector<16xi32>,
      %parallel_loop3A_486 = arith.index_cast %parallel_loop3A_145 : i32 to index
      %parallel_loop3A_487 = tpu.vector_load %arg9[%parallel_loop3A_486] {strides = array<i32>} : memref<16384xi32, #tpu.memory_space<vmem>>, vector<16xi32>,
      %parallel_loop3A_488 = vector.shape_cast %parallel_loop3A_487 : vector<16xi32> to vector<16xi32>
      %parallel_loop3A_489 = vector.shape_cast %parallel_loop3A_457 : vector<16xi32> to vector<16xi32>
      tpu.vector_store %arg9[%parallel_loop3A_486], %parallel_loop3A_489 {strides = array<i32>} : memref<16384xi32, #tpu.memory_space<vmem>>, vector<16xi32>,
    } {sc.loop_unroll_factor = 2 : i64, sc.parallel_access}
    %add3A_46 = arith.constant 16384 : i32
    %add3A_47 = arith.addi %mul3A_18, %add3A_46 : i32
    %dma_start3A_48 = tpu.memref_slice %arg4[%add3A_47] : memref<16777216xi32, #tpu.memory_space<hbm>> -> memref<16384xi32, #tpu.memory_space<hbm>>
    %dma_start3A_49 = tpu.memref_slice %arg4[%add3A_47] : memref<16777216xi32, #tpu.memory_space<hbm>> -> memref<16384xi32, #tpu.memory_space<hbm>>
    tpu.enqueue_dma source(%arg9 : memref<16384xi32, #tpu.memory_space<vmem>>) target(%dma_start3A_49 : memref<16384xi32, #tpu.memory_space<hbm>>) target_semaphore(%arg13 : memref<!tpu.dma_semaphore, #tpu.memory_space<semaphore_mem>>)
    %add3A_50 = arith.constant 49152 : i32
    %add3A_51 = arith.addi %mul3A_18, %add3A_50 : i32
    %dma_start3A_52 = tpu.memref_slice %arg2[%add3A_51] : memref<16777216xf32, #tpu.memory_space<hbm>> -> memref<16384xf32, #tpu.memory_space<hbm>>
    %dma_start3A_53 = tpu.memref_slice %arg2[%add3A_51] : memref<16777216xf32, #tpu.memory_space<hbm>> -> memref<16384xf32, #tpu.memory_space<hbm>>
    tpu.enqueue_dma source(%dma_start3A_53 : memref<16384xf32, #tpu.memory_space<hbm>>) target(%arg7 : memref<16384xf32, #tpu.memory_space<vmem>>) target_semaphore(%arg11 : memref<!tpu.dma_semaphore, #tpu.memory_space<semaphore_mem>>)
    %scan3A = arith.constant 0 : i32
    %scan3A_54 = arith.constant 1 : i32
    %scan3A_55 = arith.constant 14 : i32
    %scan3A_56 = arith.addi %scan3A_54, %scan3A_55 : i32
    %scan3A_57 = arith.constant 1 : i32
    scf.for %scan3A_97 = %scan3A_54 to %scan3A_56 step %scan3A_57  : i32 {
      %mul3A_98 = arith.constant 2 : i32
      %mul3A_99 = arith.muli %mul3A_98, %scan3A_97 : i32
      %add3A_100 = arith.constant 0 : i32
      %add3A_101 = arith.addi %mul3A_99, %add3A_100 : i32
      %mul3A_102 = arith.constant 16384 : i32
      %mul3A_103 = arith.muli %add3A_101, %mul3A_102 : i32
      %add3A_104 = arith.addi %mul3A_18, %mul3A_103 : i32
      %dma_wait3A_105 = tpu.memref_slice %arg2[%add3A_104] : memref<16777216xf32, #tpu.memory_space<hbm>> -> memref<16384xf32, #tpu.memory_space<hbm>>
      %dma_wait3A_106 = tpu.memref_slice %arg2[%add3A_104] : memref<16777216xf32, #tpu.memory_space<hbm>> -> memref<16384xf32, #tpu.memory_space<hbm>>
      tpu.wait_dma2 semaphore(%arg10 : memref<!tpu.dma_semaphore, #tpu.memory_space<semaphore_mem>>) src(%dma_wait3A_106 : memref<16384xf32, #tpu.memory_space<hbm>>) dst(%arg6 : memref<16384xf32, #tpu.memory_space<vmem>>)
      %sub3A = arith.constant 2 : i32
      %sub3A_107 = arith.subi %add3A_101, %sub3A : i32
      %mul3A_108 = arith.constant 16384 : i32
      %mul3A_109 = arith.muli %sub3A_107, %mul3A_108 : i32
      %add3A_110 = arith.addi %mul3A_18, %mul3A_109 : i32
      %dma_wait3A_111 = tpu.memref_slice %arg4[%add3A_110] : memref<16777216xi32, #tpu.memory_space<hbm>> -> memref<16384xi32, #tpu.memory_space<hbm>>
      %dma_wait3A_112 = tpu.memref_slice %arg4[%add3A_110] : memref<16777216xi32, #tpu.memory_space<hbm>> -> memref<16384xi32, #tpu.memory_space<hbm>>
      tpu.wait_dma2 semaphore(%arg12 : memref<!tpu.dma_semaphore, #tpu.memory_space<semaphore_mem>>) src(%arg8 : memref<16384xi32, #tpu.memory_space<vmem>>) dst(%dma_wait3A_112 : memref<16384xi32, #tpu.memory_space<hbm>>)
      %parallel_loop3A_113 = arith.constant 0 : i32
      %parallel_loop3A_114 = arith.constant 128 : i32
      %parallel_loop3A_115 = arith.constant 1 : i32
      scf.for %parallel_loop3A_159 = %parallel_loop3A_113 to %parallel_loop3A_114 step %parallel_loop3A_115  : i32 {
        %parallel_loop3A_160 = arith.constant 8 : i32
        %parallel_loop3A_161 = arith.muli %parallel_loop3A_159, %parallel_loop3A_160 : i32
        %parallel_loop3A_162 = arith.constant 0 : i32
        %parallel_loop3A_163 = arith.addi %parallel_loop3A_161, %parallel_loop3A_162 : i32
        %parallel_loop3A_164 = arith.constant 16 : i32
        %parallel_loop3A_165 = arith.muli %parallel_loop3A_163, %parallel_loop3A_164 : i32
        %parallel_loop3A_166 = arith.constant 8 : i32
        %parallel_loop3A_167 = arith.muli %parallel_loop3A_159, %parallel_loop3A_166 : i32
        %parallel_loop3A_168 = arith.constant 1 : i32
        %parallel_loop3A_169 = arith.addi %parallel_loop3A_167, %parallel_loop3A_168 : i32
        %parallel_loop3A_170 = arith.constant 16 : i32
        %parallel_loop3A_171 = arith.muli %parallel_loop3A_169, %parallel_loop3A_170 : i32
        %parallel_loop3A_172 = arith.constant 8 : i32
        %parallel_loop3A_173 = arith.muli %parallel_loop3A_159, %parallel_loop3A_172 : i32
        %parallel_loop3A_174 = arith.constant 2 : i32
        %parallel_loop3A_175 = arith.addi %parallel_loop3A_173, %parallel_loop3A_174 : i32
        %parallel_loop3A_176 = arith.constant 16 : i32
        %parallel_loop3A_177 = arith.muli %parallel_loop3A_175, %parallel_loop3A_176 : i32
        %parallel_loop3A_178 = arith.constant 8 : i32
        %parallel_loop3A_179 = arith.muli %parallel_loop3A_159, %parallel_loop3A_178 : i32
        %parallel_loop3A_180 = arith.constant 3 : i32
        %parallel_loop3A_181 = arith.addi %parallel_loop3A_179, %parallel_loop3A_180 : i32
        %parallel_loop3A_182 = arith.constant 16 : i32
        %parallel_loop3A_183 = arith.muli %parallel_loop3A_181, %parallel_loop3A_182 : i32
        %parallel_loop3A_184 = arith.constant 8 : i32
        %parallel_loop3A_185 = arith.muli %parallel_loop3A_159, %parallel_loop3A_184 : i32
        %parallel_loop3A_186 = arith.constant 4 : i32
        %parallel_loop3A_187 = arith.addi %parallel_loop3A_185, %parallel_loop3A_186 : i32
        %parallel_loop3A_188 = arith.constant 16 : i32
        %parallel_loop3A_189 = arith.muli %parallel_loop3A_187, %parallel_loop3A_188 : i32
        %parallel_loop3A_190 = arith.constant 8 : i32
        %parallel_loop3A_191 = arith.muli %parallel_loop3A_159, %parallel_loop3A_190 : i32
        %parallel_loop3A_192 = arith.constant 5 : i32
        %parallel_loop3A_193 = arith.addi %parallel_loop3A_191, %parallel_loop3A_192 : i32
        %parallel_loop3A_194 = arith.constant 16 : i32
        %parallel_loop3A_195 = arith.muli %parallel_loop3A_193, %parallel_loop3A_194 : i32
        %parallel_loop3A_196 = arith.constant 8 : i32
        %parallel_loop3A_197 = arith.muli %parallel_loop3A_159, %parallel_loop3A_196 : i32
        %parallel_loop3A_198 = arith.constant 6 : i32
        %parallel_loop3A_199 = arith.addi %parallel_loop3A_197, %parallel_loop3A_198 : i32
        %parallel_loop3A_200 = arith.constant 16 : i32
        %parallel_loop3A_201 = arith.muli %parallel_loop3A_199, %parallel_loop3A_200 : i32
        %parallel_loop3A_202 = arith.constant 8 : i32
        %parallel_loop3A_203 = arith.muli %parallel_loop3A_159, %parallel_loop3A_202 : i32
        %parallel_loop3A_204 = arith.constant 7 : i32
        %parallel_loop3A_205 = arith.addi %parallel_loop3A_203, %parallel_loop3A_204 : i32
        %parallel_loop3A_206 = arith.constant 16 : i32
        %parallel_loop3A_207 = arith.muli %parallel_loop3A_205, %parallel_loop3A_206 : i32
        %parallel_loop3A_208 = arith.index_cast %parallel_loop3A_165 : i32 to index
        %parallel_loop3A_209 = tpu.vector_load %arg6[%parallel_loop3A_208] {strides = array<i32>} : memref<16384xf32, #tpu.memory_space<vmem>>, vector<16xf32>,
        %parallel_loop3A_210 = vector.shape_cast %parallel_loop3A_209 : vector<16xf32> to vector<16xf32>
        %parallel_loop3A_211 = arith.index_cast %parallel_loop3A_171 : i32 to index
        %parallel_loop3A_212 = tpu.vector_load %arg6[%parallel_loop3A_211] {strides = array<i32>} : memref<16384xf32, #tpu.memory_space<vmem>>, vector<16xf32>,
        %parallel_loop3A_213 = vector.shape_cast %parallel_loop3A_212 : vector<16xf32> to vector<16xf32>
        %parallel_loop3A_214 = arith.index_cast %parallel_loop3A_177 : i32 to index
        %parallel_loop3A_215 = tpu.vector_load %arg6[%parallel_loop3A_214] {strides = array<i32>} : memref<16384xf32, #tpu.memory_space<vmem>>, vector<16xf32>,
        %parallel_loop3A_216 = vector.shape_cast %parallel_loop3A_215 : vector<16xf32> to vector<16xf32>
        %parallel_loop3A_217 = arith.index_cast %parallel_loop3A_183 : i32 to index
        %parallel_loop3A_218 = tpu.vector_load %arg6[%parallel_loop3A_217] {strides = array<i32>} : memref<16384xf32, #tpu.memory_space<vmem>>, vector<16xf32>,
        %parallel_loop3A_219 = vector.shape_cast %parallel_loop3A_218 : vector<16xf32> to vector<16xf32>
        %parallel_loop3A_220 = arith.index_cast %parallel_loop3A_189 : i32 to index
        %parallel_loop3A_221 = tpu.vector_load %arg6[%parallel_loop3A_220] {strides = array<i32>} : memref<16384xf32, #tpu.memory_space<vmem>>, vector<16xf32>,
        %parallel_loop3A_222 = vector.shape_cast %parallel_loop3A_221 : vector<16xf32> to vector<16xf32>
        %parallel_loop3A_223 = arith.index_cast %parallel_loop3A_195 : i32 to index
        %parallel_loop3A_224 = tpu.vector_load %arg6[%parallel_loop3A_223] {strides = array<i32>} : memref<16384xf32, #tpu.memory_space<vmem>>, vector<16xf32>,
        %parallel_loop3A_225 = vector.shape_cast %parallel_loop3A_224 : vector<16xf32> to vector<16xf32>
        %parallel_loop3A_226 = arith.index_cast %parallel_loop3A_201 : i32 to index
        %parallel_loop3A_227 = tpu.vector_load %arg6[%parallel_loop3A_226] {strides = array<i32>} : memref<16384xf32, #tpu.memory_space<vmem>>, vector<16xf32>,
        %parallel_loop3A_228 = vector.shape_cast %parallel_loop3A_227 : vector<16xf32> to vector<16xf32>
        %parallel_loop3A_229 = arith.index_cast %parallel_loop3A_207 : i32 to index
        %parallel_loop3A_230 = tpu.vector_load %arg6[%parallel_loop3A_229] {strides = array<i32>} : memref<16384xf32, #tpu.memory_space<vmem>>, vector<16xf32>,
        %parallel_loop3A_231 = vector.shape_cast %parallel_loop3A_230 : vector<16xf32> to vector<16xf32>
        %parallel_loop3A_232 = arith.cmpf oge, %parallel_loop3A_210, %gather3A_5 : vector<16xf32>
        %parallel_loop3A_233 = arith.constant 8 : i32
        %parallel_loop3A_234 = arith.constant 0 : i32
        %parallel_loop3A_235 = vector.broadcast %parallel_loop3A_233 : i32 to vector<16xi32>
        %parallel_loop3A_236 = vector.broadcast %parallel_loop3A_234 : i32 to vector<16xi32>
        %parallel_loop3A_237 = arith.select %parallel_loop3A_232, %parallel_loop3A_235, %parallel_loop3A_236 : vector<16xi1>, vector<16xi32>
        %parallel_loop3A_238 = arith.cmpf oge, %parallel_loop3A_213, %gather3A_5 : vector<16xf32>
        %parallel_loop3A_239 = arith.constant 8 : i32
        %parallel_loop3A_240 = arith.constant 0 : i32
        %parallel_loop3A_241 = vector.broadcast %parallel_loop3A_239 : i32 to vector<16xi32>
        %parallel_loop3A_242 = vector.broadcast %parallel_loop3A_240 : i32 to vector<16xi32>
        %parallel_loop3A_243 = arith.select %parallel_loop3A_238, %parallel_loop3A_241, %parallel_loop3A_242 : vector<16xi1>, vector<16xi32>
        %parallel_loop3A_244 = arith.cmpf oge, %parallel_loop3A_216, %gather3A_5 : vector<16xf32>
        %parallel_loop3A_245 = arith.constant 8 : i32
        %parallel_loop3A_246 = arith.constant 0 : i32
        %parallel_loop3A_247 = vector.broadcast %parallel_loop3A_245 : i32 to vector<16xi32>
        %parallel_loop3A_248 = vector.broadcast %parallel_loop3A_246 : i32 to vector<16xi32>
        %parallel_loop3A_249 = arith.select %parallel_loop3A_244, %parallel_loop3A_247, %parallel_loop3A_248 : vector<16xi1>, vector<16xi32>
        %parallel_loop3A_250 = arith.cmpf oge, %parallel_loop3A_219, %gather3A_5 : vector<16xf32>
        %parallel_loop3A_251 = arith.constant 8 : i32
        %parallel_loop3A_252 = arith.constant 0 : i32
        %parallel_loop3A_253 = vector.broadcast %parallel_loop3A_251 : i32 to vector<16xi32>
        %parallel_loop3A_254 = vector.broadcast %parallel_loop3A_252 : i32 to vector<16xi32>
        %parallel_loop3A_255 = arith.select %parallel_loop3A_250, %parallel_loop3A_253, %parallel_loop3A_254 : vector<16xi1>, vector<16xi32>
        %parallel_loop3A_256 = arith.cmpf oge, %parallel_loop3A_222, %gather3A_5 : vector<16xf32>
        %parallel_loop3A_257 = arith.constant 8 : i32
        %parallel_loop3A_258 = arith.constant 0 : i32
        %parallel_loop3A_259 = vector.broadcast %parallel_loop3A_257 : i32 to vector<16xi32>
        %parallel_loop3A_260 = vector.broadcast %parallel_loop3A_258 : i32 to vector<16xi32>
        %parallel_loop3A_261 = arith.select %parallel_loop3A_256, %parallel_loop3A_259, %parallel_loop3A_260 : vector<16xi1>, vector<16xi32>
        %parallel_loop3A_262 = arith.cmpf oge, %parallel_loop3A_225, %gather3A_5 : vector<16xf32>
        %parallel_loop3A_263 = arith.constant 8 : i32
        %parallel_loop3A_264 = arith.constant 0 : i32
        %parallel_loop3A_265 = vector.broadcast %parallel_loop3A_263 : i32 to vector<16xi32>
        %parallel_loop3A_266 = vector.broadcast %parallel_loop3A_264 : i32 to vector<16xi32>
        %parallel_loop3A_267 = arith.select %parallel_loop3A_262, %parallel_loop3A_265, %parallel_loop3A_266 : vector<16xi1>, vector<16xi32>
        %parallel_loop3A_268 = arith.cmpf oge, %parallel_loop3A_228, %gather3A_5 : vector<16xf32>
        %parallel_loop3A_269 = arith.constant 8 : i32
        %parallel_loop3A_270 = arith.constant 0 : i32
        %parallel_loop3A_271 = vector.broadcast %parallel_loop3A_269 : i32 to vector<16xi32>
        %parallel_loop3A_272 = vector.broadcast %parallel_loop3A_270 : i32 to vector<16xi32>
        %parallel_loop3A_273 = arith.select %parallel_loop3A_268, %parallel_loop3A_271, %parallel_loop3A_272 : vector<16xi1>, vector<16xi32>
        %parallel_loop3A_274 = arith.cmpf oge, %parallel_loop3A_231, %gather3A_5 : vector<16xf32>
        %parallel_loop3A_275 = arith.constant 8 : i32
        %parallel_loop3A_276 = arith.constant 0 : i32
        %parallel_loop3A_277 = vector.broadcast %parallel_loop3A_275 : i32 to vector<16xi32>
        %parallel_loop3A_278 = vector.broadcast %parallel_loop3A_276 : i32 to vector<16xi32>
        %parallel_loop3A_279 = arith.select %parallel_loop3A_274, %parallel_loop3A_277, %parallel_loop3A_278 : vector<16xi1>, vector<16xi32>
        %parallel_loop3A_280 = vector.shape_cast %parallel_loop3A_237 : vector<16xi32> to vector<16x1xi32>
        %parallel_loop3A_281 = vector.shape_cast %parallel_loop3A_280 : vector<16x1xi32> to vector<16xi32>
        %parallel_loop3A_282 = tpu.dynamic_gather %gather3A_10[%parallel_loop3A_281] in [0] : vector<16xf32>, vector<16xi32> -> vector<16xf32>
        %parallel_loop3A_283 = vector.shape_cast %parallel_loop3A_243 : vector<16xi32> to vector<16x1xi32>
        %parallel_loop3A_284 = vector.shape_cast %parallel_loop3A_283 : vector<16x1xi32> to vector<16xi32>
        %parallel_loop3A_285 = tpu.dynamic_gather %gather3A_10[%parallel_loop3A_284] in [0] : vector<16xf32>, vector<16xi32> -> vector<16xf32>
        %parallel_loop3A_286 = vector.shape_cast %parallel_loop3A_249 : vector<16xi32> to vector<16x1xi32>
        %parallel_loop3A_287 = vector.shape_cast %parallel_loop3A_286 : vector<16x1xi32> to vector<16xi32>
        %parallel_loop3A_288 = tpu.dynamic_gather %gather3A_10[%parallel_loop3A_287] in [0] : vector<16xf32>, vector<16xi32> -> vector<16xf32>
        %parallel_loop3A_289 = vector.shape_cast %parallel_loop3A_255 : vector<16xi32> to vector<16x1xi32>
        %parallel_loop3A_290 = vector.shape_cast %parallel_loop3A_289 : vector<16x1xi32> to vector<16xi32>
        %parallel_loop3A_291 = tpu.dynamic_gather %gather3A_10[%parallel_loop3A_290] in [0] : vector<16xf32>, vector<16xi32> -> vector<16xf32>
        %parallel_loop3A_292 = vector.shape_cast %parallel_loop3A_261 : vector<16xi32> to vector<16x1xi32>
        %parallel_loop3A_293 = vector.shape_cast %parallel_loop3A_292 : vector<16x1xi32> to vector<16xi32>
        %parallel_loop3A_294 = tpu.dynamic_gather %gather3A_10[%parallel_loop3A_293] in [0] : vector<16xf32>, vector<16xi32> -> vector<16xf32>
        %parallel_loop3A_295 = vector.shape_cast %parallel_loop3A_267 : vector<16xi32> to vector<16x1xi32>
        %parallel_loop3A_296 = vector.shape_cast %parallel_loop3A_295 : vector<16x1xi32> to vector<16xi32>
        %parallel_loop3A_297 = tpu.dynamic_gather %gather3A_10[%parallel_loop3A_296] in [0] : vector<16xf32>, vector<16xi32> -> vector<16xf32>
        %parallel_loop3A_298 = vector.shape_cast %parallel_loop3A_273 : vector<16xi32> to vector<16x1xi32>
        %parallel_loop3A_299 = vector.shape_cast %parallel_loop3A_298 : vector<16x1xi32> to vector<16xi32>
        %parallel_loop3A_300 = tpu.dynamic_gather %gather3A_10[%parallel_loop3A_299] in [0] : vector<16xf32>, vector<16xi32> -> vector<16xf32>
        %parallel_loop3A_301 = vector.shape_cast %parallel_loop3A_279 : vector<16xi32> to vector<16x1xi32>
        %parallel_loop3A_302 = vector.shape_cast %parallel_loop3A_301 : vector<16x1xi32> to vector<16xi32>
        %parallel_loop3A_303 = tpu.dynamic_gather %gather3A_10[%parallel_loop3A_302] in [0] : vector<16xf32>, vector<16xi32> -> vector<16xf32>
        %parallel_loop3A_304 = arith.cmpf oge, %parallel_loop3A_210, %parallel_loop3A_282 : vector<16xf32>
        %parallel_loop3A_305 = arith.constant 4 : i32
        %parallel_loop3A_306 = arith.constant 0 : i32
        %parallel_loop3A_307 = vector.broadcast %parallel_loop3A_305 : i32 to vector<16xi32>
        %parallel_loop3A_308 = vector.broadcast %parallel_loop3A_306 : i32 to vector<16xi32>
        %parallel_loop3A_309 = arith.select %parallel_loop3A_304, %parallel_loop3A_307, %parallel_loop3A_308 : vector<16xi1>, vector<16xi32>
        %parallel_loop3A_310 = arith.ori %parallel_loop3A_237, %parallel_loop3A_309 : vector<16xi32>
        %parallel_loop3A_311 = arith.cmpf oge, %parallel_loop3A_213, %parallel_loop3A_285 : vector<16xf32>
        %parallel_loop3A_312 = arith.constant 4 : i32
        %parallel_loop3A_313 = arith.constant 0 : i32
        %parallel_loop3A_314 = vector.broadcast %parallel_loop3A_312 : i32 to vector<16xi32>
        %parallel_loop3A_315 = vector.broadcast %parallel_loop3A_313 : i32 to vector<16xi32>
        %parallel_loop3A_316 = arith.select %parallel_loop3A_311, %parallel_loop3A_314, %parallel_loop3A_315 : vector<16xi1>, vector<16xi32>
        %parallel_loop3A_317 = arith.ori %parallel_loop3A_243, %parallel_loop3A_316 : vector<16xi32>
        %parallel_loop3A_318 = arith.cmpf oge, %parallel_loop3A_216, %parallel_loop3A_288 : vector<16xf32>
        %parallel_loop3A_319 = arith.constant 4 : i32
        %parallel_loop3A_320 = arith.constant 0 : i32
        %parallel_loop3A_321 = vector.broadcast %parallel_loop3A_319 : i32 to vector<16xi32>
        %parallel_loop3A_322 = vector.broadcast %parallel_loop3A_320 : i32 to vector<16xi32>
        %parallel_loop3A_323 = arith.select %parallel_loop3A_318, %parallel_loop3A_321, %parallel_loop3A_322 : vector<16xi1>, vector<16xi32>
        %parallel_loop3A_324 = arith.ori %parallel_loop3A_249, %parallel_loop3A_323 : vector<16xi32>
        %parallel_loop3A_325 = arith.cmpf oge, %parallel_loop3A_219, %parallel_loop3A_291 : vector<16xf32>
        %parallel_loop3A_326 = arith.constant 4 : i32
        %parallel_loop3A_327 = arith.constant 0 : i32
        %parallel_loop3A_328 = vector.broadcast %parallel_loop3A_326 : i32 to vector<16xi32>
        %parallel_loop3A_329 = vector.broadcast %parallel_loop3A_327 : i32 to vector<16xi32>
        %parallel_loop3A_330 = arith.select %parallel_loop3A_325, %parallel_loop3A_328, %parallel_loop3A_329 : vector<16xi1>, vector<16xi32>
        %parallel_loop3A_331 = arith.ori %parallel_loop3A_255, %parallel_loop3A_330 : vector<16xi32>
        %parallel_loop3A_332 = arith.cmpf oge, %parallel_loop3A_222, %parallel_loop3A_294 : vector<16xf32>
        %parallel_loop3A_333 = arith.constant 4 : i32
        %parallel_loop3A_334 = arith.constant 0 : i32
        %parallel_loop3A_335 = vector.broadcast %parallel_loop3A_333 : i32 to vector<16xi32>
        %parallel_loop3A_336 = vector.broadcast %parallel_loop3A_334 : i32 to vector<16xi32>
        %parallel_loop3A_337 = arith.select %parallel_loop3A_332, %parallel_loop3A_335, %parallel_loop3A_336 : vector<16xi1>, vector<16xi32>
        %parallel_loop3A_338 = arith.ori %parallel_loop3A_261, %parallel_loop3A_337 : vector<16xi32>
        %parallel_loop3A_339 = arith.cmpf oge, %parallel_loop3A_225, %parallel_loop3A_297 : vector<16xf32>
        %parallel_loop3A_340 = arith.constant 4 : i32
        %parallel_loop3A_341 = arith.constant 0 : i32
        %parallel_loop3A_342 = vector.broadcast %parallel_loop3A_340 : i32 to vector<16xi32>
        %parallel_loop3A_343 = vector.broadcast %parallel_loop3A_341 : i32 to vector<16xi32>
        %parallel_loop3A_344 = arith.select %parallel_loop3A_339, %parallel_loop3A_342, %parallel_loop3A_343 : vector<16xi1>, vector<16xi32>
        %parallel_loop3A_345 = arith.ori %parallel_loop3A_267, %parallel_loop3A_344 : vector<16xi32>
        %parallel_loop3A_346 = arith.cmpf oge, %parallel_loop3A_228, %parallel_loop3A_300 : vector<16xf32>
        %parallel_loop3A_347 = arith.constant 4 : i32
        %parallel_loop3A_348 = arith.constant 0 : i32
        %parallel_loop3A_349 = vector.broadcast %parallel_loop3A_347 : i32 to vector<16xi32>
        %parallel_loop3A_350 = vector.broadcast %parallel_loop3A_348 : i32 to vector<16xi32>
        %parallel_loop3A_351 = arith.select %parallel_loop3A_346, %parallel_loop3A_349, %parallel_loop3A_350 : vector<16xi1>, vector<16xi32>
        %parallel_loop3A_352 = arith.ori %parallel_loop3A_273, %parallel_loop3A_351 : vector<16xi32>
        %parallel_loop3A_353 = arith.cmpf oge, %parallel_loop3A_231, %parallel_loop3A_303 : vector<16xf32>
        %parallel_loop3A_354 = arith.constant 4 : i32
        %parallel_loop3A_355 = arith.constant 0 : i32
        %parallel_loop3A_356 = vector.broadcast %parallel_loop3A_354 : i32 to vector<16xi32>
        %parallel_loop3A_357 = vector.broadcast %parallel_loop3A_355 : i32 to vector<16xi32>
        %parallel_loop3A_358 = arith.select %parallel_loop3A_353, %parallel_loop3A_356, %parallel_loop3A_357 : vector<16xi1>, vector<16xi32>
        %parallel_loop3A_359 = arith.ori %parallel_loop3A_279, %parallel_loop3A_358 : vector<16xi32>
        %parallel_loop3A_360 = vector.shape_cast %parallel_loop3A_310 : vector<16xi32> to vector<16x1xi32>
        %parallel_loop3A_361 = vector.shape_cast %parallel_loop3A_360 : vector<16x1xi32> to vector<16xi32>
        %parallel_loop3A_362 = tpu.dynamic_gather %gather3A_16[%parallel_loop3A_361] in [0] : vector<16xf32>, vector<16xi32> -> vector<16xf32>
        %parallel_loop3A_363 = vector.shape_cast %parallel_loop3A_317 : vector<16xi32> to vector<16x1xi32>
        %parallel_loop3A_364 = vector.shape_cast %parallel_loop3A_363 : vector<16x1xi32> to vector<16xi32>
        %parallel_loop3A_365 = tpu.dynamic_gather %gather3A_16[%parallel_loop3A_364] in [0] : vector<16xf32>, vector<16xi32> -> vector<16xf32>
        %parallel_loop3A_366 = vector.shape_cast %parallel_loop3A_324 : vector<16xi32> to vector<16x1xi32>
        %parallel_loop3A_367 = vector.shape_cast %parallel_loop3A_366 : vector<16x1xi32> to vector<16xi32>
        %parallel_loop3A_368 = tpu.dynamic_gather %gather3A_16[%parallel_loop3A_367] in [0] : vector<16xf32>, vector<16xi32> -> vector<16xf32>
        %parallel_loop3A_369 = vector.shape_cast %parallel_loop3A_331 : vector<16xi32> to vector<16x1xi32>
        %parallel_loop3A_370 = vector.shape_cast %parallel_loop3A_369 : vector<16x1xi32> to vector<16xi32>
        %parallel_loop3A_371 = tpu.dynamic_gather %gather3A_16[%parallel_loop3A_370] in [0] : vector<16xf32>, vector<16xi32> -> vector<16xf32>
        %parallel_loop3A_372 = vector.shape_cast %parallel_loop3A_338 : vector<16xi32> to vector<16x1xi32>
        %parallel_loop3A_373 = vector.shape_cast %parallel_loop3A_372 : vector<16x1xi32> to vector<16xi32>
        %parallel_loop3A_374 = tpu.dynamic_gather %gather3A_16[%parallel_loop3A_373] in [0] : vector<16xf32>, vector<16xi32> -> vector<16xf32>
        %parallel_loop3A_375 = vector.shape_cast %parallel_loop3A_345 : vector<16xi32> to vector<16x1xi32>
        %parallel_loop3A_376 = vector.shape_cast %parallel_loop3A_375 : vector<16x1xi32> to vector<16xi32>
        %parallel_loop3A_377 = tpu.dynamic_gather %gather3A_16[%parallel_loop3A_376] in [0] : vector<16xf32>, vector<16xi32> -> vector<16xf32>
        %parallel_loop3A_378 = vector.shape_cast %parallel_loop3A_352 : vector<16xi32> to vector<16x1xi32>
        %parallel_loop3A_379 = vector.shape_cast %parallel_loop3A_378 : vector<16x1xi32> to vector<16xi32>
        %parallel_loop3A_380 = tpu.dynamic_gather %gather3A_16[%parallel_loop3A_379] in [0] : vector<16xf32>, vector<16xi32> -> vector<16xf32>
        %parallel_loop3A_381 = vector.shape_cast %parallel_loop3A_359 : vector<16xi32> to vector<16x1xi32>
        %parallel_loop3A_382 = vector.shape_cast %parallel_loop3A_381 : vector<16x1xi32> to vector<16xi32>
        %parallel_loop3A_383 = tpu.dynamic_gather %gather3A_16[%parallel_loop3A_382] in [0] : vector<16xf32>, vector<16xi32> -> vector<16xf32>
        %parallel_loop3A_384 = arith.cmpf oge, %parallel_loop3A_210, %parallel_loop3A_362 : vector<16xf32>
        %parallel_loop3A_385 = arith.constant 2 : i32
        %parallel_loop3A_386 = arith.constant 0 : i32
        %parallel_loop3A_387 = vector.broadcast %parallel_loop3A_385 : i32 to vector<16xi32>
        %parallel_loop3A_388 = vector.broadcast %parallel_loop3A_386 : i32 to vector<16xi32>
        %parallel_loop3A_389 = arith.select %parallel_loop3A_384, %parallel_loop3A_387, %parallel_loop3A_388 : vector<16xi1>, vector<16xi32>
        %parallel_loop3A_390 = arith.ori %parallel_loop3A_310, %parallel_loop3A_389 : vector<16xi32>
        %parallel_loop3A_391 = arith.cmpf oge, %parallel_loop3A_213, %parallel_loop3A_365 : vector<16xf32>
        %parallel_loop3A_392 = arith.constant 2 : i32
        %parallel_loop3A_393 = arith.constant 0 : i32
        %parallel_loop3A_394 = vector.broadcast %parallel_loop3A_392 : i32 to vector<16xi32>
        %parallel_loop3A_395 = vector.broadcast %parallel_loop3A_393 : i32 to vector<16xi32>
        %parallel_loop3A_396 = arith.select %parallel_loop3A_391, %parallel_loop3A_394, %parallel_loop3A_395 : vector<16xi1>, vector<16xi32>
        %parallel_loop3A_397 = arith.ori %parallel_loop3A_317, %parallel_loop3A_396 : vector<16xi32>
        %parallel_loop3A_398 = arith.cmpf oge, %parallel_loop3A_216, %parallel_loop3A_368 : vector<16xf32>
        %parallel_loop3A_399 = arith.constant 2 : i32
        %parallel_loop3A_400 = arith.constant 0 : i32
        %parallel_loop3A_401 = vector.broadcast %parallel_loop3A_399 : i32 to vector<16xi32>
        %parallel_loop3A_402 = vector.broadcast %parallel_loop3A_400 : i32 to vector<16xi32>
        %parallel_loop3A_403 = arith.select %parallel_loop3A_398, %parallel_loop3A_401, %parallel_loop3A_402 : vector<16xi1>, vector<16xi32>
        %parallel_loop3A_404 = arith.ori %parallel_loop3A_324, %parallel_loop3A_403 : vector<16xi32>
        %parallel_loop3A_405 = arith.cmpf oge, %parallel_loop3A_219, %parallel_loop3A_371 : vector<16xf32>
        %parallel_loop3A_406 = arith.constant 2 : i32
        %parallel_loop3A_407 = arith.constant 0 : i32
        %parallel_loop3A_408 = vector.broadcast %parallel_loop3A_406 : i32 to vector<16xi32>
        %parallel_loop3A_409 = vector.broadcast %parallel_loop3A_407 : i32 to vector<16xi32>
        %parallel_loop3A_410 = arith.select %parallel_loop3A_405, %parallel_loop3A_408, %parallel_loop3A_409 : vector<16xi1>, vector<16xi32>
        %parallel_loop3A_411 = arith.ori %parallel_loop3A_331, %parallel_loop3A_410 : vector<16xi32>
        %parallel_loop3A_412 = arith.cmpf oge, %parallel_loop3A_222, %parallel_loop3A_374 : vector<16xf32>
        %parallel_loop3A_413 = arith.constant 2 : i32
        %parallel_loop3A_414 = arith.constant 0 : i32
        %parallel_loop3A_415 = vector.broadcast %parallel_loop3A_413 : i32 to vector<16xi32>
        %parallel_loop3A_416 = vector.broadcast %parallel_loop3A_414 : i32 to vector<16xi32>
        %parallel_loop3A_417 = arith.select %parallel_loop3A_412, %parallel_loop3A_415, %parallel_loop3A_416 : vector<16xi1>, vector<16xi32>
        %parallel_loop3A_418 = arith.ori %parallel_loop3A_338, %parallel_loop3A_417 : vector<16xi32>
        %parallel_loop3A_419 = arith.cmpf oge, %parallel_loop3A_225, %parallel_loop3A_377 : vector<16xf32>
        %parallel_loop3A_420 = arith.constant 2 : i32
        %parallel_loop3A_421 = arith.constant 0 : i32
        %parallel_loop3A_422 = vector.broadcast %parallel_loop3A_420 : i32 to vector<16xi32>
        %parallel_loop3A_423 = vector.broadcast %parallel_loop3A_421 : i32 to vector<16xi32>
        %parallel_loop3A_424 = arith.select %parallel_loop3A_419, %parallel_loop3A_422, %parallel_loop3A_423 : vector<16xi1>, vector<16xi32>
        %parallel_loop3A_425 = arith.ori %parallel_loop3A_345, %parallel_loop3A_424 : vector<16xi32>
        %parallel_loop3A_426 = arith.cmpf oge, %parallel_loop3A_228, %parallel_loop3A_380 : vector<16xf32>
        %parallel_loop3A_427 = arith.constant 2 : i32
        %parallel_loop3A_428 = arith.constant 0 : i32
        %parallel_loop3A_429 = vector.broadcast %parallel_loop3A_427 : i32 to vector<16xi32>
        %parallel_loop3A_430 = vector.broadcast %parallel_loop3A_428 : i32 to vector<16xi32>
        %parallel_loop3A_431 = arith.select %parallel_loop3A_426, %parallel_loop3A_429, %parallel_loop3A_430 : vector<16xi1>, vector<16xi32>
        %parallel_loop3A_432 = arith.ori %parallel_loop3A_352, %parallel_loop3A_431 : vector<16xi32>
        %parallel_loop3A_433 = arith.cmpf oge, %parallel_loop3A_231, %parallel_loop3A_383 : vector<16xf32>
        %parallel_loop3A_434 = arith.constant 2 : i32
        %parallel_loop3A_435 = arith.constant 0 : i32
        %parallel_loop3A_436 = vector.broadcast %parallel_loop3A_434 : i32 to vector<16xi32>
        %parallel_loop3A_437 = vector.broadcast %parallel_loop3A_435 : i32 to vector<16xi32>
        %parallel_loop3A_438 = arith.select %parallel_loop3A_433, %parallel_loop3A_436, %parallel_loop3A_437 : vector<16xi1>, vector<16xi32>
        %parallel_loop3A_439 = arith.ori %parallel_loop3A_359, %parallel_loop3A_438 : vector<16xi32>
        %parallel_loop3A_440 = vector.shape_cast %parallel_loop3A_390 : vector<16xi32> to vector<16x1xi32>
        %parallel_loop3A_441 = vector.shape_cast %parallel_loop3A_440 : vector<16x1xi32> to vector<16xi32>
        %parallel_loop3A_442 = tpu.dynamic_gather %get3A_2[%parallel_loop3A_441] in [0] : vector<16xf32>, vector<16xi32> -> vector<16xf32>
        %parallel_loop3A_443 = vector.shape_cast %parallel_loop3A_397 : vector<16xi32> to vector<16x1xi32>
        %parallel_loop3A_444 = vector.shape_cast %parallel_loop3A_443 : vector<16x1xi32> to vector<16xi32>
        %parallel_loop3A_445 = tpu.dynamic_gather %get3A_2[%parallel_loop3A_444] in [0] : vector<16xf32>, vector<16xi32> -> vector<16xf32>
        %parallel_loop3A_446 = vector.shape_cast %parallel_loop3A_404 : vector<16xi32> to vector<16x1xi32>
        %parallel_loop3A_447 = vector.shape_cast %parallel_loop3A_446 : vector<16x1xi32> to vector<16xi32>
        %parallel_loop3A_448 = tpu.dynamic_gather %get3A_2[%parallel_loop3A_447] in [0] : vector<16xf32>, vector<16xi32> -> vector<16xf32>
        %parallel_loop3A_449 = vector.shape_cast %parallel_loop3A_411 : vector<16xi32> to vector<16x1xi32>
        %parallel_loop3A_450 = vector.shape_cast %parallel_loop3A_449 : vector<16x1xi32> to vector<16xi32>
        %parallel_loop3A_451 = tpu.dynamic_gather %get3A_2[%parallel_loop3A_450] in [0] : vector<16xf32>, vector<16xi32> -> vector<16xf32>
        %parallel_loop3A_452 = vector.shape_cast %parallel_loop3A_418 : vector<16xi32> to vector<16x1xi32>
        %parallel_loop3A_453 = vector.shape_cast %parallel_loop3A_452 : vector<16x1xi32> to vector<16xi32>
        %parallel_loop3A_454 = tpu.dynamic_gather %get3A_2[%parallel_loop3A_453] in [0] : vector<16xf32>, vector<16xi32> -> vector<16xf32>
        %parallel_loop3A_455 = vector.shape_cast %parallel_loop3A_425 : vector<16xi32> to vector<16x1xi32>
        %parallel_loop3A_456 = vector.shape_cast %parallel_loop3A_455 : vector<16x1xi32> to vector<16xi32>
        %parallel_loop3A_457 = tpu.dynamic_gather %get3A_2[%parallel_loop3A_456] in [0] : vector<16xf32>, vector<16xi32> -> vector<16xf32>
        %parallel_loop3A_458 = vector.shape_cast %parallel_loop3A_432 : vector<16xi32> to vector<16x1xi32>
        %parallel_loop3A_459 = vector.shape_cast %parallel_loop3A_458 : vector<16x1xi32> to vector<16xi32>
        %parallel_loop3A_460 = tpu.dynamic_gather %get3A_2[%parallel_loop3A_459] in [0] : vector<16xf32>, vector<16xi32> -> vector<16xf32>
        %parallel_loop3A_461 = vector.shape_cast %parallel_loop3A_439 : vector<16xi32> to vector<16x1xi32>
        %parallel_loop3A_462 = vector.shape_cast %parallel_loop3A_461 : vector<16x1xi32> to vector<16xi32>
        %parallel_loop3A_463 = tpu.dynamic_gather %get3A_2[%parallel_loop3A_462] in [0] : vector<16xf32>, vector<16xi32> -> vector<16xf32>
        %parallel_loop3A_464 = arith.cmpf oge, %parallel_loop3A_210, %parallel_loop3A_442 : vector<16xf32>
        %parallel_loop3A_465 = arith.constant 1 : i32
        %parallel_loop3A_466 = arith.constant 0 : i32
        %parallel_loop3A_467 = vector.broadcast %parallel_loop3A_465 : i32 to vector<16xi32>
        %parallel_loop3A_468 = vector.broadcast %parallel_loop3A_466 : i32 to vector<16xi32>
        %parallel_loop3A_469 = arith.select %parallel_loop3A_464, %parallel_loop3A_467, %parallel_loop3A_468 : vector<16xi1>, vector<16xi32>
        %parallel_loop3A_470 = arith.ori %parallel_loop3A_390, %parallel_loop3A_469 : vector<16xi32>
        %parallel_loop3A_471 = arith.cmpf oge, %parallel_loop3A_213, %parallel_loop3A_445 : vector<16xf32>
        %parallel_loop3A_472 = arith.constant 1 : i32
        %parallel_loop3A_473 = arith.constant 0 : i32
        %parallel_loop3A_474 = vector.broadcast %parallel_loop3A_472 : i32 to vector<16xi32>
        %parallel_loop3A_475 = vector.broadcast %parallel_loop3A_473 : i32 to vector<16xi32>
        %parallel_loop3A_476 = arith.select %parallel_loop3A_471, %parallel_loop3A_474, %parallel_loop3A_475 : vector<16xi1>, vector<16xi32>
        %parallel_loop3A_477 = arith.ori %parallel_loop3A_397, %parallel_loop3A_476 : vector<16xi32>
        %parallel_loop3A_478 = arith.cmpf oge, %parallel_loop3A_216, %parallel_loop3A_448 : vector<16xf32>
        %parallel_loop3A_479 = arith.constant 1 : i32
        %parallel_loop3A_480 = arith.constant 0 : i32
        %parallel_loop3A_481 = vector.broadcast %parallel_loop3A_479 : i32 to vector<16xi32>
        %parallel_loop3A_482 = vector.broadcast %parallel_loop3A_480 : i32 to vector<16xi32>
        %parallel_loop3A_483 = arith.select %parallel_loop3A_478, %parallel_loop3A_481, %parallel_loop3A_482 : vector<16xi1>, vector<16xi32>
        %parallel_loop3A_484 = arith.ori %parallel_loop3A_404, %parallel_loop3A_483 : vector<16xi32>
        %parallel_loop3A_485 = arith.cmpf oge, %parallel_loop3A_219, %parallel_loop3A_451 : vector<16xf32>
        %parallel_loop3A_486 = arith.constant 1 : i32
        %parallel_loop3A_487 = arith.constant 0 : i32
        %parallel_loop3A_488 = vector.broadcast %parallel_loop3A_486 : i32 to vector<16xi32>
        %parallel_loop3A_489 = vector.broadcast %parallel_loop3A_487 : i32 to vector<16xi32>
        %parallel_loop3A_490 = arith.select %parallel_loop3A_485, %parallel_loop3A_488, %parallel_loop3A_489 : vector<16xi1>, vector<16xi32>
        %parallel_loop3A_491 = arith.ori %parallel_loop3A_411, %parallel_loop3A_490 : vector<16xi32>
        %parallel_loop3A_492 = arith.cmpf oge, %parallel_loop3A_222, %parallel_loop3A_454 : vector<16xf32>
        %parallel_loop3A_493 = arith.constant 1 : i32
        %parallel_loop3A_494 = arith.constant 0 : i32
        %parallel_loop3A_495 = vector.broadcast %parallel_loop3A_493 : i32 to vector<16xi32>
        %parallel_loop3A_496 = vector.broadcast %parallel_loop3A_494 : i32 to vector<16xi32>
        %parallel_loop3A_497 = arith.select %parallel_loop3A_492, %parallel_loop3A_495, %parallel_loop3A_496 : vector<16xi1>, vector<16xi32>
        %parallel_loop3A_498 = arith.ori %parallel_loop3A_418, %parallel_loop3A_497 : vector<16xi32>
        %parallel_loop3A_499 = arith.cmpf oge, %parallel_loop3A_225, %parallel_loop3A_457 : vector<16xf32>
        %parallel_loop3A_500 = arith.constant 1 : i32
        %parallel_loop3A_501 = arith.constant 0 : i32
        %parallel_loop3A_502 = vector.broadcast %parallel_loop3A_500 : i32 to vector<16xi32>
        %parallel_loop3A_503 = vector.broadcast %parallel_loop3A_501 : i32 to vector<16xi32>
        %parallel_loop3A_504 = arith.select %parallel_loop3A_499, %parallel_loop3A_502, %parallel_loop3A_503 : vector<16xi1>, vector<16xi32>
        %parallel_loop3A_505 = arith.ori %parallel_loop3A_425, %parallel_loop3A_504 : vector<16xi32>
        %parallel_loop3A_506 = arith.cmpf oge, %parallel_loop3A_228, %parallel_loop3A_460 : vector<16xf32>
        %parallel_loop3A_507 = arith.constant 1 : i32
        %parallel_loop3A_508 = arith.constant 0 : i32
        %parallel_loop3A_509 = vector.broadcast %parallel_loop3A_507 : i32 to vector<16xi32>
        %parallel_loop3A_510 = vector.broadcast %parallel_loop3A_508 : i32 to vector<16xi32>
        %parallel_loop3A_511 = arith.select %parallel_loop3A_506, %parallel_loop3A_509, %parallel_loop3A_510 : vector<16xi1>, vector<16xi32>
        %parallel_loop3A_512 = arith.ori %parallel_loop3A_432, %parallel_loop3A_511 : vector<16xi32>
        %parallel_loop3A_513 = arith.cmpf oge, %parallel_loop3A_231, %parallel_loop3A_463 : vector<16xf32>
        %parallel_loop3A_514 = arith.constant 1 : i32
        %parallel_loop3A_515 = arith.constant 0 : i32
        %parallel_loop3A_516 = vector.broadcast %parallel_loop3A_514 : i32 to vector<16xi32>
        %parallel_loop3A_517 = vector.broadcast %parallel_loop3A_515 : i32 to vector<16xi32>
        %parallel_loop3A_518 = arith.select %parallel_loop3A_513, %parallel_loop3A_516, %parallel_loop3A_517 : vector<16xi1>, vector<16xi32>
        %parallel_loop3A_519 = arith.ori %parallel_loop3A_439, %parallel_loop3A_518 : vector<16xi32>
        %parallel_loop3A_520 = arith.index_cast %parallel_loop3A_165 : i32 to index
        %parallel_loop3A_521 = tpu.vector_load %arg8[%parallel_loop3A_520] {strides = array<i32>} : memref<16384xi32, #tpu.memory_space<vmem>>, vector<16xi32>,
        %parallel_loop3A_522 = vector.shape_cast %parallel_loop3A_521 : vector<16xi32> to vector<16xi32>
        %parallel_loop3A_523 = vector.shape_cast %parallel_loop3A_470 : vector<16xi32> to vector<16xi32>
        tpu.vector_store %arg8[%parallel_loop3A_520], %parallel_loop3A_523 {strides = array<i32>} : memref<16384xi32, #tpu.memory_space<vmem>>, vector<16xi32>,
        %parallel_loop3A_524 = arith.index_cast %parallel_loop3A_171 : i32 to index
        %parallel_loop3A_525 = tpu.vector_load %arg8[%parallel_loop3A_524] {strides = array<i32>} : memref<16384xi32, #tpu.memory_space<vmem>>, vector<16xi32>,
        %parallel_loop3A_526 = vector.shape_cast %parallel_loop3A_525 : vector<16xi32> to vector<16xi32>
        %parallel_loop3A_527 = vector.shape_cast %parallel_loop3A_477 : vector<16xi32> to vector<16xi32>
        tpu.vector_store %arg8[%parallel_loop3A_524], %parallel_loop3A_527 {strides = array<i32>} : memref<16384xi32, #tpu.memory_space<vmem>>, vector<16xi32>,
        %parallel_loop3A_528 = arith.index_cast %parallel_loop3A_177 : i32 to index
        %parallel_loop3A_529 = tpu.vector_load %arg8[%parallel_loop3A_528] {strides = array<i32>} : memref<16384xi32, #tpu.memory_space<vmem>>, vector<16xi32>,
        %parallel_loop3A_530 = vector.shape_cast %parallel_loop3A_529 : vector<16xi32> to vector<16xi32>
        %parallel_loop3A_531 = vector.shape_cast %parallel_loop3A_484 : vector<16xi32> to vector<16xi32>
        tpu.vector_store %arg8[%parallel_loop3A_528], %parallel_loop3A_531 {strides = array<i32>} : memref<16384xi32, #tpu.memory_space<vmem>>, vector<16xi32>,
        %parallel_loop3A_532 = arith.index_cast %parallel_loop3A_183 : i32 to index
        %parallel_loop3A_533 = tpu.vector_load %arg8[%parallel_loop3A_532] {strides = array<i32>} : memref<16384xi32, #tpu.memory_space<vmem>>, vector<16xi32>,
        %parallel_loop3A_534 = vector.shape_cast %parallel_loop3A_533 : vector<16xi32> to vector<16xi32>
        %parallel_loop3A_535 = vector.shape_cast %parallel_loop3A_491 : vector<16xi32> to vector<16xi32>
        tpu.vector_store %arg8[%parallel_loop3A_532], %parallel_loop3A_535 {strides = array<i32>} : memref<16384xi32, #tpu.memory_space<vmem>>, vector<16xi32>,
        %parallel_loop3A_536 = arith.index_cast %parallel_loop3A_189 : i32 to index
        %parallel_loop3A_537 = tpu.vector_load %arg8[%parallel_loop3A_536] {strides = array<i32>} : memref<16384xi32, #tpu.memory_space<vmem>>, vector<16xi32>,
        %parallel_loop3A_538 = vector.shape_cast %parallel_loop3A_537 : vector<16xi32> to vector<16xi32>
        %parallel_loop3A_539 = vector.shape_cast %parallel_loop3A_498 : vector<16xi32> to vector<16xi32>
        tpu.vector_store %arg8[%parallel_loop3A_536], %parallel_loop3A_539 {strides = array<i32>} : memref<16384xi32, #tpu.memory_space<vmem>>, vector<16xi32>,
        %parallel_loop3A_540 = arith.index_cast %parallel_loop3A_195 : i32 to index
        %parallel_loop3A_541 = tpu.vector_load %arg8[%parallel_loop3A_540] {strides = array<i32>} : memref<16384xi32, #tpu.memory_space<vmem>>, vector<16xi32>,
        %parallel_loop3A_542 = vector.shape_cast %parallel_loop3A_541 : vector<16xi32> to vector<16xi32>
        %parallel_loop3A_543 = vector.shape_cast %parallel_loop3A_505 : vector<16xi32> to vector<16xi32>
        tpu.vector_store %arg8[%parallel_loop3A_540], %parallel_loop3A_543 {strides = array<i32>} : memref<16384xi32, #tpu.memory_space<vmem>>, vector<16xi32>,
        %parallel_loop3A_544 = arith.index_cast %parallel_loop3A_201 : i32 to index
        %parallel_loop3A_545 = tpu.vector_load %arg8[%parallel_loop3A_544] {strides = array<i32>} : memref<16384xi32, #tpu.memory_space<vmem>>, vector<16xi32>,
        %parallel_loop3A_546 = vector.shape_cast %parallel_loop3A_545 : vector<16xi32> to vector<16xi32>
        %parallel_loop3A_547 = vector.shape_cast %parallel_loop3A_512 : vector<16xi32> to vector<16xi32>
        tpu.vector_store %arg8[%parallel_loop3A_544], %parallel_loop3A_547 {strides = array<i32>} : memref<16384xi32, #tpu.memory_space<vmem>>, vector<16xi32>,
        %parallel_loop3A_548 = arith.index_cast %parallel_loop3A_207 : i32 to index
        %parallel_loop3A_549 = tpu.vector_load %arg8[%parallel_loop3A_548] {strides = array<i32>} : memref<16384xi32, #tpu.memory_space<vmem>>, vector<16xi32>,
        %parallel_loop3A_550 = vector.shape_cast %parallel_loop3A_549 : vector<16xi32> to vector<16xi32>
        %parallel_loop3A_551 = vector.shape_cast %parallel_loop3A_519 : vector<16xi32> to vector<16xi32>
        tpu.vector_store %arg8[%parallel_loop3A_548], %parallel_loop3A_551 {strides = array<i32>} : memref<16384xi32, #tpu.memory_space<vmem>>, vector<16xi32>,
      } {sc.loop_unroll_factor = 2 : i64, sc.parallel_access}
      %mul3A_116 = arith.constant 16384 : i32
      %mul3A_117 = arith.muli %add3A_101, %mul3A_116 : i32
      %add3A_118 = arith.addi %mul3A_18, %mul3A_117 : i32
      %dma_start3A_119 = tpu.memref_slice %arg4[%add3A_118] : memref<16777216xi32, #tpu.memory_space<hbm>> -> memref<16384xi32, #tpu.memory_space<hbm>>
      %dma_start3A_120 = tpu.memref_slice %arg4[%add3A_118] : memref<16777216xi32, #tpu.memory_space<hbm>> -> memref<16384xi32, #tpu.memory_space<hbm>>
      tpu.enqueue_dma source(%arg8 : memref<16384xi32, #tpu.memory_space<vmem>>) target(%dma_start3A_120 : memref<16384xi32, #tpu.memory_space<hbm>>) target_semaphore(%arg12 : memref<!tpu.dma_semaphore, #tpu.memory_space<semaphore_mem>>)
      %add3A_121 = arith.constant 2 : i32
      %add3A_122 = arith.addi %add3A_101, %add3A_121 : i32
      %mul3A_123 = arith.constant 16384 : i32
      %mul3A_124 = arith.muli %add3A_122, %mul3A_123 : i32
      %add3A_125 = arith.addi %mul3A_18, %mul3A_124 : i32
      %dma_start3A_126 = tpu.memref_slice %arg2[%add3A_125] : memref<16777216xf32, #tpu.memory_space<hbm>> -> memref<16384xf32, #tpu.memory_space<hbm>>
      %dma_start3A_127 = tpu.memref_slice %arg2[%add3A_125] : memref<16777216xf32, #tpu.memory_space<hbm>> -> memref<16384xf32, #tpu.memory_space<hbm>>
      tpu.enqueue_dma source(%dma_start3A_127 : memref<16384xf32, #tpu.memory_space<hbm>>) target(%arg6 : memref<16384xf32, #tpu.memory_space<vmem>>) target_semaphore(%arg10 : memref<!tpu.dma_semaphore, #tpu.memory_space<semaphore_mem>>)
      %mul3A_128 = arith.constant 2 : i32
      %mul3A_129 = arith.muli %mul3A_128, %scan3A_97 : i32
      %add3A_130 = arith.constant 1 : i32
      %add3A_131 = arith.addi %mul3A_129, %add3A_130 : i32
      %mul3A_132 = arith.constant 16384 : i32
      %mul3A_133 = arith.muli %add3A_131, %mul3A_132 : i32
      %add3A_134 = arith.addi %mul3A_18, %mul3A_133 : i32
      %dma_wait3A_135 = tpu.memref_slice %arg2[%add3A_134] : memref<16777216xf32, #tpu.memory_space<hbm>> -> memref<16384xf32, #tpu.memory_space<hbm>>
      %dma_wait3A_136 = tpu.memref_slice %arg2[%add3A_134] : memref<16777216xf32, #tpu.memory_space<hbm>> -> memref<16384xf32, #tpu.memory_space<hbm>>
      tpu.wait_dma2 semaphore(%arg11 : memref<!tpu.dma_semaphore, #tpu.memory_space<semaphore_mem>>) src(%dma_wait3A_136 : memref<16384xf32, #tpu.memory_space<hbm>>) dst(%arg7 : memref<16384xf32, #tpu.memory_space<vmem>>)
      %sub3A_137 = arith.constant 2 : i32
      %sub3A_138 = arith.subi %add3A_131, %sub3A_137 : i32
      %mul3A_139 = arith.constant 16384 : i32
      %mul3A_140 = arith.muli %sub3A_138, %mul3A_139 : i32
      %add3A_141 = arith.addi %mul3A_18, %mul3A_140 : i32
      %dma_wait3A_142 = tpu.memref_slice %arg4[%add3A_141] : memref<16777216xi32, #tpu.memory_space<hbm>> -> memref<16384xi32, #tpu.memory_space<hbm>>
      %dma_wait3A_143 = tpu.memref_slice %arg4[%add3A_141] : memref<16777216xi32, #tpu.memory_space<hbm>> -> memref<16384xi32, #tpu.memory_space<hbm>>
      tpu.wait_dma2 semaphore(%arg13 : memref<!tpu.dma_semaphore, #tpu.memory_space<semaphore_mem>>) src(%arg9 : memref<16384xi32, #tpu.memory_space<vmem>>) dst(%dma_wait3A_143 : memref<16384xi32, #tpu.memory_space<hbm>>)
      %parallel_loop3A_144 = arith.constant 0 : i32
      %parallel_loop3A_145 = arith.constant 128 : i32
      %parallel_loop3A_146 = arith.constant 1 : i32
      scf.for %parallel_loop3A_159 = %parallel_loop3A_144 to %parallel_loop3A_145 step %parallel_loop3A_146  : i32 {
        %parallel_loop3A_160 = arith.constant 8 : i32
        %parallel_loop3A_161 = arith.muli %parallel_loop3A_159, %parallel_loop3A_160 : i32
        %parallel_loop3A_162 = arith.constant 0 : i32
        %parallel_loop3A_163 = arith.addi %parallel_loop3A_161, %parallel_loop3A_162 : i32
        %parallel_loop3A_164 = arith.constant 16 : i32
        %parallel_loop3A_165 = arith.muli %parallel_loop3A_163, %parallel_loop3A_164 : i32
        %parallel_loop3A_166 = arith.constant 8 : i32
        %parallel_loop3A_167 = arith.muli %parallel_loop3A_159, %parallel_loop3A_166 : i32
        %parallel_loop3A_168 = arith.constant 1 : i32
        %parallel_loop3A_169 = arith.addi %parallel_loop3A_167, %parallel_loop3A_168 : i32
        %parallel_loop3A_170 = arith.constant 16 : i32
        %parallel_loop3A_171 = arith.muli %parallel_loop3A_169, %parallel_loop3A_170 : i32
        %parallel_loop3A_172 = arith.constant 8 : i32
        %parallel_loop3A_173 = arith.muli %parallel_loop3A_159, %parallel_loop3A_172 : i32
        %parallel_loop3A_174 = arith.constant 2 : i32
        %parallel_loop3A_175 = arith.addi %parallel_loop3A_173, %parallel_loop3A_174 : i32
        %parallel_loop3A_176 = arith.constant 16 : i32
        %parallel_loop3A_177 = arith.muli %parallel_loop3A_175, %parallel_loop3A_176 : i32
        %parallel_loop3A_178 = arith.constant 8 : i32
        %parallel_loop3A_179 = arith.muli %parallel_loop3A_159, %parallel_loop3A_178 : i32
        %parallel_loop3A_180 = arith.constant 3 : i32
        %parallel_loop3A_181 = arith.addi %parallel_loop3A_179, %parallel_loop3A_180 : i32
        %parallel_loop3A_182 = arith.constant 16 : i32
        %parallel_loop3A_183 = arith.muli %parallel_loop3A_181, %parallel_loop3A_182 : i32
        %parallel_loop3A_184 = arith.constant 8 : i32
        %parallel_loop3A_185 = arith.muli %parallel_loop3A_159, %parallel_loop3A_184 : i32
        %parallel_loop3A_186 = arith.constant 4 : i32
        %parallel_loop3A_187 = arith.addi %parallel_loop3A_185, %parallel_loop3A_186 : i32
        %parallel_loop3A_188 = arith.constant 16 : i32
        %parallel_loop3A_189 = arith.muli %parallel_loop3A_187, %parallel_loop3A_188 : i32
        %parallel_loop3A_190 = arith.constant 8 : i32
        %parallel_loop3A_191 = arith.muli %parallel_loop3A_159, %parallel_loop3A_190 : i32
        %parallel_loop3A_192 = arith.constant 5 : i32
        %parallel_loop3A_193 = arith.addi %parallel_loop3A_191, %parallel_loop3A_192 : i32
        %parallel_loop3A_194 = arith.constant 16 : i32
        %parallel_loop3A_195 = arith.muli %parallel_loop3A_193, %parallel_loop3A_194 : i32
        %parallel_loop3A_196 = arith.constant 8 : i32
        %parallel_loop3A_197 = arith.muli %parallel_loop3A_159, %parallel_loop3A_196 : i32
        %parallel_loop3A_198 = arith.constant 6 : i32
        %parallel_loop3A_199 = arith.addi %parallel_loop3A_197, %parallel_loop3A_198 : i32
        %parallel_loop3A_200 = arith.constant 16 : i32
        %parallel_loop3A_201 = arith.muli %parallel_loop3A_199, %parallel_loop3A_200 : i32
        %parallel_loop3A_202 = arith.constant 8 : i32
        %parallel_loop3A_203 = arith.muli %parallel_loop3A_159, %parallel_loop3A_202 : i32
        %parallel_loop3A_204 = arith.constant 7 : i32
        %parallel_loop3A_205 = arith.addi %parallel_loop3A_203, %parallel_loop3A_204 : i32
        %parallel_loop3A_206 = arith.constant 16 : i32
        %parallel_loop3A_207 = arith.muli %parallel_loop3A_205, %parallel_loop3A_206 : i32
        %parallel_loop3A_208 = arith.index_cast %parallel_loop3A_165 : i32 to index
        %parallel_loop3A_209 = tpu.vector_load %arg7[%parallel_loop3A_208] {strides = array<i32>} : memref<16384xf32, #tpu.memory_space<vmem>>, vector<16xf32>,
        %parallel_loop3A_210 = vector.shape_cast %parallel_loop3A_209 : vector<16xf32> to vector<16xf32>
        %parallel_loop3A_211 = arith.index_cast %parallel_loop3A_171 : i32 to index
        %parallel_loop3A_212 = tpu.vector_load %arg7[%parallel_loop3A_211] {strides = array<i32>} : memref<16384xf32, #tpu.memory_space<vmem>>, vector<16xf32>,
        %parallel_loop3A_213 = vector.shape_cast %parallel_loop3A_212 : vector<16xf32> to vector<16xf32>
        %parallel_loop3A_214 = arith.index_cast %parallel_loop3A_177 : i32 to index
        %parallel_loop3A_215 = tpu.vector_load %arg7[%parallel_loop3A_214] {strides = array<i32>} : memref<16384xf32, #tpu.memory_space<vmem>>, vector<16xf32>,
        %parallel_loop3A_216 = vector.shape_cast %parallel_loop3A_215 : vector<16xf32> to vector<16xf32>
        %parallel_loop3A_217 = arith.index_cast %parallel_loop3A_183 : i32 to index
        %parallel_loop3A_218 = tpu.vector_load %arg7[%parallel_loop3A_217] {strides = array<i32>} : memref<16384xf32, #tpu.memory_space<vmem>>, vector<16xf32>,
        %parallel_loop3A_219 = vector.shape_cast %parallel_loop3A_218 : vector<16xf32> to vector<16xf32>
        %parallel_loop3A_220 = arith.index_cast %parallel_loop3A_189 : i32 to index
        %parallel_loop3A_221 = tpu.vector_load %arg7[%parallel_loop3A_220] {strides = array<i32>} : memref<16384xf32, #tpu.memory_space<vmem>>, vector<16xf32>,
        %parallel_loop3A_222 = vector.shape_cast %parallel_loop3A_221 : vector<16xf32> to vector<16xf32>
        %parallel_loop3A_223 = arith.index_cast %parallel_loop3A_195 : i32 to index
        %parallel_loop3A_224 = tpu.vector_load %arg7[%parallel_loop3A_223] {strides = array<i32>} : memref<16384xf32, #tpu.memory_space<vmem>>, vector<16xf32>,
        %parallel_loop3A_225 = vector.shape_cast %parallel_loop3A_224 : vector<16xf32> to vector<16xf32>
        %parallel_loop3A_226 = arith.index_cast %parallel_loop3A_201 : i32 to index
        %parallel_loop3A_227 = tpu.vector_load %arg7[%parallel_loop3A_226] {strides = array<i32>} : memref<16384xf32, #tpu.memory_space<vmem>>, vector<16xf32>,
        %parallel_loop3A_228 = vector.shape_cast %parallel_loop3A_227 : vector<16xf32> to vector<16xf32>
        %parallel_loop3A_229 = arith.index_cast %parallel_loop3A_207 : i32 to index
        %parallel_loop3A_230 = tpu.vector_load %arg7[%parallel_loop3A_229] {strides = array<i32>} : memref<16384xf32, #tpu.memory_space<vmem>>, vector<16xf32>,
        %parallel_loop3A_231 = vector.shape_cast %parallel_loop3A_230 : vector<16xf32> to vector<16xf32>
        %parallel_loop3A_232 = arith.cmpf oge, %parallel_loop3A_210, %gather3A_5 : vector<16xf32>
        %parallel_loop3A_233 = arith.constant 8 : i32
        %parallel_loop3A_234 = arith.constant 0 : i32
        %parallel_loop3A_235 = vector.broadcast %parallel_loop3A_233 : i32 to vector<16xi32>
        %parallel_loop3A_236 = vector.broadcast %parallel_loop3A_234 : i32 to vector<16xi32>
        %parallel_loop3A_237 = arith.select %parallel_loop3A_232, %parallel_loop3A_235, %parallel_loop3A_236 : vector<16xi1>, vector<16xi32>
        %parallel_loop3A_238 = arith.cmpf oge, %parallel_loop3A_213, %gather3A_5 : vector<16xf32>
        %parallel_loop3A_239 = arith.constant 8 : i32
        %parallel_loop3A_240 = arith.constant 0 : i32
        %parallel_loop3A_241 = vector.broadcast %parallel_loop3A_239 : i32 to vector<16xi32>
        %parallel_loop3A_242 = vector.broadcast %parallel_loop3A_240 : i32 to vector<16xi32>
        %parallel_loop3A_243 = arith.select %parallel_loop3A_238, %parallel_loop3A_241, %parallel_loop3A_242 : vector<16xi1>, vector<16xi32>
        %parallel_loop3A_244 = arith.cmpf oge, %parallel_loop3A_216, %gather3A_5 : vector<16xf32>
        %parallel_loop3A_245 = arith.constant 8 : i32
        %parallel_loop3A_246 = arith.constant 0 : i32
        %parallel_loop3A_247 = vector.broadcast %parallel_loop3A_245 : i32 to vector<16xi32>
        %parallel_loop3A_248 = vector.broadcast %parallel_loop3A_246 : i32 to vector<16xi32>
        %parallel_loop3A_249 = arith.select %parallel_loop3A_244, %parallel_loop3A_247, %parallel_loop3A_248 : vector<16xi1>, vector<16xi32>
        %parallel_loop3A_250 = arith.cmpf oge, %parallel_loop3A_219, %gather3A_5 : vector<16xf32>
        %parallel_loop3A_251 = arith.constant 8 : i32
        %parallel_loop3A_252 = arith.constant 0 : i32
        %parallel_loop3A_253 = vector.broadcast %parallel_loop3A_251 : i32 to vector<16xi32>
        %parallel_loop3A_254 = vector.broadcast %parallel_loop3A_252 : i32 to vector<16xi32>
        %parallel_loop3A_255 = arith.select %parallel_loop3A_250, %parallel_loop3A_253, %parallel_loop3A_254 : vector<16xi1>, vector<16xi32>
        %parallel_loop3A_256 = arith.cmpf oge, %parallel_loop3A_222, %gather3A_5 : vector<16xf32>
        %parallel_loop3A_257 = arith.constant 8 : i32
        %parallel_loop3A_258 = arith.constant 0 : i32
        %parallel_loop3A_259 = vector.broadcast %parallel_loop3A_257 : i32 to vector<16xi32>
        %parallel_loop3A_260 = vector.broadcast %parallel_loop3A_258 : i32 to vector<16xi32>
        %parallel_loop3A_261 = arith.select %parallel_loop3A_256, %parallel_loop3A_259, %parallel_loop3A_260 : vector<16xi1>, vector<16xi32>
        %parallel_loop3A_262 = arith.cmpf oge, %parallel_loop3A_225, %gather3A_5 : vector<16xf32>
        %parallel_loop3A_263 = arith.constant 8 : i32
        %parallel_loop3A_264 = arith.constant 0 : i32
        %parallel_loop3A_265 = vector.broadcast %parallel_loop3A_263 : i32 to vector<16xi32>
        %parallel_loop3A_266 = vector.broadcast %parallel_loop3A_264 : i32 to vector<16xi32>
        %parallel_loop3A_267 = arith.select %parallel_loop3A_262, %parallel_loop3A_265, %parallel_loop3A_266 : vector<16xi1>, vector<16xi32>
        %parallel_loop3A_268 = arith.cmpf oge, %parallel_loop3A_228, %gather3A_5 : vector<16xf32>
        %parallel_loop3A_269 = arith.constant 8 : i32
        %parallel_loop3A_270 = arith.constant 0 : i32
        %parallel_loop3A_271 = vector.broadcast %parallel_loop3A_269 : i32 to vector<16xi32>
        %parallel_loop3A_272 = vector.broadcast %parallel_loop3A_270 : i32 to vector<16xi32>
        %parallel_loop3A_273 = arith.select %parallel_loop3A_268, %parallel_loop3A_271, %parallel_loop3A_272 : vector<16xi1>, vector<16xi32>
        %parallel_loop3A_274 = arith.cmpf oge, %parallel_loop3A_231, %gather3A_5 : vector<16xf32>
        %parallel_loop3A_275 = arith.constant 8 : i32
        %parallel_loop3A_276 = arith.constant 0 : i32
        %parallel_loop3A_277 = vector.broadcast %parallel_loop3A_275 : i32 to vector<16xi32>
        %parallel_loop3A_278 = vector.broadcast %parallel_loop3A_276 : i32 to vector<16xi32>
        %parallel_loop3A_279 = arith.select %parallel_loop3A_274, %parallel_loop3A_277, %parallel_loop3A_278 : vector<16xi1>, vector<16xi32>
        %parallel_loop3A_280 = vector.shape_cast %parallel_loop3A_237 : vector<16xi32> to vector<16x1xi32>
        %parallel_loop3A_281 = vector.shape_cast %parallel_loop3A_280 : vector<16x1xi32> to vector<16xi32>
        %parallel_loop3A_282 = tpu.dynamic_gather %gather3A_10[%parallel_loop3A_281] in [0] : vector<16xf32>, vector<16xi32> -> vector<16xf32>
        %parallel_loop3A_283 = vector.shape_cast %parallel_loop3A_243 : vector<16xi32> to vector<16x1xi32>
        %parallel_loop3A_284 = vector.shape_cast %parallel_loop3A_283 : vector<16x1xi32> to vector<16xi32>
        %parallel_loop3A_285 = tpu.dynamic_gather %gather3A_10[%parallel_loop3A_284] in [0] : vector<16xf32>, vector<16xi32> -> vector<16xf32>
        %parallel_loop3A_286 = vector.shape_cast %parallel_loop3A_249 : vector<16xi32> to vector<16x1xi32>
        %parallel_loop3A_287 = vector.shape_cast %parallel_loop3A_286 : vector<16x1xi32> to vector<16xi32>
        %parallel_loop3A_288 = tpu.dynamic_gather %gather3A_10[%parallel_loop3A_287] in [0] : vector<16xf32>, vector<16xi32> -> vector<16xf32>
        %parallel_loop3A_289 = vector.shape_cast %parallel_loop3A_255 : vector<16xi32> to vector<16x1xi32>
        %parallel_loop3A_290 = vector.shape_cast %parallel_loop3A_289 : vector<16x1xi32> to vector<16xi32>
        %parallel_loop3A_291 = tpu.dynamic_gather %gather3A_10[%parallel_loop3A_290] in [0] : vector<16xf32>, vector<16xi32> -> vector<16xf32>
        %parallel_loop3A_292 = vector.shape_cast %parallel_loop3A_261 : vector<16xi32> to vector<16x1xi32>
        %parallel_loop3A_293 = vector.shape_cast %parallel_loop3A_292 : vector<16x1xi32> to vector<16xi32>
        %parallel_loop3A_294 = tpu.dynamic_gather %gather3A_10[%parallel_loop3A_293] in [0] : vector<16xf32>, vector<16xi32> -> vector<16xf32>
        %parallel_loop3A_295 = vector.shape_cast %parallel_loop3A_267 : vector<16xi32> to vector<16x1xi32>
        %parallel_loop3A_296 = vector.shape_cast %parallel_loop3A_295 : vector<16x1xi32> to vector<16xi32>
        %parallel_loop3A_297 = tpu.dynamic_gather %gather3A_10[%parallel_loop3A_296] in [0] : vector<16xf32>, vector<16xi32> -> vector<16xf32>
        %parallel_loop3A_298 = vector.shape_cast %parallel_loop3A_273 : vector<16xi32> to vector<16x1xi32>
        %parallel_loop3A_299 = vector.shape_cast %parallel_loop3A_298 : vector<16x1xi32> to vector<16xi32>
        %parallel_loop3A_300 = tpu.dynamic_gather %gather3A_10[%parallel_loop3A_299] in [0] : vector<16xf32>, vector<16xi32> -> vector<16xf32>
        %parallel_loop3A_301 = vector.shape_cast %parallel_loop3A_279 : vector<16xi32> to vector<16x1xi32>
        %parallel_loop3A_302 = vector.shape_cast %parallel_loop3A_301 : vector<16x1xi32> to vector<16xi32>
        %parallel_loop3A_303 = tpu.dynamic_gather %gather3A_10[%parallel_loop3A_302] in [0] : vector<16xf32>, vector<16xi32> -> vector<16xf32>
        %parallel_loop3A_304 = arith.cmpf oge, %parallel_loop3A_210, %parallel_loop3A_282 : vector<16xf32>
        %parallel_loop3A_305 = arith.constant 4 : i32
        %parallel_loop3A_306 = arith.constant 0 : i32
        %parallel_loop3A_307 = vector.broadcast %parallel_loop3A_305 : i32 to vector<16xi32>
        %parallel_loop3A_308 = vector.broadcast %parallel_loop3A_306 : i32 to vector<16xi32>
        %parallel_loop3A_309 = arith.select %parallel_loop3A_304, %parallel_loop3A_307, %parallel_loop3A_308 : vector<16xi1>, vector<16xi32>
        %parallel_loop3A_310 = arith.ori %parallel_loop3A_237, %parallel_loop3A_309 : vector<16xi32>
        %parallel_loop3A_311 = arith.cmpf oge, %parallel_loop3A_213, %parallel_loop3A_285 : vector<16xf32>
        %parallel_loop3A_312 = arith.constant 4 : i32
        %parallel_loop3A_313 = arith.constant 0 : i32
        %parallel_loop3A_314 = vector.broadcast %parallel_loop3A_312 : i32 to vector<16xi32>
        %parallel_loop3A_315 = vector.broadcast %parallel_loop3A_313 : i32 to vector<16xi32>
        %parallel_loop3A_316 = arith.select %parallel_loop3A_311, %parallel_loop3A_314, %parallel_loop3A_315 : vector<16xi1>, vector<16xi32>
        %parallel_loop3A_317 = arith.ori %parallel_loop3A_243, %parallel_loop3A_316 : vector<16xi32>
        %parallel_loop3A_318 = arith.cmpf oge, %parallel_loop3A_216, %parallel_loop3A_288 : vector<16xf32>
        %parallel_loop3A_319 = arith.constant 4 : i32
        %parallel_loop3A_320 = arith.constant 0 : i32
        %parallel_loop3A_321 = vector.broadcast %parallel_loop3A_319 : i32 to vector<16xi32>
        %parallel_loop3A_322 = vector.broadcast %parallel_loop3A_320 : i32 to vector<16xi32>
        %parallel_loop3A_323 = arith.select %parallel_loop3A_318, %parallel_loop3A_321, %parallel_loop3A_322 : vector<16xi1>, vector<16xi32>
        %parallel_loop3A_324 = arith.ori %parallel_loop3A_249, %parallel_loop3A_323 : vector<16xi32>
        %parallel_loop3A_325 = arith.cmpf oge, %parallel_loop3A_219, %parallel_loop3A_291 : vector<16xf32>
        %parallel_loop3A_326 = arith.constant 4 : i32
        %parallel_loop3A_327 = arith.constant 0 : i32
        %parallel_loop3A_328 = vector.broadcast %parallel_loop3A_326 : i32 to vector<16xi32>
        %parallel_loop3A_329 = vector.broadcast %parallel_loop3A_327 : i32 to vector<16xi32>
        %parallel_loop3A_330 = arith.select %parallel_loop3A_325, %parallel_loop3A_328, %parallel_loop3A_329 : vector<16xi1>, vector<16xi32>
        %parallel_loop3A_331 = arith.ori %parallel_loop3A_255, %parallel_loop3A_330 : vector<16xi32>
        %parallel_loop3A_332 = arith.cmpf oge, %parallel_loop3A_222, %parallel_loop3A_294 : vector<16xf32>
        %parallel_loop3A_333 = arith.constant 4 : i32
        %parallel_loop3A_334 = arith.constant 0 : i32
        %parallel_loop3A_335 = vector.broadcast %parallel_loop3A_333 : i32 to vector<16xi32>
        %parallel_loop3A_336 = vector.broadcast %parallel_loop3A_334 : i32 to vector<16xi32>
        %parallel_loop3A_337 = arith.select %parallel_loop3A_332, %parallel_loop3A_335, %parallel_loop3A_336 : vector<16xi1>, vector<16xi32>
        %parallel_loop3A_338 = arith.ori %parallel_loop3A_261, %parallel_loop3A_337 : vector<16xi32>
        %parallel_loop3A_339 = arith.cmpf oge, %parallel_loop3A_225, %parallel_loop3A_297 : vector<16xf32>
        %parallel_loop3A_340 = arith.constant 4 : i32
        %parallel_loop3A_341 = arith.constant 0 : i32
        %parallel_loop3A_342 = vector.broadcast %parallel_loop3A_340 : i32 to vector<16xi32>
        %parallel_loop3A_343 = vector.broadcast %parallel_loop3A_341 : i32 to vector<16xi32>
        %parallel_loop3A_344 = arith.select %parallel_loop3A_339, %parallel_loop3A_342, %parallel_loop3A_343 : vector<16xi1>, vector<16xi32>
        %parallel_loop3A_345 = arith.ori %parallel_loop3A_267, %parallel_loop3A_344 : vector<16xi32>
        %parallel_loop3A_346 = arith.cmpf oge, %parallel_loop3A_228, %parallel_loop3A_300 : vector<16xf32>
        %parallel_loop3A_347 = arith.constant 4 : i32
        %parallel_loop3A_348 = arith.constant 0 : i32
        %parallel_loop3A_349 = vector.broadcast %parallel_loop3A_347 : i32 to vector<16xi32>
        %parallel_loop3A_350 = vector.broadcast %parallel_loop3A_348 : i32 to vector<16xi32>
        %parallel_loop3A_351 = arith.select %parallel_loop3A_346, %parallel_loop3A_349, %parallel_loop3A_350 : vector<16xi1>, vector<16xi32>
        %parallel_loop3A_352 = arith.ori %parallel_loop3A_273, %parallel_loop3A_351 : vector<16xi32>
        %parallel_loop3A_353 = arith.cmpf oge, %parallel_loop3A_231, %parallel_loop3A_303 : vector<16xf32>
        %parallel_loop3A_354 = arith.constant 4 : i32
        %parallel_loop3A_355 = arith.constant 0 : i32
        %parallel_loop3A_356 = vector.broadcast %parallel_loop3A_354 : i32 to vector<16xi32>
        %parallel_loop3A_357 = vector.broadcast %parallel_loop3A_355 : i32 to vector<16xi32>
        %parallel_loop3A_358 = arith.select %parallel_loop3A_353, %parallel_loop3A_356, %parallel_loop3A_357 : vector<16xi1>, vector<16xi32>
        %parallel_loop3A_359 = arith.ori %parallel_loop3A_279, %parallel_loop3A_358 : vector<16xi32>
        %parallel_loop3A_360 = vector.shape_cast %parallel_loop3A_310 : vector<16xi32> to vector<16x1xi32>
        %parallel_loop3A_361 = vector.shape_cast %parallel_loop3A_360 : vector<16x1xi32> to vector<16xi32>
        %parallel_loop3A_362 = tpu.dynamic_gather %gather3A_16[%parallel_loop3A_361] in [0] : vector<16xf32>, vector<16xi32> -> vector<16xf32>
        %parallel_loop3A_363 = vector.shape_cast %parallel_loop3A_317 : vector<16xi32> to vector<16x1xi32>
        %parallel_loop3A_364 = vector.shape_cast %parallel_loop3A_363 : vector<16x1xi32> to vector<16xi32>
        %parallel_loop3A_365 = tpu.dynamic_gather %gather3A_16[%parallel_loop3A_364] in [0] : vector<16xf32>, vector<16xi32> -> vector<16xf32>
        %parallel_loop3A_366 = vector.shape_cast %parallel_loop3A_324 : vector<16xi32> to vector<16x1xi32>
        %parallel_loop3A_367 = vector.shape_cast %parallel_loop3A_366 : vector<16x1xi32> to vector<16xi32>
        %parallel_loop3A_368 = tpu.dynamic_gather %gather3A_16[%parallel_loop3A_367] in [0] : vector<16xf32>, vector<16xi32> -> vector<16xf32>
        %parallel_loop3A_369 = vector.shape_cast %parallel_loop3A_331 : vector<16xi32> to vector<16x1xi32>
        %parallel_loop3A_370 = vector.shape_cast %parallel_loop3A_369 : vector<16x1xi32> to vector<16xi32>
        %parallel_loop3A_371 = tpu.dynamic_gather %gather3A_16[%parallel_loop3A_370] in [0] : vector<16xf32>, vector<16xi32> -> vector<16xf32>
        %parallel_loop3A_372 = vector.shape_cast %parallel_loop3A_338 : vector<16xi32> to vector<16x1xi32>
        %parallel_loop3A_373 = vector.shape_cast %parallel_loop3A_372 : vector<16x1xi32> to vector<16xi32>
        %parallel_loop3A_374 = tpu.dynamic_gather %gather3A_16[%parallel_loop3A_373] in [0] : vector<16xf32>, vector<16xi32> -> vector<16xf32>
        %parallel_loop3A_375 = vector.shape_cast %parallel_loop3A_345 : vector<16xi32> to vector<16x1xi32>
        %parallel_loop3A_376 = vector.shape_cast %parallel_loop3A_375 : vector<16x1xi32> to vector<16xi32>
        %parallel_loop3A_377 = tpu.dynamic_gather %gather3A_16[%parallel_loop3A_376] in [0] : vector<16xf32>, vector<16xi32> -> vector<16xf32>
        %parallel_loop3A_378 = vector.shape_cast %parallel_loop3A_352 : vector<16xi32> to vector<16x1xi32>
        %parallel_loop3A_379 = vector.shape_cast %parallel_loop3A_378 : vector<16x1xi32> to vector<16xi32>
        %parallel_loop3A_380 = tpu.dynamic_gather %gather3A_16[%parallel_loop3A_379] in [0] : vector<16xf32>, vector<16xi32> -> vector<16xf32>
        %parallel_loop3A_381 = vector.shape_cast %parallel_loop3A_359 : vector<16xi32> to vector<16x1xi32>
        %parallel_loop3A_382 = vector.shape_cast %parallel_loop3A_381 : vector<16x1xi32> to vector<16xi32>
        %parallel_loop3A_383 = tpu.dynamic_gather %gather3A_16[%parallel_loop3A_382] in [0] : vector<16xf32>, vector<16xi32> -> vector<16xf32>
        %parallel_loop3A_384 = arith.cmpf oge, %parallel_loop3A_210, %parallel_loop3A_362 : vector<16xf32>
        %parallel_loop3A_385 = arith.constant 2 : i32
        %parallel_loop3A_386 = arith.constant 0 : i32
        %parallel_loop3A_387 = vector.broadcast %parallel_loop3A_385 : i32 to vector<16xi32>
        %parallel_loop3A_388 = vector.broadcast %parallel_loop3A_386 : i32 to vector<16xi32>
        %parallel_loop3A_389 = arith.select %parallel_loop3A_384, %parallel_loop3A_387, %parallel_loop3A_388 : vector<16xi1>, vector<16xi32>
        %parallel_loop3A_390 = arith.ori %parallel_loop3A_310, %parallel_loop3A_389 : vector<16xi32>
        %parallel_loop3A_391 = arith.cmpf oge, %parallel_loop3A_213, %parallel_loop3A_365 : vector<16xf32>
        %parallel_loop3A_392 = arith.constant 2 : i32
        %parallel_loop3A_393 = arith.constant 0 : i32
        %parallel_loop3A_394 = vector.broadcast %parallel_loop3A_392 : i32 to vector<16xi32>
        %parallel_loop3A_395 = vector.broadcast %parallel_loop3A_393 : i32 to vector<16xi32>
        %parallel_loop3A_396 = arith.select %parallel_loop3A_391, %parallel_loop3A_394, %parallel_loop3A_395 : vector<16xi1>, vector<16xi32>
        %parallel_loop3A_397 = arith.ori %parallel_loop3A_317, %parallel_loop3A_396 : vector<16xi32>
        %parallel_loop3A_398 = arith.cmpf oge, %parallel_loop3A_216, %parallel_loop3A_368 : vector<16xf32>
        %parallel_loop3A_399 = arith.constant 2 : i32
        %parallel_loop3A_400 = arith.constant 0 : i32
        %parallel_loop3A_401 = vector.broadcast %parallel_loop3A_399 : i32 to vector<16xi32>
        %parallel_loop3A_402 = vector.broadcast %parallel_loop3A_400 : i32 to vector<16xi32>
        %parallel_loop3A_403 = arith.select %parallel_loop3A_398, %parallel_loop3A_401, %parallel_loop3A_402 : vector<16xi1>, vector<16xi32>
        %parallel_loop3A_404 = arith.ori %parallel_loop3A_324, %parallel_loop3A_403 : vector<16xi32>
        %parallel_loop3A_405 = arith.cmpf oge, %parallel_loop3A_219, %parallel_loop3A_371 : vector<16xf32>
        %parallel_loop3A_406 = arith.constant 2 : i32
        %parallel_loop3A_407 = arith.constant 0 : i32
        %parallel_loop3A_408 = vector.broadcast %parallel_loop3A_406 : i32 to vector<16xi32>
        %parallel_loop3A_409 = vector.broadcast %parallel_loop3A_407 : i32 to vector<16xi32>
        %parallel_loop3A_410 = arith.select %parallel_loop3A_405, %parallel_loop3A_408, %parallel_loop3A_409 : vector<16xi1>, vector<16xi32>
        %parallel_loop3A_411 = arith.ori %parallel_loop3A_331, %parallel_loop3A_410 : vector<16xi32>
        %parallel_loop3A_412 = arith.cmpf oge, %parallel_loop3A_222, %parallel_loop3A_374 : vector<16xf32>
        %parallel_loop3A_413 = arith.constant 2 : i32
        %parallel_loop3A_414 = arith.constant 0 : i32
        %parallel_loop3A_415 = vector.broadcast %parallel_loop3A_413 : i32 to vector<16xi32>
        %parallel_loop3A_416 = vector.broadcast %parallel_loop3A_414 : i32 to vector<16xi32>
        %parallel_loop3A_417 = arith.select %parallel_loop3A_412, %parallel_loop3A_415, %parallel_loop3A_416 : vector<16xi1>, vector<16xi32>
        %parallel_loop3A_418 = arith.ori %parallel_loop3A_338, %parallel_loop3A_417 : vector<16xi32>
        %parallel_loop3A_419 = arith.cmpf oge, %parallel_loop3A_225, %parallel_loop3A_377 : vector<16xf32>
        %parallel_loop3A_420 = arith.constant 2 : i32
        %parallel_loop3A_421 = arith.constant 0 : i32
        %parallel_loop3A_422 = vector.broadcast %parallel_loop3A_420 : i32 to vector<16xi32>
        %parallel_loop3A_423 = vector.broadcast %parallel_loop3A_421 : i32 to vector<16xi32>
        %parallel_loop3A_424 = arith.select %parallel_loop3A_419, %parallel_loop3A_422, %parallel_loop3A_423 : vector<16xi1>, vector<16xi32>
        %parallel_loop3A_425 = arith.ori %parallel_loop3A_345, %parallel_loop3A_424 : vector<16xi32>
        %parallel_loop3A_426 = arith.cmpf oge, %parallel_loop3A_228, %parallel_loop3A_380 : vector<16xf32>
        %parallel_loop3A_427 = arith.constant 2 : i32
        %parallel_loop3A_428 = arith.constant 0 : i32
        %parallel_loop3A_429 = vector.broadcast %parallel_loop3A_427 : i32 to vector<16xi32>
        %parallel_loop3A_430 = vector.broadcast %parallel_loop3A_428 : i32 to vector<16xi32>
        %parallel_loop3A_431 = arith.select %parallel_loop3A_426, %parallel_loop3A_429, %parallel_loop3A_430 : vector<16xi1>, vector<16xi32>
        %parallel_loop3A_432 = arith.ori %parallel_loop3A_352, %parallel_loop3A_431 : vector<16xi32>
        %parallel_loop3A_433 = arith.cmpf oge, %parallel_loop3A_231, %parallel_loop3A_383 : vector<16xf32>
        %parallel_loop3A_434 = arith.constant 2 : i32
        %parallel_loop3A_435 = arith.constant 0 : i32
        %parallel_loop3A_436 = vector.broadcast %parallel_loop3A_434 : i32 to vector<16xi32>
        %parallel_loop3A_437 = vector.broadcast %parallel_loop3A_435 : i32 to vector<16xi32>
        %parallel_loop3A_438 = arith.select %parallel_loop3A_433, %parallel_loop3A_436, %parallel_loop3A_437 : vector<16xi1>, vector<16xi32>
        %parallel_loop3A_439 = arith.ori %parallel_loop3A_359, %parallel_loop3A_438 : vector<16xi32>
        %parallel_loop3A_440 = vector.shape_cast %parallel_loop3A_390 : vector<16xi32> to vector<16x1xi32>
        %parallel_loop3A_441 = vector.shape_cast %parallel_loop3A_440 : vector<16x1xi32> to vector<16xi32>
        %parallel_loop3A_442 = tpu.dynamic_gather %get3A_2[%parallel_loop3A_441] in [0] : vector<16xf32>, vector<16xi32> -> vector<16xf32>
        %parallel_loop3A_443 = vector.shape_cast %parallel_loop3A_397 : vector<16xi32> to vector<16x1xi32>
        %parallel_loop3A_444 = vector.shape_cast %parallel_loop3A_443 : vector<16x1xi32> to vector<16xi32>
        %parallel_loop3A_445 = tpu.dynamic_gather %get3A_2[%parallel_loop3A_444] in [0] : vector<16xf32>, vector<16xi32> -> vector<16xf32>
        %parallel_loop3A_446 = vector.shape_cast %parallel_loop3A_404 : vector<16xi32> to vector<16x1xi32>
        %parallel_loop3A_447 = vector.shape_cast %parallel_loop3A_446 : vector<16x1xi32> to vector<16xi32>
        %parallel_loop3A_448 = tpu.dynamic_gather %get3A_2[%parallel_loop3A_447] in [0] : vector<16xf32>, vector<16xi32> -> vector<16xf32>
        %parallel_loop3A_449 = vector.shape_cast %parallel_loop3A_411 : vector<16xi32> to vector<16x1xi32>
        %parallel_loop3A_450 = vector.shape_cast %parallel_loop3A_449 : vector<16x1xi32> to vector<16xi32>
        %parallel_loop3A_451 = tpu.dynamic_gather %get3A_2[%parallel_loop3A_450] in [0] : vector<16xf32>, vector<16xi32> -> vector<16xf32>
        %parallel_loop3A_452 = vector.shape_cast %parallel_loop3A_418 : vector<16xi32> to vector<16x1xi32>
        %parallel_loop3A_453 = vector.shape_cast %parallel_loop3A_452 : vector<16x1xi32> to vector<16xi32>
        %parallel_loop3A_454 = tpu.dynamic_gather %get3A_2[%parallel_loop3A_453] in [0] : vector<16xf32>, vector<16xi32> -> vector<16xf32>
        %parallel_loop3A_455 = vector.shape_cast %parallel_loop3A_425 : vector<16xi32> to vector<16x1xi32>
        %parallel_loop3A_456 = vector.shape_cast %parallel_loop3A_455 : vector<16x1xi32> to vector<16xi32>
        %parallel_loop3A_457 = tpu.dynamic_gather %get3A_2[%parallel_loop3A_456] in [0] : vector<16xf32>, vector<16xi32> -> vector<16xf32>
        %parallel_loop3A_458 = vector.shape_cast %parallel_loop3A_432 : vector<16xi32> to vector<16x1xi32>
        %parallel_loop3A_459 = vector.shape_cast %parallel_loop3A_458 : vector<16x1xi32> to vector<16xi32>
        %parallel_loop3A_460 = tpu.dynamic_gather %get3A_2[%parallel_loop3A_459] in [0] : vector<16xf32>, vector<16xi32> -> vector<16xf32>
        %parallel_loop3A_461 = vector.shape_cast %parallel_loop3A_439 : vector<16xi32> to vector<16x1xi32>
        %parallel_loop3A_462 = vector.shape_cast %parallel_loop3A_461 : vector<16x1xi32> to vector<16xi32>
        %parallel_loop3A_463 = tpu.dynamic_gather %get3A_2[%parallel_loop3A_462] in [0] : vector<16xf32>, vector<16xi32> -> vector<16xf32>
        %parallel_loop3A_464 = arith.cmpf oge, %parallel_loop3A_210, %parallel_loop3A_442 : vector<16xf32>
        %parallel_loop3A_465 = arith.constant 1 : i32
        %parallel_loop3A_466 = arith.constant 0 : i32
        %parallel_loop3A_467 = vector.broadcast %parallel_loop3A_465 : i32 to vector<16xi32>
        %parallel_loop3A_468 = vector.broadcast %parallel_loop3A_466 : i32 to vector<16xi32>
        %parallel_loop3A_469 = arith.select %parallel_loop3A_464, %parallel_loop3A_467, %parallel_loop3A_468 : vector<16xi1>, vector<16xi32>
        %parallel_loop3A_470 = arith.ori %parallel_loop3A_390, %parallel_loop3A_469 : vector<16xi32>
        %parallel_loop3A_471 = arith.cmpf oge, %parallel_loop3A_213, %parallel_loop3A_445 : vector<16xf32>
        %parallel_loop3A_472 = arith.constant 1 : i32
        %parallel_loop3A_473 = arith.constant 0 : i32
        %parallel_loop3A_474 = vector.broadcast %parallel_loop3A_472 : i32 to vector<16xi32>
        %parallel_loop3A_475 = vector.broadcast %parallel_loop3A_473 : i32 to vector<16xi32>
        %parallel_loop3A_476 = arith.select %parallel_loop3A_471, %parallel_loop3A_474, %parallel_loop3A_475 : vector<16xi1>, vector<16xi32>
        %parallel_loop3A_477 = arith.ori %parallel_loop3A_397, %parallel_loop3A_476 : vector<16xi32>
        %parallel_loop3A_478 = arith.cmpf oge, %parallel_loop3A_216, %parallel_loop3A_448 : vector<16xf32>
        %parallel_loop3A_479 = arith.constant 1 : i32
        %parallel_loop3A_480 = arith.constant 0 : i32
        %parallel_loop3A_481 = vector.broadcast %parallel_loop3A_479 : i32 to vector<16xi32>
        %parallel_loop3A_482 = vector.broadcast %parallel_loop3A_480 : i32 to vector<16xi32>
        %parallel_loop3A_483 = arith.select %parallel_loop3A_478, %parallel_loop3A_481, %parallel_loop3A_482 : vector<16xi1>, vector<16xi32>
        %parallel_loop3A_484 = arith.ori %parallel_loop3A_404, %parallel_loop3A_483 : vector<16xi32>
        %parallel_loop3A_485 = arith.cmpf oge, %parallel_loop3A_219, %parallel_loop3A_451 : vector<16xf32>
        %parallel_loop3A_486 = arith.constant 1 : i32
        %parallel_loop3A_487 = arith.constant 0 : i32
        %parallel_loop3A_488 = vector.broadcast %parallel_loop3A_486 : i32 to vector<16xi32>
        %parallel_loop3A_489 = vector.broadcast %parallel_loop3A_487 : i32 to vector<16xi32>
        %parallel_loop3A_490 = arith.select %parallel_loop3A_485, %parallel_loop3A_488, %parallel_loop3A_489 : vector<16xi1>, vector<16xi32>
        %parallel_loop3A_491 = arith.ori %parallel_loop3A_411, %parallel_loop3A_490 : vector<16xi32>
        %parallel_loop3A_492 = arith.cmpf oge, %parallel_loop3A_222, %parallel_loop3A_454 : vector<16xf32>
        %parallel_loop3A_493 = arith.constant 1 : i32
        %parallel_loop3A_494 = arith.constant 0 : i32
        %parallel_loop3A_495 = vector.broadcast %parallel_loop3A_493 : i32 to vector<16xi32>
        %parallel_loop3A_496 = vector.broadcast %parallel_loop3A_494 : i32 to vector<16xi32>
        %parallel_loop3A_497 = arith.select %parallel_loop3A_492, %parallel_loop3A_495, %parallel_loop3A_496 : vector<16xi1>, vector<16xi32>
        %parallel_loop3A_498 = arith.ori %parallel_loop3A_418, %parallel_loop3A_497 : vector<16xi32>
        %parallel_loop3A_499 = arith.cmpf oge, %parallel_loop3A_225, %parallel_loop3A_457 : vector<16xf32>
        %parallel_loop3A_500 = arith.constant 1 : i32
        %parallel_loop3A_501 = arith.constant 0 : i32
        %parallel_loop3A_502 = vector.broadcast %parallel_loop3A_500 : i32 to vector<16xi32>
        %parallel_loop3A_503 = vector.broadcast %parallel_loop3A_501 : i32 to vector<16xi32>
        %parallel_loop3A_504 = arith.select %parallel_loop3A_499, %parallel_loop3A_502, %parallel_loop3A_503 : vector<16xi1>, vector<16xi32>
        %parallel_loop3A_505 = arith.ori %parallel_loop3A_425, %parallel_loop3A_504 : vector<16xi32>
        %parallel_loop3A_506 = arith.cmpf oge, %parallel_loop3A_228, %parallel_loop3A_460 : vector<16xf32>
        %parallel_loop3A_507 = arith.constant 1 : i32
        %parallel_loop3A_508 = arith.constant 0 : i32
        %parallel_loop3A_509 = vector.broadcast %parallel_loop3A_507 : i32 to vector<16xi32>
        %parallel_loop3A_510 = vector.broadcast %parallel_loop3A_508 : i32 to vector<16xi32>
        %parallel_loop3A_511 = arith.select %parallel_loop3A_506, %parallel_loop3A_509, %parallel_loop3A_510 : vector<16xi1>, vector<16xi32>
        %parallel_loop3A_512 = arith.ori %parallel_loop3A_432, %parallel_loop3A_511 : vector<16xi32>
        %parallel_loop3A_513 = arith.cmpf oge, %parallel_loop3A_231, %parallel_loop3A_463 : vector<16xf32>
        %parallel_loop3A_514 = arith.constant 1 : i32
        %parallel_loop3A_515 = arith.constant 0 : i32
        %parallel_loop3A_516 = vector.broadcast %parallel_loop3A_514 : i32 to vector<16xi32>
        %parallel_loop3A_517 = vector.broadcast %parallel_loop3A_515 : i32 to vector<16xi32>
        %parallel_loop3A_518 = arith.select %parallel_loop3A_513, %parallel_loop3A_516, %parallel_loop3A_517 : vector<16xi1>, vector<16xi32>
        %parallel_loop3A_519 = arith.ori %parallel_loop3A_439, %parallel_loop3A_518 : vector<16xi32>
        %parallel_loop3A_520 = arith.index_cast %parallel_loop3A_165 : i32 to index
        %parallel_loop3A_521 = tpu.vector_load %arg9[%parallel_loop3A_520] {strides = array<i32>} : memref<16384xi32, #tpu.memory_space<vmem>>, vector<16xi32>,
        %parallel_loop3A_522 = vector.shape_cast %parallel_loop3A_521 : vector<16xi32> to vector<16xi32>
        %parallel_loop3A_523 = vector.shape_cast %parallel_loop3A_470 : vector<16xi32> to vector<16xi32>
        tpu.vector_store %arg9[%parallel_loop3A_520], %parallel_loop3A_523 {strides = array<i32>} : memref<16384xi32, #tpu.memory_space<vmem>>, vector<16xi32>,
        %parallel_loop3A_524 = arith.index_cast %parallel_loop3A_171 : i32 to index
        %parallel_loop3A_525 = tpu.vector_load %arg9[%parallel_loop3A_524] {strides = array<i32>} : memref<16384xi32, #tpu.memory_space<vmem>>, vector<16xi32>,
        %parallel_loop3A_526 = vector.shape_cast %parallel_loop3A_525 : vector<16xi32> to vector<16xi32>
        %parallel_loop3A_527 = vector.shape_cast %parallel_loop3A_477 : vector<16xi32> to vector<16xi32>
        tpu.vector_store %arg9[%parallel_loop3A_524], %parallel_loop3A_527 {strides = array<i32>} : memref<16384xi32, #tpu.memory_space<vmem>>, vector<16xi32>,
        %parallel_loop3A_528 = arith.index_cast %parallel_loop3A_177 : i32 to index
        %parallel_loop3A_529 = tpu.vector_load %arg9[%parallel_loop3A_528] {strides = array<i32>} : memref<16384xi32, #tpu.memory_space<vmem>>, vector<16xi32>,
        %parallel_loop3A_530 = vector.shape_cast %parallel_loop3A_529 : vector<16xi32> to vector<16xi32>
        %parallel_loop3A_531 = vector.shape_cast %parallel_loop3A_484 : vector<16xi32> to vector<16xi32>
        tpu.vector_store %arg9[%parallel_loop3A_528], %parallel_loop3A_531 {strides = array<i32>} : memref<16384xi32, #tpu.memory_space<vmem>>, vector<16xi32>,
        %parallel_loop3A_532 = arith.index_cast %parallel_loop3A_183 : i32 to index
        %parallel_loop3A_533 = tpu.vector_load %arg9[%parallel_loop3A_532] {strides = array<i32>} : memref<16384xi32, #tpu.memory_space<vmem>>, vector<16xi32>,
        %parallel_loop3A_534 = vector.shape_cast %parallel_loop3A_533 : vector<16xi32> to vector<16xi32>
        %parallel_loop3A_535 = vector.shape_cast %parallel_loop3A_491 : vector<16xi32> to vector<16xi32>
        tpu.vector_store %arg9[%parallel_loop3A_532], %parallel_loop3A_535 {strides = array<i32>} : memref<16384xi32, #tpu.memory_space<vmem>>, vector<16xi32>,
        %parallel_loop3A_536 = arith.index_cast %parallel_loop3A_189 : i32 to index
        %parallel_loop3A_537 = tpu.vector_load %arg9[%parallel_loop3A_536] {strides = array<i32>} : memref<16384xi32, #tpu.memory_space<vmem>>, vector<16xi32>,
        %parallel_loop3A_538 = vector.shape_cast %parallel_loop3A_537 : vector<16xi32> to vector<16xi32>
        %parallel_loop3A_539 = vector.shape_cast %parallel_loop3A_498 : vector<16xi32> to vector<16xi32>
        tpu.vector_store %arg9[%parallel_loop3A_536], %parallel_loop3A_539 {strides = array<i32>} : memref<16384xi32, #tpu.memory_space<vmem>>, vector<16xi32>,
        %parallel_loop3A_540 = arith.index_cast %parallel_loop3A_195 : i32 to index
        %parallel_loop3A_541 = tpu.vector_load %arg9[%parallel_loop3A_540] {strides = array<i32>} : memref<16384xi32, #tpu.memory_space<vmem>>, vector<16xi32>,
        %parallel_loop3A_542 = vector.shape_cast %parallel_loop3A_541 : vector<16xi32> to vector<16xi32>
        %parallel_loop3A_543 = vector.shape_cast %parallel_loop3A_505 : vector<16xi32> to vector<16xi32>
        tpu.vector_store %arg9[%parallel_loop3A_540], %parallel_loop3A_543 {strides = array<i32>} : memref<16384xi32, #tpu.memory_space<vmem>>, vector<16xi32>,
        %parallel_loop3A_544 = arith.index_cast %parallel_loop3A_201 : i32 to index
        %parallel_loop3A_545 = tpu.vector_load %arg9[%parallel_loop3A_544] {strides = array<i32>} : memref<16384xi32, #tpu.memory_space<vmem>>, vector<16xi32>,
        %parallel_loop3A_546 = vector.shape_cast %parallel_loop3A_545 : vector<16xi32> to vector<16xi32>
        %parallel_loop3A_547 = vector.shape_cast %parallel_loop3A_512 : vector<16xi32> to vector<16xi32>
        tpu.vector_store %arg9[%parallel_loop3A_544], %parallel_loop3A_547 {strides = array<i32>} : memref<16384xi32, #tpu.memory_space<vmem>>, vector<16xi32>,
        %parallel_loop3A_548 = arith.index_cast %parallel_loop3A_207 : i32 to index
        %parallel_loop3A_549 = tpu.vector_load %arg9[%parallel_loop3A_548] {strides = array<i32>} : memref<16384xi32, #tpu.memory_space<vmem>>, vector<16xi32>,
        %parallel_loop3A_550 = vector.shape_cast %parallel_loop3A_549 : vector<16xi32> to vector<16xi32>
        %parallel_loop3A_551 = vector.shape_cast %parallel_loop3A_519 : vector<16xi32> to vector<16xi32>
        tpu.vector_store %arg9[%parallel_loop3A_548], %parallel_loop3A_551 {strides = array<i32>} : memref<16384xi32, #tpu.memory_space<vmem>>, vector<16xi32>,
      } {sc.loop_unroll_factor = 2 : i64, sc.parallel_access}
      %mul3A_147 = arith.constant 16384 : i32
      %mul3A_148 = arith.muli %add3A_131, %mul3A_147 : i32
      %add3A_149 = arith.addi %mul3A_18, %mul3A_148 : i32
      %dma_start3A_150 = tpu.memref_slice %arg4[%add3A_149] : memref<16777216xi32, #tpu.memory_space<hbm>> -> memref<16384xi32, #tpu.memory_space<hbm>>
      %dma_start3A_151 = tpu.memref_slice %arg4[%add3A_149] : memref<16777216xi32, #tpu.memory_space<hbm>> -> memref<16384xi32, #tpu.memory_space<hbm>>
      tpu.enqueue_dma source(%arg9 : memref<16384xi32, #tpu.memory_space<vmem>>) target(%dma_start3A_151 : memref<16384xi32, #tpu.memory_space<hbm>>) target_semaphore(%arg13 : memref<!tpu.dma_semaphore, #tpu.memory_space<semaphore_mem>>)
      %add3A_152 = arith.constant 2 : i32
      %add3A_153 = arith.addi %add3A_131, %add3A_152 : i32
      %mul3A_154 = arith.constant 16384 : i32
      %mul3A_155 = arith.muli %add3A_153, %mul3A_154 : i32
      %add3A_156 = arith.addi %mul3A_18, %mul3A_155 : i32
      %dma_start3A_157 = tpu.memref_slice %arg2[%add3A_156] : memref<16777216xf32, #tpu.memory_space<hbm>> -> memref<16384xf32, #tpu.memory_space<hbm>>
      %dma_start3A_158 = tpu.memref_slice %arg2[%add3A_156] : memref<16777216xf32, #tpu.memory_space<hbm>> -> memref<16384xf32, #tpu.memory_space<hbm>>
      tpu.enqueue_dma source(%dma_start3A_158 : memref<16384xf32, #tpu.memory_space<hbm>>) target(%arg7 : memref<16384xf32, #tpu.memory_space<vmem>>) target_semaphore(%arg11 : memref<!tpu.dma_semaphore, #tpu.memory_space<semaphore_mem>>)
    }
    %scan3A_58 = arith.constant 14 : i32
    %add3A_59 = arith.constant 491520 : i32
    %add3A_60 = arith.addi %mul3A_18, %add3A_59 : i32
    %dma_wait3A_61 = tpu.memref_slice %arg2[%add3A_60] : memref<16777216xf32, #tpu.memory_space<hbm>> -> memref<16384xf32, #tpu.memory_space<hbm>>
    %dma_wait3A_62 = tpu.memref_slice %arg2[%add3A_60] : memref<16777216xf32, #tpu.memory_space<hbm>> -> memref<16384xf32, #tpu.memory_space<hbm>>
    tpu.wait_dma2 semaphore(%arg10 : memref<!tpu.dma_semaphore, #tpu.memory_space<semaphore_mem>>) src(%dma_wait3A_62 : memref<16384xf32, #tpu.memory_space<hbm>>) dst(%arg6 : memref<16384xf32, #tpu.memory_space<vmem>>)
    %add3A_63 = arith.constant 458752 : i32
    %add3A_64 = arith.addi %mul3A_18, %add3A_63 : i32
    %dma_wait3A_65 = tpu.memref_slice %arg4[%add3A_64] : memref<16777216xi32, #tpu.memory_space<hbm>> -> memref<16384xi32, #tpu.memory_space<hbm>>
    %dma_wait3A_66 = tpu.memref_slice %arg4[%add3A_64] : memref<16777216xi32, #tpu.memory_space<hbm>> -> memref<16384xi32, #tpu.memory_space<hbm>>
    tpu.wait_dma2 semaphore(%arg12 : memref<!tpu.dma_semaphore, #tpu.memory_space<semaphore_mem>>) src(%arg8 : memref<16384xi32, #tpu.memory_space<vmem>>) dst(%dma_wait3A_66 : memref<16384xi32, #tpu.memory_space<hbm>>)
    %parallel_loop3A_67 = arith.constant 0 : i32
    %parallel_loop3A_68 = arith.constant 128 : i32
    %parallel_loop3A_69 = arith.constant 1 : i32
    scf.for %parallel_loop3A_97 = %parallel_loop3A_67 to %parallel_loop3A_68 step %parallel_loop3A_69  : i32 {
      %parallel_loop3A_98 = arith.constant 8 : i32
      %parallel_loop3A_99 = arith.muli %parallel_loop3A_97, %parallel_loop3A_98 : i32
      %parallel_loop3A_100 = arith.constant 0 : i32
      %parallel_loop3A_101 = arith.addi %parallel_loop3A_99, %parallel_loop3A_100 : i32
      %parallel_loop3A_102 = arith.constant 16 : i32
      %parallel_loop3A_103 = arith.muli %parallel_loop3A_101, %parallel_loop3A_102 : i32
      %parallel_loop3A_104 = arith.constant 8 : i32
      %parallel_loop3A_105 = arith.muli %parallel_loop3A_97, %parallel_loop3A_104 : i32
      %parallel_loop3A_106 = arith.constant 1 : i32
      %parallel_loop3A_107 = arith.addi %parallel_loop3A_105, %parallel_loop3A_106 : i32
      %parallel_loop3A_108 = arith.constant 16 : i32
      %parallel_loop3A_109 = arith.muli %parallel_loop3A_107, %parallel_loop3A_108 : i32
      %parallel_loop3A_110 = arith.constant 8 : i32
      %parallel_loop3A_111 = arith.muli %parallel_loop3A_97, %parallel_loop3A_110 : i32
      %parallel_loop3A_112 = arith.constant 2 : i32
      %parallel_loop3A_113 = arith.addi %parallel_loop3A_111, %parallel_loop3A_112 : i32
      %parallel_loop3A_114 = arith.constant 16 : i32
      %parallel_loop3A_115 = arith.muli %parallel_loop3A_113, %parallel_loop3A_114 : i32
      %parallel_loop3A_116 = arith.constant 8 : i32
      %parallel_loop3A_117 = arith.muli %parallel_loop3A_97, %parallel_loop3A_116 : i32
      %parallel_loop3A_118 = arith.constant 3 : i32
      %parallel_loop3A_119 = arith.addi %parallel_loop3A_117, %parallel_loop3A_118 : i32
      %parallel_loop3A_120 = arith.constant 16 : i32
      %parallel_loop3A_121 = arith.muli %parallel_loop3A_119, %parallel_loop3A_120 : i32
      %parallel_loop3A_122 = arith.constant 8 : i32
      %parallel_loop3A_123 = arith.muli %parallel_loop3A_97, %parallel_loop3A_122 : i32
      %parallel_loop3A_124 = arith.constant 4 : i32
      %parallel_loop3A_125 = arith.addi %parallel_loop3A_123, %parallel_loop3A_124 : i32
      %parallel_loop3A_126 = arith.constant 16 : i32
      %parallel_loop3A_127 = arith.muli %parallel_loop3A_125, %parallel_loop3A_126 : i32
      %parallel_loop3A_128 = arith.constant 8 : i32
      %parallel_loop3A_129 = arith.muli %parallel_loop3A_97, %parallel_loop3A_128 : i32
      %parallel_loop3A_130 = arith.constant 5 : i32
      %parallel_loop3A_131 = arith.addi %parallel_loop3A_129, %parallel_loop3A_130 : i32
      %parallel_loop3A_132 = arith.constant 16 : i32
      %parallel_loop3A_133 = arith.muli %parallel_loop3A_131, %parallel_loop3A_132 : i32
      %parallel_loop3A_134 = arith.constant 8 : i32
      %parallel_loop3A_135 = arith.muli %parallel_loop3A_97, %parallel_loop3A_134 : i32
      %parallel_loop3A_136 = arith.constant 6 : i32
      %parallel_loop3A_137 = arith.addi %parallel_loop3A_135, %parallel_loop3A_136 : i32
      %parallel_loop3A_138 = arith.constant 16 : i32
      %parallel_loop3A_139 = arith.muli %parallel_loop3A_137, %parallel_loop3A_138 : i32
      %parallel_loop3A_140 = arith.constant 8 : i32
      %parallel_loop3A_141 = arith.muli %parallel_loop3A_97, %parallel_loop3A_140 : i32
      %parallel_loop3A_142 = arith.constant 7 : i32
      %parallel_loop3A_143 = arith.addi %parallel_loop3A_141, %parallel_loop3A_142 : i32
      %parallel_loop3A_144 = arith.constant 16 : i32
      %parallel_loop3A_145 = arith.muli %parallel_loop3A_143, %parallel_loop3A_144 : i32
      %parallel_loop3A_146 = arith.index_cast %parallel_loop3A_103 : i32 to index
      %parallel_loop3A_147 = tpu.vector_load %arg6[%parallel_loop3A_146] {strides = array<i32>} : memref<16384xf32, #tpu.memory_space<vmem>>, vector<16xf32>,
      %parallel_loop3A_148 = vector.shape_cast %parallel_loop3A_147 : vector<16xf32> to vector<16xf32>
      %parallel_loop3A_149 = arith.index_cast %parallel_loop3A_109 : i32 to index
      %parallel_loop3A_150 = tpu.vector_load %arg6[%parallel_loop3A_149] {strides = array<i32>} : memref<16384xf32, #tpu.memory_space<vmem>>, vector<16xf32>,
      %parallel_loop3A_151 = vector.shape_cast %parallel_loop3A_150 : vector<16xf32> to vector<16xf32>
      %parallel_loop3A_152 = arith.index_cast %parallel_loop3A_115 : i32 to index
      %parallel_loop3A_153 = tpu.vector_load %arg6[%parallel_loop3A_152] {strides = array<i32>} : memref<16384xf32, #tpu.memory_space<vmem>>, vector<16xf32>,
      %parallel_loop3A_154 = vector.shape_cast %parallel_loop3A_153 : vector<16xf32> to vector<16xf32>
      %parallel_loop3A_155 = arith.index_cast %parallel_loop3A_121 : i32 to index
      %parallel_loop3A_156 = tpu.vector_load %arg6[%parallel_loop3A_155] {strides = array<i32>} : memref<16384xf32, #tpu.memory_space<vmem>>, vector<16xf32>,
      %parallel_loop3A_157 = vector.shape_cast %parallel_loop3A_156 : vector<16xf32> to vector<16xf32>
      %parallel_loop3A_158 = arith.index_cast %parallel_loop3A_127 : i32 to index
      %parallel_loop3A_159 = tpu.vector_load %arg6[%parallel_loop3A_158] {strides = array<i32>} : memref<16384xf32, #tpu.memory_space<vmem>>, vector<16xf32>,
      %parallel_loop3A_160 = vector.shape_cast %parallel_loop3A_159 : vector<16xf32> to vector<16xf32>
      %parallel_loop3A_161 = arith.index_cast %parallel_loop3A_133 : i32 to index
      %parallel_loop3A_162 = tpu.vector_load %arg6[%parallel_loop3A_161] {strides = array<i32>} : memref<16384xf32, #tpu.memory_space<vmem>>, vector<16xf32>,
      %parallel_loop3A_163 = vector.shape_cast %parallel_loop3A_162 : vector<16xf32> to vector<16xf32>
      %parallel_loop3A_164 = arith.index_cast %parallel_loop3A_139 : i32 to index
      %parallel_loop3A_165 = tpu.vector_load %arg6[%parallel_loop3A_164] {strides = array<i32>} : memref<16384xf32, #tpu.memory_space<vmem>>, vector<16xf32>,
      %parallel_loop3A_166 = vector.shape_cast %parallel_loop3A_165 : vector<16xf32> to vector<16xf32>
      %parallel_loop3A_167 = arith.index_cast %parallel_loop3A_145 : i32 to index
      %parallel_loop3A_168 = tpu.vector_load %arg6[%parallel_loop3A_167] {strides = array<i32>} : memref<16384xf32, #tpu.memory_space<vmem>>, vector<16xf32>,
      %parallel_loop3A_169 = vector.shape_cast %parallel_loop3A_168 : vector<16xf32> to vector<16xf32>
      %parallel_loop3A_170 = arith.cmpf oge, %parallel_loop3A_148, %gather3A_5 : vector<16xf32>
      %parallel_loop3A_171 = arith.constant 8 : i32
      %parallel_loop3A_172 = arith.constant 0 : i32
      %parallel_loop3A_173 = vector.broadcast %parallel_loop3A_171 : i32 to vector<16xi32>
      %parallel_loop3A_174 = vector.broadcast %parallel_loop3A_172 : i32 to vector<16xi32>
      %parallel_loop3A_175 = arith.select %parallel_loop3A_170, %parallel_loop3A_173, %parallel_loop3A_174 : vector<16xi1>, vector<16xi32>
      %parallel_loop3A_176 = arith.cmpf oge, %parallel_loop3A_151, %gather3A_5 : vector<16xf32>
      %parallel_loop3A_177 = arith.constant 8 : i32
      %parallel_loop3A_178 = arith.constant 0 : i32
      %parallel_loop3A_179 = vector.broadcast %parallel_loop3A_177 : i32 to vector<16xi32>
      %parallel_loop3A_180 = vector.broadcast %parallel_loop3A_178 : i32 to vector<16xi32>
      %parallel_loop3A_181 = arith.select %parallel_loop3A_176, %parallel_loop3A_179, %parallel_loop3A_180 : vector<16xi1>, vector<16xi32>
      %parallel_loop3A_182 = arith.cmpf oge, %parallel_loop3A_154, %gather3A_5 : vector<16xf32>
      %parallel_loop3A_183 = arith.constant 8 : i32
      %parallel_loop3A_184 = arith.constant 0 : i32
      %parallel_loop3A_185 = vector.broadcast %parallel_loop3A_183 : i32 to vector<16xi32>
      %parallel_loop3A_186 = vector.broadcast %parallel_loop3A_184 : i32 to vector<16xi32>
      %parallel_loop3A_187 = arith.select %parallel_loop3A_182, %parallel_loop3A_185, %parallel_loop3A_186 : vector<16xi1>, vector<16xi32>
      %parallel_loop3A_188 = arith.cmpf oge, %parallel_loop3A_157, %gather3A_5 : vector<16xf32>
      %parallel_loop3A_189 = arith.constant 8 : i32
      %parallel_loop3A_190 = arith.constant 0 : i32
      %parallel_loop3A_191 = vector.broadcast %parallel_loop3A_189 : i32 to vector<16xi32>
      %parallel_loop3A_192 = vector.broadcast %parallel_loop3A_190 : i32 to vector<16xi32>
      %parallel_loop3A_193 = arith.select %parallel_loop3A_188, %parallel_loop3A_191, %parallel_loop3A_192 : vector<16xi1>, vector<16xi32>
      %parallel_loop3A_194 = arith.cmpf oge, %parallel_loop3A_160, %gather3A_5 : vector<16xf32>
      %parallel_loop3A_195 = arith.constant 8 : i32
      %parallel_loop3A_196 = arith.constant 0 : i32
      %parallel_loop3A_197 = vector.broadcast %parallel_loop3A_195 : i32 to vector<16xi32>
      %parallel_loop3A_198 = vector.broadcast %parallel_loop3A_196 : i32 to vector<16xi32>
      %parallel_loop3A_199 = arith.select %parallel_loop3A_194, %parallel_loop3A_197, %parallel_loop3A_198 : vector<16xi1>, vector<16xi32>
      %parallel_loop3A_200 = arith.cmpf oge, %parallel_loop3A_163, %gather3A_5 : vector<16xf32>
      %parallel_loop3A_201 = arith.constant 8 : i32
      %parallel_loop3A_202 = arith.constant 0 : i32
      %parallel_loop3A_203 = vector.broadcast %parallel_loop3A_201 : i32 to vector<16xi32>
      %parallel_loop3A_204 = vector.broadcast %parallel_loop3A_202 : i32 to vector<16xi32>
      %parallel_loop3A_205 = arith.select %parallel_loop3A_200, %parallel_loop3A_203, %parallel_loop3A_204 : vector<16xi1>, vector<16xi32>
      %parallel_loop3A_206 = arith.cmpf oge, %parallel_loop3A_166, %gather3A_5 : vector<16xf32>
      %parallel_loop3A_207 = arith.constant 8 : i32
      %parallel_loop3A_208 = arith.constant 0 : i32
      %parallel_loop3A_209 = vector.broadcast %parallel_loop3A_207 : i32 to vector<16xi32>
      %parallel_loop3A_210 = vector.broadcast %parallel_loop3A_208 : i32 to vector<16xi32>
      %parallel_loop3A_211 = arith.select %parallel_loop3A_206, %parallel_loop3A_209, %parallel_loop3A_210 : vector<16xi1>, vector<16xi32>
      %parallel_loop3A_212 = arith.cmpf oge, %parallel_loop3A_169, %gather3A_5 : vector<16xf32>
      %parallel_loop3A_213 = arith.constant 8 : i32
      %parallel_loop3A_214 = arith.constant 0 : i32
      %parallel_loop3A_215 = vector.broadcast %parallel_loop3A_213 : i32 to vector<16xi32>
      %parallel_loop3A_216 = vector.broadcast %parallel_loop3A_214 : i32 to vector<16xi32>
      %parallel_loop3A_217 = arith.select %parallel_loop3A_212, %parallel_loop3A_215, %parallel_loop3A_216 : vector<16xi1>, vector<16xi32>
      %parallel_loop3A_218 = vector.shape_cast %parallel_loop3A_175 : vector<16xi32> to vector<16x1xi32>
      %parallel_loop3A_219 = vector.shape_cast %parallel_loop3A_218 : vector<16x1xi32> to vector<16xi32>
      %parallel_loop3A_220 = tpu.dynamic_gather %gather3A_10[%parallel_loop3A_219] in [0] : vector<16xf32>, vector<16xi32> -> vector<16xf32>
      %parallel_loop3A_221 = vector.shape_cast %parallel_loop3A_181 : vector<16xi32> to vector<16x1xi32>
      %parallel_loop3A_222 = vector.shape_cast %parallel_loop3A_221 : vector<16x1xi32> to vector<16xi32>
      %parallel_loop3A_223 = tpu.dynamic_gather %gather3A_10[%parallel_loop3A_222] in [0] : vector<16xf32>, vector<16xi32> -> vector<16xf32>
      %parallel_loop3A_224 = vector.shape_cast %parallel_loop3A_187 : vector<16xi32> to vector<16x1xi32>
      %parallel_loop3A_225 = vector.shape_cast %parallel_loop3A_224 : vector<16x1xi32> to vector<16xi32>
      %parallel_loop3A_226 = tpu.dynamic_gather %gather3A_10[%parallel_loop3A_225] in [0] : vector<16xf32>, vector<16xi32> -> vector<16xf32>
      %parallel_loop3A_227 = vector.shape_cast %parallel_loop3A_193 : vector<16xi32> to vector<16x1xi32>
      %parallel_loop3A_228 = vector.shape_cast %parallel_loop3A_227 : vector<16x1xi32> to vector<16xi32>
      %parallel_loop3A_229 = tpu.dynamic_gather %gather3A_10[%parallel_loop3A_228] in [0] : vector<16xf32>, vector<16xi32> -> vector<16xf32>
      %parallel_loop3A_230 = vector.shape_cast %parallel_loop3A_199 : vector<16xi32> to vector<16x1xi32>
      %parallel_loop3A_231 = vector.shape_cast %parallel_loop3A_230 : vector<16x1xi32> to vector<16xi32>
      %parallel_loop3A_232 = tpu.dynamic_gather %gather3A_10[%parallel_loop3A_231] in [0] : vector<16xf32>, vector<16xi32> -> vector<16xf32>
      %parallel_loop3A_233 = vector.shape_cast %parallel_loop3A_205 : vector<16xi32> to vector<16x1xi32>
      %parallel_loop3A_234 = vector.shape_cast %parallel_loop3A_233 : vector<16x1xi32> to vector<16xi32>
      %parallel_loop3A_235 = tpu.dynamic_gather %gather3A_10[%parallel_loop3A_234] in [0] : vector<16xf32>, vector<16xi32> -> vector<16xf32>
      %parallel_loop3A_236 = vector.shape_cast %parallel_loop3A_211 : vector<16xi32> to vector<16x1xi32>
      %parallel_loop3A_237 = vector.shape_cast %parallel_loop3A_236 : vector<16x1xi32> to vector<16xi32>
      %parallel_loop3A_238 = tpu.dynamic_gather %gather3A_10[%parallel_loop3A_237] in [0] : vector<16xf32>, vector<16xi32> -> vector<16xf32>
      %parallel_loop3A_239 = vector.shape_cast %parallel_loop3A_217 : vector<16xi32> to vector<16x1xi32>
      %parallel_loop3A_240 = vector.shape_cast %parallel_loop3A_239 : vector<16x1xi32> to vector<16xi32>
      %parallel_loop3A_241 = tpu.dynamic_gather %gather3A_10[%parallel_loop3A_240] in [0] : vector<16xf32>, vector<16xi32> -> vector<16xf32>
      %parallel_loop3A_242 = arith.cmpf oge, %parallel_loop3A_148, %parallel_loop3A_220 : vector<16xf32>
      %parallel_loop3A_243 = arith.constant 4 : i32
      %parallel_loop3A_244 = arith.constant 0 : i32
      %parallel_loop3A_245 = vector.broadcast %parallel_loop3A_243 : i32 to vector<16xi32>
      %parallel_loop3A_246 = vector.broadcast %parallel_loop3A_244 : i32 to vector<16xi32>
      %parallel_loop3A_247 = arith.select %parallel_loop3A_242, %parallel_loop3A_245, %parallel_loop3A_246 : vector<16xi1>, vector<16xi32>
      %parallel_loop3A_248 = arith.ori %parallel_loop3A_175, %parallel_loop3A_247 : vector<16xi32>
      %parallel_loop3A_249 = arith.cmpf oge, %parallel_loop3A_151, %parallel_loop3A_223 : vector<16xf32>
      %parallel_loop3A_250 = arith.constant 4 : i32
      %parallel_loop3A_251 = arith.constant 0 : i32
      %parallel_loop3A_252 = vector.broadcast %parallel_loop3A_250 : i32 to vector<16xi32>
      %parallel_loop3A_253 = vector.broadcast %parallel_loop3A_251 : i32 to vector<16xi32>
      %parallel_loop3A_254 = arith.select %parallel_loop3A_249, %parallel_loop3A_252, %parallel_loop3A_253 : vector<16xi1>, vector<16xi32>
      %parallel_loop3A_255 = arith.ori %parallel_loop3A_181, %parallel_loop3A_254 : vector<16xi32>
      %parallel_loop3A_256 = arith.cmpf oge, %parallel_loop3A_154, %parallel_loop3A_226 : vector<16xf32>
      %parallel_loop3A_257 = arith.constant 4 : i32
      %parallel_loop3A_258 = arith.constant 0 : i32
      %parallel_loop3A_259 = vector.broadcast %parallel_loop3A_257 : i32 to vector<16xi32>
      %parallel_loop3A_260 = vector.broadcast %parallel_loop3A_258 : i32 to vector<16xi32>
      %parallel_loop3A_261 = arith.select %parallel_loop3A_256, %parallel_loop3A_259, %parallel_loop3A_260 : vector<16xi1>, vector<16xi32>
      %parallel_loop3A_262 = arith.ori %parallel_loop3A_187, %parallel_loop3A_261 : vector<16xi32>
      %parallel_loop3A_263 = arith.cmpf oge, %parallel_loop3A_157, %parallel_loop3A_229 : vector<16xf32>
      %parallel_loop3A_264 = arith.constant 4 : i32
      %parallel_loop3A_265 = arith.constant 0 : i32
      %parallel_loop3A_266 = vector.broadcast %parallel_loop3A_264 : i32 to vector<16xi32>
      %parallel_loop3A_267 = vector.broadcast %parallel_loop3A_265 : i32 to vector<16xi32>
      %parallel_loop3A_268 = arith.select %parallel_loop3A_263, %parallel_loop3A_266, %parallel_loop3A_267 : vector<16xi1>, vector<16xi32>
      %parallel_loop3A_269 = arith.ori %parallel_loop3A_193, %parallel_loop3A_268 : vector<16xi32>
      %parallel_loop3A_270 = arith.cmpf oge, %parallel_loop3A_160, %parallel_loop3A_232 : vector<16xf32>
      %parallel_loop3A_271 = arith.constant 4 : i32
      %parallel_loop3A_272 = arith.constant 0 : i32
      %parallel_loop3A_273 = vector.broadcast %parallel_loop3A_271 : i32 to vector<16xi32>
      %parallel_loop3A_274 = vector.broadcast %parallel_loop3A_272 : i32 to vector<16xi32>
      %parallel_loop3A_275 = arith.select %parallel_loop3A_270, %parallel_loop3A_273, %parallel_loop3A_274 : vector<16xi1>, vector<16xi32>
      %parallel_loop3A_276 = arith.ori %parallel_loop3A_199, %parallel_loop3A_275 : vector<16xi32>
      %parallel_loop3A_277 = arith.cmpf oge, %parallel_loop3A_163, %parallel_loop3A_235 : vector<16xf32>
      %parallel_loop3A_278 = arith.constant 4 : i32
      %parallel_loop3A_279 = arith.constant 0 : i32
      %parallel_loop3A_280 = vector.broadcast %parallel_loop3A_278 : i32 to vector<16xi32>
      %parallel_loop3A_281 = vector.broadcast %parallel_loop3A_279 : i32 to vector<16xi32>
      %parallel_loop3A_282 = arith.select %parallel_loop3A_277, %parallel_loop3A_280, %parallel_loop3A_281 : vector<16xi1>, vector<16xi32>
      %parallel_loop3A_283 = arith.ori %parallel_loop3A_205, %parallel_loop3A_282 : vector<16xi32>
      %parallel_loop3A_284 = arith.cmpf oge, %parallel_loop3A_166, %parallel_loop3A_238 : vector<16xf32>
      %parallel_loop3A_285 = arith.constant 4 : i32
      %parallel_loop3A_286 = arith.constant 0 : i32
      %parallel_loop3A_287 = vector.broadcast %parallel_loop3A_285 : i32 to vector<16xi32>
      %parallel_loop3A_288 = vector.broadcast %parallel_loop3A_286 : i32 to vector<16xi32>
      %parallel_loop3A_289 = arith.select %parallel_loop3A_284, %parallel_loop3A_287, %parallel_loop3A_288 : vector<16xi1>, vector<16xi32>
      %parallel_loop3A_290 = arith.ori %parallel_loop3A_211, %parallel_loop3A_289 : vector<16xi32>
      %parallel_loop3A_291 = arith.cmpf oge, %parallel_loop3A_169, %parallel_loop3A_241 : vector<16xf32>
      %parallel_loop3A_292 = arith.constant 4 : i32
      %parallel_loop3A_293 = arith.constant 0 : i32
      %parallel_loop3A_294 = vector.broadcast %parallel_loop3A_292 : i32 to vector<16xi32>
      %parallel_loop3A_295 = vector.broadcast %parallel_loop3A_293 : i32 to vector<16xi32>
      %parallel_loop3A_296 = arith.select %parallel_loop3A_291, %parallel_loop3A_294, %parallel_loop3A_295 : vector<16xi1>, vector<16xi32>
      %parallel_loop3A_297 = arith.ori %parallel_loop3A_217, %parallel_loop3A_296 : vector<16xi32>
      %parallel_loop3A_298 = vector.shape_cast %parallel_loop3A_248 : vector<16xi32> to vector<16x1xi32>
      %parallel_loop3A_299 = vector.shape_cast %parallel_loop3A_298 : vector<16x1xi32> to vector<16xi32>
      %parallel_loop3A_300 = tpu.dynamic_gather %gather3A_16[%parallel_loop3A_299] in [0] : vector<16xf32>, vector<16xi32> -> vector<16xf32>
      %parallel_loop3A_301 = vector.shape_cast %parallel_loop3A_255 : vector<16xi32> to vector<16x1xi32>
      %parallel_loop3A_302 = vector.shape_cast %parallel_loop3A_301 : vector<16x1xi32> to vector<16xi32>
      %parallel_loop3A_303 = tpu.dynamic_gather %gather3A_16[%parallel_loop3A_302] in [0] : vector<16xf32>, vector<16xi32> -> vector<16xf32>
      %parallel_loop3A_304 = vector.shape_cast %parallel_loop3A_262 : vector<16xi32> to vector<16x1xi32>
      %parallel_loop3A_305 = vector.shape_cast %parallel_loop3A_304 : vector<16x1xi32> to vector<16xi32>
      %parallel_loop3A_306 = tpu.dynamic_gather %gather3A_16[%parallel_loop3A_305] in [0] : vector<16xf32>, vector<16xi32> -> vector<16xf32>
      %parallel_loop3A_307 = vector.shape_cast %parallel_loop3A_269 : vector<16xi32> to vector<16x1xi32>
      %parallel_loop3A_308 = vector.shape_cast %parallel_loop3A_307 : vector<16x1xi32> to vector<16xi32>
      %parallel_loop3A_309 = tpu.dynamic_gather %gather3A_16[%parallel_loop3A_308] in [0] : vector<16xf32>, vector<16xi32> -> vector<16xf32>
      %parallel_loop3A_310 = vector.shape_cast %parallel_loop3A_276 : vector<16xi32> to vector<16x1xi32>
      %parallel_loop3A_311 = vector.shape_cast %parallel_loop3A_310 : vector<16x1xi32> to vector<16xi32>
      %parallel_loop3A_312 = tpu.dynamic_gather %gather3A_16[%parallel_loop3A_311] in [0] : vector<16xf32>, vector<16xi32> -> vector<16xf32>
      %parallel_loop3A_313 = vector.shape_cast %parallel_loop3A_283 : vector<16xi32> to vector<16x1xi32>
      %parallel_loop3A_314 = vector.shape_cast %parallel_loop3A_313 : vector<16x1xi32> to vector<16xi32>
      %parallel_loop3A_315 = tpu.dynamic_gather %gather3A_16[%parallel_loop3A_314] in [0] : vector<16xf32>, vector<16xi32> -> vector<16xf32>
      %parallel_loop3A_316 = vector.shape_cast %parallel_loop3A_290 : vector<16xi32> to vector<16x1xi32>
      %parallel_loop3A_317 = vector.shape_cast %parallel_loop3A_316 : vector<16x1xi32> to vector<16xi32>
      %parallel_loop3A_318 = tpu.dynamic_gather %gather3A_16[%parallel_loop3A_317] in [0] : vector<16xf32>, vector<16xi32> -> vector<16xf32>
      %parallel_loop3A_319 = vector.shape_cast %parallel_loop3A_297 : vector<16xi32> to vector<16x1xi32>
      %parallel_loop3A_320 = vector.shape_cast %parallel_loop3A_319 : vector<16x1xi32> to vector<16xi32>
      %parallel_loop3A_321 = tpu.dynamic_gather %gather3A_16[%parallel_loop3A_320] in [0] : vector<16xf32>, vector<16xi32> -> vector<16xf32>
      %parallel_loop3A_322 = arith.cmpf oge, %parallel_loop3A_148, %parallel_loop3A_300 : vector<16xf32>
      %parallel_loop3A_323 = arith.constant 2 : i32
      %parallel_loop3A_324 = arith.constant 0 : i32
      %parallel_loop3A_325 = vector.broadcast %parallel_loop3A_323 : i32 to vector<16xi32>
      %parallel_loop3A_326 = vector.broadcast %parallel_loop3A_324 : i32 to vector<16xi32>
      %parallel_loop3A_327 = arith.select %parallel_loop3A_322, %parallel_loop3A_325, %parallel_loop3A_326 : vector<16xi1>, vector<16xi32>
      %parallel_loop3A_328 = arith.ori %parallel_loop3A_248, %parallel_loop3A_327 : vector<16xi32>
      %parallel_loop3A_329 = arith.cmpf oge, %parallel_loop3A_151, %parallel_loop3A_303 : vector<16xf32>
      %parallel_loop3A_330 = arith.constant 2 : i32
      %parallel_loop3A_331 = arith.constant 0 : i32
      %parallel_loop3A_332 = vector.broadcast %parallel_loop3A_330 : i32 to vector<16xi32>
      %parallel_loop3A_333 = vector.broadcast %parallel_loop3A_331 : i32 to vector<16xi32>
      %parallel_loop3A_334 = arith.select %parallel_loop3A_329, %parallel_loop3A_332, %parallel_loop3A_333 : vector<16xi1>, vector<16xi32>
      %parallel_loop3A_335 = arith.ori %parallel_loop3A_255, %parallel_loop3A_334 : vector<16xi32>
      %parallel_loop3A_336 = arith.cmpf oge, %parallel_loop3A_154, %parallel_loop3A_306 : vector<16xf32>
      %parallel_loop3A_337 = arith.constant 2 : i32
      %parallel_loop3A_338 = arith.constant 0 : i32
      %parallel_loop3A_339 = vector.broadcast %parallel_loop3A_337 : i32 to vector<16xi32>
      %parallel_loop3A_340 = vector.broadcast %parallel_loop3A_338 : i32 to vector<16xi32>
      %parallel_loop3A_341 = arith.select %parallel_loop3A_336, %parallel_loop3A_339, %parallel_loop3A_340 : vector<16xi1>, vector<16xi32>
      %parallel_loop3A_342 = arith.ori %parallel_loop3A_262, %parallel_loop3A_341 : vector<16xi32>
      %parallel_loop3A_343 = arith.cmpf oge, %parallel_loop3A_157, %parallel_loop3A_309 : vector<16xf32>
      %parallel_loop3A_344 = arith.constant 2 : i32
      %parallel_loop3A_345 = arith.constant 0 : i32
      %parallel_loop3A_346 = vector.broadcast %parallel_loop3A_344 : i32 to vector<16xi32>
      %parallel_loop3A_347 = vector.broadcast %parallel_loop3A_345 : i32 to vector<16xi32>
      %parallel_loop3A_348 = arith.select %parallel_loop3A_343, %parallel_loop3A_346, %parallel_loop3A_347 : vector<16xi1>, vector<16xi32>
      %parallel_loop3A_349 = arith.ori %parallel_loop3A_269, %parallel_loop3A_348 : vector<16xi32>
      %parallel_loop3A_350 = arith.cmpf oge, %parallel_loop3A_160, %parallel_loop3A_312 : vector<16xf32>
      %parallel_loop3A_351 = arith.constant 2 : i32
      %parallel_loop3A_352 = arith.constant 0 : i32
      %parallel_loop3A_353 = vector.broadcast %parallel_loop3A_351 : i32 to vector<16xi32>
      %parallel_loop3A_354 = vector.broadcast %parallel_loop3A_352 : i32 to vector<16xi32>
      %parallel_loop3A_355 = arith.select %parallel_loop3A_350, %parallel_loop3A_353, %parallel_loop3A_354 : vector<16xi1>, vector<16xi32>
      %parallel_loop3A_356 = arith.ori %parallel_loop3A_276, %parallel_loop3A_355 : vector<16xi32>
      %parallel_loop3A_357 = arith.cmpf oge, %parallel_loop3A_163, %parallel_loop3A_315 : vector<16xf32>
      %parallel_loop3A_358 = arith.constant 2 : i32
      %parallel_loop3A_359 = arith.constant 0 : i32
      %parallel_loop3A_360 = vector.broadcast %parallel_loop3A_358 : i32 to vector<16xi32>
      %parallel_loop3A_361 = vector.broadcast %parallel_loop3A_359 : i32 to vector<16xi32>
      %parallel_loop3A_362 = arith.select %parallel_loop3A_357, %parallel_loop3A_360, %parallel_loop3A_361 : vector<16xi1>, vector<16xi32>
      %parallel_loop3A_363 = arith.ori %parallel_loop3A_283, %parallel_loop3A_362 : vector<16xi32>
      %parallel_loop3A_364 = arith.cmpf oge, %parallel_loop3A_166, %parallel_loop3A_318 : vector<16xf32>
      %parallel_loop3A_365 = arith.constant 2 : i32
      %parallel_loop3A_366 = arith.constant 0 : i32
      %parallel_loop3A_367 = vector.broadcast %parallel_loop3A_365 : i32 to vector<16xi32>
      %parallel_loop3A_368 = vector.broadcast %parallel_loop3A_366 : i32 to vector<16xi32>
      %parallel_loop3A_369 = arith.select %parallel_loop3A_364, %parallel_loop3A_367, %parallel_loop3A_368 : vector<16xi1>, vector<16xi32>
      %parallel_loop3A_370 = arith.ori %parallel_loop3A_290, %parallel_loop3A_369 : vector<16xi32>
      %parallel_loop3A_371 = arith.cmpf oge, %parallel_loop3A_169, %parallel_loop3A_321 : vector<16xf32>
      %parallel_loop3A_372 = arith.constant 2 : i32
      %parallel_loop3A_373 = arith.constant 0 : i32
      %parallel_loop3A_374 = vector.broadcast %parallel_loop3A_372 : i32 to vector<16xi32>
      %parallel_loop3A_375 = vector.broadcast %parallel_loop3A_373 : i32 to vector<16xi32>
      %parallel_loop3A_376 = arith.select %parallel_loop3A_371, %parallel_loop3A_374, %parallel_loop3A_375 : vector<16xi1>, vector<16xi32>
      %parallel_loop3A_377 = arith.ori %parallel_loop3A_297, %parallel_loop3A_376 : vector<16xi32>
      %parallel_loop3A_378 = vector.shape_cast %parallel_loop3A_328 : vector<16xi32> to vector<16x1xi32>
      %parallel_loop3A_379 = vector.shape_cast %parallel_loop3A_378 : vector<16x1xi32> to vector<16xi32>
      %parallel_loop3A_380 = tpu.dynamic_gather %get3A_2[%parallel_loop3A_379] in [0] : vector<16xf32>, vector<16xi32> -> vector<16xf32>
      %parallel_loop3A_381 = vector.shape_cast %parallel_loop3A_335 : vector<16xi32> to vector<16x1xi32>
      %parallel_loop3A_382 = vector.shape_cast %parallel_loop3A_381 : vector<16x1xi32> to vector<16xi32>
      %parallel_loop3A_383 = tpu.dynamic_gather %get3A_2[%parallel_loop3A_382] in [0] : vector<16xf32>, vector<16xi32> -> vector<16xf32>
      %parallel_loop3A_384 = vector.shape_cast %parallel_loop3A_342 : vector<16xi32> to vector<16x1xi32>
      %parallel_loop3A_385 = vector.shape_cast %parallel_loop3A_384 : vector<16x1xi32> to vector<16xi32>
      %parallel_loop3A_386 = tpu.dynamic_gather %get3A_2[%parallel_loop3A_385] in [0] : vector<16xf32>, vector<16xi32> -> vector<16xf32>
      %parallel_loop3A_387 = vector.shape_cast %parallel_loop3A_349 : vector<16xi32> to vector<16x1xi32>
      %parallel_loop3A_388 = vector.shape_cast %parallel_loop3A_387 : vector<16x1xi32> to vector<16xi32>
      %parallel_loop3A_389 = tpu.dynamic_gather %get3A_2[%parallel_loop3A_388] in [0] : vector<16xf32>, vector<16xi32> -> vector<16xf32>
      %parallel_loop3A_390 = vector.shape_cast %parallel_loop3A_356 : vector<16xi32> to vector<16x1xi32>
      %parallel_loop3A_391 = vector.shape_cast %parallel_loop3A_390 : vector<16x1xi32> to vector<16xi32>
      %parallel_loop3A_392 = tpu.dynamic_gather %get3A_2[%parallel_loop3A_391] in [0] : vector<16xf32>, vector<16xi32> -> vector<16xf32>
      %parallel_loop3A_393 = vector.shape_cast %parallel_loop3A_363 : vector<16xi32> to vector<16x1xi32>
      %parallel_loop3A_394 = vector.shape_cast %parallel_loop3A_393 : vector<16x1xi32> to vector<16xi32>
      %parallel_loop3A_395 = tpu.dynamic_gather %get3A_2[%parallel_loop3A_394] in [0] : vector<16xf32>, vector<16xi32> -> vector<16xf32>
      %parallel_loop3A_396 = vector.shape_cast %parallel_loop3A_370 : vector<16xi32> to vector<16x1xi32>
      %parallel_loop3A_397 = vector.shape_cast %parallel_loop3A_396 : vector<16x1xi32> to vector<16xi32>
      %parallel_loop3A_398 = tpu.dynamic_gather %get3A_2[%parallel_loop3A_397] in [0] : vector<16xf32>, vector<16xi32> -> vector<16xf32>
      %parallel_loop3A_399 = vector.shape_cast %parallel_loop3A_377 : vector<16xi32> to vector<16x1xi32>
      %parallel_loop3A_400 = vector.shape_cast %parallel_loop3A_399 : vector<16x1xi32> to vector<16xi32>
      %parallel_loop3A_401 = tpu.dynamic_gather %get3A_2[%parallel_loop3A_400] in [0] : vector<16xf32>, vector<16xi32> -> vector<16xf32>
      %parallel_loop3A_402 = arith.cmpf oge, %parallel_loop3A_148, %parallel_loop3A_380 : vector<16xf32>
      %parallel_loop3A_403 = arith.constant 1 : i32
      %parallel_loop3A_404 = arith.constant 0 : i32
      %parallel_loop3A_405 = vector.broadcast %parallel_loop3A_403 : i32 to vector<16xi32>
      %parallel_loop3A_406 = vector.broadcast %parallel_loop3A_404 : i32 to vector<16xi32>
      %parallel_loop3A_407 = arith.select %parallel_loop3A_402, %parallel_loop3A_405, %parallel_loop3A_406 : vector<16xi1>, vector<16xi32>
      %parallel_loop3A_408 = arith.ori %parallel_loop3A_328, %parallel_loop3A_407 : vector<16xi32>
      %parallel_loop3A_409 = arith.cmpf oge, %parallel_loop3A_151, %parallel_loop3A_383 : vector<16xf32>
      %parallel_loop3A_410 = arith.constant 1 : i32
      %parallel_loop3A_411 = arith.constant 0 : i32
      %parallel_loop3A_412 = vector.broadcast %parallel_loop3A_410 : i32 to vector<16xi32>
      %parallel_loop3A_413 = vector.broadcast %parallel_loop3A_411 : i32 to vector<16xi32>
      %parallel_loop3A_414 = arith.select %parallel_loop3A_409, %parallel_loop3A_412, %parallel_loop3A_413 : vector<16xi1>, vector<16xi32>
      %parallel_loop3A_415 = arith.ori %parallel_loop3A_335, %parallel_loop3A_414 : vector<16xi32>
      %parallel_loop3A_416 = arith.cmpf oge, %parallel_loop3A_154, %parallel_loop3A_386 : vector<16xf32>
      %parallel_loop3A_417 = arith.constant 1 : i32
      %parallel_loop3A_418 = arith.constant 0 : i32
      %parallel_loop3A_419 = vector.broadcast %parallel_loop3A_417 : i32 to vector<16xi32>
      %parallel_loop3A_420 = vector.broadcast %parallel_loop3A_418 : i32 to vector<16xi32>
      %parallel_loop3A_421 = arith.select %parallel_loop3A_416, %parallel_loop3A_419, %parallel_loop3A_420 : vector<16xi1>, vector<16xi32>
      %parallel_loop3A_422 = arith.ori %parallel_loop3A_342, %parallel_loop3A_421 : vector<16xi32>
      %parallel_loop3A_423 = arith.cmpf oge, %parallel_loop3A_157, %parallel_loop3A_389 : vector<16xf32>
      %parallel_loop3A_424 = arith.constant 1 : i32
      %parallel_loop3A_425 = arith.constant 0 : i32
      %parallel_loop3A_426 = vector.broadcast %parallel_loop3A_424 : i32 to vector<16xi32>
      %parallel_loop3A_427 = vector.broadcast %parallel_loop3A_425 : i32 to vector<16xi32>
      %parallel_loop3A_428 = arith.select %parallel_loop3A_423, %parallel_loop3A_426, %parallel_loop3A_427 : vector<16xi1>, vector<16xi32>
      %parallel_loop3A_429 = arith.ori %parallel_loop3A_349, %parallel_loop3A_428 : vector<16xi32>
      %parallel_loop3A_430 = arith.cmpf oge, %parallel_loop3A_160, %parallel_loop3A_392 : vector<16xf32>
      %parallel_loop3A_431 = arith.constant 1 : i32
      %parallel_loop3A_432 = arith.constant 0 : i32
      %parallel_loop3A_433 = vector.broadcast %parallel_loop3A_431 : i32 to vector<16xi32>
      %parallel_loop3A_434 = vector.broadcast %parallel_loop3A_432 : i32 to vector<16xi32>
      %parallel_loop3A_435 = arith.select %parallel_loop3A_430, %parallel_loop3A_433, %parallel_loop3A_434 : vector<16xi1>, vector<16xi32>
      %parallel_loop3A_436 = arith.ori %parallel_loop3A_356, %parallel_loop3A_435 : vector<16xi32>
      %parallel_loop3A_437 = arith.cmpf oge, %parallel_loop3A_163, %parallel_loop3A_395 : vector<16xf32>
      %parallel_loop3A_438 = arith.constant 1 : i32
      %parallel_loop3A_439 = arith.constant 0 : i32
      %parallel_loop3A_440 = vector.broadcast %parallel_loop3A_438 : i32 to vector<16xi32>
      %parallel_loop3A_441 = vector.broadcast %parallel_loop3A_439 : i32 to vector<16xi32>
      %parallel_loop3A_442 = arith.select %parallel_loop3A_437, %parallel_loop3A_440, %parallel_loop3A_441 : vector<16xi1>, vector<16xi32>
      %parallel_loop3A_443 = arith.ori %parallel_loop3A_363, %parallel_loop3A_442 : vector<16xi32>
      %parallel_loop3A_444 = arith.cmpf oge, %parallel_loop3A_166, %parallel_loop3A_398 : vector<16xf32>
      %parallel_loop3A_445 = arith.constant 1 : i32
      %parallel_loop3A_446 = arith.constant 0 : i32
      %parallel_loop3A_447 = vector.broadcast %parallel_loop3A_445 : i32 to vector<16xi32>
      %parallel_loop3A_448 = vector.broadcast %parallel_loop3A_446 : i32 to vector<16xi32>
      %parallel_loop3A_449 = arith.select %parallel_loop3A_444, %parallel_loop3A_447, %parallel_loop3A_448 : vector<16xi1>, vector<16xi32>
      %parallel_loop3A_450 = arith.ori %parallel_loop3A_370, %parallel_loop3A_449 : vector<16xi32>
      %parallel_loop3A_451 = arith.cmpf oge, %parallel_loop3A_169, %parallel_loop3A_401 : vector<16xf32>
      %parallel_loop3A_452 = arith.constant 1 : i32
      %parallel_loop3A_453 = arith.constant 0 : i32
      %parallel_loop3A_454 = vector.broadcast %parallel_loop3A_452 : i32 to vector<16xi32>
      %parallel_loop3A_455 = vector.broadcast %parallel_loop3A_453 : i32 to vector<16xi32>
      %parallel_loop3A_456 = arith.select %parallel_loop3A_451, %parallel_loop3A_454, %parallel_loop3A_455 : vector<16xi1>, vector<16xi32>
      %parallel_loop3A_457 = arith.ori %parallel_loop3A_377, %parallel_loop3A_456 : vector<16xi32>
      %parallel_loop3A_458 = arith.index_cast %parallel_loop3A_103 : i32 to index
      %parallel_loop3A_459 = tpu.vector_load %arg8[%parallel_loop3A_458] {strides = array<i32>} : memref<16384xi32, #tpu.memory_space<vmem>>, vector<16xi32>,
      %parallel_loop3A_460 = vector.shape_cast %parallel_loop3A_459 : vector<16xi32> to vector<16xi32>
      %parallel_loop3A_461 = vector.shape_cast %parallel_loop3A_408 : vector<16xi32> to vector<16xi32>
      tpu.vector_store %arg8[%parallel_loop3A_458], %parallel_loop3A_461 {strides = array<i32>} : memref<16384xi32, #tpu.memory_space<vmem>>, vector<16xi32>,
      %parallel_loop3A_462 = arith.index_cast %parallel_loop3A_109 : i32 to index
      %parallel_loop3A_463 = tpu.vector_load %arg8[%parallel_loop3A_462] {strides = array<i32>} : memref<16384xi32, #tpu.memory_space<vmem>>, vector<16xi32>,
      %parallel_loop3A_464 = vector.shape_cast %parallel_loop3A_463 : vector<16xi32> to vector<16xi32>
      %parallel_loop3A_465 = vector.shape_cast %parallel_loop3A_415 : vector<16xi32> to vector<16xi32>
      tpu.vector_store %arg8[%parallel_loop3A_462], %parallel_loop3A_465 {strides = array<i32>} : memref<16384xi32, #tpu.memory_space<vmem>>, vector<16xi32>,
      %parallel_loop3A_466 = arith.index_cast %parallel_loop3A_115 : i32 to index
      %parallel_loop3A_467 = tpu.vector_load %arg8[%parallel_loop3A_466] {strides = array<i32>} : memref<16384xi32, #tpu.memory_space<vmem>>, vector<16xi32>,
      %parallel_loop3A_468 = vector.shape_cast %parallel_loop3A_467 : vector<16xi32> to vector<16xi32>
      %parallel_loop3A_469 = vector.shape_cast %parallel_loop3A_422 : vector<16xi32> to vector<16xi32>
      tpu.vector_store %arg8[%parallel_loop3A_466], %parallel_loop3A_469 {strides = array<i32>} : memref<16384xi32, #tpu.memory_space<vmem>>, vector<16xi32>,
      %parallel_loop3A_470 = arith.index_cast %parallel_loop3A_121 : i32 to index
      %parallel_loop3A_471 = tpu.vector_load %arg8[%parallel_loop3A_470] {strides = array<i32>} : memref<16384xi32, #tpu.memory_space<vmem>>, vector<16xi32>,
      %parallel_loop3A_472 = vector.shape_cast %parallel_loop3A_471 : vector<16xi32> to vector<16xi32>
      %parallel_loop3A_473 = vector.shape_cast %parallel_loop3A_429 : vector<16xi32> to vector<16xi32>
      tpu.vector_store %arg8[%parallel_loop3A_470], %parallel_loop3A_473 {strides = array<i32>} : memref<16384xi32, #tpu.memory_space<vmem>>, vector<16xi32>,
      %parallel_loop3A_474 = arith.index_cast %parallel_loop3A_127 : i32 to index
      %parallel_loop3A_475 = tpu.vector_load %arg8[%parallel_loop3A_474] {strides = array<i32>} : memref<16384xi32, #tpu.memory_space<vmem>>, vector<16xi32>,
      %parallel_loop3A_476 = vector.shape_cast %parallel_loop3A_475 : vector<16xi32> to vector<16xi32>
      %parallel_loop3A_477 = vector.shape_cast %parallel_loop3A_436 : vector<16xi32> to vector<16xi32>
      tpu.vector_store %arg8[%parallel_loop3A_474], %parallel_loop3A_477 {strides = array<i32>} : memref<16384xi32, #tpu.memory_space<vmem>>, vector<16xi32>,
      %parallel_loop3A_478 = arith.index_cast %parallel_loop3A_133 : i32 to index
      %parallel_loop3A_479 = tpu.vector_load %arg8[%parallel_loop3A_478] {strides = array<i32>} : memref<16384xi32, #tpu.memory_space<vmem>>, vector<16xi32>,
      %parallel_loop3A_480 = vector.shape_cast %parallel_loop3A_479 : vector<16xi32> to vector<16xi32>
      %parallel_loop3A_481 = vector.shape_cast %parallel_loop3A_443 : vector<16xi32> to vector<16xi32>
      tpu.vector_store %arg8[%parallel_loop3A_478], %parallel_loop3A_481 {strides = array<i32>} : memref<16384xi32, #tpu.memory_space<vmem>>, vector<16xi32>,
      %parallel_loop3A_482 = arith.index_cast %parallel_loop3A_139 : i32 to index
      %parallel_loop3A_483 = tpu.vector_load %arg8[%parallel_loop3A_482] {strides = array<i32>} : memref<16384xi32, #tpu.memory_space<vmem>>, vector<16xi32>,
      %parallel_loop3A_484 = vector.shape_cast %parallel_loop3A_483 : vector<16xi32> to vector<16xi32>
      %parallel_loop3A_485 = vector.shape_cast %parallel_loop3A_450 : vector<16xi32> to vector<16xi32>
      tpu.vector_store %arg8[%parallel_loop3A_482], %parallel_loop3A_485 {strides = array<i32>} : memref<16384xi32, #tpu.memory_space<vmem>>, vector<16xi32>,
      %parallel_loop3A_486 = arith.index_cast %parallel_loop3A_145 : i32 to index
      %parallel_loop3A_487 = tpu.vector_load %arg8[%parallel_loop3A_486] {strides = array<i32>} : memref<16384xi32, #tpu.memory_space<vmem>>, vector<16xi32>,
      %parallel_loop3A_488 = vector.shape_cast %parallel_loop3A_487 : vector<16xi32> to vector<16xi32>
      %parallel_loop3A_489 = vector.shape_cast %parallel_loop3A_457 : vector<16xi32> to vector<16xi32>
      tpu.vector_store %arg8[%parallel_loop3A_486], %parallel_loop3A_489 {strides = array<i32>} : memref<16384xi32, #tpu.memory_space<vmem>>, vector<16xi32>,
    } {sc.loop_unroll_factor = 2 : i64, sc.parallel_access}
    %add3A_70 = arith.constant 491520 : i32
    %add3A_71 = arith.addi %mul3A_18, %add3A_70 : i32
    %dma_start3A_72 = tpu.memref_slice %arg4[%add3A_71] : memref<16777216xi32, #tpu.memory_space<hbm>> -> memref<16384xi32, #tpu.memory_space<hbm>>
    %dma_start3A_73 = tpu.memref_slice %arg4[%add3A_71] : memref<16777216xi32, #tpu.memory_space<hbm>> -> memref<16384xi32, #tpu.memory_space<hbm>>
    tpu.enqueue_dma source(%arg8 : memref<16384xi32, #tpu.memory_space<vmem>>) target(%dma_start3A_73 : memref<16384xi32, #tpu.memory_space<hbm>>) target_semaphore(%arg12 : memref<!tpu.dma_semaphore, #tpu.memory_space<semaphore_mem>>)
    %add3A_74 = arith.constant 507904 : i32
    %add3A_75 = arith.addi %mul3A_18, %add3A_74 : i32
    %dma_wait3A_76 = tpu.memref_slice %arg2[%add3A_75] : memref<16777216xf32, #tpu.memory_space<hbm>> -> memref<16384xf32, #tpu.memory_space<hbm>>
    %dma_wait3A_77 = tpu.memref_slice %arg2[%add3A_75] : memref<16777216xf32, #tpu.memory_space<hbm>> -> memref<16384xf32, #tpu.memory_space<hbm>>
    tpu.wait_dma2 semaphore(%arg11 : memref<!tpu.dma_semaphore, #tpu.memory_space<semaphore_mem>>) src(%dma_wait3A_77 : memref<16384xf32, #tpu.memory_space<hbm>>) dst(%arg7 : memref<16384xf32, #tpu.memory_space<vmem>>)
    %add3A_78 = arith.constant 475136 : i32
    %add3A_79 = arith.addi %mul3A_18, %add3A_78 : i32
    %dma_wait3A_80 = tpu.memref_slice %arg4[%add3A_79] : memref<16777216xi32, #tpu.memory_space<hbm>> -> memref<16384xi32, #tpu.memory_space<hbm>>
    %dma_wait3A_81 = tpu.memref_slice %arg4[%add3A_79] : memref<16777216xi32, #tpu.memory_space<hbm>> -> memref<16384xi32, #tpu.memory_space<hbm>>
    tpu.wait_dma2 semaphore(%arg13 : memref<!tpu.dma_semaphore, #tpu.memory_space<semaphore_mem>>) src(%arg9 : memref<16384xi32, #tpu.memory_space<vmem>>) dst(%dma_wait3A_81 : memref<16384xi32, #tpu.memory_space<hbm>>)
    %parallel_loop3A_82 = arith.constant 0 : i32
    %parallel_loop3A_83 = arith.constant 128 : i32
    %parallel_loop3A_84 = arith.constant 1 : i32
    scf.for %parallel_loop3A_97 = %parallel_loop3A_82 to %parallel_loop3A_83 step %parallel_loop3A_84  : i32 {
      %parallel_loop3A_98 = arith.constant 8 : i32
      %parallel_loop3A_99 = arith.muli %parallel_loop3A_97, %parallel_loop3A_98 : i32
      %parallel_loop3A_100 = arith.constant 0 : i32
      %parallel_loop3A_101 = arith.addi %parallel_loop3A_99, %parallel_loop3A_100 : i32
      %parallel_loop3A_102 = arith.constant 16 : i32
      %parallel_loop3A_103 = arith.muli %parallel_loop3A_101, %parallel_loop3A_102 : i32
      %parallel_loop3A_104 = arith.constant 8 : i32
      %parallel_loop3A_105 = arith.muli %parallel_loop3A_97, %parallel_loop3A_104 : i32
      %parallel_loop3A_106 = arith.constant 1 : i32
      %parallel_loop3A_107 = arith.addi %parallel_loop3A_105, %parallel_loop3A_106 : i32
      %parallel_loop3A_108 = arith.constant 16 : i32
      %parallel_loop3A_109 = arith.muli %parallel_loop3A_107, %parallel_loop3A_108 : i32
      %parallel_loop3A_110 = arith.constant 8 : i32
      %parallel_loop3A_111 = arith.muli %parallel_loop3A_97, %parallel_loop3A_110 : i32
      %parallel_loop3A_112 = arith.constant 2 : i32
      %parallel_loop3A_113 = arith.addi %parallel_loop3A_111, %parallel_loop3A_112 : i32
      %parallel_loop3A_114 = arith.constant 16 : i32
      %parallel_loop3A_115 = arith.muli %parallel_loop3A_113, %parallel_loop3A_114 : i32
      %parallel_loop3A_116 = arith.constant 8 : i32
      %parallel_loop3A_117 = arith.muli %parallel_loop3A_97, %parallel_loop3A_116 : i32
      %parallel_loop3A_118 = arith.constant 3 : i32
      %parallel_loop3A_119 = arith.addi %parallel_loop3A_117, %parallel_loop3A_118 : i32
      %parallel_loop3A_120 = arith.constant 16 : i32
      %parallel_loop3A_121 = arith.muli %parallel_loop3A_119, %parallel_loop3A_120 : i32
      %parallel_loop3A_122 = arith.constant 8 : i32
      %parallel_loop3A_123 = arith.muli %parallel_loop3A_97, %parallel_loop3A_122 : i32
      %parallel_loop3A_124 = arith.constant 4 : i32
      %parallel_loop3A_125 = arith.addi %parallel_loop3A_123, %parallel_loop3A_124 : i32
      %parallel_loop3A_126 = arith.constant 16 : i32
      %parallel_loop3A_127 = arith.muli %parallel_loop3A_125, %parallel_loop3A_126 : i32
      %parallel_loop3A_128 = arith.constant 8 : i32
      %parallel_loop3A_129 = arith.muli %parallel_loop3A_97, %parallel_loop3A_128 : i32
      %parallel_loop3A_130 = arith.constant 5 : i32
      %parallel_loop3A_131 = arith.addi %parallel_loop3A_129, %parallel_loop3A_130 : i32
      %parallel_loop3A_132 = arith.constant 16 : i32
      %parallel_loop3A_133 = arith.muli %parallel_loop3A_131, %parallel_loop3A_132 : i32
      %parallel_loop3A_134 = arith.constant 8 : i32
      %parallel_loop3A_135 = arith.muli %parallel_loop3A_97, %parallel_loop3A_134 : i32
      %parallel_loop3A_136 = arith.constant 6 : i32
      %parallel_loop3A_137 = arith.addi %parallel_loop3A_135, %parallel_loop3A_136 : i32
      %parallel_loop3A_138 = arith.constant 16 : i32
      %parallel_loop3A_139 = arith.muli %parallel_loop3A_137, %parallel_loop3A_138 : i32
      %parallel_loop3A_140 = arith.constant 8 : i32
      %parallel_loop3A_141 = arith.muli %parallel_loop3A_97, %parallel_loop3A_140 : i32
      %parallel_loop3A_142 = arith.constant 7 : i32
      %parallel_loop3A_143 = arith.addi %parallel_loop3A_141, %parallel_loop3A_142 : i32
      %parallel_loop3A_144 = arith.constant 16 : i32
      %parallel_loop3A_145 = arith.muli %parallel_loop3A_143, %parallel_loop3A_144 : i32
      %parallel_loop3A_146 = arith.index_cast %parallel_loop3A_103 : i32 to index
      %parallel_loop3A_147 = tpu.vector_load %arg7[%parallel_loop3A_146] {strides = array<i32>} : memref<16384xf32, #tpu.memory_space<vmem>>, vector<16xf32>,
      %parallel_loop3A_148 = vector.shape_cast %parallel_loop3A_147 : vector<16xf32> to vector<16xf32>
      %parallel_loop3A_149 = arith.index_cast %parallel_loop3A_109 : i32 to index
      %parallel_loop3A_150 = tpu.vector_load %arg7[%parallel_loop3A_149] {strides = array<i32>} : memref<16384xf32, #tpu.memory_space<vmem>>, vector<16xf32>,
      %parallel_loop3A_151 = vector.shape_cast %parallel_loop3A_150 : vector<16xf32> to vector<16xf32>
      %parallel_loop3A_152 = arith.index_cast %parallel_loop3A_115 : i32 to index
      %parallel_loop3A_153 = tpu.vector_load %arg7[%parallel_loop3A_152] {strides = array<i32>} : memref<16384xf32, #tpu.memory_space<vmem>>, vector<16xf32>,
      %parallel_loop3A_154 = vector.shape_cast %parallel_loop3A_153 : vector<16xf32> to vector<16xf32>
      %parallel_loop3A_155 = arith.index_cast %parallel_loop3A_121 : i32 to index
      %parallel_loop3A_156 = tpu.vector_load %arg7[%parallel_loop3A_155] {strides = array<i32>} : memref<16384xf32, #tpu.memory_space<vmem>>, vector<16xf32>,
      %parallel_loop3A_157 = vector.shape_cast %parallel_loop3A_156 : vector<16xf32> to vector<16xf32>
      %parallel_loop3A_158 = arith.index_cast %parallel_loop3A_127 : i32 to index
      %parallel_loop3A_159 = tpu.vector_load %arg7[%parallel_loop3A_158] {strides = array<i32>} : memref<16384xf32, #tpu.memory_space<vmem>>, vector<16xf32>,
      %parallel_loop3A_160 = vector.shape_cast %parallel_loop3A_159 : vector<16xf32> to vector<16xf32>
      %parallel_loop3A_161 = arith.index_cast %parallel_loop3A_133 : i32 to index
      %parallel_loop3A_162 = tpu.vector_load %arg7[%parallel_loop3A_161] {strides = array<i32>} : memref<16384xf32, #tpu.memory_space<vmem>>, vector<16xf32>,
      %parallel_loop3A_163 = vector.shape_cast %parallel_loop3A_162 : vector<16xf32> to vector<16xf32>
      %parallel_loop3A_164 = arith.index_cast %parallel_loop3A_139 : i32 to index
      %parallel_loop3A_165 = tpu.vector_load %arg7[%parallel_loop3A_164] {strides = array<i32>} : memref<16384xf32, #tpu.memory_space<vmem>>, vector<16xf32>,
      %parallel_loop3A_166 = vector.shape_cast %parallel_loop3A_165 : vector<16xf32> to vector<16xf32>
      %parallel_loop3A_167 = arith.index_cast %parallel_loop3A_145 : i32 to index
      %parallel_loop3A_168 = tpu.vector_load %arg7[%parallel_loop3A_167] {strides = array<i32>} : memref<16384xf32, #tpu.memory_space<vmem>>, vector<16xf32>,
      %parallel_loop3A_169 = vector.shape_cast %parallel_loop3A_168 : vector<16xf32> to vector<16xf32>
      %parallel_loop3A_170 = arith.cmpf oge, %parallel_loop3A_148, %gather3A_5 : vector<16xf32>
      %parallel_loop3A_171 = arith.constant 8 : i32
      %parallel_loop3A_172 = arith.constant 0 : i32
      %parallel_loop3A_173 = vector.broadcast %parallel_loop3A_171 : i32 to vector<16xi32>
      %parallel_loop3A_174 = vector.broadcast %parallel_loop3A_172 : i32 to vector<16xi32>
      %parallel_loop3A_175 = arith.select %parallel_loop3A_170, %parallel_loop3A_173, %parallel_loop3A_174 : vector<16xi1>, vector<16xi32>
      %parallel_loop3A_176 = arith.cmpf oge, %parallel_loop3A_151, %gather3A_5 : vector<16xf32>
      %parallel_loop3A_177 = arith.constant 8 : i32
      %parallel_loop3A_178 = arith.constant 0 : i32
      %parallel_loop3A_179 = vector.broadcast %parallel_loop3A_177 : i32 to vector<16xi32>
      %parallel_loop3A_180 = vector.broadcast %parallel_loop3A_178 : i32 to vector<16xi32>
      %parallel_loop3A_181 = arith.select %parallel_loop3A_176, %parallel_loop3A_179, %parallel_loop3A_180 : vector<16xi1>, vector<16xi32>
      %parallel_loop3A_182 = arith.cmpf oge, %parallel_loop3A_154, %gather3A_5 : vector<16xf32>
      %parallel_loop3A_183 = arith.constant 8 : i32
      %parallel_loop3A_184 = arith.constant 0 : i32
      %parallel_loop3A_185 = vector.broadcast %parallel_loop3A_183 : i32 to vector<16xi32>
      %parallel_loop3A_186 = vector.broadcast %parallel_loop3A_184 : i32 to vector<16xi32>
      %parallel_loop3A_187 = arith.select %parallel_loop3A_182, %parallel_loop3A_185, %parallel_loop3A_186 : vector<16xi1>, vector<16xi32>
      %parallel_loop3A_188 = arith.cmpf oge, %parallel_loop3A_157, %gather3A_5 : vector<16xf32>
      %parallel_loop3A_189 = arith.constant 8 : i32
      %parallel_loop3A_190 = arith.constant 0 : i32
      %parallel_loop3A_191 = vector.broadcast %parallel_loop3A_189 : i32 to vector<16xi32>
      %parallel_loop3A_192 = vector.broadcast %parallel_loop3A_190 : i32 to vector<16xi32>
      %parallel_loop3A_193 = arith.select %parallel_loop3A_188, %parallel_loop3A_191, %parallel_loop3A_192 : vector<16xi1>, vector<16xi32>
      %parallel_loop3A_194 = arith.cmpf oge, %parallel_loop3A_160, %gather3A_5 : vector<16xf32>
      %parallel_loop3A_195 = arith.constant 8 : i32
      %parallel_loop3A_196 = arith.constant 0 : i32
      %parallel_loop3A_197 = vector.broadcast %parallel_loop3A_195 : i32 to vector<16xi32>
      %parallel_loop3A_198 = vector.broadcast %parallel_loop3A_196 : i32 to vector<16xi32>
      %parallel_loop3A_199 = arith.select %parallel_loop3A_194, %parallel_loop3A_197, %parallel_loop3A_198 : vector<16xi1>, vector<16xi32>
      %parallel_loop3A_200 = arith.cmpf oge, %parallel_loop3A_163, %gather3A_5 : vector<16xf32>
      %parallel_loop3A_201 = arith.constant 8 : i32
      %parallel_loop3A_202 = arith.constant 0 : i32
      %parallel_loop3A_203 = vector.broadcast %parallel_loop3A_201 : i32 to vector<16xi32>
      %parallel_loop3A_204 = vector.broadcast %parallel_loop3A_202 : i32 to vector<16xi32>
      %parallel_loop3A_205 = arith.select %parallel_loop3A_200, %parallel_loop3A_203, %parallel_loop3A_204 : vector<16xi1>, vector<16xi32>
      %parallel_loop3A_206 = arith.cmpf oge, %parallel_loop3A_166, %gather3A_5 : vector<16xf32>
      %parallel_loop3A_207 = arith.constant 8 : i32
      %parallel_loop3A_208 = arith.constant 0 : i32
      %parallel_loop3A_209 = vector.broadcast %parallel_loop3A_207 : i32 to vector<16xi32>
      %parallel_loop3A_210 = vector.broadcast %parallel_loop3A_208 : i32 to vector<16xi32>
      %parallel_loop3A_211 = arith.select %parallel_loop3A_206, %parallel_loop3A_209, %parallel_loop3A_210 : vector<16xi1>, vector<16xi32>
      %parallel_loop3A_212 = arith.cmpf oge, %parallel_loop3A_169, %gather3A_5 : vector<16xf32>
      %parallel_loop3A_213 = arith.constant 8 : i32
      %parallel_loop3A_214 = arith.constant 0 : i32
      %parallel_loop3A_215 = vector.broadcast %parallel_loop3A_213 : i32 to vector<16xi32>
      %parallel_loop3A_216 = vector.broadcast %parallel_loop3A_214 : i32 to vector<16xi32>
      %parallel_loop3A_217 = arith.select %parallel_loop3A_212, %parallel_loop3A_215, %parallel_loop3A_216 : vector<16xi1>, vector<16xi32>
      %parallel_loop3A_218 = vector.shape_cast %parallel_loop3A_175 : vector<16xi32> to vector<16x1xi32>
      %parallel_loop3A_219 = vector.shape_cast %parallel_loop3A_218 : vector<16x1xi32> to vector<16xi32>
      %parallel_loop3A_220 = tpu.dynamic_gather %gather3A_10[%parallel_loop3A_219] in [0] : vector<16xf32>, vector<16xi32> -> vector<16xf32>
      %parallel_loop3A_221 = vector.shape_cast %parallel_loop3A_181 : vector<16xi32> to vector<16x1xi32>
      %parallel_loop3A_222 = vector.shape_cast %parallel_loop3A_221 : vector<16x1xi32> to vector<16xi32>
      %parallel_loop3A_223 = tpu.dynamic_gather %gather3A_10[%parallel_loop3A_222] in [0] : vector<16xf32>, vector<16xi32> -> vector<16xf32>
      %parallel_loop3A_224 = vector.shape_cast %parallel_loop3A_187 : vector<16xi32> to vector<16x1xi32>
      %parallel_loop3A_225 = vector.shape_cast %parallel_loop3A_224 : vector<16x1xi32> to vector<16xi32>
      %parallel_loop3A_226 = tpu.dynamic_gather %gather3A_10[%parallel_loop3A_225] in [0] : vector<16xf32>, vector<16xi32> -> vector<16xf32>
      %parallel_loop3A_227 = vector.shape_cast %parallel_loop3A_193 : vector<16xi32> to vector<16x1xi32>
      %parallel_loop3A_228 = vector.shape_cast %parallel_loop3A_227 : vector<16x1xi32> to vector<16xi32>
      %parallel_loop3A_229 = tpu.dynamic_gather %gather3A_10[%parallel_loop3A_228] in [0] : vector<16xf32>, vector<16xi32> -> vector<16xf32>
      %parallel_loop3A_230 = vector.shape_cast %parallel_loop3A_199 : vector<16xi32> to vector<16x1xi32>
      %parallel_loop3A_231 = vector.shape_cast %parallel_loop3A_230 : vector<16x1xi32> to vector<16xi32>
      %parallel_loop3A_232 = tpu.dynamic_gather %gather3A_10[%parallel_loop3A_231] in [0] : vector<16xf32>, vector<16xi32> -> vector<16xf32>
      %parallel_loop3A_233 = vector.shape_cast %parallel_loop3A_205 : vector<16xi32> to vector<16x1xi32>
      %parallel_loop3A_234 = vector.shape_cast %parallel_loop3A_233 : vector<16x1xi32> to vector<16xi32>
      %parallel_loop3A_235 = tpu.dynamic_gather %gather3A_10[%parallel_loop3A_234] in [0] : vector<16xf32>, vector<16xi32> -> vector<16xf32>
      %parallel_loop3A_236 = vector.shape_cast %parallel_loop3A_211 : vector<16xi32> to vector<16x1xi32>
      %parallel_loop3A_237 = vector.shape_cast %parallel_loop3A_236 : vector<16x1xi32> to vector<16xi32>
      %parallel_loop3A_238 = tpu.dynamic_gather %gather3A_10[%parallel_loop3A_237] in [0] : vector<16xf32>, vector<16xi32> -> vector<16xf32>
      %parallel_loop3A_239 = vector.shape_cast %parallel_loop3A_217 : vector<16xi32> to vector<16x1xi32>
      %parallel_loop3A_240 = vector.shape_cast %parallel_loop3A_239 : vector<16x1xi32> to vector<16xi32>
      %parallel_loop3A_241 = tpu.dynamic_gather %gather3A_10[%parallel_loop3A_240] in [0] : vector<16xf32>, vector<16xi32> -> vector<16xf32>
      %parallel_loop3A_242 = arith.cmpf oge, %parallel_loop3A_148, %parallel_loop3A_220 : vector<16xf32>
      %parallel_loop3A_243 = arith.constant 4 : i32
      %parallel_loop3A_244 = arith.constant 0 : i32
      %parallel_loop3A_245 = vector.broadcast %parallel_loop3A_243 : i32 to vector<16xi32>
      %parallel_loop3A_246 = vector.broadcast %parallel_loop3A_244 : i32 to vector<16xi32>
      %parallel_loop3A_247 = arith.select %parallel_loop3A_242, %parallel_loop3A_245, %parallel_loop3A_246 : vector<16xi1>, vector<16xi32>
      %parallel_loop3A_248 = arith.ori %parallel_loop3A_175, %parallel_loop3A_247 : vector<16xi32>
      %parallel_loop3A_249 = arith.cmpf oge, %parallel_loop3A_151, %parallel_loop3A_223 : vector<16xf32>
      %parallel_loop3A_250 = arith.constant 4 : i32
      %parallel_loop3A_251 = arith.constant 0 : i32
      %parallel_loop3A_252 = vector.broadcast %parallel_loop3A_250 : i32 to vector<16xi32>
      %parallel_loop3A_253 = vector.broadcast %parallel_loop3A_251 : i32 to vector<16xi32>
      %parallel_loop3A_254 = arith.select %parallel_loop3A_249, %parallel_loop3A_252, %parallel_loop3A_253 : vector<16xi1>, vector<16xi32>
      %parallel_loop3A_255 = arith.ori %parallel_loop3A_181, %parallel_loop3A_254 : vector<16xi32>
      %parallel_loop3A_256 = arith.cmpf oge, %parallel_loop3A_154, %parallel_loop3A_226 : vector<16xf32>
      %parallel_loop3A_257 = arith.constant 4 : i32
      %parallel_loop3A_258 = arith.constant 0 : i32
      %parallel_loop3A_259 = vector.broadcast %parallel_loop3A_257 : i32 to vector<16xi32>
      %parallel_loop3A_260 = vector.broadcast %parallel_loop3A_258 : i32 to vector<16xi32>
      %parallel_loop3A_261 = arith.select %parallel_loop3A_256, %parallel_loop3A_259, %parallel_loop3A_260 : vector<16xi1>, vector<16xi32>
      %parallel_loop3A_262 = arith.ori %parallel_loop3A_187, %parallel_loop3A_261 : vector<16xi32>
      %parallel_loop3A_263 = arith.cmpf oge, %parallel_loop3A_157, %parallel_loop3A_229 : vector<16xf32>
      %parallel_loop3A_264 = arith.constant 4 : i32
      %parallel_loop3A_265 = arith.constant 0 : i32
      %parallel_loop3A_266 = vector.broadcast %parallel_loop3A_264 : i32 to vector<16xi32>
      %parallel_loop3A_267 = vector.broadcast %parallel_loop3A_265 : i32 to vector<16xi32>
      %parallel_loop3A_268 = arith.select %parallel_loop3A_263, %parallel_loop3A_266, %parallel_loop3A_267 : vector<16xi1>, vector<16xi32>
      %parallel_loop3A_269 = arith.ori %parallel_loop3A_193, %parallel_loop3A_268 : vector<16xi32>
      %parallel_loop3A_270 = arith.cmpf oge, %parallel_loop3A_160, %parallel_loop3A_232 : vector<16xf32>
      %parallel_loop3A_271 = arith.constant 4 : i32
      %parallel_loop3A_272 = arith.constant 0 : i32
      %parallel_loop3A_273 = vector.broadcast %parallel_loop3A_271 : i32 to vector<16xi32>
      %parallel_loop3A_274 = vector.broadcast %parallel_loop3A_272 : i32 to vector<16xi32>
      %parallel_loop3A_275 = arith.select %parallel_loop3A_270, %parallel_loop3A_273, %parallel_loop3A_274 : vector<16xi1>, vector<16xi32>
      %parallel_loop3A_276 = arith.ori %parallel_loop3A_199, %parallel_loop3A_275 : vector<16xi32>
      %parallel_loop3A_277 = arith.cmpf oge, %parallel_loop3A_163, %parallel_loop3A_235 : vector<16xf32>
      %parallel_loop3A_278 = arith.constant 4 : i32
      %parallel_loop3A_279 = arith.constant 0 : i32
      %parallel_loop3A_280 = vector.broadcast %parallel_loop3A_278 : i32 to vector<16xi32>
      %parallel_loop3A_281 = vector.broadcast %parallel_loop3A_279 : i32 to vector<16xi32>
      %parallel_loop3A_282 = arith.select %parallel_loop3A_277, %parallel_loop3A_280, %parallel_loop3A_281 : vector<16xi1>, vector<16xi32>
      %parallel_loop3A_283 = arith.ori %parallel_loop3A_205, %parallel_loop3A_282 : vector<16xi32>
      %parallel_loop3A_284 = arith.cmpf oge, %parallel_loop3A_166, %parallel_loop3A_238 : vector<16xf32>
      %parallel_loop3A_285 = arith.constant 4 : i32
      %parallel_loop3A_286 = arith.constant 0 : i32
      %parallel_loop3A_287 = vector.broadcast %parallel_loop3A_285 : i32 to vector<16xi32>
      %parallel_loop3A_288 = vector.broadcast %parallel_loop3A_286 : i32 to vector<16xi32>
      %parallel_loop3A_289 = arith.select %parallel_loop3A_284, %parallel_loop3A_287, %parallel_loop3A_288 : vector<16xi1>, vector<16xi32>
      %parallel_loop3A_290 = arith.ori %parallel_loop3A_211, %parallel_loop3A_289 : vector<16xi32>
      %parallel_loop3A_291 = arith.cmpf oge, %parallel_loop3A_169, %parallel_loop3A_241 : vector<16xf32>
      %parallel_loop3A_292 = arith.constant 4 : i32
      %parallel_loop3A_293 = arith.constant 0 : i32
      %parallel_loop3A_294 = vector.broadcast %parallel_loop3A_292 : i32 to vector<16xi32>
      %parallel_loop3A_295 = vector.broadcast %parallel_loop3A_293 : i32 to vector<16xi32>
      %parallel_loop3A_296 = arith.select %parallel_loop3A_291, %parallel_loop3A_294, %parallel_loop3A_295 : vector<16xi1>, vector<16xi32>
      %parallel_loop3A_297 = arith.ori %parallel_loop3A_217, %parallel_loop3A_296 : vector<16xi32>
      %parallel_loop3A_298 = vector.shape_cast %parallel_loop3A_248 : vector<16xi32> to vector<16x1xi32>
      %parallel_loop3A_299 = vector.shape_cast %parallel_loop3A_298 : vector<16x1xi32> to vector<16xi32>
      %parallel_loop3A_300 = tpu.dynamic_gather %gather3A_16[%parallel_loop3A_299] in [0] : vector<16xf32>, vector<16xi32> -> vector<16xf32>
      %parallel_loop3A_301 = vector.shape_cast %parallel_loop3A_255 : vector<16xi32> to vector<16x1xi32>
      %parallel_loop3A_302 = vector.shape_cast %parallel_loop3A_301 : vector<16x1xi32> to vector<16xi32>
      %parallel_loop3A_303 = tpu.dynamic_gather %gather3A_16[%parallel_loop3A_302] in [0] : vector<16xf32>, vector<16xi32> -> vector<16xf32>
      %parallel_loop3A_304 = vector.shape_cast %parallel_loop3A_262 : vector<16xi32> to vector<16x1xi32>
      %parallel_loop3A_305 = vector.shape_cast %parallel_loop3A_304 : vector<16x1xi32> to vector<16xi32>
      %parallel_loop3A_306 = tpu.dynamic_gather %gather3A_16[%parallel_loop3A_305] in [0] : vector<16xf32>, vector<16xi32> -> vector<16xf32>
      %parallel_loop3A_307 = vector.shape_cast %parallel_loop3A_269 : vector<16xi32> to vector<16x1xi32>
      %parallel_loop3A_308 = vector.shape_cast %parallel_loop3A_307 : vector<16x1xi32> to vector<16xi32>
      %parallel_loop3A_309 = tpu.dynamic_gather %gather3A_16[%parallel_loop3A_308] in [0] : vector<16xf32>, vector<16xi32> -> vector<16xf32>
      %parallel_loop3A_310 = vector.shape_cast %parallel_loop3A_276 : vector<16xi32> to vector<16x1xi32>
      %parallel_loop3A_311 = vector.shape_cast %parallel_loop3A_310 : vector<16x1xi32> to vector<16xi32>
      %parallel_loop3A_312 = tpu.dynamic_gather %gather3A_16[%parallel_loop3A_311] in [0] : vector<16xf32>, vector<16xi32> -> vector<16xf32>
      %parallel_loop3A_313 = vector.shape_cast %parallel_loop3A_283 : vector<16xi32> to vector<16x1xi32>
      %parallel_loop3A_314 = vector.shape_cast %parallel_loop3A_313 : vector<16x1xi32> to vector<16xi32>
      %parallel_loop3A_315 = tpu.dynamic_gather %gather3A_16[%parallel_loop3A_314] in [0] : vector<16xf32>, vector<16xi32> -> vector<16xf32>
      %parallel_loop3A_316 = vector.shape_cast %parallel_loop3A_290 : vector<16xi32> to vector<16x1xi32>
      %parallel_loop3A_317 = vector.shape_cast %parallel_loop3A_316 : vector<16x1xi32> to vector<16xi32>
      %parallel_loop3A_318 = tpu.dynamic_gather %gather3A_16[%parallel_loop3A_317] in [0] : vector<16xf32>, vector<16xi32> -> vector<16xf32>
      %parallel_loop3A_319 = vector.shape_cast %parallel_loop3A_297 : vector<16xi32> to vector<16x1xi32>
      %parallel_loop3A_320 = vector.shape_cast %parallel_loop3A_319 : vector<16x1xi32> to vector<16xi32>
      %parallel_loop3A_321 = tpu.dynamic_gather %gather3A_16[%parallel_loop3A_320] in [0] : vector<16xf32>, vector<16xi32> -> vector<16xf32>
      %parallel_loop3A_322 = arith.cmpf oge, %parallel_loop3A_148, %parallel_loop3A_300 : vector<16xf32>
      %parallel_loop3A_323 = arith.constant 2 : i32
      %parallel_loop3A_324 = arith.constant 0 : i32
      %parallel_loop3A_325 = vector.broadcast %parallel_loop3A_323 : i32 to vector<16xi32>
      %parallel_loop3A_326 = vector.broadcast %parallel_loop3A_324 : i32 to vector<16xi32>
      %parallel_loop3A_327 = arith.select %parallel_loop3A_322, %parallel_loop3A_325, %parallel_loop3A_326 : vector<16xi1>, vector<16xi32>
      %parallel_loop3A_328 = arith.ori %parallel_loop3A_248, %parallel_loop3A_327 : vector<16xi32>
      %parallel_loop3A_329 = arith.cmpf oge, %parallel_loop3A_151, %parallel_loop3A_303 : vector<16xf32>
      %parallel_loop3A_330 = arith.constant 2 : i32
      %parallel_loop3A_331 = arith.constant 0 : i32
      %parallel_loop3A_332 = vector.broadcast %parallel_loop3A_330 : i32 to vector<16xi32>
      %parallel_loop3A_333 = vector.broadcast %parallel_loop3A_331 : i32 to vector<16xi32>
      %parallel_loop3A_334 = arith.select %parallel_loop3A_329, %parallel_loop3A_332, %parallel_loop3A_333 : vector<16xi1>, vector<16xi32>
      %parallel_loop3A_335 = arith.ori %parallel_loop3A_255, %parallel_loop3A_334 : vector<16xi32>
      %parallel_loop3A_336 = arith.cmpf oge, %parallel_loop3A_154, %parallel_loop3A_306 : vector<16xf32>
      %parallel_loop3A_337 = arith.constant 2 : i32
      %parallel_loop3A_338 = arith.constant 0 : i32
      %parallel_loop3A_339 = vector.broadcast %parallel_loop3A_337 : i32 to vector<16xi32>
      %parallel_loop3A_340 = vector.broadcast %parallel_loop3A_338 : i32 to vector<16xi32>
      %parallel_loop3A_341 = arith.select %parallel_loop3A_336, %parallel_loop3A_339, %parallel_loop3A_340 : vector<16xi1>, vector<16xi32>
      %parallel_loop3A_342 = arith.ori %parallel_loop3A_262, %parallel_loop3A_341 : vector<16xi32>
      %parallel_loop3A_343 = arith.cmpf oge, %parallel_loop3A_157, %parallel_loop3A_309 : vector<16xf32>
      %parallel_loop3A_344 = arith.constant 2 : i32
      %parallel_loop3A_345 = arith.constant 0 : i32
      %parallel_loop3A_346 = vector.broadcast %parallel_loop3A_344 : i32 to vector<16xi32>
      %parallel_loop3A_347 = vector.broadcast %parallel_loop3A_345 : i32 to vector<16xi32>
      %parallel_loop3A_348 = arith.select %parallel_loop3A_343, %parallel_loop3A_346, %parallel_loop3A_347 : vector<16xi1>, vector<16xi32>
      %parallel_loop3A_349 = arith.ori %parallel_loop3A_269, %parallel_loop3A_348 : vector<16xi32>
      %parallel_loop3A_350 = arith.cmpf oge, %parallel_loop3A_160, %parallel_loop3A_312 : vector<16xf32>
      %parallel_loop3A_351 = arith.constant 2 : i32
      %parallel_loop3A_352 = arith.constant 0 : i32
      %parallel_loop3A_353 = vector.broadcast %parallel_loop3A_351 : i32 to vector<16xi32>
      %parallel_loop3A_354 = vector.broadcast %parallel_loop3A_352 : i32 to vector<16xi32>
      %parallel_loop3A_355 = arith.select %parallel_loop3A_350, %parallel_loop3A_353, %parallel_loop3A_354 : vector<16xi1>, vector<16xi32>
      %parallel_loop3A_356 = arith.ori %parallel_loop3A_276, %parallel_loop3A_355 : vector<16xi32>
      %parallel_loop3A_357 = arith.cmpf oge, %parallel_loop3A_163, %parallel_loop3A_315 : vector<16xf32>
      %parallel_loop3A_358 = arith.constant 2 : i32
      %parallel_loop3A_359 = arith.constant 0 : i32
      %parallel_loop3A_360 = vector.broadcast %parallel_loop3A_358 : i32 to vector<16xi32>
      %parallel_loop3A_361 = vector.broadcast %parallel_loop3A_359 : i32 to vector<16xi32>
      %parallel_loop3A_362 = arith.select %parallel_loop3A_357, %parallel_loop3A_360, %parallel_loop3A_361 : vector<16xi1>, vector<16xi32>
      %parallel_loop3A_363 = arith.ori %parallel_loop3A_283, %parallel_loop3A_362 : vector<16xi32>
      %parallel_loop3A_364 = arith.cmpf oge, %parallel_loop3A_166, %parallel_loop3A_318 : vector<16xf32>
      %parallel_loop3A_365 = arith.constant 2 : i32
      %parallel_loop3A_366 = arith.constant 0 : i32
      %parallel_loop3A_367 = vector.broadcast %parallel_loop3A_365 : i32 to vector<16xi32>
      %parallel_loop3A_368 = vector.broadcast %parallel_loop3A_366 : i32 to vector<16xi32>
      %parallel_loop3A_369 = arith.select %parallel_loop3A_364, %parallel_loop3A_367, %parallel_loop3A_368 : vector<16xi1>, vector<16xi32>
      %parallel_loop3A_370 = arith.ori %parallel_loop3A_290, %parallel_loop3A_369 : vector<16xi32>
      %parallel_loop3A_371 = arith.cmpf oge, %parallel_loop3A_169, %parallel_loop3A_321 : vector<16xf32>
      %parallel_loop3A_372 = arith.constant 2 : i32
      %parallel_loop3A_373 = arith.constant 0 : i32
      %parallel_loop3A_374 = vector.broadcast %parallel_loop3A_372 : i32 to vector<16xi32>
      %parallel_loop3A_375 = vector.broadcast %parallel_loop3A_373 : i32 to vector<16xi32>
      %parallel_loop3A_376 = arith.select %parallel_loop3A_371, %parallel_loop3A_374, %parallel_loop3A_375 : vector<16xi1>, vector<16xi32>
      %parallel_loop3A_377 = arith.ori %parallel_loop3A_297, %parallel_loop3A_376 : vector<16xi32>
      %parallel_loop3A_378 = vector.shape_cast %parallel_loop3A_328 : vector<16xi32> to vector<16x1xi32>
      %parallel_loop3A_379 = vector.shape_cast %parallel_loop3A_378 : vector<16x1xi32> to vector<16xi32>
      %parallel_loop3A_380 = tpu.dynamic_gather %get3A_2[%parallel_loop3A_379] in [0] : vector<16xf32>, vector<16xi32> -> vector<16xf32>
      %parallel_loop3A_381 = vector.shape_cast %parallel_loop3A_335 : vector<16xi32> to vector<16x1xi32>
      %parallel_loop3A_382 = vector.shape_cast %parallel_loop3A_381 : vector<16x1xi32> to vector<16xi32>
      %parallel_loop3A_383 = tpu.dynamic_gather %get3A_2[%parallel_loop3A_382] in [0] : vector<16xf32>, vector<16xi32> -> vector<16xf32>
      %parallel_loop3A_384 = vector.shape_cast %parallel_loop3A_342 : vector<16xi32> to vector<16x1xi32>
      %parallel_loop3A_385 = vector.shape_cast %parallel_loop3A_384 : vector<16x1xi32> to vector<16xi32>
      %parallel_loop3A_386 = tpu.dynamic_gather %get3A_2[%parallel_loop3A_385] in [0] : vector<16xf32>, vector<16xi32> -> vector<16xf32>
      %parallel_loop3A_387 = vector.shape_cast %parallel_loop3A_349 : vector<16xi32> to vector<16x1xi32>
      %parallel_loop3A_388 = vector.shape_cast %parallel_loop3A_387 : vector<16x1xi32> to vector<16xi32>
      %parallel_loop3A_389 = tpu.dynamic_gather %get3A_2[%parallel_loop3A_388] in [0] : vector<16xf32>, vector<16xi32> -> vector<16xf32>
      %parallel_loop3A_390 = vector.shape_cast %parallel_loop3A_356 : vector<16xi32> to vector<16x1xi32>
      %parallel_loop3A_391 = vector.shape_cast %parallel_loop3A_390 : vector<16x1xi32> to vector<16xi32>
      %parallel_loop3A_392 = tpu.dynamic_gather %get3A_2[%parallel_loop3A_391] in [0] : vector<16xf32>, vector<16xi32> -> vector<16xf32>
      %parallel_loop3A_393 = vector.shape_cast %parallel_loop3A_363 : vector<16xi32> to vector<16x1xi32>
      %parallel_loop3A_394 = vector.shape_cast %parallel_loop3A_393 : vector<16x1xi32> to vector<16xi32>
      %parallel_loop3A_395 = tpu.dynamic_gather %get3A_2[%parallel_loop3A_394] in [0] : vector<16xf32>, vector<16xi32> -> vector<16xf32>
      %parallel_loop3A_396 = vector.shape_cast %parallel_loop3A_370 : vector<16xi32> to vector<16x1xi32>
      %parallel_loop3A_397 = vector.shape_cast %parallel_loop3A_396 : vector<16x1xi32> to vector<16xi32>
      %parallel_loop3A_398 = tpu.dynamic_gather %get3A_2[%parallel_loop3A_397] in [0] : vector<16xf32>, vector<16xi32> -> vector<16xf32>
      %parallel_loop3A_399 = vector.shape_cast %parallel_loop3A_377 : vector<16xi32> to vector<16x1xi32>
      %parallel_loop3A_400 = vector.shape_cast %parallel_loop3A_399 : vector<16x1xi32> to vector<16xi32>
      %parallel_loop3A_401 = tpu.dynamic_gather %get3A_2[%parallel_loop3A_400] in [0] : vector<16xf32>, vector<16xi32> -> vector<16xf32>
      %parallel_loop3A_402 = arith.cmpf oge, %parallel_loop3A_148, %parallel_loop3A_380 : vector<16xf32>
      %parallel_loop3A_403 = arith.constant 1 : i32
      %parallel_loop3A_404 = arith.constant 0 : i32
      %parallel_loop3A_405 = vector.broadcast %parallel_loop3A_403 : i32 to vector<16xi32>
      %parallel_loop3A_406 = vector.broadcast %parallel_loop3A_404 : i32 to vector<16xi32>
      %parallel_loop3A_407 = arith.select %parallel_loop3A_402, %parallel_loop3A_405, %parallel_loop3A_406 : vector<16xi1>, vector<16xi32>
      %parallel_loop3A_408 = arith.ori %parallel_loop3A_328, %parallel_loop3A_407 : vector<16xi32>
      %parallel_loop3A_409 = arith.cmpf oge, %parallel_loop3A_151, %parallel_loop3A_383 : vector<16xf32>
      %parallel_loop3A_410 = arith.constant 1 : i32
      %parallel_loop3A_411 = arith.constant 0 : i32
      %parallel_loop3A_412 = vector.broadcast %parallel_loop3A_410 : i32 to vector<16xi32>
      %parallel_loop3A_413 = vector.broadcast %parallel_loop3A_411 : i32 to vector<16xi32>
      %parallel_loop3A_414 = arith.select %parallel_loop3A_409, %parallel_loop3A_412, %parallel_loop3A_413 : vector<16xi1>, vector<16xi32>
      %parallel_loop3A_415 = arith.ori %parallel_loop3A_335, %parallel_loop3A_414 : vector<16xi32>
      %parallel_loop3A_416 = arith.cmpf oge, %parallel_loop3A_154, %parallel_loop3A_386 : vector<16xf32>
      %parallel_loop3A_417 = arith.constant 1 : i32
      %parallel_loop3A_418 = arith.constant 0 : i32
      %parallel_loop3A_419 = vector.broadcast %parallel_loop3A_417 : i32 to vector<16xi32>
      %parallel_loop3A_420 = vector.broadcast %parallel_loop3A_418 : i32 to vector<16xi32>
      %parallel_loop3A_421 = arith.select %parallel_loop3A_416, %parallel_loop3A_419, %parallel_loop3A_420 : vector<16xi1>, vector<16xi32>
      %parallel_loop3A_422 = arith.ori %parallel_loop3A_342, %parallel_loop3A_421 : vector<16xi32>
      %parallel_loop3A_423 = arith.cmpf oge, %parallel_loop3A_157, %parallel_loop3A_389 : vector<16xf32>
      %parallel_loop3A_424 = arith.constant 1 : i32
      %parallel_loop3A_425 = arith.constant 0 : i32
      %parallel_loop3A_426 = vector.broadcast %parallel_loop3A_424 : i32 to vector<16xi32>
      %parallel_loop3A_427 = vector.broadcast %parallel_loop3A_425 : i32 to vector<16xi32>
      %parallel_loop3A_428 = arith.select %parallel_loop3A_423, %parallel_loop3A_426, %parallel_loop3A_427 : vector<16xi1>, vector<16xi32>
      %parallel_loop3A_429 = arith.ori %parallel_loop3A_349, %parallel_loop3A_428 : vector<16xi32>
      %parallel_loop3A_430 = arith.cmpf oge, %parallel_loop3A_160, %parallel_loop3A_392 : vector<16xf32>
      %parallel_loop3A_431 = arith.constant 1 : i32
      %parallel_loop3A_432 = arith.constant 0 : i32
      %parallel_loop3A_433 = vector.broadcast %parallel_loop3A_431 : i32 to vector<16xi32>
      %parallel_loop3A_434 = vector.broadcast %parallel_loop3A_432 : i32 to vector<16xi32>
      %parallel_loop3A_435 = arith.select %parallel_loop3A_430, %parallel_loop3A_433, %parallel_loop3A_434 : vector<16xi1>, vector<16xi32>
      %parallel_loop3A_436 = arith.ori %parallel_loop3A_356, %parallel_loop3A_435 : vector<16xi32>
      %parallel_loop3A_437 = arith.cmpf oge, %parallel_loop3A_163, %parallel_loop3A_395 : vector<16xf32>
      %parallel_loop3A_438 = arith.constant 1 : i32
      %parallel_loop3A_439 = arith.constant 0 : i32
      %parallel_loop3A_440 = vector.broadcast %parallel_loop3A_438 : i32 to vector<16xi32>
      %parallel_loop3A_441 = vector.broadcast %parallel_loop3A_439 : i32 to vector<16xi32>
      %parallel_loop3A_442 = arith.select %parallel_loop3A_437, %parallel_loop3A_440, %parallel_loop3A_441 : vector<16xi1>, vector<16xi32>
      %parallel_loop3A_443 = arith.ori %parallel_loop3A_363, %parallel_loop3A_442 : vector<16xi32>
      %parallel_loop3A_444 = arith.cmpf oge, %parallel_loop3A_166, %parallel_loop3A_398 : vector<16xf32>
      %parallel_loop3A_445 = arith.constant 1 : i32
      %parallel_loop3A_446 = arith.constant 0 : i32
      %parallel_loop3A_447 = vector.broadcast %parallel_loop3A_445 : i32 to vector<16xi32>
      %parallel_loop3A_448 = vector.broadcast %parallel_loop3A_446 : i32 to vector<16xi32>
      %parallel_loop3A_449 = arith.select %parallel_loop3A_444, %parallel_loop3A_447, %parallel_loop3A_448 : vector<16xi1>, vector<16xi32>
      %parallel_loop3A_450 = arith.ori %parallel_loop3A_370, %parallel_loop3A_449 : vector<16xi32>
      %parallel_loop3A_451 = arith.cmpf oge, %parallel_loop3A_169, %parallel_loop3A_401 : vector<16xf32>
      %parallel_loop3A_452 = arith.constant 1 : i32
      %parallel_loop3A_453 = arith.constant 0 : i32
      %parallel_loop3A_454 = vector.broadcast %parallel_loop3A_452 : i32 to vector<16xi32>
      %parallel_loop3A_455 = vector.broadcast %parallel_loop3A_453 : i32 to vector<16xi32>
      %parallel_loop3A_456 = arith.select %parallel_loop3A_451, %parallel_loop3A_454, %parallel_loop3A_455 : vector<16xi1>, vector<16xi32>
      %parallel_loop3A_457 = arith.ori %parallel_loop3A_377, %parallel_loop3A_456 : vector<16xi32>
      %parallel_loop3A_458 = arith.index_cast %parallel_loop3A_103 : i32 to index
      %parallel_loop3A_459 = tpu.vector_load %arg9[%parallel_loop3A_458] {strides = array<i32>} : memref<16384xi32, #tpu.memory_space<vmem>>, vector<16xi32>,
      %parallel_loop3A_460 = vector.shape_cast %parallel_loop3A_459 : vector<16xi32> to vector<16xi32>
      %parallel_loop3A_461 = vector.shape_cast %parallel_loop3A_408 : vector<16xi32> to vector<16xi32>
      tpu.vector_store %arg9[%parallel_loop3A_458], %parallel_loop3A_461 {strides = array<i32>} : memref<16384xi32, #tpu.memory_space<vmem>>, vector<16xi32>,
      %parallel_loop3A_462 = arith.index_cast %parallel_loop3A_109 : i32 to index
      %parallel_loop3A_463 = tpu.vector_load %arg9[%parallel_loop3A_462] {strides = array<i32>} : memref<16384xi32, #tpu.memory_space<vmem>>, vector<16xi32>,
      %parallel_loop3A_464 = vector.shape_cast %parallel_loop3A_463 : vector<16xi32> to vector<16xi32>
      %parallel_loop3A_465 = vector.shape_cast %parallel_loop3A_415 : vector<16xi32> to vector<16xi32>
      tpu.vector_store %arg9[%parallel_loop3A_462], %parallel_loop3A_465 {strides = array<i32>} : memref<16384xi32, #tpu.memory_space<vmem>>, vector<16xi32>,
      %parallel_loop3A_466 = arith.index_cast %parallel_loop3A_115 : i32 to index
      %parallel_loop3A_467 = tpu.vector_load %arg9[%parallel_loop3A_466] {strides = array<i32>} : memref<16384xi32, #tpu.memory_space<vmem>>, vector<16xi32>,
      %parallel_loop3A_468 = vector.shape_cast %parallel_loop3A_467 : vector<16xi32> to vector<16xi32>
      %parallel_loop3A_469 = vector.shape_cast %parallel_loop3A_422 : vector<16xi32> to vector<16xi32>
      tpu.vector_store %arg9[%parallel_loop3A_466], %parallel_loop3A_469 {strides = array<i32>} : memref<16384xi32, #tpu.memory_space<vmem>>, vector<16xi32>,
      %parallel_loop3A_470 = arith.index_cast %parallel_loop3A_121 : i32 to index
      %parallel_loop3A_471 = tpu.vector_load %arg9[%parallel_loop3A_470] {strides = array<i32>} : memref<16384xi32, #tpu.memory_space<vmem>>, vector<16xi32>,
      %parallel_loop3A_472 = vector.shape_cast %parallel_loop3A_471 : vector<16xi32> to vector<16xi32>
      %parallel_loop3A_473 = vector.shape_cast %parallel_loop3A_429 : vector<16xi32> to vector<16xi32>
      tpu.vector_store %arg9[%parallel_loop3A_470], %parallel_loop3A_473 {strides = array<i32>} : memref<16384xi32, #tpu.memory_space<vmem>>, vector<16xi32>,
      %parallel_loop3A_474 = arith.index_cast %parallel_loop3A_127 : i32 to index
      %parallel_loop3A_475 = tpu.vector_load %arg9[%parallel_loop3A_474] {strides = array<i32>} : memref<16384xi32, #tpu.memory_space<vmem>>, vector<16xi32>,
      %parallel_loop3A_476 = vector.shape_cast %parallel_loop3A_475 : vector<16xi32> to vector<16xi32>
      %parallel_loop3A_477 = vector.shape_cast %parallel_loop3A_436 : vector<16xi32> to vector<16xi32>
      tpu.vector_store %arg9[%parallel_loop3A_474], %parallel_loop3A_477 {strides = array<i32>} : memref<16384xi32, #tpu.memory_space<vmem>>, vector<16xi32>,
      %parallel_loop3A_478 = arith.index_cast %parallel_loop3A_133 : i32 to index
      %parallel_loop3A_479 = tpu.vector_load %arg9[%parallel_loop3A_478] {strides = array<i32>} : memref<16384xi32, #tpu.memory_space<vmem>>, vector<16xi32>,
      %parallel_loop3A_480 = vector.shape_cast %parallel_loop3A_479 : vector<16xi32> to vector<16xi32>
      %parallel_loop3A_481 = vector.shape_cast %parallel_loop3A_443 : vector<16xi32> to vector<16xi32>
      tpu.vector_store %arg9[%parallel_loop3A_478], %parallel_loop3A_481 {strides = array<i32>} : memref<16384xi32, #tpu.memory_space<vmem>>, vector<16xi32>,
      %parallel_loop3A_482 = arith.index_cast %parallel_loop3A_139 : i32 to index
      %parallel_loop3A_483 = tpu.vector_load %arg9[%parallel_loop3A_482] {strides = array<i32>} : memref<16384xi32, #tpu.memory_space<vmem>>, vector<16xi32>,
      %parallel_loop3A_484 = vector.shape_cast %parallel_loop3A_483 : vector<16xi32> to vector<16xi32>
      %parallel_loop3A_485 = vector.shape_cast %parallel_loop3A_450 : vector<16xi32> to vector<16xi32>
      tpu.vector_store %arg9[%parallel_loop3A_482], %parallel_loop3A_485 {strides = array<i32>} : memref<16384xi32, #tpu.memory_space<vmem>>, vector<16xi32>,
      %parallel_loop3A_486 = arith.index_cast %parallel_loop3A_145 : i32 to index
      %parallel_loop3A_487 = tpu.vector_load %arg9[%parallel_loop3A_486] {strides = array<i32>} : memref<16384xi32, #tpu.memory_space<vmem>>, vector<16xi32>,
      %parallel_loop3A_488 = vector.shape_cast %parallel_loop3A_487 : vector<16xi32> to vector<16xi32>
      %parallel_loop3A_489 = vector.shape_cast %parallel_loop3A_457 : vector<16xi32> to vector<16xi32>
      tpu.vector_store %arg9[%parallel_loop3A_486], %parallel_loop3A_489 {strides = array<i32>} : memref<16384xi32, #tpu.memory_space<vmem>>, vector<16xi32>,
    } {sc.loop_unroll_factor = 2 : i64, sc.parallel_access}
    %add3A_85 = arith.constant 507904 : i32
    %add3A_86 = arith.addi %mul3A_18, %add3A_85 : i32
    %dma_start3A_87 = tpu.memref_slice %arg4[%add3A_86] : memref<16777216xi32, #tpu.memory_space<hbm>> -> memref<16384xi32, #tpu.memory_space<hbm>>
    %dma_start3A_88 = tpu.memref_slice %arg4[%add3A_86] : memref<16777216xi32, #tpu.memory_space<hbm>> -> memref<16384xi32, #tpu.memory_space<hbm>>
    tpu.enqueue_dma source(%arg9 : memref<16384xi32, #tpu.memory_space<vmem>>) target(%dma_start3A_88 : memref<16384xi32, #tpu.memory_space<hbm>>) target_semaphore(%arg13 : memref<!tpu.dma_semaphore, #tpu.memory_space<semaphore_mem>>)
    %add3A_89 = arith.constant 491520 : i32
    %add3A_90 = arith.addi %mul3A_18, %add3A_89 : i32
    %dma_wait3A_91 = tpu.memref_slice %arg4[%add3A_90] : memref<16777216xi32, #tpu.memory_space<hbm>> -> memref<16384xi32, #tpu.memory_space<hbm>>
    %dma_wait3A_92 = tpu.memref_slice %arg4[%add3A_90] : memref<16777216xi32, #tpu.memory_space<hbm>> -> memref<16384xi32, #tpu.memory_space<hbm>>
    tpu.wait_dma2 semaphore(%arg12 : memref<!tpu.dma_semaphore, #tpu.memory_space<semaphore_mem>>) src(%arg8 : memref<16384xi32, #tpu.memory_space<vmem>>) dst(%dma_wait3A_92 : memref<16384xi32, #tpu.memory_space<hbm>>)
    %add3A_93 = arith.constant 507904 : i32
    %add3A_94 = arith.addi %mul3A_18, %add3A_93 : i32
    %dma_wait3A_95 = tpu.memref_slice %arg4[%add3A_94] : memref<16777216xi32, #tpu.memory_space<hbm>> -> memref<16384xi32, #tpu.memory_space<hbm>>
    %dma_wait3A_96 = tpu.memref_slice %arg4[%add3A_94] : memref<16777216xi32, #tpu.memory_space<hbm>> -> memref<16384xi32, #tpu.memory_space<hbm>>
    tpu.wait_dma2 semaphore(%arg13 : memref<!tpu.dma_semaphore, #tpu.memory_space<semaphore_mem>>) src(%arg9 : memref<16384xi32, #tpu.memory_space<vmem>>) dst(%dma_wait3A_96 : memref<16384xi32, #tpu.memory_space<hbm>>)
    return
  }
}

</mosaic_0001>

<sc_bundles>
// kernel: kernel.3.cloned.1.call-start
scs
__scs_entry_jumppad:
0x0: {  	(pc) =	sbr.rel $0x88, $3  }
0x1: {  	(tag) =	ssettag $0x0;
	lr =	simm.s32 $0x1  }
0x2: {  	[smem:$0x3F9F] =	sst lr;
	_ =	strace $0xD0000000  }
0x3: {  	_ = 	snop  }
0x4: {  	_ = 	snop  }
0x5: {  	_ = 	snop  }
0x6: {  	_ = 	snop  }
0x7: {  	_ = 	snop  }
__scs_overlays_trampoline_lowered:
0x8: {  	[smem:$0x3FAE] =	sst s0  }
0x9: {  	[smem:$0x3FAF] =	sst s1  }
0xa: {  	[smem:$0x3FB0] =	sst s2  }
0xb: {  	[smem:$0x3FB1] =	sst s3  }
0xc: {  	[smem:$0x3FB2] =	sst s4  }
0xd: {  	[smem:$0x3FB3] =	sst s5  }
0xe: {  	[smem:$0x3FB4] =	sst s6  }
0xf: {  	[smem:$0x3FB5] =	sst s7  }
0x10: {  	[smem:$0x3FB6] =	sst s8  }
0x11: {  	[smem:$0x3FB7] =	sst s9;
	s0 =	simm.s32 @!p0 $0x0  }
0x12: {  	s1 =	sld [smem:$0x3F9D];
	s0 =	simm.s32 @p0 $0x1  }
0x13: {  	[smem:$0x3FB8] =	sst s0;
	s0 =	simm.s32 @!p1 $0x0  }
0x14: {  	s2 =	sld [smem:$0x3F9C];
	s0 =	simm.s32 @p1 $0x1  }
0x15: {  	[smem:$0x3FB9] =	sst s0;
	s0 =	simm.s32 @!p2 $0x0  }
0x16: {  	s3 =	sld [smem:$0x3FDB];
	s0 =	simm.s32 @p2 $0x1  }
0x17: {  	s4 =	simm.s32 $0x1BF5;
	[smem:$0x3FBB] =	sst s0  }
0x18: {  	s0 =	sld [smem:$0x3F9E];
	_ =	swait.ge [sflag:s4], $0x0  }
0x19: {  	s7 =	sld [smem:$0x3F9F]  }
0x1a: {  	s8 =	sadd.s32 $0xFFFFE003, lr  }
0x1b: {  	s9 =	sadd.s32 $0xFFFFFEF7, lr;
	s5 =	simm.s32 $0xFFFFFFFF;
	p2 =	slt.u32 s8, $0xFFFFF086  }
0x1c: {  	p1 =	slt.u32 s9, $0xF7A;
	s5 =	simm.s32 @!p2 $0x0  }
0x1d: {  	s5 =	simm.s32 @p1 $0x1;
	p0 =	seq.s32 s7, s2  }
0x1e: {  	s7 =	smul.u32 @!p0 $0xF7A, s2;
	p2 =	seq.s32 @!p0 s5, $0x0  }
0x1f: {  	s9 =	smul.u32 $0xF7A, s1;
	s8 =	simm.s32 @!p0 $0x1BF5;
	p2 =	por !p2, p0  }
0x20: {  	[sflag:s8] =	ssyncset.s32 @!p0 $0xFFFFF086;
	s6 =	sadd.s32 @!p0 s3, s7;
	s7 =	simm.s32 @!p0 $0x108  }
0x21: {  	s3 =	sadd.s32 s3, s9;
	s6 =	sadd.s32 @!p0 $0x88, s6;
	s7 =	simm.s32 @p2 $0x1082  }
0x22: {  	[simem:s7], [sflag:s8] =	dma.local @!p0 [hbm:s6], $0xF7A  }
0x23: {  	s9 =	sor.u32 $0xD0000000, s2;
	s6 =	simm.s32 $0x108;
	_ =	swait.ge @!p0 [sflag:s8], $0x0  }
0x24: {  	s3 =	sadd.s32 $0x88, s3;
	s6 =	simm.s32 @!p1 $0x1082;
	[sflag:s4] =	ssyncset.s32 $0xFFFFF086  }
0x25: {  	[simem:s6], [sflag:s4] =	dma.local [hbm:s3], $0xF7A  }
0x26: {  	[smem:$0x3F9F] =	sst s1;
	(tag) =	ssettag s2;
	_ =	strace s9  }
0x27: {  	s1 =	sld [smem:$0x3FAF]  }
0x28: {  	s2 =	sld [smem:$0x3FB0]  }
0x29: {  	s4 =	sld [smem:$0x3FB2]  }
0x2a: {  	p0 =	seq.s32 s5, $0x0;
	s5 =	sld [smem:$0x3FB3]  }
0x2b: {  	s6 =	sld [smem:$0x3FB4]  }
0x2c: {  	s7 =	sld [smem:$0x3FB5]  }
0x2d: {  	s3 =	simm.s32 $0x108;
	s8 =	sld [smem:$0x3FB6]  }
0x2e: {  	s3 =	simm.s32 @!p0 $0x1082;
	s9 =	sld [smem:$0x3FB7]  }
0x2f: {  	lr =	sadd.s32 s0, s3;
	s0 =	sld [smem:$0x3FAE]  }
0x30: {  	s3 =	sld [smem:$0x3FB1]  }
0x31: {  	[smem:$0x3FBA] =	sst s10  }
0x32: {  	s10 =	sld [smem:$0x3FB8];
	_ =	sdelay $0x3  }
0x33: {  	p0 =	seq.s32 s10, $0x1;
	s10 =	sld [smem:$0x3FBA];
	_ =	sdelay $0x3  }
0x34: {  	[smem:$0x3FBA] =	sst s10  }
0x35: {  	s10 =	sld [smem:$0x3FB9];
	_ =	sdelay $0x3  }
0x36: {  	p1 =	seq.s32 s10, $0x1;
	s10 =	sld [smem:$0x3FBA];
	_ =	sdelay $0x3  }
0x37: {  	[smem:$0x3FBA] =	sst s10  }
0x38: {  	s10 =	sld [smem:$0x3FBB]  }
0x39: {  	_ = 	snop;
	(pc) =	sbr.ind lr, $3  }
0x3a: {  	_ = 	snop  }
0x3b: {  	_ = 	snop  }
0x3c: {  	p2 =	seq.s32 s10, $0x1;
	s10 =	sld [smem:$0x3FBA]  }
0x3d: {  	_ =	shalt  }
0x3e: {  	_ =	shalt  }
0x3f: {  	_ =	shalt  }
0x40: {  	_ =	shalt  }
0x41: {  	_ =	shalt  }
0x42: {  	_ =	shalt  }
0x43: {  	_ =	shalt  }
0x44: {  	_ =	shalt  }
0x45: {  	_ =	shalt  }
0x46: {  	_ =	shalt  }
0x47: {  	_ =	shalt  }
0x48: {  	_ =	shalt  }
0x49: {  	_ =	shalt  }
0x4a: {  	_ =	shalt  }
0x4b: {  	_ =	shalt  }
0x4c: {  	_ =	shalt  }
0x4d: {  	_ =	shalt  }
0x4e: {  	_ =	shalt  }
0x4f: {  	_ =	shalt  }
0x50: {  	_ =	shalt  }
0x51: {  	_ =	shalt  }
0x52: {  	_ =	shalt  }
0x53: {  	_ =	shalt  }
0x54: {  	_ =	shalt  }
0x55: {  	_ =	shalt  }
0x56: {  	_ =	shalt  }
0x57: {  	_ =	shalt  }
0x58: {  	_ =	shalt  }
0x59: {  	_ =	shalt  }
0x5a: {  	_ =	shalt  }
0x5b: {  	_ =	shalt  }
0x5c: {  	_ =	shalt  }
0x5d: {  	_ =	shalt  }
0x5e: {  	_ =	shalt  }
0x5f: {  	_ =	shalt  }
0x60: {  	_ =	shalt  }
0x61: {  	_ =	shalt  }
0x62: {  	_ =	shalt  }
0x63: {  	_ =	shalt  }
0x64: {  	_ =	shalt  }
0x65: {  	_ =	shalt  }
0x66: {  	_ =	shalt  }
0x67: {  	_ =	shalt  }
0x68: {  	_ =	shalt  }
0x69: {  	_ =	shalt  }
0x6a: {  	_ =	shalt  }
0x6b: {  	_ =	shalt  }
0x6c: {  	_ =	shalt  }
0x6d: {  	_ =	shalt  }
0x6e: {  	_ =	shalt  }
0x6f: {  	_ =	shalt  }
0x70: {  	_ =	shalt  }
0x71: {  	_ =	shalt  }
0x72: {  	_ =	shalt  }
0x73: {  	_ =	shalt  }
0x74: {  	_ =	shalt  }
0x75: {  	_ =	shalt  }
0x76: {  	_ =	shalt  }
0x77: {  	_ =	shalt  }
0x78: {  	_ =	shalt  }
0x79: {  	_ =	shalt  }
0x7a: {  	_ =	shalt  }
0x7b: {  	_ =	shalt  }
0x7c: {  	_ =	shalt  }
0x7d: {  	_ =	shalt  }
0x7e: {  	_ =	shalt  }
0x7f: {  	_ =	shalt  }
0x80: {  	_ =	shalt  }
0x81: {  	_ =	shalt  }
0x82: {  	_ =	shalt  }
0x83: {  	_ =	shalt  }
0x84: {  	_ =	shalt  }
0x85: {  	_ =	shalt  }
0x86: {  	_ =	shalt  }
0x87: {  	_ =	shalt  }
.Lfunc_end0:
.L_simem_size_0:
called_computation_lowered:
.L_overlay_start_0:
0x88: {  	s2 =	sld [smem:$0x3FD9]  }
0x89: {  	s3 =	sld [smem:$0x3FFE];
	_ =	sdelay $0x1  }
0x8a: {  	s1 =	srdreg.scid  }
0x8b: {  	s0 =	sand.u32 $0x1, s1  }
0x8c: {  	s17 =	sshll.u32 s0, $0xA;
	s2 =	sadd.s32 s3, s2  }
0x8d: {  	s2 =	sadd.s32 s2, s17  }
0x8e: {  	[smem:$0x3FC6] =	sst s2  }
0x8f: {  	_ = 	snop  }
0x90: {  	s2 =	sld [smem:$0x3FC9]  }
0x91: {  	s18 =	sld [smem:$0x3FD0];
	(tm) =	ssettm $0x1  }
0x92: {  	s4 =	sld [smem:$0x3FFB];
	_ =	sdelay $0x3  }
0x93: {  	_ =	strace s4  }
0x94: {  	s4 =	sld [smem:$0x3FFC];
	_ =	sdelay $0x3  }
0x95: {  	_ =	strace s4  }
0x96: {  	s4 =	sld [smem:$0x3FFD];
	_ =	sdelay $0x3  }
0x97: {  	_ =	strace s4  }
0x98: {  	_ =	strace $0x8FFFFFFF  }
0x99: {  	s19 =	sld [smem:$0x3FDB];
	_ =	sdelay $0x1  }
0x9a: {  	s5 =	simm.s32 $_scs_section_size  }
0x9b: {  	s6 =	simm.s32 $_size__tile_overlayer_lowered;
	s7 =	simm.s32 $_tile_overlayer_lowered  }
0x9c: {  	s22 =	simm.s32 $0x1BFF;
	s21 =	sshll.u32 s7, $0x1;
	s4 =	sadd.s32 s5, s19  }
0x9d: {  	s8 =	simm.s32 $0x0;
	s20 =	sshll.u32 s6, $0x1;
	s6 =	sadd.s32 s21, s4  }
0x9e: {  	[timem:s8], [sflag:s22] =	dma.local [hbm:s6], s20  }
0x9f: {  	_ =	swait.ge [sflag:s22], s20  }
0xa0: {  	s5 =	ssub.s32 $0x0, s20;
	[sflag:s22] =	ssyncset.done $0x0  }
0xa1: {  	[sflag:s22] =	ssyncadd.s32 s5;
	_ =	sdelay $0x1  }
0xa2: {  	s23 =	simm.s32 $0x1B8B  }
0xa3: {  	_ =	swait.ge [sflag:s23], $0x1  }
0xa4: {  	[sflag:s23] =	ssyncset.done $0x0  }
0xa5: {  	s25 =	simm.s32 $0x1B8E;
	s24 =	sld [smem:$0x3FFE];
	[sflag:s23] =	ssyncadd.s32 $0xFFFFFFFF  }
0xa6: {  	s26 =	simm.s32 $execute0_lowered;
	[smem:$0x3FD2] =	sst s25  }
0xa7: {  	s6 =	sshll.u32 s26, $0x1;
	_ =	strace $0x80000046;
	[dreg:$0x1] =	wrdreg $0xFFFFFFFF  }
0xa8: {  	s28 =	simm.s32 $_size_execute0_lowered;
	s4 =	sadd.s32 s4, s6;
	[dreg:$0x0] =	wrdreg $0x0  }
0xa9: {  	s6 =	sshll.u32 s28, $0x1;
	[dreg:$0x2] =	wrdreg s4  }
0xaa: {  	[dreg:$0x3] =	wrdreg s6  }
0xab: {  	[dreg:$0x4] =	wrdreg $0xC0  }
0xac: {  	_ =	task [dreg:s8], $0x5FFFF  }
0xad: {  	[dreg:$0x1] =	wrdreg $0xFFFFFFFF  }
0xae: {  	[dreg:$0x0] =	wrdreg $0x60  }
0xaf: {  	[dreg:$0x2] =	wrdreg s2  }
0xb0: {  	[dreg:$0x3] =	wrdreg s24  }
0xb1: {  	[dreg:$0x4] =	wrdreg s18  }
0xb2: {  	[dreg:$0x5] =	wrdreg $0x9  }
0xb3: {  	_ =	task.clear_ibuf [dreg:s8], $0x6FFFF;
	_ =	strace $0x90000046  }
0xb4: {  	s29 =	simm.s32 $0x9;
	_ =	strace $0x80000048  }
0xb5: {  	_ =	swait.ge [sflag:s29], $0x1  }
0xb6: {  	[sflag:s29] =	ssyncadd.s32 $0xFFFFFFFF  }
0xb7: {  	_ =	strace $0x90000048  }
0xb8: {  	_ =	sfence  }
0xb9: {  	s30 =	sld [smem:$0x0];
	_ =	sdelay $0x2  }
0xba: {  	s31 =	sshll.u32 s1, $0xD;
	s1 =	sshrl.u32 s1, $0x2  }
0xbb: {  	s3 =	sand.u32 $0x4000, s31;
	s1 =	sadd.s32 s1, s30  }
0xbc: {  	s0 =	sor.u32 s3, s0;
	s1 =	sshll.u32 s1, $0x11  }
0xbd: {  	s0 =	sor.u32 s1, s0  }
0xbe: {  	s0 =	sadd.s32 $0x8F2B, s0  }
0xbf: {  	[sflag:s0] =	ssyncadd.remote.s32 $0x1  }
0xc0: {  	_ =	sfence.sel $0xFFFF  }
0xc1: {  	[dreg:$0x0] =	wrdreg $0xFFFFFFFF;
	(pc) =	sbr.abs _section_cstart, $3  }
0xc2: {  	[dreg:$0x1] =	wrdreg $0xFFFFFFFF  }
0xc3: {  	_ =	task.clear_ibuf [dreg:s8], $0x2FFFF;
	_ =	strace $0x9FFFFFFF  }
0xc4: {  	(tm) =	ssettm $0x7FFFFFFF  }
0xc5: {  	_ =	shalt  }
tec
execute0_lowered:
.L_overlay_start_1:
0x0: {  	(tag) =	ssettag $0x1  }
0x1: {  	s1 =	rddreg [dreg:$0x0]  }
0x2: {  	s0 =	rddreg [dreg:$0x1]  }
0x3: {  	s3 =	rddreg [dreg:$0x2]  }
0x4: {  	s2 =	srdreg.scid;
	s5 =	stileid.u32  }
0x5: {  	s4 =	simm.s32 $0x0;
	s18 =	simm.s32 $0x5;
	s19 =	simm.s32 $0x80  }
0x6: {  	s20 =	simm.s32 $0x4080;
	s21 =	simm.s32 $0x1;
	s22 =	simm.s32 $0x8080  }
0x7: {  	s23 =	simm.s32 $0x2;
	s24 =	simm.s32 $0xC080;
	s25 =	simm.s32 $0x3  }
0x8: {  	s28 =	simm.s32 $0x0;
	s2 =	sand.u32 $0x1, s2;
	s5 =	sshll.u32 s5, $0x14  }
0x9: {  	[smem:$0x7FF] =	sst s4;
	s0 =	sadd.s32 $0x400, s0;
	s6 =	sshll.u32 s2, $0x13  }
0xa: {  	s2 =	ssub.s32 $0x2, s2;
	_ =	strace $0x80000047;
	s5 =	sor.u32 s6, s5  }
0xb: {  	[dreg:$0x4] =	wrdreg s0;
	s26 =	sshrl.u32 s2, $0x1;
	s8 =	sshrl.u32 s5, $0x3  }
0xc: {  	v0 =	vlaneseq.u32;
	s29 =	ssub.s32 s2, s26;
	s13 =	sor.u32 $0x8000, s5;
	s14 =	sor.u32 $0xC000, s5  }
0xd: {  	v1 =	vshrl.u32 v0, $0x2;
	v0 =	vshrl.u32 v0, $0x1;
	s26 =	simm.s32 $0x4;
	s30 =	sor.u32 $0x800, s8;
	s7 =	sadd.s32 s1, s8  }
0xe: {  	v1 =	vmul.u32 $0x4, v1;
	v2 =	vmul.u32 $0x2, v0;
	s9 =	sadd.s32 s3, s8;
	s17 =	smax.u32 s29, $0x1;
	s31 =	sadd.s32 s1, s30  }
0xf: {  	v3 =	vimm.s32 $0x0;
	s10 =	sadd.s32 $0x1000, s7;
	s11 =	sadd.s32 s3, s30;
	s12 =	sadd.s32 $0x1800, s7  }
0x10: {  	v0 =	vimm.s32 $0x7;
	v1 =	vor.u32 $0x3, v1;
	v2 =	vor.u32 $0x1, v2;
	s15 =	sadd.s32 $0xF000, s9;
	s16 =	sadd.s32 $0xF800, s9;
	[dreg:$0x5] =	wrdreg s31  }
.LBB2_1:
0x11: {  	s0 =	rddreg [dreg:$0x4]  }
0x12: {  	[tilespmem:s4], [sflag:$0x5] =	stream.linear.gather [hbm4b:s0+s4], $0x80, $0x38;
	[tilespmem:$0x10080] =	vst v63  }
0x13: {  	_ =	swait.ge [sflag:s18], $0x80  }
0x14: {  	[sflag:s18] =	ssyncset.done $0x0  }
0x15: {  	[sflag:s18] =	ssyncadd.s32 $0xFFFFFF80  }
0x16: {  	v4 =	vld [tilespmem:$0x0];
	[tilespmem:s19], [sflag:$0x1] =	stream.linear.gather [hbm4b:s7+s4], $0x4000, $0x38  }
0x17: {  	s30 =	rddreg [dreg:$0x5]  }
0x18: {  	[tilespmem:s20], [sflag:$0x2] =	stream.linear.gather [hbm4b:s30+s4], $0x4000, $0x38;
	[tilespmem:$0x10080] =	vst v63  }
0x19: {  	_ =	swait.ge [sflag:s21], $0x4000  }
0x1a: {  	[sflag:s21] =	ssyncset.done $0x0  }
0x1b: {  	s31 =	simm.s32 $0x100;
	[sflag:s21] =	ssyncadd.s32 $0xFFFFC000  }
0x1c: {  	v8 =	vld [tilespmem:s31+$0x70]  }
0x1d: {  	v15 =	vld [tilespmem:s31+$0xFFFFFF90]  }
0x1e: {  	v16 =	vld [tilespmem:s31+$0xFFFFFFA0]  }
0x1f: {  	v5 =	vperm.xlane v4, v0;
	v13 =	vld [tilespmem:s31+$0xFFFFFFB0]  }
0x20: {  	v11 =	vld [tilespmem:s31+$0xFFFFFFC0]  }
0x21: {  	v6 =	vperm.xlane v4, v1;
	v10 =	vld [tilespmem:s31+$0xFFFFFFD0];
	vm0 =	vge.f32 v8, v5  }
0x22: {  	v7 =	vperm.xlane v4, v2;
	v12 =	vld [tilespmem:s31+$0xFFFFFFE0];
	vm1 =	vge.f32 v15, v5;
	v9 =	vsel vm0, $0x8, v3  }
0x23: {  	v17 =	vld [tilespmem:s31+$0xFFFFFF80];
	v26 =	vsel vm1, $0x8, v3;
	vm0 =	vge.f32 v16, v5;
	v18 =	vperm.xlane v6, v9  }
0x24: {  	v27 =	vsel vm0, $0x8, v3;
	vm0 =	vge.f32 v13, v5;
	v20 =	vperm.xlane v6, v26  }
0x25: {  	v14 =	vld [tilespmem:s31+$0xFFFFFFF0];
	v28 =	vsel vm0, $0x8, v3;
	vm0 =	vge.f32 v11, v5;
	v21 =	vperm.xlane v6, v27  }
0x26: {  	vm1 =	vge.f32 v8, v18;
	v29 =	vsel vm0, $0x8, v3;
	vm0 =	vge.f32 v10, v5  }
0x27: {  	v22 =	vperm.xlane v6, v28;
	vm7 =	vge.f32 v15, v20;
	v18 =	vsel vm1, $0x4, v3  }
0x28: {  	v30 =	vsel vm0, $0x8, v3;
	vm0 =	vge.f32 v12, v5;
	vm1 =	vge.f32 v17, v5  }
0x29: {  	v23 =	vperm.xlane v6, v29;
	v9 =	vor.u32 v9, v18;
	v31 =	vsel vm0, $0x8, v3  }
0x2a: {  	vm0 =	vge.f32 v14, v5;
	v33 =	vsel vm1, $0x8, v3;
	v25 =	vperm.xlane v6, v30  }
0x2b: {  	vm1 =	vge.f32 v13, v22;
	v18 =	vperm.xlane v7, v9;
	v32 =	vsel vm0, $0x8, v3  }
0x2c: {  	v19 =	vperm.xlane v6, v33;
	v34 =	vperm.xlane v6, v31;
	vm2 =	vge.f32 v11, v23  }
0x2d: {  	v58 =	vsel vm1, $0x4, v3;
	vm3 =	vge.f32 v10, v25;
	v59 =	vsel vm2, $0x4, v3  }
0x2e: {  	v28 =	vor.u32 v28, v58;
	vm0 =	vge.f32 v8, v18;
	vm6 =	vge.f32 v17, v19  }
0x2f: {  	vm4 =	vge.f32 v12, v34;
	v60 =	vsel vm3, $0x4, v3;
	v29 =	vor.u32 v29, v59  }
0x30: {  	v18 =	vld [tilespmem:s31+$0x0];
	v24 =	vsel vm0, $0x2, v3;
	vm0 =	vge.f32 v16, v21;
	v55 =	vsel vm6, $0x4, v3  }
0x31: {  	v61 =	vsel vm4, $0x4, v3;
	v30 =	vor.u32 v30, v60;
	v53 =	vperm.xlane v7, v29  }
0x32: {  	v9 =	vor.u32 v9, v24;
	v24 =	vperm.xlane v6, v32;
	v33 =	vor.u32 v33, v55  }
0x33: {  	v19 =	vld [tilespmem:s31+$0x10];
	v57 =	vsel vm0, $0x4, v3;
	v31 =	vor.u32 v31, v61;
	v35 =	vperm.xlane v4, v9  }
0x34: {  	v21 =	vld [tilespmem:s31+$0x20];
	v27 =	vor.u32 v27, v57;
	v54 =	vperm.xlane v7, v31;
	vm4 =	vge.f32 v11, v53  }
0x35: {  	v22 =	vld [tilespmem:s31+$0x30];
	vm5 =	vge.f32 v14, v24;
	vm8 =	vge.f32 v8, v35;
	vm6 =	vge.f32 v18, v5  }
0x36: {  	v23 =	vld [tilespmem:s31+$0x40];
	v62 =	vsel vm5, $0x4, v3;
	vm5 =	vge.f32 v12, v54;
	v8 =	vsel vm8, $0x1, v3  }
0x37: {  	v32 =	vor.u32 v32, v62;
	v20 =	vor.u32 v8, v9;
	v8 =	vsel vm7, $0x4, v3  }
0x38: {  	v24 =	vld [tilespmem:s31+$0x50];
	v9 =	vsel vm6, $0x8, v3;
	vm6 =	vge.f32 v19, v5;
	v55 =	vperm.xlane v7, v32  }
0x39: {  	v25 =	vld [tilespmem:s31+$0x60];
	v35 =	vsel vm6, $0x8, v3;
	vm6 =	vge.f32 v21, v5;
	v36 =	vperm.xlane v6, v9  }
0x3a: {  	v8 =	vor.u32 v26, v8;
	v37 =	vsel vm6, $0x8, v3;
	vm6 =	vge.f32 v22, v5  }
0x3b: {  	v38 =	vperm.xlane v6, v35;
	v39 =	vsel vm6, $0x8, v3;
	vm6 =	vge.f32 v23, v5  }
0x3c: {  	v26 =	vperm.xlane v7, v33;
	v40 =	vperm.xlane v6, v37;
	v41 =	vsel vm6, $0x8, v3  }
0x3d: {  	vm6 =	vge.f32 v24, v5;
	v42 =	vperm.xlane v6, v39;
	vm7 =	vge.f32 v19, v38  }
0x3e: {  	v43 =	vsel vm6, $0x8, v3;
	vm6 =	vge.f32 v25, v5;
	v44 =	vperm.xlane v6, v41  }
0x3f: {  	vm15 =	vge.f32 v21, v40;
	v47 =	vsel vm7, $0x4, v3;
	v45 =	vsel vm6, $0x8, v3  }
0x40: {  	v46 =	vperm.xlane v6, v43;
	vm6 =	vge.f32 v18, v36;
	vm9 =	vge.f32 v22, v42  }
0x41: {  	v48 =	vsel vm15, $0x4, v3;
	v40 =	vor.u32 v35, v47;
	v56 =	vperm.xlane v6, v45  }
0x42: {  	vm10 =	vge.f32 v23, v44;
	v63 =	vsel vm6, $0x4, v3;
	v49 =	vsel vm9, $0x4, v3  }
0x43: {  	v42 =	vor.u32 v37, v48;
	v57 =	vperm.xlane v7, v40;
	vm6 =	vge.f32 v14, v55  }
0x44: {  	vm11 =	vge.f32 v24, v46;
	v50 =	vsel vm10, $0x4, v3;
	v9 =	vor.u32 v9, v63  }
0x45: {  	v39 =	vor.u32 v39, v49;
	v58 =	vperm.xlane v7, v42;
	vm0 =	vge.f32 v25, v56  }
0x46: {  	v51 =	vsel vm11, $0x4, v3;
	v41 =	vor.u32 v41, v50;
	v50 =	vperm.xlane v7, v8  }
0x47: {  	v56 =	vperm.xlane v7, v9;
	v59 =	vperm.xlane v7, v39;
	vm8 =	vge.f32 v19, v57  }
0x48: {  	v52 =	vsel vm0, $0x4, v3;
	v43 =	vor.u32 v43, v51;
	v51 =	vperm.xlane v7, v27  }
0x49: {  	vm0 =	vge.f32 v17, v26;
	v26 =	vperm.xlane v7, v30;
	v60 =	vperm.xlane v7, v41  }
0x4a: {  	vm9 =	vge.f32 v21, v58;
	v58 =	vsel vm5, $0x2, v3;
	v44 =	vor.u32 v45, v52  }
0x4b: {  	v52 =	vperm.xlane v7, v28;
	vm1 =	vge.f32 v15, v50;
	v61 =	vsel vm0, $0x2, v3  }
0x4c: {  	v62 =	vperm.xlane v7, v43;
	vm7 =	vge.f32 v18, v56;
	vm10 =	vge.f32 v22, v59  }
0x4d: {  	v45 =	vsel vm4, $0x2, v3;
	v59 =	vsel vm6, $0x2, v3;
	vm2 =	vge.f32 v16, v51  }
0x4e: {  	vm0 =	vge.f32 v10, v26;
	v26 =	vor.u32 v33, v61;
	v63 =	vperm.xlane v7, v44  }
0x4f: {  	vm11 =	vge.f32 v23, v60;
	v38 =	vsel vm1, $0x2, v3;
	v60 =	vsel vm7, $0x2, v3  }
0x50: {  	v61 =	vsel vm8, $0x2, v3;
	v32 =	vor.u32 v32, v59;
	vm3 =	vge.f32 v13, v52  }
0x51: {  	vm12 =	vge.f32 v24, v62;
	v34 =	vsel vm2, $0x2, v3;
	v57 =	vsel vm0, $0x2, v3  }
0x52: {  	v62 =	vsel vm9, $0x2, v3;
	v53 =	vsel vm11, $0x2, v3;
	v38 =	vor.u32 v8, v38  }
0x53: {  	vm13 =	vge.f32 v25, v63;
	v35 =	vsel vm3, $0x2, v3;
	v63 =	vsel vm10, $0x2, v3  }
0x54: {  	v54 =	vsel vm12, $0x2, v3;
	v36 =	vor.u32 v27, v34;
	v33 =	vor.u32 v30, v57  }
0x55: {  	v34 =	vor.u32 v31, v58;
	v31 =	vor.u32 v9, v60;
	v30 =	vor.u32 v40, v61  }
0x56: {  	v27 =	vor.u32 v41, v53;
	v56 =	vperm.xlane v4, v38;
	v61 =	vperm.xlane v4, v32  }
0x57: {  	v55 =	vsel vm13, $0x2, v3;
	v37 =	vor.u32 v28, v35;
	v35 =	vor.u32 v29, v45  }
0x58: {  	v29 =	vor.u32 v42, v62;
	v9 =	vor.u32 v43, v54;
	v54 =	vperm.xlane v4, v26  }
0x59: {  	v28 =	vor.u32 v39, v63;
	v57 =	vperm.xlane v4, v36;
	v60 =	vperm.xlane v4, v33  }
0x5a: {  	v8 =	vor.u32 v44, v55;
	v58 =	vperm.xlane v4, v37;
	v59 =	vperm.xlane v4, v35  }
0x5b: {  	vm5 =	vge.f32 v15, v56;
	v15 =	vperm.xlane v4, v31;
	v62 =	vperm.xlane v4, v28  }
0x5c: {  	v63 =	vperm.xlane v4, v9;
	vm11 =	vge.f32 v14, v61;
	vm0 =	vge.f32 v17, v54  }
0x5d: {  	v17 =	vperm.xlane v4, v34;
	vm6 =	vge.f32 v16, v57;
	v16 =	vperm.xlane v4, v30  }
0x5e: {  	vm9 =	vge.f32 v10, v60;
	v10 =	vperm.xlane v4, v8;
	vm7 =	vge.f32 v13, v58  }
0x5f: {  	v13 =	vperm.xlane v4, v29;
	vm8 =	vge.f32 v11, v59;
	v11 =	vperm.xlane v4, v27  }
0x60: {  	vm12 =	vge.f32 v18, v15;
	vm3 =	vge.f32 v22, v62;
	vm1 =	vge.f32 v24, v63  }
0x61: {  	v22 =	vsel vm5, $0x1, v3;
	v18 =	vsel vm9, $0x1, v3;
	vm10 =	vge.f32 v12, v17  }
0x62: {  	vm13 =	vge.f32 v19, v16;
	v12 =	vsel vm7, $0x1, v3;
	v19 =	vsel vm8, $0x1, v3  }
0x63: {  	v16 =	vsel vm11, $0x1, v3;
	v15 =	vsel vm12, $0x1, v3;
	vm4 =	vge.f32 v21, v13  }
0x64: {  	s29 =	simm.s32 $0x8100;
	vm2 =	vge.f32 v23, v11;
	v11 =	vsel vm0, $0x1, v3;
	vm0 =	vge.f32 v25, v10  }
0x65: {  	s2 =	simm.s32 $0x0;
	s6 =	simm.s32 $0x200;
	s0 =	simm.s32 $0x8100;
	[tilespmem:s29+$0x70] =	vst v20;
	v21 =	vsel vm6, $0x1, v3;
	v13 =	vsel vm10, $0x1, v3;
	v14 =	vsel vm13, $0x1, v3  }
.LBB2_2:
0x66: {  	v23 =	vld [tilespmem:s6+$0x70];
	s2 =	sadd.s32 $0x2, s2;
	v20 =	vsel vm4, $0x1, v3;
	v24 =	vsel vm3, $0x1, v3;
	v25 =	vsel vm2, $0x1, v3  }
0x67: {  	v39 =	vor.u32 v11, v26;
	v26 =	vsel vm1, $0x1, v3;
	v17 =	vsel vm0, $0x1, v3;
	v10 =	vld [tilespmem:s6+$0xFFFFFF90];
	p0 =	slt.u32 s2, $0x7E  }
0x68: {  	v22 =	vor.u32 v22, v38;
	v21 =	vor.u32 v21, v36;
	v36 =	vor.u32 v12, v37;
	v11 =	vld [tilespmem:s6+$0xFFFFFFA0];
	[tilespmem:s29+$0xFFFFFF80] =	vst v39  }
0x69: {  	v19 =	vor.u32 v19, v35;
	v18 =	vor.u32 v18, v33;
	v33 =	vor.u32 v13, v34;
	v12 =	vld [tilespmem:s6+$0xFFFFFFB0];
	[tilespmem:s29+$0xFFFFFF90] =	vst v22  }
0x6a: {  	v30 =	vor.u32 v14, v30;
	v22 =	vor.u32 v16, v32;
	v13 =	vld [tilespmem:s6+$0xFFFFFFC0];
	[tilespmem:s29+$0xFFFFFFA0] =	vst v21;
	v21 =	vor.u32 v15, v31  }
0x6b: {  	v20 =	vor.u32 v20, v29;
	v24 =	vor.u32 v24, v28;
	v14 =	vld [tilespmem:s6+$0xFFFFFFD0];
	vm0 =	vge.f32 v23, v5;
	[tilespmem:s29+$0xFFFFFFB0] =	vst v36  }
0x6c: {  	v15 =	vld [tilespmem:s6+$0xFFFFFFE0];
	vm1 =	vge.f32 v10, v5;
	v29 =	vsel vm0, $0x8, v3;
	[tilespmem:s29+$0xFFFFFFC0] =	vst v19;
	v19 =	vor.u32 v25, v27  }
0x6d: {  	v16 =	vld [tilespmem:s6+$0xFFFFFFF0];
	v27 =	vsel vm1, $0x8, v3;
	vm0 =	vge.f32 v11, v5;
	v25 =	vperm.xlane v6, v29;
	[tilespmem:s29+$0xFFFFFFD0] =	vst v18  }
0x6e: {  	v18 =	vld [tilespmem:s6+$0xFFFFFF80];
	v28 =	vsel vm0, $0x8, v3;
	vm0 =	vge.f32 v12, v5;
	v31 =	vperm.xlane v6, v27;
	[tilespmem:s29+$0xFFFFFFE0] =	vst v33  }
0x6f: {  	v32 =	vsel vm0, $0x8, v3;
	vm0 =	vge.f32 v13, v5;
	vm1 =	vge.f32 v23, v25;
	[tilespmem:s29+$0xFFFFFFF0] =	vst v22  }
0x70: {  	v33 =	vsel vm0, $0x8, v3;
	vm0 =	vge.f32 v14, v5;
	v22 =	vsel vm1, $0x4, v3;
	[tilespmem:s29+$0x0] =	vst v21  }
0x71: {  	v34 =	vsel vm0, $0x8, v3;
	vm0 =	vge.f32 v15, v5;
	v21 =	vor.u32 v29, v22;
	[tilespmem:s29+$0x10] =	vst v30  }
0x72: {  	v29 =	vsel vm0, $0x8, v3;
	vm0 =	vge.f32 v16, v5;
	v22 =	vperm.xlane v7, v21;
	[tilespmem:s29+$0x20] =	vst v20  }
0x73: {  	v25 =	vperm.xlane v6, v28;
	vm1 =	vge.f32 v18, v5;
	v30 =	vsel vm0, $0x8, v3;
	[tilespmem:s29+$0x30] =	vst v24  }
0x74: {  	v24 =	vperm.xlane v6, v32;
	v35 =	vsel vm1, $0x8, v3;
	vm0 =	vge.f32 v23, v22;
	[tilespmem:s29+$0x40] =	vst v19  }
0x75: {  	v22 =	vperm.xlane v6, v33;
	v20 =	vperm.xlane v6, v35;
	v36 =	vsel vm0, $0x2, v3  }
0x76: {  	v37 =	vperm.xlane v6, v34;
	v38 =	vperm.xlane v6, v29;
	v19 =	vld [tilespmem:s6+$0x0];
	v36 =	vor.u32 v21, v36  }
0x77: {  	v39 =	vperm.xlane v6, v30;
	vm6 =	vge.f32 v18, v20;
	v20 =	vld [tilespmem:s6+$0x10];
	v40 =	vperm.xlane v4, v36  }
0x78: {  	vm7 =	vge.f32 v10, v31;
	vm0 =	vge.f32 v11, v25;
	vm1 =	vge.f32 v12, v24;
	v21 =	vld [tilespmem:s6+$0x20]  }
0x79: {  	vm3 =	vge.f32 v14, v37;
	vm2 =	vge.f32 v13, v22;
	v22 =	vld [tilespmem:s6+$0x30];
	vm8 =	vge.f32 v23, v40  }
0x7a: {  	vm5 =	vge.f32 v15, v38;
	vm4 =	vge.f32 v16, v39;
	v23 =	vld [tilespmem:s6+$0x40];
	v25 =	vsel vm8, $0x1, v3  }
0x7b: {  	s29 =	sadd.s32 $0x100, s29;
	v31 =	vsel vm6, $0x4, v3;
	v24 =	vld [tilespmem:s6+$0x50];
	vm6 =	vge.f32 v19, v5;
	v36 =	vor.u32 v25, v36  }
0x7c: {  	v37 =	vsel vm7, $0x4, v3;
	v25 =	vld [tilespmem:s6+$0x60];
	v38 =	vsel vm6, $0x8, v3;
	vm6 =	vge.f32 v20, v5;
	[tilespmem:s29+$0x70] =	vst v36  }
0x7d: {  	v36 =	vsel vm6, $0x8, v3;
	vm6 =	vge.f32 v21, v5;
	v39 =	vperm.xlane v6, v38  }
0x7e: {  	v40 =	vsel vm6, $0x8, v3;
	vm6 =	vge.f32 v22, v5;
	v41 =	vperm.xlane v6, v36  }
0x7f: {  	v42 =	vsel vm6, $0x8, v3;
	vm6 =	vge.f32 v23, v5;
	v43 =	vperm.xlane v6, v40  }
0x80: {  	v44 =	vsel vm6, $0x8, v3;
	vm6 =	vge.f32 v24, v5;
	v45 =	vperm.xlane v6, v42  }
0x81: {  	v46 =	vsel vm6, $0x8, v3;
	vm6 =	vge.f32 v25, v5;
	v47 =	vperm.xlane v6, v44  }
0x82: {  	v48 =	vsel vm6, $0x8, v3;
	v49 =	vperm.xlane v6, v46;
	vm6 =	vge.f32 v19, v39  }
0x83: {  	vm7 =	vge.f32 v20, v41;
	vm8 =	vge.f32 v21, v43;
	v39 =	vperm.xlane v6, v48  }
0x84: {  	vm9 =	vge.f32 v22, v45;
	vm10 =	vge.f32 v23, v47;
	vm11 =	vge.f32 v24, v49  }
0x85: {  	v41 =	vsel vm0, $0x4, v3;
	v43 =	vsel vm1, $0x4, v3;
	vm0 =	vge.f32 v25, v39  }
0x86: {  	v45 =	vsel vm3, $0x4, v3;
	v47 =	vsel vm5, $0x4, v3;
	v39 =	vsel vm2, $0x4, v3  }
0x87: {  	v51 =	vsel vm7, $0x4, v3;
	v50 =	vsel vm6, $0x4, v3;
	v49 =	vsel vm4, $0x4, v3  }
0x88: {  	v52 =	vsel vm8, $0x4, v3;
	v53 =	vsel vm9, $0x4, v3;
	v54 =	vsel vm10, $0x4, v3  }
0x89: {  	v31 =	vor.u32 v35, v31;
	v35 =	vsel vm11, $0x4, v3;
	v55 =	vsel vm0, $0x4, v3  }
0x8a: {  	v27 =	vor.u32 v27, v37;
	v28 =	vor.u32 v28, v41;
	v32 =	vor.u32 v32, v43  }
0x8b: {  	v34 =	vor.u32 v34, v45;
	v29 =	vor.u32 v29, v47;
	v33 =	vor.u32 v33, v39  }
0x8c: {  	v41 =	vor.u32 v36, v51;
	v30 =	vor.u32 v30, v49;
	v39 =	vor.u32 v38, v50  }
0x8d: {  	v40 =	vor.u32 v40, v52;
	v42 =	vor.u32 v42, v53;
	v43 =	vor.u32 v44, v54  }
0x8e: {  	v36 =	vperm.xlane v7, v31;
	v44 =	vor.u32 v46, v35;
	v45 =	vor.u32 v48, v55  }
0x8f: {  	v9 =	vor.u32 v26, v9;
	v37 =	vperm.xlane v7, v28;
	v35 =	vperm.xlane v7, v27  }
0x90: {  	v26 =	vperm.xlane v7, v32;
	vm0 =	vge.f32 v18, v36;
	v38 =	vperm.xlane v7, v33;
	[tilespmem:s0+$0x50] =	vst v9  }
0x91: {  	v36 =	vperm.xlane v7, v29;
	vm1 =	vge.f32 v10, v35;
	v9 =	vperm.xlane v7, v34  }
0x92: {  	vm2 =	vge.f32 v11, v37;
	v37 =	vperm.xlane v7, v39;
	v35 =	vperm.xlane v7, v30  }
0x93: {  	vm3 =	vge.f32 v12, v26;
	v26 =	vperm.xlane v7, v41;
	v46 =	vperm.xlane v7, v40  }
0x94: {  	v47 =	vperm.xlane v7, v43;
	vm4 =	vge.f32 v13, v38;
	v38 =	vperm.xlane v7, v42  }
0x95: {  	v48 =	vperm.xlane v7, v45;
	vm5 =	vge.f32 v14, v9;
	v9 =	vperm.xlane v7, v44  }
0x96: {  	vm6 =	vge.f32 v15, v36;
	vm8 =	vge.f32 v19, v37;
	vm7 =	vge.f32 v16, v35  }
0x97: {  	vm9 =	vge.f32 v20, v26;
	vm10 =	vge.f32 v21, v46;
	vm11 =	vge.f32 v22, v38  }
0x98: {  	vm12 =	vge.f32 v23, v47;
	vm14 =	vge.f32 v25, v48;
	vm13 =	vge.f32 v24, v9  }
0x99: {  	v36 =	vsel vm2, $0x2, v3;
	v35 =	vsel vm1, $0x2, v3;
	v9 =	vsel vm0, $0x2, v3  }
0x9a: {  	v37 =	vsel vm3, $0x2, v3;
	v46 =	vsel vm4, $0x2, v3;
	v47 =	vsel vm5, $0x2, v3  }
0x9b: {  	v48 =	vsel vm6, $0x2, v3;
	v50 =	vsel vm8, $0x2, v3;
	v49 =	vsel vm7, $0x2, v3  }
0x9c: {  	v51 =	vsel vm9, $0x2, v3;
	v52 =	vsel vm10, $0x2, v3;
	v53 =	vsel vm11, $0x2, v3  }
0x9d: {  	v54 =	vsel vm12, $0x2, v3;
	v56 =	vsel vm14, $0x2, v3;
	v55 =	vsel vm13, $0x2, v3  }
0x9e: {  	v36 =	vor.u32 v28, v36;
	v38 =	vor.u32 v27, v35;
	v26 =	vor.u32 v31, v9  }
0x9f: {  	v37 =	vor.u32 v32, v37;
	v35 =	vor.u32 v33, v46;
	v33 =	vor.u32 v34, v47  }
0xa0: {  	v32 =	vor.u32 v30, v49;
	v34 =	vor.u32 v29, v48;
	v31 =	vor.u32 v39, v50  }
0xa1: {  	v30 =	vor.u32 v41, v51;
	v28 =	vor.u32 v42, v53;
	v29 =	vor.u32 v40, v52  }
0xa2: {  	v27 =	vor.u32 v43, v54;
	v39 =	vor.u32 v45, v56;
	v9 =	vor.u32 v44, v55  }
0xa3: {  	v17 =	vor.u32 v17, v8;
	v41 =	vperm.xlane v4, v38;
	v40 =	vperm.xlane v4, v26;
	v8 =	vmovc v39  }
0xa4: {  	v42 =	vperm.xlane v4, v37;
	v39 =	vperm.xlane v4, v36;
	[tilespmem:s0+$0x60] =	vst v17;
	s0 =	smov.u32 s29  }
0xa5: {  	v43 =	vperm.xlane v4, v33;
	vm0 =	vge.f32 v18, v40;
	v17 =	vperm.xlane v4, v35  }
0xa6: {  	vm5 =	vge.f32 v10, v41;
	v18 =	vperm.xlane v4, v34;
	v40 =	vperm.xlane v4, v32  }
0xa7: {  	v10 =	vperm.xlane v4, v31;
	vm6 =	vge.f32 v11, v39;
	v11 =	vperm.xlane v4, v30  }
0xa8: {  	vm7 =	vge.f32 v12, v42;
	v12 =	vperm.xlane v4, v29;
	v39 =	vperm.xlane v4, v28  }
0xa9: {  	vm8 =	vge.f32 v13, v17;
	v13 =	vperm.xlane v4, v27;
	v17 =	vperm.xlane v4, v9  }
0xaa: {  	vm9 =	vge.f32 v14, v43;
	v14 =	vperm.xlane v4, v8;
	vm10 =	vge.f32 v15, v18  }
0xab: {  	vm12 =	vge.f32 v19, v10;
	vm11 =	vge.f32 v16, v40;
	vm13 =	vge.f32 v20, v11  }
.Ltmp0:
0xac: {  	vm4 =	vge.f32 v21, v12;
	vm3 =	vge.f32 v22, v39;
	vm2 =	vge.f32 v23, v13;
	(pc) =	sbr.rel @p0 .LBB2_2-.Ltmp0, $4  }
0xad: {  	v11 =	vsel vm0, $0x1, v3;
	vm0 =	vge.f32 v25, v14;
	vm1 =	vge.f32 v24, v17  }
0xae: {  	v12 =	vsel vm7, $0x1, v3;
	v21 =	vsel vm6, $0x1, v3;
	v22 =	vsel vm5, $0x1, v3  }
0xaf: {  	v18 =	vsel vm9, $0x1, v3;
	v19 =	vsel vm8, $0x1, v3;
	v13 =	vsel vm10, $0x1, v3  }
0xb0: {  	s6 =	sadd.s32 $0x100, s6;
	v15 =	vsel vm12, $0x1, v3;
	v16 =	vsel vm11, $0x1, v3;
	v14 =	vsel vm13, $0x1, v3  }
0xb1: {  	v10 =	vor.u32 v11, v26  }
0xb2: {  	v11 =	vor.u32 v22, v38;
	[tilespmem:s29+$0xFFFFFF80] =	vst v10  }
0xb3: {  	v10 =	vor.u32 v21, v36;
	[tilespmem:s29+$0xFFFFFF90] =	vst v11  }
0xb4: {  	v11 =	vor.u32 v12, v37;
	[tilespmem:s29+$0xFFFFFFA0] =	vst v10  }
0xb5: {  	v12 =	vor.u32 v14, v30;
	[tilespmem:s29+$0xFFFFFFB0] =	vst v11  }
0xb6: {  	v10 =	vor.u32 v19, v35;
	[tilespmem:s29+$0x10] =	vst v12  }
0xb7: {  	v11 =	vor.u32 v18, v33;
	[tilespmem:s29+$0xFFFFFFC0] =	vst v10  }
0xb8: {  	v10 =	vor.u32 v13, v34;
	[tilespmem:s29+$0xFFFFFFD0] =	vst v11  }
0xb9: {  	v12 =	vsel vm2, $0x1, v3;
	v11 =	vor.u32 v16, v32;
	[tilespmem:s29+$0xFFFFFFE0] =	vst v10  }
0xba: {  	v12 =	vor.u32 v12, v27;
	[tilespmem:s29+$0xFFFFFFF0] =	vst v11  }
0xbb: {  	v10 =	vor.u32 v15, v31;
	v11 =	vsel vm4, $0x1, v3;
	[tilespmem:s29+$0x40] =	vst v12  }
0xbc: {  	[tilespmem:s29+$0x0] =	vst v10;
	v10 =	vsel vm3, $0x1, v3;
	v11 =	vor.u32 v11, v29  }
0xbd: {  	v10 =	vor.u32 v10, v28;
	[tilespmem:s29+$0x20] =	vst v11;
	v11 =	vsel vm1, $0x1, v3  }
0xbe: {  	[tilespmem:s29+$0x30] =	vst v10;
	v10 =	vsel vm0, $0x1, v3;
	v9 =	vor.u32 v11, v9  }
0xbf: {  	[tilespmem:s0+$0x50] =	vst v9;
	v8 =	vor.u32 v10, v8  }
0xc0: {  	[tilespmem:s0+$0x60] =	vst v8  }
0xc1: {  	[hbm4b:s9+s4] =	stream.linear.scatter [tilespmem:s22], [sflag:$0x3], $0x4000, $0x38;
	[tilespmem:$0x10080] =	vst v63  }
0xc2: {  	_ = 	snop  }
0xc3: {  	[tilespmem:s19], [sflag:$0x1] =	stream.linear.gather [hbm4b:s10+s4], $0x4000, $0x38;
	[tilespmem:$0x10080] =	vst v63  }
0xc4: {  	_ =	swait.ge [sflag:s23], $0x4000  }
0xc5: {  	[sflag:s23] =	ssyncset.done $0x0  }
0xc6: {  	s31 =	simm.s32 $0x4100;
	[sflag:s23] =	ssyncadd.s32 $0xFFFFC000  }
0xc7: {  	v8 =	vld [tilespmem:s31+$0x70]  }
0xc8: {  	v15 =	vld [tilespmem:s31+$0xFFFFFF90]  }
0xc9: {  	v16 =	vld [tilespmem:s31+$0xFFFFFFA0]  }
0xca: {  	v14 =	vld [tilespmem:s31+$0xFFFFFFB0]  }
0xcb: {  	v12 =	vld [tilespmem:s31+$0xFFFFFFC0]  }
0xcc: {  	v10 =	vld [tilespmem:s31+$0xFFFFFFD0];
	vm0 =	vge.f32 v8, v5  }
0xcd: {  	v11 =	vld [tilespmem:s31+$0xFFFFFFE0];
	vm1 =	vge.f32 v15, v5;
	v9 =	vsel vm0, $0x8, v3  }
0xce: {  	v17 =	vld [tilespmem:s31+$0xFFFFFF80];
	v26 =	vsel vm1, $0x8, v3;
	vm0 =	vge.f32 v16, v5;
	v18 =	vperm.xlane v6, v9  }
0xcf: {  	v27 =	vsel vm0, $0x8, v3;
	vm0 =	vge.f32 v14, v5;
	v20 =	vperm.xlane v6, v26  }
0xd0: {  	v13 =	vld [tilespmem:s31+$0xFFFFFFF0];
	v28 =	vsel vm0, $0x8, v3;
	vm0 =	vge.f32 v12, v5;
	v21 =	vperm.xlane v6, v27  }
0xd1: {  	vm1 =	vge.f32 v8, v18;
	v29 =	vsel vm0, $0x8, v3;
	vm0 =	vge.f32 v10, v5  }
0xd2: {  	v22 =	vperm.xlane v6, v28;
	vm7 =	vge.f32 v15, v20;
	v18 =	vsel vm1, $0x4, v3  }
0xd3: {  	v30 =	vsel vm0, $0x8, v3;
	vm0 =	vge.f32 v11, v5;
	vm1 =	vge.f32 v17, v5  }
0xd4: {  	v23 =	vperm.xlane v6, v29;
	v9 =	vor.u32 v9, v18;
	v31 =	vsel vm0, $0x8, v3  }
0xd5: {  	vm0 =	vge.f32 v13, v5;
	v50 =	vsel vm1, $0x8, v3;
	v25 =	vperm.xlane v6, v30  }
0xd6: {  	vm1 =	vge.f32 v14, v22;
	v18 =	vperm.xlane v7, v9;
	v32 =	vsel vm0, $0x8, v3  }
0xd7: {  	v19 =	vperm.xlane v6, v50;
	v51 =	vperm.xlane v6, v31;
	vm2 =	vge.f32 v12, v23  }
0xd8: {  	v58 =	vsel vm1, $0x4, v3;
	vm3 =	vge.f32 v10, v25;
	v59 =	vsel vm2, $0x4, v3  }
0xd9: {  	v28 =	vor.u32 v28, v58;
	vm0 =	vge.f32 v8, v18;
	vm6 =	vge.f32 v17, v19  }
0xda: {  	vm4 =	vge.f32 v11, v51;
	v60 =	vsel vm3, $0x4, v3;
	v29 =	vor.u32 v29, v59  }
0xdb: {  	v24 =	vsel vm0, $0x2, v3;
	vm0 =	vge.f32 v16, v21;
	v53 =	vsel vm6, $0x4, v3  }
0xdc: {  	v18 =	vld [tilespmem:s31+$0x0];
	v61 =	vsel vm4, $0x4, v3;
	v30 =	vor.u32 v30, v60;
	v9 =	vor.u32 v9, v24  }
0xdd: {  	v19 =	vld [tilespmem:s31+$0x10];
	v24 =	vperm.xlane v6, v32;
	v33 =	vor.u32 v50, v53;
	v52 =	vperm.xlane v4, v9  }
0xde: {  	v21 =	vld [tilespmem:s31+$0x20];
	v57 =	vsel vm0, $0x4, v3;
	v31 =	vor.u32 v31, v61;
	v53 =	vperm.xlane v7, v29  }
0xdf: {  	v22 =	vld [tilespmem:s31+$0x30];
	v27 =	vor.u32 v27, v57;
	vm5 =	vge.f32 v13, v24;
	vm8 =	vge.f32 v8, v52  }
0xe0: {  	v23 =	vld [tilespmem:s31+$0x40];
	vm4 =	vge.f32 v12, v53;
	v62 =	vsel vm5, $0x4, v3;
	v8 =	vsel vm8, $0x1, v3  }
0xe1: {  	vm6 =	vge.f32 v18, v5;
	v32 =	vor.u32 v32, v62;
	v20 =	vor.u32 v8, v9  }
0xe2: {  	v24 =	vld [tilespmem:s31+$0x50];
	v8 =	vsel vm7, $0x4, v3;
	v9 =	vsel vm6, $0x8, v3;
	vm6 =	vge.f32 v19, v5  }
0xe3: {  	v25 =	vld [tilespmem:s31+$0x60];
	v35 =	vsel vm6, $0x8, v3;
	vm6 =	vge.f32 v21, v5;
	v54 =	vperm.xlane v6, v9  }
0xe4: {  	v8 =	vor.u32 v26, v8;
	v37 =	vsel vm6, $0x8, v3;
	vm6 =	vge.f32 v22, v5  }
0xe5: {  	v55 =	vperm.xlane v6, v35;
	v39 =	vsel vm6, $0x8, v3;
	vm6 =	vge.f32 v23, v5  }
0xe6: {  	v26 =	vperm.xlane v7, v33;
	v40 =	vperm.xlane v6, v37;
	v41 =	vsel vm6, $0x8, v3  }
0xe7: {  	vm6 =	vge.f32 v24, v5;
	v42 =	vperm.xlane v6, v39;
	vm7 =	vge.f32 v19, v55  }
0xe8: {  	v55 =	vperm.xlane v7, v32;
	v43 =	vsel vm6, $0x8, v3;
	vm6 =	vge.f32 v25, v5  }
0xe9: {  	v44 =	vperm.xlane v6, v41;
	vm15 =	vge.f32 v21, v40;
	v47 =	vsel vm7, $0x4, v3  }
0xea: {  	v45 =	vsel vm6, $0x8, v3;
	v46 =	vperm.xlane v6, v43;
	vm6 =	vge.f32 v18, v54  }
0xeb: {  	vm9 =	vge.f32 v22, v42;
	v48 =	vsel vm15, $0x4, v3;
	v40 =	vor.u32 v35, v47  }
0xec: {  	v54 =	vperm.xlane v7, v31;
	v56 =	vperm.xlane v6, v45;
	vm10 =	vge.f32 v23, v44  }
0xed: {  	v63 =	vsel vm6, $0x4, v3;
	v49 =	vsel vm9, $0x4, v3;
	v42 =	vor.u32 v37, v48  }
0xee: {  	v57 =	vperm.xlane v7, v40;
	vm6 =	vge.f32 v13, v55;
	vm11 =	vge.f32 v24, v46  }
0xef: {  	v50 =	vsel vm10, $0x4, v3;
	v9 =	vor.u32 v9, v63;
	v39 =	vor.u32 v39, v49  }
0xf0: {  	v58 =	vperm.xlane v7, v42;
	vm5 =	vge.f32 v11, v54;
	vm0 =	vge.f32 v25, v56  }
0xf1: {  	v51 =	vsel vm11, $0x4, v3;
	v41 =	vor.u32 v41, v50;
	v50 =	vperm.xlane v7, v8  }
0xf2: {  	v56 =	vperm.xlane v7, v9;
	v59 =	vperm.xlane v7, v39;
	vm8 =	vge.f32 v19, v57  }
0xf3: {  	v52 =	vsel vm0, $0x4, v3;
	v43 =	vor.u32 v43, v51;
	v51 =	vperm.xlane v7, v27  }
0xf4: {  	vm0 =	vge.f32 v17, v26;
	v26 =	vperm.xlane v7, v30;
	v60 =	vperm.xlane v7, v41  }
0xf5: {  	vm9 =	vge.f32 v21, v58;
	v58 =	vsel vm5, $0x2, v3;
	v44 =	vor.u32 v45, v52  }
0xf6: {  	v52 =	vperm.xlane v7, v28;
	vm1 =	vge.f32 v15, v50;
	v61 =	vsel vm0, $0x2, v3  }
0xf7: {  	v62 =	vperm.xlane v7, v43;
	vm7 =	vge.f32 v18, v56;
	vm10 =	vge.f32 v22, v59  }
0xf8: {  	v45 =	vsel vm4, $0x2, v3;
	v59 =	vsel vm6, $0x2, v3;
	vm2 =	vge.f32 v16, v51  }
0xf9: {  	vm0 =	vge.f32 v10, v26;
	v26 =	vor.u32 v33, v61;
	v63 =	vperm.xlane v7, v44  }
0xfa: {  	vm11 =	vge.f32 v23, v60;
	v38 =	vsel vm1, $0x2, v3;
	v60 =	vsel vm7, $0x2, v3  }
0xfb: {  	v61 =	vsel vm8, $0x2, v3;
	v32 =	vor.u32 v32, v59;
	vm3 =	vge.f32 v14, v52  }
0xfc: {  	vm12 =	vge.f32 v24, v62;
	v34 =	vsel vm2, $0x2, v3;
	v57 =	vsel vm0, $0x2, v3  }
0xfd: {  	v62 =	vsel vm9, $0x2, v3;
	v53 =	vsel vm11, $0x2, v3;
	v38 =	vor.u32 v8, v38  }
0xfe: {  	vm13 =	vge.f32 v25, v63;
	v35 =	vsel vm3, $0x2, v3;
	v63 =	vsel vm10, $0x2, v3  }
0xff: {  	v54 =	vsel vm12, $0x2, v3;
	v36 =	vor.u32 v27, v34;
	v33 =	vor.u32 v30, v57  }
0x100: {  	v34 =	vor.u32 v31, v58;
	v31 =	vor.u32 v9, v60;
	v30 =	vor.u32 v40, v61  }
0x101: {  	v27 =	vor.u32 v41, v53;
	v56 =	vperm.xlane v4, v38;
	v61 =	vperm.xlane v4, v32  }
0x102: {  	v55 =	vsel vm13, $0x2, v3;
	v37 =	vor.u32 v28, v35;
	v35 =	vor.u32 v29, v45  }
0x103: {  	v29 =	vor.u32 v42, v62;
	v9 =	vor.u32 v43, v54;
	v54 =	vperm.xlane v4, v26  }
0x104: {  	v28 =	vor.u32 v39, v63;
	v57 =	vperm.xlane v4, v36;
	v60 =	vperm.xlane v4, v33  }
0x105: {  	v8 =	vor.u32 v44, v55;
	v58 =	vperm.xlane v4, v37;
	v59 =	vperm.xlane v4, v35  }
0x106: {  	vm5 =	vge.f32 v15, v56;
	v15 =	vperm.xlane v4, v31;
	v62 =	vperm.xlane v4, v28  }
0x107: {  	v63 =	vperm.xlane v4, v9;
	vm11 =	vge.f32 v13, v61;
	vm0 =	vge.f32 v17, v54  }
0x108: {  	v17 =	vperm.xlane v4, v34;
	vm6 =	vge.f32 v16, v57;
	v16 =	vperm.xlane v4, v30  }
0x109: {  	vm9 =	vge.f32 v10, v60;
	v10 =	vperm.xlane v4, v8;
	vm7 =	vge.f32 v14, v58  }
0x10a: {  	v14 =	vperm.xlane v4, v29;
	vm8 =	vge.f32 v12, v59;
	v12 =	vperm.xlane v4, v27  }
0x10b: {  	vm12 =	vge.f32 v18, v15;
	vm3 =	vge.f32 v22, v62;
	vm1 =	vge.f32 v24, v63  }
0x10c: {  	v22 =	vsel vm5, $0x1, v3;
	v18 =	vsel vm9, $0x1, v3;
	vm10 =	vge.f32 v11, v17  }
0x10d: {  	vm13 =	vge.f32 v19, v16;
	v11 =	vsel vm0, $0x1, v3;
	vm0 =	vge.f32 v25, v10  }
0x10e: {  	v19 =	vsel vm8, $0x1, v3;
	v16 =	vsel vm11, $0x1, v3;
	v15 =	vsel vm12, $0x1, v3  }
0x10f: {  	s29 =	simm.s32 $0xC100;
	vm4 =	vge.f32 v21, v14;
	vm2 =	vge.f32 v23, v12;
	v21 =	vsel vm6, $0x1, v3  }
0x110: {  	s2 =	simm.s32 $0x0;
	s6 =	simm.s32 $0x4200;
	s0 =	simm.s32 $0xC100;
	[tilespmem:s29+$0x70] =	vst v20;
	v12 =	vsel vm7, $0x1, v3;
	v13 =	vsel vm10, $0x1, v3;
	v14 =	vsel vm13, $0x1, v3  }
.LBB2_4:
0x111: {  	v23 =	vld [tilespmem:s6+$0x70];
	s2 =	sadd.s32 $0x2, s2;
	v20 =	vsel vm4, $0x1, v3;
	v24 =	vsel vm3, $0x1, v3;
	v25 =	vsel vm2, $0x1, v3  }
0x112: {  	v39 =	vor.u32 v11, v26;
	v26 =	vsel vm1, $0x1, v3;
	v17 =	vsel vm0, $0x1, v3;
	v10 =	vld [tilespmem:s6+$0xFFFFFF90];
	p0 =	slt.u32 s2, $0x7E  }
0x113: {  	v22 =	vor.u32 v22, v38;
	v21 =	vor.u32 v21, v36;
	v36 =	vor.u32 v12, v37;
	v11 =	vld [tilespmem:s6+$0xFFFFFFA0];
	[tilespmem:s29+$0xFFFFFF80] =	vst v39  }
0x114: {  	v19 =	vor.u32 v19, v35;
	v18 =	vor.u32 v18, v33;
	v33 =	vor.u32 v13, v34;
	v12 =	vld [tilespmem:s6+$0xFFFFFFB0];
	[tilespmem:s29+$0xFFFFFF90] =	vst v22  }
0x115: {  	v30 =	vor.u32 v14, v30;
	v22 =	vor.u32 v16, v32;
	v13 =	vld [tilespmem:s6+$0xFFFFFFC0];
	[tilespmem:s29+$0xFFFFFFA0] =	vst v21;
	v21 =	vor.u32 v15, v31  }
0x116: {  	v20 =	vor.u32 v20, v29;
	v24 =	vor.u32 v24, v28;
	v14 =	vld [tilespmem:s6+$0xFFFFFFD0];
	vm0 =	vge.f32 v23, v5;
	[tilespmem:s29+$0xFFFFFFB0] =	vst v36  }
0x117: {  	v15 =	vld [tilespmem:s6+$0xFFFFFFE0];
	vm1 =	vge.f32 v10, v5;
	v29 =	vsel vm0, $0x8, v3;
	[tilespmem:s29+$0xFFFFFFC0] =	vst v19;
	v19 =	vor.u32 v25, v27  }
0x118: {  	v16 =	vld [tilespmem:s6+$0xFFFFFFF0];
	v27 =	vsel vm1, $0x8, v3;
	vm0 =	vge.f32 v11, v5;
	v25 =	vperm.xlane v6, v29;
	[tilespmem:s29+$0xFFFFFFD0] =	vst v18  }
0x119: {  	v18 =	vld [tilespmem:s6+$0xFFFFFF80];
	v28 =	vsel vm0, $0x8, v3;
	vm0 =	vge.f32 v12, v5;
	v31 =	vperm.xlane v6, v27;
	[tilespmem:s29+$0xFFFFFFE0] =	vst v33  }
0x11a: {  	v32 =	vsel vm0, $0x8, v3;
	vm0 =	vge.f32 v13, v5;
	vm1 =	vge.f32 v23, v25;
	[tilespmem:s29+$0xFFFFFFF0] =	vst v22  }
0x11b: {  	v33 =	vsel vm0, $0x8, v3;
	vm0 =	vge.f32 v14, v5;
	v22 =	vsel vm1, $0x4, v3;
	[tilespmem:s29+$0x0] =	vst v21  }
0x11c: {  	v34 =	vsel vm0, $0x8, v3;
	vm0 =	vge.f32 v15, v5;
	v21 =	vor.u32 v29, v22;
	[tilespmem:s29+$0x10] =	vst v30  }
0x11d: {  	v29 =	vsel vm0, $0x8, v3;
	vm0 =	vge.f32 v16, v5;
	v22 =	vperm.xlane v7, v21;
	[tilespmem:s29+$0x20] =	vst v20  }
0x11e: {  	v25 =	vperm.xlane v6, v28;
	vm1 =	vge.f32 v18, v5;
	v30 =	vsel vm0, $0x8, v3;
	[tilespmem:s29+$0x30] =	vst v24  }
0x11f: {  	v24 =	vperm.xlane v6, v32;
	v35 =	vsel vm1, $0x8, v3;
	vm0 =	vge.f32 v23, v22;
	[tilespmem:s29+$0x40] =	vst v19  }
0x120: {  	v22 =	vperm.xlane v6, v33;
	v20 =	vperm.xlane v6, v35;
	v36 =	vsel vm0, $0x2, v3  }
0x121: {  	v37 =	vperm.xlane v6, v34;
	v38 =	vperm.xlane v6, v29;
	v19 =	vld [tilespmem:s6+$0x0];
	v36 =	vor.u32 v21, v36  }
0x122: {  	v39 =	vperm.xlane v6, v30;
	vm6 =	vge.f32 v18, v20;
	v20 =	vld [tilespmem:s6+$0x10];
	v40 =	vperm.xlane v4, v36  }
0x123: {  	vm7 =	vge.f32 v10, v31;
	vm0 =	vge.f32 v11, v25;
	vm1 =	vge.f32 v12, v24;
	v21 =	vld [tilespmem:s6+$0x20]  }
0x124: {  	vm3 =	vge.f32 v14, v37;
	vm2 =	vge.f32 v13, v22;
	v22 =	vld [tilespmem:s6+$0x30];
	vm8 =	vge.f32 v23, v40  }
0x125: {  	vm5 =	vge.f32 v15, v38;
	vm4 =	vge.f32 v16, v39;
	v23 =	vld [tilespmem:s6+$0x40];
	v25 =	vsel vm8, $0x1, v3  }
0x126: {  	s29 =	sadd.s32 $0x100, s29;
	v31 =	vsel vm6, $0x4, v3;
	v24 =	vld [tilespmem:s6+$0x50];
	vm6 =	vge.f32 v19, v5;
	v36 =	vor.u32 v25, v36  }
0x127: {  	v37 =	vsel vm7, $0x4, v3;
	v25 =	vld [tilespmem:s6+$0x60];
	v38 =	vsel vm6, $0x8, v3;
	vm6 =	vge.f32 v20, v5;
	[tilespmem:s29+$0x70] =	vst v36  }
0x128: {  	v36 =	vsel vm6, $0x8, v3;
	vm6 =	vge.f32 v21, v5;
	v39 =	vperm.xlane v6, v38  }
0x129: {  	v40 =	vsel vm6, $0x8, v3;
	vm6 =	vge.f32 v22, v5;
	v41 =	vperm.xlane v6, v36  }
0x12a: {  	v42 =	vsel vm6, $0x8, v3;
	vm6 =	vge.f32 v23, v5;
	v43 =	vperm.xlane v6, v40  }
0x12b: {  	v44 =	vsel vm6, $0x8, v3;
	vm6 =	vge.f32 v24, v5;
	v45 =	vperm.xlane v6, v42  }
0x12c: {  	v46 =	vsel vm6, $0x8, v3;
	vm6 =	vge.f32 v25, v5;
	v47 =	vperm.xlane v6, v44  }
0x12d: {  	v48 =	vsel vm6, $0x8, v3;
	v49 =	vperm.xlane v6, v46;
	vm6 =	vge.f32 v19, v39  }
0x12e: {  	vm7 =	vge.f32 v20, v41;
	vm8 =	vge.f32 v21, v43;
	v39 =	vperm.xlane v6, v48  }
0x12f: {  	vm9 =	vge.f32 v22, v45;
	vm10 =	vge.f32 v23, v47;
	vm11 =	vge.f32 v24, v49  }
0x130: {  	v41 =	vsel vm0, $0x4, v3;
	v43 =	vsel vm1, $0x4, v3;
	vm0 =	vge.f32 v25, v39  }
0x131: {  	v45 =	vsel vm3, $0x4, v3;
	v47 =	vsel vm5, $0x4, v3;
	v39 =	vsel vm2, $0x4, v3  }
0x132: {  	v51 =	vsel vm7, $0x4, v3;
	v50 =	vsel vm6, $0x4, v3;
	v49 =	vsel vm4, $0x4, v3  }
0x133: {  	v52 =	vsel vm8, $0x4, v3;
	v53 =	vsel vm9, $0x4, v3;
	v54 =	vsel vm10, $0x4, v3  }
0x134: {  	v31 =	vor.u32 v35, v31;
	v35 =	vsel vm11, $0x4, v3;
	v55 =	vsel vm0, $0x4, v3  }
0x135: {  	v27 =	vor.u32 v27, v37;
	v28 =	vor.u32 v28, v41;
	v32 =	vor.u32 v32, v43  }
0x136: {  	v34 =	vor.u32 v34, v45;
	v29 =	vor.u32 v29, v47;
	v33 =	vor.u32 v33, v39  }
0x137: {  	v41 =	vor.u32 v36, v51;
	v30 =	vor.u32 v30, v49;
	v39 =	vor.u32 v38, v50  }
0x138: {  	v40 =	vor.u32 v40, v52;
	v42 =	vor.u32 v42, v53;
	v43 =	vor.u32 v44, v54  }
0x139: {  	v36 =	vperm.xlane v7, v31;
	v44 =	vor.u32 v46, v35;
	v45 =	vor.u32 v48, v55  }
0x13a: {  	v9 =	vor.u32 v26, v9;
	v37 =	vperm.xlane v7, v28;
	v35 =	vperm.xlane v7, v27  }
0x13b: {  	v26 =	vperm.xlane v7, v32;
	vm0 =	vge.f32 v18, v36;
	v38 =	vperm.xlane v7, v33;
	[tilespmem:s0+$0x50] =	vst v9  }
0x13c: {  	v36 =	vperm.xlane v7, v29;
	vm1 =	vge.f32 v10, v35;
	v9 =	vperm.xlane v7, v34  }
0x13d: {  	vm2 =	vge.f32 v11, v37;
	v37 =	vperm.xlane v7, v39;
	v35 =	vperm.xlane v7, v30  }
0x13e: {  	vm3 =	vge.f32 v12, v26;
	v26 =	vperm.xlane v7, v41;
	v46 =	vperm.xlane v7, v40  }
0x13f: {  	v47 =	vperm.xlane v7, v43;
	vm4 =	vge.f32 v13, v38;
	v38 =	vperm.xlane v7, v42  }
0x140: {  	v48 =	vperm.xlane v7, v45;
	vm5 =	vge.f32 v14, v9;
	v9 =	vperm.xlane v7, v44  }
0x141: {  	vm6 =	vge.f32 v15, v36;
	vm8 =	vge.f32 v19, v37;
	vm7 =	vge.f32 v16, v35  }
0x142: {  	vm9 =	vge.f32 v20, v26;
	vm10 =	vge.f32 v21, v46;
	vm11 =	vge.f32 v22, v38  }
0x143: {  	vm12 =	vge.f32 v23, v47;
	vm14 =	vge.f32 v25, v48;
	vm13 =	vge.f32 v24, v9  }
0x144: {  	v36 =	vsel vm2, $0x2, v3;
	v35 =	vsel vm1, $0x2, v3;
	v9 =	vsel vm0, $0x2, v3  }
0x145: {  	v37 =	vsel vm3, $0x2, v3;
	v46 =	vsel vm4, $0x2, v3;
	v47 =	vsel vm5, $0x2, v3  }
0x146: {  	v48 =	vsel vm6, $0x2, v3;
	v50 =	vsel vm8, $0x2, v3;
	v49 =	vsel vm7, $0x2, v3  }
0x147: {  	v51 =	vsel vm9, $0x2, v3;
	v52 =	vsel vm10, $0x2, v3;
	v53 =	vsel vm11, $0x2, v3  }
0x148: {  	v54 =	vsel vm12, $0x2, v3;
	v56 =	vsel vm14, $0x2, v3;
	v55 =	vsel vm13, $0x2, v3  }
0x149: {  	v36 =	vor.u32 v28, v36;
	v38 =	vor.u32 v27, v35;
	v26 =	vor.u32 v31, v9  }
0x14a: {  	v37 =	vor.u32 v32, v37;
	v35 =	vor.u32 v33, v46;
	v33 =	vor.u32 v34, v47  }
0x14b: {  	v32 =	vor.u32 v30, v49;
	v34 =	vor.u32 v29, v48;
	v31 =	vor.u32 v39, v50  }
0x14c: {  	v30 =	vor.u32 v41, v51;
	v28 =	vor.u32 v42, v53;
	v29 =	vor.u32 v40, v52  }
0x14d: {  	v27 =	vor.u32 v43, v54;
	v39 =	vor.u32 v45, v56;
	v9 =	vor.u32 v44, v55  }
0x14e: {  	v17 =	vor.u32 v17, v8;
	v41 =	vperm.xlane v4, v38;
	v40 =	vperm.xlane v4, v26;
	v8 =	vmovc v39  }
0x14f: {  	v42 =	vperm.xlane v4, v37;
	v39 =	vperm.xlane v4, v36;
	[tilespmem:s0+$0x60] =	vst v17;
	s0 =	smov.u32 s29  }
0x150: {  	v43 =	vperm.xlane v4, v33;
	vm0 =	vge.f32 v18, v40;
	v17 =	vperm.xlane v4, v35  }
0x151: {  	vm5 =	vge.f32 v10, v41;
	v18 =	vperm.xlane v4, v34;
	v40 =	vperm.xlane v4, v32  }
0x152: {  	v10 =	vperm.xlane v4, v31;
	vm6 =	vge.f32 v11, v39;
	v11 =	vperm.xlane v4, v30  }
0x153: {  	vm7 =	vge.f32 v12, v42;
	v12 =	vperm.xlane v4, v29;
	v39 =	vperm.xlane v4, v28  }
0x154: {  	vm8 =	vge.f32 v13, v17;
	v13 =	vperm.xlane v4, v27;
	v17 =	vperm.xlane v4, v9  }
0x155: {  	vm9 =	vge.f32 v14, v43;
	v14 =	vperm.xlane v4, v8;
	vm10 =	vge.f32 v15, v18  }
0x156: {  	vm12 =	vge.f32 v19, v10;
	vm11 =	vge.f32 v16, v40;
	vm13 =	vge.f32 v20, v11  }
.Ltmp1:
0x157: {  	vm4 =	vge.f32 v21, v12;
	vm3 =	vge.f32 v22, v39;
	vm2 =	vge.f32 v23, v13;
	(pc) =	sbr.rel @p0 .LBB2_4-.Ltmp1, $4  }
0x158: {  	v11 =	vsel vm0, $0x1, v3;
	vm0 =	vge.f32 v25, v14;
	vm1 =	vge.f32 v24, v17  }
0x159: {  	v12 =	vsel vm7, $0x1, v3;
	v21 =	vsel vm6, $0x1, v3;
	v22 =	vsel vm5, $0x1, v3  }
0x15a: {  	v18 =	vsel vm9, $0x1, v3;
	v19 =	vsel vm8, $0x1, v3;
	v13 =	vsel vm10, $0x1, v3  }
0x15b: {  	s6 =	sadd.s32 $0x100, s6;
	v15 =	vsel vm12, $0x1, v3;
	v16 =	vsel vm11, $0x1, v3;
	v14 =	vsel vm13, $0x1, v3  }
0x15c: {  	v10 =	vor.u32 v11, v26  }
0x15d: {  	v50 =	vor.u32 v22, v38;
	[tilespmem:s29+$0xFFFFFF80] =	vst v10  }
0x15e: {  	v51 =	vor.u32 v21, v36;
	[tilespmem:s29+$0xFFFFFF90] =	vst v50  }
0x15f: {  	v52 =	vor.u32 v12, v37;
	[tilespmem:s29+$0xFFFFFFA0] =	vst v51  }
0x160: {  	v53 =	vor.u32 v19, v35;
	[tilespmem:s29+$0xFFFFFFB0] =	vst v52  }
0x161: {  	v54 =	vor.u32 v18, v33;
	[tilespmem:s29+$0xFFFFFFC0] =	vst v53  }
0x162: {  	v55 =	vor.u32 v13, v34;
	[tilespmem:s29+$0xFFFFFFD0] =	vst v54  }
0x163: {  	v56 =	vor.u32 v16, v32;
	[tilespmem:s29+$0xFFFFFFE0] =	vst v55  }
0x164: {  	v57 =	vor.u32 v15, v31;
	[tilespmem:s29+$0xFFFFFFF0] =	vst v56  }
0x165: {  	v58 =	vsel vm4, $0x1, v3;
	v59 =	vor.u32 v14, v30;
	[tilespmem:s29+$0x0] =	vst v57  }
0x166: {  	v60 =	vsel vm3, $0x1, v3;
	v11 =	vor.u32 v58, v29;
	[tilespmem:s29+$0x10] =	vst v59  }
0x167: {  	v61 =	vsel vm2, $0x1, v3;
	v10 =	vor.u32 v60, v28;
	[tilespmem:s29+$0x20] =	vst v11  }
0x168: {  	v62 =	vsel vm1, $0x1, v3;
	v12 =	vor.u32 v61, v27;
	[tilespmem:s29+$0x30] =	vst v10  }
0x169: {  	v63 =	vsel vm0, $0x1, v3;
	v9 =	vor.u32 v62, v9;
	[tilespmem:s29+$0x40] =	vst v12  }
0x16a: {  	v8 =	vor.u32 v63, v8;
	[tilespmem:s0+$0x50] =	vst v9  }
0x16b: {  	[tilespmem:s0+$0x60] =	vst v8  }
0x16c: {  	[hbm4b:s11+s4] =	stream.linear.scatter [tilespmem:s24], [sflag:$0x4], $0x4000, $0x38;
	[tilespmem:$0x10080] =	vst v63  }
0x16d: {  	s29 =	simm.s32 $0x1  }
0x16e: {  	[tilespmem:s20], [sflag:$0x2] =	stream.linear.gather [hbm4b:s12+s4], $0x4000, $0x38;
	[tilespmem:$0x10080] =	vst v63  }
.LBB2_6:
0x16f: {  	_ =	swait.ge [sflag:s21], $0x4000  }
0x170: {  	[sflag:s21] =	ssyncset.done $0x0  }
0x171: {  	[sflag:s21] =	ssyncadd.s32 $0xFFFFC000  }
0x172: {  	_ =	swait.ge [sflag:s25], $0x4000  }
0x173: {  	[sflag:s25] =	ssyncset.done $0x0  }
0x174: {  	s0 =	simm.s32 $0x100;
	[sflag:s25] =	ssyncadd.s32 $0xFFFFC000  }
0x175: {  	v8 =	vld [tilespmem:s0+$0x70]  }
0x176: {  	v15 =	vld [tilespmem:s0+$0xFFFFFF90]  }
0x177: {  	v16 =	vld [tilespmem:s0+$0xFFFFFFA0]  }
0x178: {  	v14 =	vld [tilespmem:s0+$0xFFFFFFB0]  }
0x179: {  	v12 =	vld [tilespmem:s0+$0xFFFFFFC0]  }
0x17a: {  	v10 =	vld [tilespmem:s0+$0xFFFFFFD0];
	vm0 =	vge.f32 v8, v5  }
0x17b: {  	v11 =	vld [tilespmem:s0+$0xFFFFFFE0];
	vm1 =	vge.f32 v15, v5;
	v9 =	vsel vm0, $0x8, v3  }
0x17c: {  	v17 =	vld [tilespmem:s0+$0xFFFFFF80];
	v26 =	vsel vm1, $0x8, v3;
	vm0 =	vge.f32 v16, v5;
	v18 =	vperm.xlane v6, v9  }
0x17d: {  	v27 =	vsel vm0, $0x8, v3;
	vm0 =	vge.f32 v14, v5;
	v20 =	vperm.xlane v6, v26  }
0x17e: {  	v13 =	vld [tilespmem:s0+$0xFFFFFFF0];
	v28 =	vsel vm0, $0x8, v3;
	vm0 =	vge.f32 v12, v5;
	v21 =	vperm.xlane v6, v27  }
0x17f: {  	vm1 =	vge.f32 v8, v18;
	v29 =	vsel vm0, $0x8, v3;
	vm0 =	vge.f32 v10, v5  }
0x180: {  	v22 =	vperm.xlane v6, v28;
	vm7 =	vge.f32 v15, v20;
	v18 =	vsel vm1, $0x4, v3  }
0x181: {  	v30 =	vsel vm0, $0x8, v3;
	vm0 =	vge.f32 v11, v5;
	vm1 =	vge.f32 v17, v5  }
0x182: {  	v23 =	vperm.xlane v6, v29;
	v9 =	vor.u32 v9, v18;
	v31 =	vsel vm0, $0x8, v3  }
0x183: {  	vm0 =	vge.f32 v13, v5;
	v33 =	vsel vm1, $0x8, v3;
	v25 =	vperm.xlane v6, v30  }
0x184: {  	vm1 =	vge.f32 v14, v22;
	v18 =	vperm.xlane v7, v9;
	v32 =	vsel vm0, $0x8, v3  }
0x185: {  	v19 =	vperm.xlane v6, v33;
	v34 =	vperm.xlane v6, v31;
	vm2 =	vge.f32 v12, v23  }
0x186: {  	v58 =	vsel vm1, $0x4, v3;
	vm3 =	vge.f32 v10, v25;
	v59 =	vsel vm2, $0x4, v3  }
0x187: {  	v28 =	vor.u32 v28, v58;
	vm0 =	vge.f32 v8, v18;
	vm6 =	vge.f32 v17, v19  }
0x188: {  	vm4 =	vge.f32 v11, v34;
	v60 =	vsel vm3, $0x4, v3;
	v29 =	vor.u32 v29, v59  }
0x189: {  	v18 =	vld [tilespmem:s0+$0x0];
	v24 =	vsel vm0, $0x2, v3;
	vm0 =	vge.f32 v16, v21;
	v55 =	vsel vm6, $0x4, v3  }
0x18a: {  	v61 =	vsel vm4, $0x4, v3;
	v30 =	vor.u32 v30, v60;
	v53 =	vperm.xlane v7, v29  }
0x18b: {  	v9 =	vor.u32 v9, v24;
	v24 =	vperm.xlane v6, v32;
	v33 =	vor.u32 v33, v55  }
0x18c: {  	v19 =	vld [tilespmem:s0+$0x10];
	v57 =	vsel vm0, $0x4, v3;
	v31 =	vor.u32 v31, v61;
	v35 =	vperm.xlane v4, v9  }
0x18d: {  	v21 =	vld [tilespmem:s0+$0x20];
	v27 =	vor.u32 v27, v57;
	v54 =	vperm.xlane v7, v31;
	vm4 =	vge.f32 v12, v53  }
0x18e: {  	v22 =	vld [tilespmem:s0+$0x30];
	vm5 =	vge.f32 v13, v24;
	vm8 =	vge.f32 v8, v35;
	vm6 =	vge.f32 v18, v5  }
0x18f: {  	v23 =	vld [tilespmem:s0+$0x40];
	v62 =	vsel vm5, $0x4, v3;
	vm5 =	vge.f32 v11, v54;
	v8 =	vsel vm8, $0x1, v3  }
0x190: {  	v32 =	vor.u32 v32, v62;
	v20 =	vor.u32 v8, v9;
	v8 =	vsel vm7, $0x4, v3  }
0x191: {  	v24 =	vld [tilespmem:s0+$0x50];
	v9 =	vsel vm6, $0x8, v3;
	vm6 =	vge.f32 v19, v5;
	v55 =	vperm.xlane v7, v32  }
0x192: {  	v25 =	vld [tilespmem:s0+$0x60];
	v35 =	vsel vm6, $0x8, v3;
	vm6 =	vge.f32 v21, v5;
	v36 =	vperm.xlane v6, v9  }
0x193: {  	v8 =	vor.u32 v26, v8;
	v37 =	vsel vm6, $0x8, v3;
	vm6 =	vge.f32 v22, v5  }
0x194: {  	v38 =	vperm.xlane v6, v35;
	v39 =	vsel vm6, $0x8, v3;
	vm6 =	vge.f32 v23, v5  }
0x195: {  	v26 =	vperm.xlane v7, v33;
	v40 =	vperm.xlane v6, v37;
	v41 =	vsel vm6, $0x8, v3  }
0x196: {  	vm6 =	vge.f32 v24, v5;
	v42 =	vperm.xlane v6, v39;
	vm7 =	vge.f32 v19, v38  }
0x197: {  	v43 =	vsel vm6, $0x8, v3;
	vm6 =	vge.f32 v25, v5;
	v44 =	vperm.xlane v6, v41  }
0x198: {  	vm15 =	vge.f32 v21, v40;
	v47 =	vsel vm7, $0x4, v3;
	v45 =	vsel vm6, $0x8, v3  }
0x199: {  	v46 =	vperm.xlane v6, v43;
	vm6 =	vge.f32 v18, v36;
	vm9 =	vge.f32 v22, v42  }
0x19a: {  	v48 =	vsel vm15, $0x4, v3;
	v40 =	vor.u32 v35, v47;
	v56 =	vperm.xlane v6, v45  }
0x19b: {  	vm10 =	vge.f32 v23, v44;
	v63 =	vsel vm6, $0x4, v3;
	v49 =	vsel vm9, $0x4, v3  }
0x19c: {  	v42 =	vor.u32 v37, v48;
	v57 =	vperm.xlane v7, v40;
	vm6 =	vge.f32 v13, v55  }
0x19d: {  	vm11 =	vge.f32 v24, v46;
	v50 =	vsel vm10, $0x4, v3;
	v9 =	vor.u32 v9, v63  }
0x19e: {  	v39 =	vor.u32 v39, v49;
	v58 =	vperm.xlane v7, v42;
	vm0 =	vge.f32 v25, v56  }
0x19f: {  	v51 =	vsel vm11, $0x4, v3;
	v41 =	vor.u32 v41, v50;
	v50 =	vperm.xlane v7, v8  }
0x1a0: {  	v56 =	vperm.xlane v7, v9;
	v59 =	vperm.xlane v7, v39;
	vm8 =	vge.f32 v19, v57  }
0x1a1: {  	v52 =	vsel vm0, $0x4, v3;
	v43 =	vor.u32 v43, v51;
	v51 =	vperm.xlane v7, v27  }
0x1a2: {  	vm0 =	vge.f32 v17, v26;
	v26 =	vperm.xlane v7, v30;
	v60 =	vperm.xlane v7, v41  }
0x1a3: {  	vm9 =	vge.f32 v21, v58;
	v58 =	vsel vm5, $0x2, v3;
	v44 =	vor.u32 v45, v52  }
0x1a4: {  	v52 =	vperm.xlane v7, v28;
	vm1 =	vge.f32 v15, v50;
	v61 =	vsel vm0, $0x2, v3  }
0x1a5: {  	v62 =	vperm.xlane v7, v43;
	vm7 =	vge.f32 v18, v56;
	vm10 =	vge.f32 v22, v59  }
0x1a6: {  	v45 =	vsel vm4, $0x2, v3;
	v59 =	vsel vm6, $0x2, v3;
	vm2 =	vge.f32 v16, v51  }
0x1a7: {  	vm0 =	vge.f32 v10, v26;
	v26 =	vor.u32 v33, v61;
	v63 =	vperm.xlane v7, v44  }
0x1a8: {  	vm11 =	vge.f32 v23, v60;
	v38 =	vsel vm1, $0x2, v3;
	v60 =	vsel vm7, $0x2, v3  }
0x1a9: {  	v61 =	vsel vm8, $0x2, v3;
	v32 =	vor.u32 v32, v59;
	vm3 =	vge.f32 v14, v52  }
0x1aa: {  	vm12 =	vge.f32 v24, v62;
	v34 =	vsel vm2, $0x2, v3;
	v57 =	vsel vm0, $0x2, v3  }
0x1ab: {  	v62 =	vsel vm9, $0x2, v3;
	v53 =	vsel vm11, $0x2, v3;
	v38 =	vor.u32 v8, v38  }
0x1ac: {  	vm13 =	vge.f32 v25, v63;
	v35 =	vsel vm3, $0x2, v3;
	v63 =	vsel vm10, $0x2, v3  }
0x1ad: {  	v54 =	vsel vm12, $0x2, v3;
	v36 =	vor.u32 v27, v34;
	v33 =	vor.u32 v30, v57  }
0x1ae: {  	v34 =	vor.u32 v31, v58;
	v31 =	vor.u32 v9, v60;
	v30 =	vor.u32 v40, v61  }
0x1af: {  	v27 =	vor.u32 v41, v53;
	v56 =	vperm.xlane v4, v38;
	v61 =	vperm.xlane v4, v32  }
0x1b0: {  	v55 =	vsel vm13, $0x2, v3;
	v37 =	vor.u32 v28, v35;
	v35 =	vor.u32 v29, v45  }
0x1b1: {  	v29 =	vor.u32 v42, v62;
	v9 =	vor.u32 v43, v54;
	v54 =	vperm.xlane v4, v26  }
0x1b2: {  	v28 =	vor.u32 v39, v63;
	v57 =	vperm.xlane v4, v36;
	v60 =	vperm.xlane v4, v33  }
0x1b3: {  	v8 =	vor.u32 v44, v55;
	v58 =	vperm.xlane v4, v37;
	v59 =	vperm.xlane v4, v35  }
0x1b4: {  	vm5 =	vge.f32 v15, v56;
	v15 =	vperm.xlane v4, v31;
	v62 =	vperm.xlane v4, v28  }
0x1b5: {  	v63 =	vperm.xlane v4, v9;
	vm11 =	vge.f32 v13, v61;
	vm0 =	vge.f32 v17, v54  }
0x1b6: {  	v17 =	vperm.xlane v4, v34;
	vm6 =	vge.f32 v16, v57;
	v16 =	vperm.xlane v4, v30  }
0x1b7: {  	vm9 =	vge.f32 v10, v60;
	v10 =	vperm.xlane v4, v8;
	vm7 =	vge.f32 v14, v58  }
0x1b8: {  	v14 =	vperm.xlane v4, v29;
	vm8 =	vge.f32 v12, v59;
	v12 =	vperm.xlane v4, v27  }
0x1b9: {  	vm12 =	vge.f32 v18, v15;
	vm3 =	vge.f32 v22, v62;
	vm1 =	vge.f32 v24, v63  }
0x1ba: {  	v22 =	vsel vm5, $0x1, v3;
	v18 =	vsel vm9, $0x1, v3;
	vm10 =	vge.f32 v11, v17  }
0x1bb: {  	vm13 =	vge.f32 v19, v16;
	v11 =	vsel vm0, $0x1, v3;
	vm0 =	vge.f32 v25, v10  }
0x1bc: {  	v19 =	vsel vm8, $0x1, v3;
	v16 =	vsel vm11, $0x1, v3;
	v15 =	vsel vm12, $0x1, v3  }
0x1bd: {  	s31 =	simm.s32 $0x8100;
	vm4 =	vge.f32 v21, v14;
	vm2 =	vge.f32 v23, v12;
	v21 =	vsel vm6, $0x1, v3  }
0x1be: {  	s2 =	simm.s32 $0x0;
	s6 =	simm.s32 $0x200;
	s0 =	simm.s32 $0x8100;
	[tilespmem:s31+$0x70] =	vst v20;
	v12 =	vsel vm7, $0x1, v3;
	v13 =	vsel vm10, $0x1, v3;
	v14 =	vsel vm13, $0x1, v3  }
.LBB2_7:
0x1bf: {  	v23 =	vld [tilespmem:s6+$0x70];
	s2 =	sadd.s32 $0x2, s2;
	v20 =	vsel vm4, $0x1, v3;
	v24 =	vsel vm3, $0x1, v3;
	v25 =	vsel vm2, $0x1, v3  }
0x1c0: {  	v39 =	vor.u32 v11, v26;
	v26 =	vsel vm1, $0x1, v3;
	v17 =	vsel vm0, $0x1, v3;
	v10 =	vld [tilespmem:s6+$0xFFFFFF90];
	p0 =	slt.u32 s2, $0x7E  }
0x1c1: {  	v22 =	vor.u32 v22, v38;
	v21 =	vor.u32 v21, v36;
	v36 =	vor.u32 v12, v37;
	v11 =	vld [tilespmem:s6+$0xFFFFFFA0];
	[tilespmem:s31+$0xFFFFFF80] =	vst v39  }
0x1c2: {  	v19 =	vor.u32 v19, v35;
	v18 =	vor.u32 v18, v33;
	v33 =	vor.u32 v13, v34;
	v12 =	vld [tilespmem:s6+$0xFFFFFFB0];
	[tilespmem:s31+$0xFFFFFF90] =	vst v22  }
0x1c3: {  	v30 =	vor.u32 v14, v30;
	v22 =	vor.u32 v16, v32;
	v13 =	vld [tilespmem:s6+$0xFFFFFFC0];
	[tilespmem:s31+$0xFFFFFFA0] =	vst v21;
	v21 =	vor.u32 v15, v31  }
0x1c4: {  	v20 =	vor.u32 v20, v29;
	v24 =	vor.u32 v24, v28;
	v14 =	vld [tilespmem:s6+$0xFFFFFFD0];
	vm0 =	vge.f32 v23, v5;
	[tilespmem:s31+$0xFFFFFFB0] =	vst v36  }
0x1c5: {  	v15 =	vld [tilespmem:s6+$0xFFFFFFE0];
	vm1 =	vge.f32 v10, v5;
	v29 =	vsel vm0, $0x8, v3;
	[tilespmem:s31+$0xFFFFFFC0] =	vst v19;
	v19 =	vor.u32 v25, v27  }
0x1c6: {  	v16 =	vld [tilespmem:s6+$0xFFFFFFF0];
	v27 =	vsel vm1, $0x8, v3;
	vm0 =	vge.f32 v11, v5;
	v25 =	vperm.xlane v6, v29;
	[tilespmem:s31+$0xFFFFFFD0] =	vst v18  }
0x1c7: {  	v18 =	vld [tilespmem:s6+$0xFFFFFF80];
	v28 =	vsel vm0, $0x8, v3;
	vm0 =	vge.f32 v12, v5;
	v31 =	vperm.xlane v6, v27;
	[tilespmem:s31+$0xFFFFFFE0] =	vst v33  }
0x1c8: {  	v32 =	vsel vm0, $0x8, v3;
	vm0 =	vge.f32 v13, v5;
	vm1 =	vge.f32 v23, v25;
	[tilespmem:s31+$0xFFFFFFF0] =	vst v22  }
0x1c9: {  	v33 =	vsel vm0, $0x8, v3;
	vm0 =	vge.f32 v14, v5;
	v22 =	vsel vm1, $0x4, v3;
	[tilespmem:s31+$0x0] =	vst v21  }
0x1ca: {  	v34 =	vsel vm0, $0x8, v3;
	vm0 =	vge.f32 v15, v5;
	v21 =	vor.u32 v29, v22;
	[tilespmem:s31+$0x10] =	vst v30  }
0x1cb: {  	v29 =	vsel vm0, $0x8, v3;
	vm0 =	vge.f32 v16, v5;
	v22 =	vperm.xlane v7, v21;
	[tilespmem:s31+$0x20] =	vst v20  }
0x1cc: {  	v25 =	vperm.xlane v6, v28;
	vm1 =	vge.f32 v18, v5;
	v30 =	vsel vm0, $0x8, v3;
	[tilespmem:s31+$0x30] =	vst v24  }
0x1cd: {  	v24 =	vperm.xlane v6, v32;
	v35 =	vsel vm1, $0x8, v3;
	vm0 =	vge.f32 v23, v22;
	[tilespmem:s31+$0x40] =	vst v19  }
0x1ce: {  	v22 =	vperm.xlane v6, v33;
	v20 =	vperm.xlane v6, v35;
	v36 =	vsel vm0, $0x2, v3  }
0x1cf: {  	v37 =	vperm.xlane v6, v34;
	v38 =	vperm.xlane v6, v29;
	v19 =	vld [tilespmem:s6+$0x0];
	v36 =	vor.u32 v21, v36  }
0x1d0: {  	v39 =	vperm.xlane v6, v30;
	vm6 =	vge.f32 v18, v20;
	v20 =	vld [tilespmem:s6+$0x10];
	v40 =	vperm.xlane v4, v36  }
0x1d1: {  	vm7 =	vge.f32 v10, v31;
	vm0 =	vge.f32 v11, v25;
	vm1 =	vge.f32 v12, v24;
	v21 =	vld [tilespmem:s6+$0x20]  }
0x1d2: {  	vm3 =	vge.f32 v14, v37;
	vm2 =	vge.f32 v13, v22;
	v22 =	vld [tilespmem:s6+$0x30];
	vm8 =	vge.f32 v23, v40  }
0x1d3: {  	vm5 =	vge.f32 v15, v38;
	vm4 =	vge.f32 v16, v39;
	v23 =	vld [tilespmem:s6+$0x40];
	v25 =	vsel vm8, $0x1, v3  }
0x1d4: {  	s31 =	sadd.s32 $0x100, s31;
	v31 =	vsel vm6, $0x4, v3;
	v24 =	vld [tilespmem:s6+$0x50];
	vm6 =	vge.f32 v19, v5;
	v36 =	vor.u32 v25, v36  }
0x1d5: {  	v37 =	vsel vm7, $0x4, v3;
	v25 =	vld [tilespmem:s6+$0x60];
	v38 =	vsel vm6, $0x8, v3;
	vm6 =	vge.f32 v20, v5;
	[tilespmem:s31+$0x70] =	vst v36  }
0x1d6: {  	v36 =	vsel vm6, $0x8, v3;
	vm6 =	vge.f32 v21, v5;
	v39 =	vperm.xlane v6, v38  }
0x1d7: {  	v40 =	vsel vm6, $0x8, v3;
	vm6 =	vge.f32 v22, v5;
	v41 =	vperm.xlane v6, v36  }
0x1d8: {  	v42 =	vsel vm6, $0x8, v3;
	vm6 =	vge.f32 v23, v5;
	v43 =	vperm.xlane v6, v40  }
0x1d9: {  	v44 =	vsel vm6, $0x8, v3;
	vm6 =	vge.f32 v24, v5;
	v45 =	vperm.xlane v6, v42  }
0x1da: {  	v46 =	vsel vm6, $0x8, v3;
	vm6 =	vge.f32 v25, v5;
	v47 =	vperm.xlane v6, v44  }
0x1db: {  	v48 =	vsel vm6, $0x8, v3;
	v49 =	vperm.xlane v6, v46;
	vm6 =	vge.f32 v19, v39  }
0x1dc: {  	vm7 =	vge.f32 v20, v41;
	vm8 =	vge.f32 v21, v43;
	v39 =	vperm.xlane v6, v48  }
0x1dd: {  	vm9 =	vge.f32 v22, v45;
	vm10 =	vge.f32 v23, v47;
	vm11 =	vge.f32 v24, v49  }
0x1de: {  	v41 =	vsel vm0, $0x4, v3;
	v43 =	vsel vm1, $0x4, v3;
	vm0 =	vge.f32 v25, v39  }
0x1df: {  	v45 =	vsel vm3, $0x4, v3;
	v47 =	vsel vm5, $0x4, v3;
	v39 =	vsel vm2, $0x4, v3  }
0x1e0: {  	v51 =	vsel vm7, $0x4, v3;
	v50 =	vsel vm6, $0x4, v3;
	v49 =	vsel vm4, $0x4, v3  }
0x1e1: {  	v52 =	vsel vm8, $0x4, v3;
	v53 =	vsel vm9, $0x4, v3;
	v54 =	vsel vm10, $0x4, v3  }
0x1e2: {  	v31 =	vor.u32 v35, v31;
	v35 =	vsel vm11, $0x4, v3;
	v55 =	vsel vm0, $0x4, v3  }
0x1e3: {  	v27 =	vor.u32 v27, v37;
	v28 =	vor.u32 v28, v41;
	v32 =	vor.u32 v32, v43  }
0x1e4: {  	v34 =	vor.u32 v34, v45;
	v29 =	vor.u32 v29, v47;
	v33 =	vor.u32 v33, v39  }
0x1e5: {  	v41 =	vor.u32 v36, v51;
	v30 =	vor.u32 v30, v49;
	v39 =	vor.u32 v38, v50  }
0x1e6: {  	v40 =	vor.u32 v40, v52;
	v42 =	vor.u32 v42, v53;
	v43 =	vor.u32 v44, v54  }
0x1e7: {  	v36 =	vperm.xlane v7, v31;
	v44 =	vor.u32 v46, v35;
	v45 =	vor.u32 v48, v55  }
0x1e8: {  	v9 =	vor.u32 v26, v9;
	v37 =	vperm.xlane v7, v28;
	v35 =	vperm.xlane v7, v27  }
0x1e9: {  	v26 =	vperm.xlane v7, v32;
	vm0 =	vge.f32 v18, v36;
	v38 =	vperm.xlane v7, v33;
	[tilespmem:s0+$0x50] =	vst v9  }
0x1ea: {  	v36 =	vperm.xlane v7, v29;
	vm1 =	vge.f32 v10, v35;
	v9 =	vperm.xlane v7, v34  }
0x1eb: {  	vm2 =	vge.f32 v11, v37;
	v37 =	vperm.xlane v7, v39;
	v35 =	vperm.xlane v7, v30  }
0x1ec: {  	vm3 =	vge.f32 v12, v26;
	v26 =	vperm.xlane v7, v41;
	v46 =	vperm.xlane v7, v40  }
0x1ed: {  	v47 =	vperm.xlane v7, v43;
	vm4 =	vge.f32 v13, v38;
	v38 =	vperm.xlane v7, v42  }
0x1ee: {  	v48 =	vperm.xlane v7, v45;
	vm5 =	vge.f32 v14, v9;
	v9 =	vperm.xlane v7, v44  }
0x1ef: {  	vm6 =	vge.f32 v15, v36;
	vm8 =	vge.f32 v19, v37;
	vm7 =	vge.f32 v16, v35  }
0x1f0: {  	vm9 =	vge.f32 v20, v26;
	vm10 =	vge.f32 v21, v46;
	vm11 =	vge.f32 v22, v38  }
0x1f1: {  	vm12 =	vge.f32 v23, v47;
	vm14 =	vge.f32 v25, v48;
	vm13 =	vge.f32 v24, v9  }
0x1f2: {  	v36 =	vsel vm2, $0x2, v3;
	v35 =	vsel vm1, $0x2, v3;
	v9 =	vsel vm0, $0x2, v3  }
0x1f3: {  	v37 =	vsel vm3, $0x2, v3;
	v46 =	vsel vm4, $0x2, v3;
	v47 =	vsel vm5, $0x2, v3  }
0x1f4: {  	v48 =	vsel vm6, $0x2, v3;
	v50 =	vsel vm8, $0x2, v3;
	v49 =	vsel vm7, $0x2, v3  }
0x1f5: {  	v51 =	vsel vm9, $0x2, v3;
	v52 =	vsel vm10, $0x2, v3;
	v53 =	vsel vm11, $0x2, v3  }
0x1f6: {  	v54 =	vsel vm12, $0x2, v3;
	v56 =	vsel vm14, $0x2, v3;
	v55 =	vsel vm13, $0x2, v3  }
0x1f7: {  	v36 =	vor.u32 v28, v36;
	v38 =	vor.u32 v27, v35;
	v26 =	vor.u32 v31, v9  }
0x1f8: {  	v37 =	vor.u32 v32, v37;
	v35 =	vor.u32 v33, v46;
	v33 =	vor.u32 v34, v47  }
0x1f9: {  	v32 =	vor.u32 v30, v49;
	v34 =	vor.u32 v29, v48;
	v31 =	vor.u32 v39, v50  }
0x1fa: {  	v30 =	vor.u32 v41, v51;
	v28 =	vor.u32 v42, v53;
	v29 =	vor.u32 v40, v52  }
0x1fb: {  	v27 =	vor.u32 v43, v54;
	v39 =	vor.u32 v45, v56;
	v9 =	vor.u32 v44, v55  }
0x1fc: {  	v17 =	vor.u32 v17, v8;
	v41 =	vperm.xlane v4, v38;
	v40 =	vperm.xlane v4, v26;
	v8 =	vmovc v39  }
0x1fd: {  	v42 =	vperm.xlane v4, v37;
	v39 =	vperm.xlane v4, v36;
	[tilespmem:s0+$0x60] =	vst v17;
	s0 =	smov.u32 s31  }
0x1fe: {  	v43 =	vperm.xlane v4, v33;
	vm0 =	vge.f32 v18, v40;
	v17 =	vperm.xlane v4, v35  }
0x1ff: {  	vm5 =	vge.f32 v10, v41;
	v18 =	vperm.xlane v4, v34;
	v40 =	vperm.xlane v4, v32  }
0x200: {  	v10 =	vperm.xlane v4, v31;
	vm6 =	vge.f32 v11, v39;
	v11 =	vperm.xlane v4, v30  }
0x201: {  	vm7 =	vge.f32 v12, v42;
	v12 =	vperm.xlane v4, v29;
	v39 =	vperm.xlane v4, v28  }
0x202: {  	vm8 =	vge.f32 v13, v17;
	v13 =	vperm.xlane v4, v27;
	v17 =	vperm.xlane v4, v9  }
0x203: {  	vm9 =	vge.f32 v14, v43;
	v14 =	vperm.xlane v4, v8;
	vm10 =	vge.f32 v15, v18  }
0x204: {  	vm12 =	vge.f32 v19, v10;
	vm11 =	vge.f32 v16, v40;
	vm13 =	vge.f32 v20, v11  }
.Ltmp2:
0x205: {  	vm4 =	vge.f32 v21, v12;
	vm3 =	vge.f32 v22, v39;
	vm2 =	vge.f32 v23, v13;
	(pc) =	sbr.rel @p0 .LBB2_7-.Ltmp2, $4  }
0x206: {  	v11 =	vsel vm0, $0x1, v3;
	vm0 =	vge.f32 v25, v14;
	vm1 =	vge.f32 v24, v17  }
0x207: {  	v12 =	vsel vm7, $0x1, v3;
	v21 =	vsel vm6, $0x1, v3;
	v22 =	vsel vm5, $0x1, v3  }
0x208: {  	v18 =	vsel vm9, $0x1, v3;
	v19 =	vsel vm8, $0x1, v3;
	v13 =	vsel vm10, $0x1, v3  }
0x209: {  	s6 =	sadd.s32 $0x100, s6;
	v15 =	vsel vm12, $0x1, v3;
	v16 =	vsel vm11, $0x1, v3;
	v14 =	vsel vm13, $0x1, v3  }
0x20a: {  	v10 =	vor.u32 v11, v26  }
0x20b: {  	v11 =	vor.u32 v22, v38;
	[tilespmem:s31+$0xFFFFFF80] =	vst v10  }
0x20c: {  	v10 =	vor.u32 v21, v36;
	[tilespmem:s31+$0xFFFFFF90] =	vst v11  }
0x20d: {  	v11 =	vor.u32 v12, v37;
	[tilespmem:s31+$0xFFFFFFA0] =	vst v10  }
0x20e: {  	v12 =	vor.u32 v14, v30;
	[tilespmem:s31+$0xFFFFFFB0] =	vst v11  }
0x20f: {  	v10 =	vor.u32 v19, v35;
	[tilespmem:s31+$0x10] =	vst v12  }
0x210: {  	v11 =	vor.u32 v18, v33;
	[tilespmem:s31+$0xFFFFFFC0] =	vst v10  }
0x211: {  	v10 =	vor.u32 v13, v34;
	[tilespmem:s31+$0xFFFFFFD0] =	vst v11  }
0x212: {  	v12 =	vsel vm2, $0x1, v3;
	v11 =	vor.u32 v16, v32;
	[tilespmem:s31+$0xFFFFFFE0] =	vst v10  }
0x213: {  	v12 =	vor.u32 v12, v27;
	[tilespmem:s31+$0xFFFFFFF0] =	vst v11  }
0x214: {  	v10 =	vor.u32 v15, v31;
	v11 =	vsel vm4, $0x1, v3;
	[tilespmem:s31+$0x40] =	vst v12  }
0x215: {  	[tilespmem:s31+$0x0] =	vst v10;
	v10 =	vsel vm3, $0x1, v3;
	v11 =	vor.u32 v11, v29  }
0x216: {  	s30 =	sshll.u32 s29, $0xF;
	v10 =	vor.u32 v10, v28;
	[tilespmem:s31+$0x20] =	vst v11;
	v11 =	vsel vm1, $0x1, v3  }
0x217: {  	s2 =	sor.u32 s5, s30;
	[tilespmem:s31+$0x30] =	vst v10;
	v10 =	vsel vm0, $0x1, v3;
	v9 =	vor.u32 v11, v9  }
0x218: {  	s6 =	sadd.s32 s30, s13;
	s31 =	sshrl.u32 s2, $0x3;
	[tilespmem:s0+$0x50] =	vst v9;
	v8 =	vor.u32 v10, v8  }
0x219: {  	s2 =	sadd.s32 s3, s31;
	[tilespmem:s0+$0x60] =	vst v8;
	s0 =	sshrl.u32 s6, $0x3  }
0x21a: {  	[hbm4b:s2+s4] =	stream.linear.scatter [tilespmem:s22], [sflag:$0x3], $0x4000, $0x38;
	[tilespmem:$0x10080] =	vst v63  }
0x21b: {  	s0 =	sadd.s32 s1, s0  }
0x21c: {  	[tilespmem:s19], [sflag:$0x1] =	stream.linear.gather [hbm4b:s0+s4], $0x4000, $0x38;
	[tilespmem:$0x10080] =	vst v63  }
0x21d: {  	_ =	swait.ge [sflag:s23], $0x4000  }
0x21e: {  	[sflag:s23] =	ssyncset.done $0x0  }
0x21f: {  	[sflag:s23] =	ssyncadd.s32 $0xFFFFC000  }
0x220: {  	_ =	swait.ge [sflag:s26], $0x4000  }
0x221: {  	[sflag:s26] =	ssyncset.done $0x0  }
0x222: {  	s8 =	simm.s32 $0x4100;
	[sflag:s26] =	ssyncadd.s32 $0xFFFFC000  }
0x223: {  	v8 =	vld [tilespmem:s8+$0x70]  }
0x224: {  	v15 =	vld [tilespmem:s8+$0xFFFFFF90]  }
0x225: {  	v16 =	vld [tilespmem:s8+$0xFFFFFFA0]  }
0x226: {  	v14 =	vld [tilespmem:s8+$0xFFFFFFB0]  }
0x227: {  	v12 =	vld [tilespmem:s8+$0xFFFFFFC0]  }
0x228: {  	v10 =	vld [tilespmem:s8+$0xFFFFFFD0];
	vm0 =	vge.f32 v8, v5  }
0x229: {  	v11 =	vld [tilespmem:s8+$0xFFFFFFE0];
	vm1 =	vge.f32 v15, v5;
	v9 =	vsel vm0, $0x8, v3  }
0x22a: {  	v17 =	vld [tilespmem:s8+$0xFFFFFF80];
	v26 =	vsel vm1, $0x8, v3;
	vm0 =	vge.f32 v16, v5;
	v18 =	vperm.xlane v6, v9  }
0x22b: {  	v27 =	vsel vm0, $0x8, v3;
	vm0 =	vge.f32 v14, v5;
	v20 =	vperm.xlane v6, v26  }
0x22c: {  	v13 =	vld [tilespmem:s8+$0xFFFFFFF0];
	v28 =	vsel vm0, $0x8, v3;
	vm0 =	vge.f32 v12, v5;
	v21 =	vperm.xlane v6, v27  }
0x22d: {  	vm1 =	vge.f32 v8, v18;
	v29 =	vsel vm0, $0x8, v3;
	vm0 =	vge.f32 v10, v5  }
0x22e: {  	v22 =	vperm.xlane v6, v28;
	vm7 =	vge.f32 v15, v20;
	v18 =	vsel vm1, $0x4, v3  }
0x22f: {  	v30 =	vsel vm0, $0x8, v3;
	vm0 =	vge.f32 v11, v5;
	vm1 =	vge.f32 v17, v5  }
0x230: {  	v23 =	vperm.xlane v6, v29;
	v9 =	vor.u32 v9, v18;
	v31 =	vsel vm0, $0x8, v3  }
0x231: {  	vm0 =	vge.f32 v13, v5;
	v50 =	vsel vm1, $0x8, v3;
	v25 =	vperm.xlane v6, v30  }
0x232: {  	vm1 =	vge.f32 v14, v22;
	v18 =	vperm.xlane v7, v9;
	v32 =	vsel vm0, $0x8, v3  }
0x233: {  	v19 =	vperm.xlane v6, v50;
	v51 =	vperm.xlane v6, v31;
	vm2 =	vge.f32 v12, v23  }
0x234: {  	v58 =	vsel vm1, $0x4, v3;
	vm3 =	vge.f32 v10, v25;
	v59 =	vsel vm2, $0x4, v3  }
0x235: {  	v28 =	vor.u32 v28, v58;
	vm0 =	vge.f32 v8, v18;
	vm6 =	vge.f32 v17, v19  }
0x236: {  	vm4 =	vge.f32 v11, v51;
	v60 =	vsel vm3, $0x4, v3;
	v29 =	vor.u32 v29, v59  }
0x237: {  	v24 =	vsel vm0, $0x2, v3;
	vm0 =	vge.f32 v16, v21;
	v53 =	vsel vm6, $0x4, v3  }
0x238: {  	v18 =	vld [tilespmem:s8+$0x0];
	v61 =	vsel vm4, $0x4, v3;
	v30 =	vor.u32 v30, v60;
	v9 =	vor.u32 v9, v24  }
0x239: {  	v19 =	vld [tilespmem:s8+$0x10];
	v24 =	vperm.xlane v6, v32;
	v33 =	vor.u32 v50, v53;
	v52 =	vperm.xlane v4, v9  }
0x23a: {  	v21 =	vld [tilespmem:s8+$0x20];
	v57 =	vsel vm0, $0x4, v3;
	v31 =	vor.u32 v31, v61;
	v53 =	vperm.xlane v7, v29  }
0x23b: {  	v22 =	vld [tilespmem:s8+$0x30];
	v27 =	vor.u32 v27, v57;
	vm5 =	vge.f32 v13, v24;
	vm8 =	vge.f32 v8, v52  }
0x23c: {  	v23 =	vld [tilespmem:s8+$0x40];
	vm4 =	vge.f32 v12, v53;
	v62 =	vsel vm5, $0x4, v3;
	v8 =	vsel vm8, $0x1, v3  }
0x23d: {  	vm6 =	vge.f32 v18, v5;
	v32 =	vor.u32 v32, v62;
	v20 =	vor.u32 v8, v9  }
0x23e: {  	v24 =	vld [tilespmem:s8+$0x50];
	v8 =	vsel vm7, $0x4, v3;
	v9 =	vsel vm6, $0x8, v3;
	vm6 =	vge.f32 v19, v5  }
0x23f: {  	v25 =	vld [tilespmem:s8+$0x60];
	v35 =	vsel vm6, $0x8, v3;
	vm6 =	vge.f32 v21, v5;
	v54 =	vperm.xlane v6, v9  }
0x240: {  	v8 =	vor.u32 v26, v8;
	v37 =	vsel vm6, $0x8, v3;
	vm6 =	vge.f32 v22, v5  }
0x241: {  	v55 =	vperm.xlane v6, v35;
	v39 =	vsel vm6, $0x8, v3;
	vm6 =	vge.f32 v23, v5  }
0x242: {  	v26 =	vperm.xlane v7, v33;
	v40 =	vperm.xlane v6, v37;
	v41 =	vsel vm6, $0x8, v3  }
0x243: {  	vm6 =	vge.f32 v24, v5;
	v42 =	vperm.xlane v6, v39;
	vm7 =	vge.f32 v19, v55  }
0x244: {  	v55 =	vperm.xlane v7, v32;
	v43 =	vsel vm6, $0x8, v3;
	vm6 =	vge.f32 v25, v5  }
0x245: {  	v44 =	vperm.xlane v6, v41;
	vm15 =	vge.f32 v21, v40;
	v47 =	vsel vm7, $0x4, v3  }
0x246: {  	v45 =	vsel vm6, $0x8, v3;
	v46 =	vperm.xlane v6, v43;
	vm6 =	vge.f32 v18, v54  }
0x247: {  	vm9 =	vge.f32 v22, v42;
	v48 =	vsel vm15, $0x4, v3;
	v40 =	vor.u32 v35, v47  }
0x248: {  	v54 =	vperm.xlane v7, v31;
	v56 =	vperm.xlane v6, v45;
	vm10 =	vge.f32 v23, v44  }
0x249: {  	v63 =	vsel vm6, $0x4, v3;
	v49 =	vsel vm9, $0x4, v3;
	v42 =	vor.u32 v37, v48  }
0x24a: {  	v57 =	vperm.xlane v7, v40;
	vm6 =	vge.f32 v13, v55;
	vm11 =	vge.f32 v24, v46  }
0x24b: {  	v50 =	vsel vm10, $0x4, v3;
	v9 =	vor.u32 v9, v63;
	v39 =	vor.u32 v39, v49  }
0x24c: {  	v58 =	vperm.xlane v7, v42;
	vm5 =	vge.f32 v11, v54;
	vm0 =	vge.f32 v25, v56  }
0x24d: {  	v51 =	vsel vm11, $0x4, v3;
	v41 =	vor.u32 v41, v50;
	v50 =	vperm.xlane v7, v8  }
0x24e: {  	v56 =	vperm.xlane v7, v9;
	v59 =	vperm.xlane v7, v39;
	vm8 =	vge.f32 v19, v57  }
0x24f: {  	v52 =	vsel vm0, $0x4, v3;
	v43 =	vor.u32 v43, v51;
	v51 =	vperm.xlane v7, v27  }
0x250: {  	vm0 =	vge.f32 v17, v26;
	v26 =	vperm.xlane v7, v30;
	v60 =	vperm.xlane v7, v41  }
0x251: {  	vm9 =	vge.f32 v21, v58;
	v58 =	vsel vm5, $0x2, v3;
	v44 =	vor.u32 v45, v52  }
0x252: {  	v52 =	vperm.xlane v7, v28;
	vm1 =	vge.f32 v15, v50;
	v61 =	vsel vm0, $0x2, v3  }
0x253: {  	v62 =	vperm.xlane v7, v43;
	vm7 =	vge.f32 v18, v56;
	vm10 =	vge.f32 v22, v59  }
0x254: {  	v45 =	vsel vm4, $0x2, v3;
	v59 =	vsel vm6, $0x2, v3;
	vm2 =	vge.f32 v16, v51  }
0x255: {  	vm0 =	vge.f32 v10, v26;
	v26 =	vor.u32 v33, v61;
	v63 =	vperm.xlane v7, v44  }
0x256: {  	vm11 =	vge.f32 v23, v60;
	v38 =	vsel vm1, $0x2, v3;
	v60 =	vsel vm7, $0x2, v3  }
0x257: {  	v61 =	vsel vm8, $0x2, v3;
	v32 =	vor.u32 v32, v59;
	vm3 =	vge.f32 v14, v52  }
0x258: {  	vm12 =	vge.f32 v24, v62;
	v34 =	vsel vm2, $0x2, v3;
	v57 =	vsel vm0, $0x2, v3  }
0x259: {  	v62 =	vsel vm9, $0x2, v3;
	v53 =	vsel vm11, $0x2, v3;
	v38 =	vor.u32 v8, v38  }
0x25a: {  	vm13 =	vge.f32 v25, v63;
	v35 =	vsel vm3, $0x2, v3;
	v63 =	vsel vm10, $0x2, v3  }
0x25b: {  	v54 =	vsel vm12, $0x2, v3;
	v36 =	vor.u32 v27, v34;
	v33 =	vor.u32 v30, v57  }
0x25c: {  	v34 =	vor.u32 v31, v58;
	v31 =	vor.u32 v9, v60;
	v30 =	vor.u32 v40, v61  }
0x25d: {  	v27 =	vor.u32 v41, v53;
	v56 =	vperm.xlane v4, v38;
	v61 =	vperm.xlane v4, v32  }
0x25e: {  	v55 =	vsel vm13, $0x2, v3;
	v37 =	vor.u32 v28, v35;
	v35 =	vor.u32 v29, v45  }
0x25f: {  	v29 =	vor.u32 v42, v62;
	v9 =	vor.u32 v43, v54;
	v54 =	vperm.xlane v4, v26  }
0x260: {  	v28 =	vor.u32 v39, v63;
	v57 =	vperm.xlane v4, v36;
	v60 =	vperm.xlane v4, v33  }
0x261: {  	v8 =	vor.u32 v44, v55;
	v58 =	vperm.xlane v4, v37;
	v59 =	vperm.xlane v4, v35  }
0x262: {  	vm5 =	vge.f32 v15, v56;
	v15 =	vperm.xlane v4, v31;
	v62 =	vperm.xlane v4, v28  }
0x263: {  	v63 =	vperm.xlane v4, v9;
	vm11 =	vge.f32 v13, v61;
	vm0 =	vge.f32 v17, v54  }
0x264: {  	v17 =	vperm.xlane v4, v34;
	vm6 =	vge.f32 v16, v57;
	v16 =	vperm.xlane v4, v30  }
0x265: {  	vm9 =	vge.f32 v10, v60;
	v10 =	vperm.xlane v4, v8;
	vm7 =	vge.f32 v14, v58  }
0x266: {  	v14 =	vperm.xlane v4, v29;
	vm8 =	vge.f32 v12, v59;
	v12 =	vperm.xlane v4, v27  }
0x267: {  	vm12 =	vge.f32 v18, v15;
	vm3 =	vge.f32 v22, v62;
	vm1 =	vge.f32 v24, v63  }
0x268: {  	v22 =	vsel vm5, $0x1, v3;
	v18 =	vsel vm9, $0x1, v3;
	vm10 =	vge.f32 v11, v17  }
0x269: {  	vm13 =	vge.f32 v19, v16;
	v11 =	vsel vm0, $0x1, v3;
	vm0 =	vge.f32 v25, v10  }
0x26a: {  	v19 =	vsel vm8, $0x1, v3;
	v16 =	vsel vm11, $0x1, v3;
	v15 =	vsel vm12, $0x1, v3  }
0x26b: {  	s0 =	simm.s32 $0xC100;
	vm4 =	vge.f32 v21, v14;
	vm2 =	vge.f32 v23, v12;
	v21 =	vsel vm6, $0x1, v3  }
0x26c: {  	s6 =	simm.s32 $0x0;
	s2 =	simm.s32 $0xC100;
	s8 =	simm.s32 $0x4200;
	[tilespmem:s0+$0x70] =	vst v20;
	v12 =	vsel vm7, $0x1, v3;
	v13 =	vsel vm10, $0x1, v3;
	v14 =	vsel vm13, $0x1, v3  }
.LBB2_9:
0x26d: {  	v23 =	vld [tilespmem:s8+$0x70];
	s6 =	sadd.s32 $0x2, s6;
	v20 =	vsel vm4, $0x1, v3;
	v24 =	vsel vm3, $0x1, v3;
	v25 =	vsel vm2, $0x1, v3  }
0x26e: {  	v39 =	vor.u32 v11, v26;
	v26 =	vsel vm1, $0x1, v3;
	v17 =	vsel vm0, $0x1, v3;
	v10 =	vld [tilespmem:s8+$0xFFFFFF90];
	p0 =	slt.u32 s6, $0x7E  }
0x26f: {  	v22 =	vor.u32 v22, v38;
	v21 =	vor.u32 v21, v36;
	v36 =	vor.u32 v12, v37;
	v11 =	vld [tilespmem:s8+$0xFFFFFFA0];
	[tilespmem:s0+$0xFFFFFF80] =	vst v39  }
0x270: {  	v19 =	vor.u32 v19, v35;
	v18 =	vor.u32 v18, v33;
	v33 =	vor.u32 v13, v34;
	v12 =	vld [tilespmem:s8+$0xFFFFFFB0];
	[tilespmem:s0+$0xFFFFFF90] =	vst v22  }
0x271: {  	v30 =	vor.u32 v14, v30;
	v22 =	vor.u32 v16, v32;
	v13 =	vld [tilespmem:s8+$0xFFFFFFC0];
	[tilespmem:s0+$0xFFFFFFA0] =	vst v21;
	v21 =	vor.u32 v15, v31  }
0x272: {  	v20 =	vor.u32 v20, v29;
	v24 =	vor.u32 v24, v28;
	v14 =	vld [tilespmem:s8+$0xFFFFFFD0];
	vm0 =	vge.f32 v23, v5;
	[tilespmem:s0+$0xFFFFFFB0] =	vst v36  }
0x273: {  	v15 =	vld [tilespmem:s8+$0xFFFFFFE0];
	vm1 =	vge.f32 v10, v5;
	v29 =	vsel vm0, $0x8, v3;
	[tilespmem:s0+$0xFFFFFFC0] =	vst v19;
	v19 =	vor.u32 v25, v27  }
0x274: {  	v16 =	vld [tilespmem:s8+$0xFFFFFFF0];
	v27 =	vsel vm1, $0x8, v3;
	vm0 =	vge.f32 v11, v5;
	v25 =	vperm.xlane v6, v29;
	[tilespmem:s0+$0xFFFFFFD0] =	vst v18  }
0x275: {  	v18 =	vld [tilespmem:s8+$0xFFFFFF80];
	v28 =	vsel vm0, $0x8, v3;
	vm0 =	vge.f32 v12, v5;
	v31 =	vperm.xlane v6, v27;
	[tilespmem:s0+$0xFFFFFFE0] =	vst v33  }
0x276: {  	v32 =	vsel vm0, $0x8, v3;
	vm0 =	vge.f32 v13, v5;
	vm1 =	vge.f32 v23, v25;
	[tilespmem:s0+$0xFFFFFFF0] =	vst v22  }
0x277: {  	v33 =	vsel vm0, $0x8, v3;
	vm0 =	vge.f32 v14, v5;
	v22 =	vsel vm1, $0x4, v3;
	[tilespmem:s0+$0x0] =	vst v21  }
0x278: {  	v34 =	vsel vm0, $0x8, v3;
	vm0 =	vge.f32 v15, v5;
	v21 =	vor.u32 v29, v22;
	[tilespmem:s0+$0x10] =	vst v30  }
0x279: {  	v29 =	vsel vm0, $0x8, v3;
	vm0 =	vge.f32 v16, v5;
	v22 =	vperm.xlane v7, v21;
	[tilespmem:s0+$0x20] =	vst v20  }
0x27a: {  	v25 =	vperm.xlane v6, v28;
	vm1 =	vge.f32 v18, v5;
	v30 =	vsel vm0, $0x8, v3;
	[tilespmem:s0+$0x30] =	vst v24  }
0x27b: {  	v24 =	vperm.xlane v6, v32;
	v35 =	vsel vm1, $0x8, v3;
	vm0 =	vge.f32 v23, v22;
	[tilespmem:s0+$0x40] =	vst v19  }
0x27c: {  	v22 =	vperm.xlane v6, v33;
	v20 =	vperm.xlane v6, v35;
	v36 =	vsel vm0, $0x2, v3  }
0x27d: {  	v37 =	vperm.xlane v6, v34;
	v38 =	vperm.xlane v6, v29;
	v19 =	vld [tilespmem:s8+$0x0];
	v36 =	vor.u32 v21, v36  }
0x27e: {  	v39 =	vperm.xlane v6, v30;
	vm6 =	vge.f32 v18, v20;
	v20 =	vld [tilespmem:s8+$0x10];
	v40 =	vperm.xlane v4, v36  }
0x27f: {  	vm7 =	vge.f32 v10, v31;
	vm0 =	vge.f32 v11, v25;
	vm1 =	vge.f32 v12, v24;
	v21 =	vld [tilespmem:s8+$0x20]  }
0x280: {  	vm3 =	vge.f32 v14, v37;
	vm2 =	vge.f32 v13, v22;
	v22 =	vld [tilespmem:s8+$0x30];
	vm8 =	vge.f32 v23, v40  }
0x281: {  	vm5 =	vge.f32 v15, v38;
	vm4 =	vge.f32 v16, v39;
	v23 =	vld [tilespmem:s8+$0x40];
	v25 =	vsel vm8, $0x1, v3  }
0x282: {  	s0 =	sadd.s32 $0x100, s0;
	v31 =	vsel vm6, $0x4, v3;
	v24 =	vld [tilespmem:s8+$0x50];
	vm6 =	vge.f32 v19, v5;
	v36 =	vor.u32 v25, v36  }
0x283: {  	v37 =	vsel vm7, $0x4, v3;
	v25 =	vld [tilespmem:s8+$0x60];
	v38 =	vsel vm6, $0x8, v3;
	vm6 =	vge.f32 v20, v5;
	[tilespmem:s0+$0x70] =	vst v36  }
0x284: {  	v36 =	vsel vm6, $0x8, v3;
	vm6 =	vge.f32 v21, v5;
	v39 =	vperm.xlane v6, v38  }
0x285: {  	v40 =	vsel vm6, $0x8, v3;
	vm6 =	vge.f32 v22, v5;
	v41 =	vperm.xlane v6, v36  }
0x286: {  	v42 =	vsel vm6, $0x8, v3;
	vm6 =	vge.f32 v23, v5;
	v43 =	vperm.xlane v6, v40  }
0x287: {  	v44 =	vsel vm6, $0x8, v3;
	vm6 =	vge.f32 v24, v5;
	v45 =	vperm.xlane v6, v42  }
0x288: {  	v46 =	vsel vm6, $0x8, v3;
	vm6 =	vge.f32 v25, v5;
	v47 =	vperm.xlane v6, v44  }
0x289: {  	v48 =	vsel vm6, $0x8, v3;
	v49 =	vperm.xlane v6, v46;
	vm6 =	vge.f32 v19, v39  }
0x28a: {  	vm7 =	vge.f32 v20, v41;
	vm8 =	vge.f32 v21, v43;
	v39 =	vperm.xlane v6, v48  }
0x28b: {  	vm9 =	vge.f32 v22, v45;
	vm10 =	vge.f32 v23, v47;
	vm11 =	vge.f32 v24, v49  }
0x28c: {  	v41 =	vsel vm0, $0x4, v3;
	v43 =	vsel vm1, $0x4, v3;
	vm0 =	vge.f32 v25, v39  }
0x28d: {  	v45 =	vsel vm3, $0x4, v3;
	v47 =	vsel vm5, $0x4, v3;
	v39 =	vsel vm2, $0x4, v3  }
0x28e: {  	v51 =	vsel vm7, $0x4, v3;
	v50 =	vsel vm6, $0x4, v3;
	v49 =	vsel vm4, $0x4, v3  }
0x28f: {  	v52 =	vsel vm8, $0x4, v3;
	v53 =	vsel vm9, $0x4, v3;
	v54 =	vsel vm10, $0x4, v3  }
0x290: {  	v31 =	vor.u32 v35, v31;
	v35 =	vsel vm11, $0x4, v3;
	v55 =	vsel vm0, $0x4, v3  }
0x291: {  	v27 =	vor.u32 v27, v37;
	v28 =	vor.u32 v28, v41;
	v32 =	vor.u32 v32, v43  }
0x292: {  	v34 =	vor.u32 v34, v45;
	v29 =	vor.u32 v29, v47;
	v33 =	vor.u32 v33, v39  }
0x293: {  	v41 =	vor.u32 v36, v51;
	v30 =	vor.u32 v30, v49;
	v39 =	vor.u32 v38, v50  }
0x294: {  	v40 =	vor.u32 v40, v52;
	v42 =	vor.u32 v42, v53;
	v43 =	vor.u32 v44, v54  }
0x295: {  	v36 =	vperm.xlane v7, v31;
	v44 =	vor.u32 v46, v35;
	v45 =	vor.u32 v48, v55  }
0x296: {  	v9 =	vor.u32 v26, v9;
	v37 =	vperm.xlane v7, v28;
	v35 =	vperm.xlane v7, v27  }
0x297: {  	v26 =	vperm.xlane v7, v32;
	vm0 =	vge.f32 v18, v36;
	v38 =	vperm.xlane v7, v33;
	[tilespmem:s2+$0x50] =	vst v9  }
0x298: {  	v36 =	vperm.xlane v7, v29;
	vm1 =	vge.f32 v10, v35;
	v9 =	vperm.xlane v7, v34  }
0x299: {  	vm2 =	vge.f32 v11, v37;
	v37 =	vperm.xlane v7, v39;
	v35 =	vperm.xlane v7, v30  }
0x29a: {  	vm3 =	vge.f32 v12, v26;
	v26 =	vperm.xlane v7, v41;
	v46 =	vperm.xlane v7, v40  }
0x29b: {  	v47 =	vperm.xlane v7, v43;
	vm4 =	vge.f32 v13, v38;
	v38 =	vperm.xlane v7, v42  }
0x29c: {  	v48 =	vperm.xlane v7, v45;
	vm5 =	vge.f32 v14, v9;
	v9 =	vperm.xlane v7, v44  }
0x29d: {  	vm6 =	vge.f32 v15, v36;
	vm8 =	vge.f32 v19, v37;
	vm7 =	vge.f32 v16, v35  }
0x29e: {  	vm9 =	vge.f32 v20, v26;
	vm10 =	vge.f32 v21, v46;
	vm11 =	vge.f32 v22, v38  }
0x29f: {  	vm12 =	vge.f32 v23, v47;
	vm14 =	vge.f32 v25, v48;
	vm13 =	vge.f32 v24, v9  }
0x2a0: {  	v36 =	vsel vm2, $0x2, v3;
	v35 =	vsel vm1, $0x2, v3;
	v9 =	vsel vm0, $0x2, v3  }
0x2a1: {  	v37 =	vsel vm3, $0x2, v3;
	v46 =	vsel vm4, $0x2, v3;
	v47 =	vsel vm5, $0x2, v3  }
0x2a2: {  	v48 =	vsel vm6, $0x2, v3;
	v50 =	vsel vm8, $0x2, v3;
	v49 =	vsel vm7, $0x2, v3  }
0x2a3: {  	v51 =	vsel vm9, $0x2, v3;
	v52 =	vsel vm10, $0x2, v3;
	v53 =	vsel vm11, $0x2, v3  }
0x2a4: {  	v54 =	vsel vm12, $0x2, v3;
	v56 =	vsel vm14, $0x2, v3;
	v55 =	vsel vm13, $0x2, v3  }
0x2a5: {  	v36 =	vor.u32 v28, v36;
	v38 =	vor.u32 v27, v35;
	v26 =	vor.u32 v31, v9  }
0x2a6: {  	v37 =	vor.u32 v32, v37;
	v35 =	vor.u32 v33, v46;
	v33 =	vor.u32 v34, v47  }
0x2a7: {  	v32 =	vor.u32 v30, v49;
	v34 =	vor.u32 v29, v48;
	v31 =	vor.u32 v39, v50  }
0x2a8: {  	v30 =	vor.u32 v41, v51;
	v28 =	vor.u32 v42, v53;
	v29 =	vor.u32 v40, v52  }
0x2a9: {  	v27 =	vor.u32 v43, v54;
	v39 =	vor.u32 v45, v56;
	v9 =	vor.u32 v44, v55  }
0x2aa: {  	v17 =	vor.u32 v17, v8;
	v41 =	vperm.xlane v4, v38;
	v40 =	vperm.xlane v4, v26;
	v8 =	vmovc v39  }
0x2ab: {  	v42 =	vperm.xlane v4, v37;
	v39 =	vperm.xlane v4, v36;
	[tilespmem:s2+$0x60] =	vst v17;
	s2 =	smov.u32 s0  }
0x2ac: {  	v43 =	vperm.xlane v4, v33;
	vm0 =	vge.f32 v18, v40;
	v17 =	vperm.xlane v4, v35  }
0x2ad: {  	vm5 =	vge.f32 v10, v41;
	v18 =	vperm.xlane v4, v34;
	v40 =	vperm.xlane v4, v32  }
0x2ae: {  	v10 =	vperm.xlane v4, v31;
	vm6 =	vge.f32 v11, v39;
	v11 =	vperm.xlane v4, v30  }
0x2af: {  	vm7 =	vge.f32 v12, v42;
	v12 =	vperm.xlane v4, v29;
	v39 =	vperm.xlane v4, v28  }
0x2b0: {  	vm8 =	vge.f32 v13, v17;
	v13 =	vperm.xlane v4, v27;
	v17 =	vperm.xlane v4, v9  }
0x2b1: {  	vm9 =	vge.f32 v14, v43;
	v14 =	vperm.xlane v4, v8;
	vm10 =	vge.f32 v15, v18  }
0x2b2: {  	vm12 =	vge.f32 v19, v10;
	vm11 =	vge.f32 v16, v40;
	vm13 =	vge.f32 v20, v11  }
.Ltmp3:
0x2b3: {  	vm4 =	vge.f32 v21, v12;
	vm3 =	vge.f32 v22, v39;
	vm2 =	vge.f32 v23, v13;
	(pc) =	sbr.rel @p0 .LBB2_9-.Ltmp3, $4  }
0x2b4: {  	v11 =	vsel vm0, $0x1, v3;
	vm0 =	vge.f32 v25, v14;
	vm1 =	vge.f32 v24, v17  }
0x2b5: {  	v12 =	vsel vm7, $0x1, v3;
	v21 =	vsel vm6, $0x1, v3;
	v22 =	vsel vm5, $0x1, v3  }
0x2b6: {  	v18 =	vsel vm9, $0x1, v3;
	v19 =	vsel vm8, $0x1, v3;
	v13 =	vsel vm10, $0x1, v3  }
0x2b7: {  	s8 =	sadd.s32 $0x100, s8;
	v15 =	vsel vm12, $0x1, v3;
	v16 =	vsel vm11, $0x1, v3;
	v14 =	vsel vm13, $0x1, v3  }
0x2b8: {  	v10 =	vor.u32 v11, v26  }
0x2b9: {  	v50 =	vor.u32 v22, v38;
	[tilespmem:s0+$0xFFFFFF80] =	vst v10  }
0x2ba: {  	v51 =	vor.u32 v21, v36;
	[tilespmem:s0+$0xFFFFFF90] =	vst v50  }
0x2bb: {  	v52 =	vor.u32 v12, v37;
	[tilespmem:s0+$0xFFFFFFA0] =	vst v51  }
0x2bc: {  	v53 =	vor.u32 v19, v35;
	[tilespmem:s0+$0xFFFFFFB0] =	vst v52  }
0x2bd: {  	v54 =	vor.u32 v18, v33;
	[tilespmem:s0+$0xFFFFFFC0] =	vst v53  }
0x2be: {  	v55 =	vor.u32 v13, v34;
	[tilespmem:s0+$0xFFFFFFD0] =	vst v54  }
0x2bf: {  	v56 =	vor.u32 v16, v32;
	[tilespmem:s0+$0xFFFFFFE0] =	vst v55  }
0x2c0: {  	v57 =	vor.u32 v15, v31;
	[tilespmem:s0+$0xFFFFFFF0] =	vst v56  }
0x2c1: {  	v58 =	vsel vm4, $0x1, v3;
	v59 =	vor.u32 v14, v30;
	[tilespmem:s0+$0x0] =	vst v57  }
0x2c2: {  	v60 =	vsel vm3, $0x1, v3;
	v11 =	vor.u32 v58, v29;
	[tilespmem:s0+$0x10] =	vst v59  }
0x2c3: {  	v61 =	vsel vm2, $0x1, v3;
	v10 =	vor.u32 v60, v28;
	[tilespmem:s0+$0x20] =	vst v11  }
0x2c4: {  	v62 =	vsel vm1, $0x1, v3;
	v12 =	vor.u32 v61, v27;
	[tilespmem:s0+$0x30] =	vst v10  }
0x2c5: {  	v63 =	vsel vm0, $0x1, v3;
	s29 =	sadd.s32 $0x1, s29;
	v9 =	vor.u32 v62, v9;
	[tilespmem:s0+$0x40] =	vst v12  }
0x2c6: {  	s8 =	sadd.s32 s31, s3;
	v8 =	vor.u32 v63, v8;
	p0 =	sne.s32 s29, $0xF;
	[tilespmem:s2+$0x50] =	vst v9  }
.Ltmp4:
0x2c7: {  	s31 =	sadd.s32 s30, s14;
	s0 =	sadd.s32 $0x800, s8;
	[tilespmem:s2+$0x60] =	vst v8;
	(pc) =	sbr.rel @p0 .LBB2_6-.Ltmp4, $4  }
0x2c8: {  	[hbm4b:s0+s4] =	stream.linear.scatter [tilespmem:s24], [sflag:$0x4], $0x4000, $0x38;
	[tilespmem:$0x10080] =	vst v63  }
0x2c9: {  	s0 =	sshrl.u32 s31, $0x3  }
0x2ca: {  	s0 =	sadd.s32 s1, s0  }
0x2cb: {  	[tilespmem:s20], [sflag:$0x2] =	stream.linear.gather [hbm4b:s0+s4], $0x4000, $0x38;
	[tilespmem:$0x10080] =	vst v63  }
0x2cc: {  	_ =	swait.ge [sflag:s21], $0x4000  }
0x2cd: {  	[sflag:s21] =	ssyncset.done $0x0  }
0x2ce: {  	[sflag:s21] =	ssyncadd.s32 $0xFFFFC000  }
0x2cf: {  	_ =	swait.ge [sflag:s25], $0x4000  }
0x2d0: {  	[sflag:s25] =	ssyncset.done $0x0  }
0x2d1: {  	s0 =	simm.s32 $0x100;
	[sflag:s25] =	ssyncadd.s32 $0xFFFFC000  }
0x2d2: {  	v8 =	vld [tilespmem:s0+$0x70]  }
0x2d3: {  	v15 =	vld [tilespmem:s0+$0xFFFFFF90]  }
0x2d4: {  	v16 =	vld [tilespmem:s0+$0xFFFFFFA0]  }
0x2d5: {  	v14 =	vld [tilespmem:s0+$0xFFFFFFB0]  }
0x2d6: {  	v12 =	vld [tilespmem:s0+$0xFFFFFFC0]  }
0x2d7: {  	v10 =	vld [tilespmem:s0+$0xFFFFFFD0];
	vm0 =	vge.f32 v8, v5  }
0x2d8: {  	v11 =	vld [tilespmem:s0+$0xFFFFFFE0];
	vm1 =	vge.f32 v15, v5;
	v9 =	vsel vm0, $0x8, v3  }
0x2d9: {  	v17 =	vld [tilespmem:s0+$0xFFFFFF80];
	v26 =	vsel vm1, $0x8, v3;
	vm0 =	vge.f32 v16, v5;
	v18 =	vperm.xlane v6, v9  }
0x2da: {  	v27 =	vsel vm0, $0x8, v3;
	vm0 =	vge.f32 v14, v5;
	v20 =	vperm.xlane v6, v26  }
0x2db: {  	v13 =	vld [tilespmem:s0+$0xFFFFFFF0];
	v28 =	vsel vm0, $0x8, v3;
	vm0 =	vge.f32 v12, v5;
	v21 =	vperm.xlane v6, v27  }
0x2dc: {  	vm1 =	vge.f32 v8, v18;
	v29 =	vsel vm0, $0x8, v3;
	vm0 =	vge.f32 v10, v5  }
0x2dd: {  	v22 =	vperm.xlane v6, v28;
	vm7 =	vge.f32 v15, v20;
	v18 =	vsel vm1, $0x4, v3  }
0x2de: {  	v30 =	vsel vm0, $0x8, v3;
	vm0 =	vge.f32 v11, v5;
	vm1 =	vge.f32 v17, v5  }
0x2df: {  	v23 =	vperm.xlane v6, v29;
	v9 =	vor.u32 v9, v18;
	v31 =	vsel vm0, $0x8, v3  }
0x2e0: {  	vm0 =	vge.f32 v13, v5;
	v33 =	vsel vm1, $0x8, v3;
	v25 =	vperm.xlane v6, v30  }
0x2e1: {  	vm1 =	vge.f32 v14, v22;
	v18 =	vperm.xlane v7, v9;
	v32 =	vsel vm0, $0x8, v3  }
0x2e2: {  	v19 =	vperm.xlane v6, v33;
	v34 =	vperm.xlane v6, v31;
	vm2 =	vge.f32 v12, v23  }
0x2e3: {  	v58 =	vsel vm1, $0x4, v3;
	vm3 =	vge.f32 v10, v25;
	v59 =	vsel vm2, $0x4, v3  }
0x2e4: {  	v28 =	vor.u32 v28, v58;
	vm0 =	vge.f32 v8, v18;
	vm6 =	vge.f32 v17, v19  }
0x2e5: {  	vm4 =	vge.f32 v11, v34;
	v60 =	vsel vm3, $0x4, v3;
	v29 =	vor.u32 v29, v59  }
0x2e6: {  	v18 =	vld [tilespmem:s0+$0x0];
	v24 =	vsel vm0, $0x2, v3;
	vm0 =	vge.f32 v16, v21;
	v55 =	vsel vm6, $0x4, v3  }
0x2e7: {  	v61 =	vsel vm4, $0x4, v3;
	v30 =	vor.u32 v30, v60;
	v53 =	vperm.xlane v7, v29  }
0x2e8: {  	v9 =	vor.u32 v9, v24;
	v24 =	vperm.xlane v6, v32;
	v33 =	vor.u32 v33, v55  }
0x2e9: {  	v19 =	vld [tilespmem:s0+$0x10];
	v57 =	vsel vm0, $0x4, v3;
	v31 =	vor.u32 v31, v61;
	v35 =	vperm.xlane v4, v9  }
0x2ea: {  	v21 =	vld [tilespmem:s0+$0x20];
	v27 =	vor.u32 v27, v57;
	v54 =	vperm.xlane v7, v31;
	vm4 =	vge.f32 v12, v53  }
0x2eb: {  	v22 =	vld [tilespmem:s0+$0x30];
	vm5 =	vge.f32 v13, v24;
	vm8 =	vge.f32 v8, v35;
	vm6 =	vge.f32 v18, v5  }
0x2ec: {  	v23 =	vld [tilespmem:s0+$0x40];
	v62 =	vsel vm5, $0x4, v3;
	vm5 =	vge.f32 v11, v54;
	v8 =	vsel vm8, $0x1, v3  }
0x2ed: {  	v32 =	vor.u32 v32, v62;
	v20 =	vor.u32 v8, v9;
	v8 =	vsel vm7, $0x4, v3  }
0x2ee: {  	v24 =	vld [tilespmem:s0+$0x50];
	v9 =	vsel vm6, $0x8, v3;
	vm6 =	vge.f32 v19, v5;
	v55 =	vperm.xlane v7, v32  }
0x2ef: {  	v25 =	vld [tilespmem:s0+$0x60];
	v35 =	vsel vm6, $0x8, v3;
	vm6 =	vge.f32 v21, v5;
	v36 =	vperm.xlane v6, v9  }
0x2f0: {  	v8 =	vor.u32 v26, v8;
	v37 =	vsel vm6, $0x8, v3;
	vm6 =	vge.f32 v22, v5  }
0x2f1: {  	v38 =	vperm.xlane v6, v35;
	v39 =	vsel vm6, $0x8, v3;
	vm6 =	vge.f32 v23, v5  }
0x2f2: {  	v26 =	vperm.xlane v7, v33;
	v40 =	vperm.xlane v6, v37;
	v41 =	vsel vm6, $0x8, v3  }
0x2f3: {  	vm6 =	vge.f32 v24, v5;
	v42 =	vperm.xlane v6, v39;
	vm7 =	vge.f32 v19, v38  }
0x2f4: {  	v43 =	vsel vm6, $0x8, v3;
	vm6 =	vge.f32 v25, v5;
	v44 =	vperm.xlane v6, v41  }
0x2f5: {  	vm15 =	vge.f32 v21, v40;
	v47 =	vsel vm7, $0x4, v3;
	v45 =	vsel vm6, $0x8, v3  }
0x2f6: {  	v46 =	vperm.xlane v6, v43;
	vm6 =	vge.f32 v18, v36;
	vm9 =	vge.f32 v22, v42  }
0x2f7: {  	v48 =	vsel vm15, $0x4, v3;
	v40 =	vor.u32 v35, v47;
	v56 =	vperm.xlane v6, v45  }
0x2f8: {  	vm10 =	vge.f32 v23, v44;
	v63 =	vsel vm6, $0x4, v3;
	v49 =	vsel vm9, $0x4, v3  }
0x2f9: {  	v42 =	vor.u32 v37, v48;
	v57 =	vperm.xlane v7, v40;
	vm6 =	vge.f32 v13, v55  }
0x2fa: {  	vm11 =	vge.f32 v24, v46;
	v50 =	vsel vm10, $0x4, v3;
	v9 =	vor.u32 v9, v63  }
0x2fb: {  	v39 =	vor.u32 v39, v49;
	v58 =	vperm.xlane v7, v42;
	vm0 =	vge.f32 v25, v56  }
0x2fc: {  	v51 =	vsel vm11, $0x4, v3;
	v41 =	vor.u32 v41, v50;
	v50 =	vperm.xlane v7, v8  }
0x2fd: {  	v56 =	vperm.xlane v7, v9;
	v59 =	vperm.xlane v7, v39;
	vm8 =	vge.f32 v19, v57  }
0x2fe: {  	v52 =	vsel vm0, $0x4, v3;
	v43 =	vor.u32 v43, v51;
	v51 =	vperm.xlane v7, v27  }
0x2ff: {  	vm0 =	vge.f32 v17, v26;
	v26 =	vperm.xlane v7, v30;
	v60 =	vperm.xlane v7, v41  }
0x300: {  	vm9 =	vge.f32 v21, v58;
	v58 =	vsel vm5, $0x2, v3;
	v44 =	vor.u32 v45, v52  }
0x301: {  	v52 =	vperm.xlane v7, v28;
	vm1 =	vge.f32 v15, v50;
	v61 =	vsel vm0, $0x2, v3  }
0x302: {  	v62 =	vperm.xlane v7, v43;
	vm7 =	vge.f32 v18, v56;
	vm10 =	vge.f32 v22, v59  }
0x303: {  	v45 =	vsel vm4, $0x2, v3;
	v59 =	vsel vm6, $0x2, v3;
	vm2 =	vge.f32 v16, v51  }
0x304: {  	vm0 =	vge.f32 v10, v26;
	v26 =	vor.u32 v33, v61;
	v63 =	vperm.xlane v7, v44  }
0x305: {  	vm11 =	vge.f32 v23, v60;
	v38 =	vsel vm1, $0x2, v3;
	v60 =	vsel vm7, $0x2, v3  }
0x306: {  	v61 =	vsel vm8, $0x2, v3;
	v32 =	vor.u32 v32, v59;
	vm3 =	vge.f32 v14, v52  }
0x307: {  	vm12 =	vge.f32 v24, v62;
	v34 =	vsel vm2, $0x2, v3;
	v57 =	vsel vm0, $0x2, v3  }
0x308: {  	v62 =	vsel vm9, $0x2, v3;
	v53 =	vsel vm11, $0x2, v3;
	v38 =	vor.u32 v8, v38  }
0x309: {  	vm13 =	vge.f32 v25, v63;
	v35 =	vsel vm3, $0x2, v3;
	v63 =	vsel vm10, $0x2, v3  }
0x30a: {  	v54 =	vsel vm12, $0x2, v3;
	v36 =	vor.u32 v27, v34;
	v33 =	vor.u32 v30, v57  }
0x30b: {  	v34 =	vor.u32 v31, v58;
	v31 =	vor.u32 v9, v60;
	v30 =	vor.u32 v40, v61  }
0x30c: {  	v27 =	vor.u32 v41, v53;
	v56 =	vperm.xlane v4, v38;
	v61 =	vperm.xlane v4, v32  }
0x30d: {  	v55 =	vsel vm13, $0x2, v3;
	v37 =	vor.u32 v28, v35;
	v35 =	vor.u32 v29, v45  }
0x30e: {  	v29 =	vor.u32 v42, v62;
	v9 =	vor.u32 v43, v54;
	v54 =	vperm.xlane v4, v26  }
0x30f: {  	v28 =	vor.u32 v39, v63;
	v57 =	vperm.xlane v4, v36;
	v60 =	vperm.xlane v4, v33  }
0x310: {  	v8 =	vor.u32 v44, v55;
	v58 =	vperm.xlane v4, v37;
	v59 =	vperm.xlane v4, v35  }
0x311: {  	vm5 =	vge.f32 v15, v56;
	v15 =	vperm.xlane v4, v31;
	v62 =	vperm.xlane v4, v28  }
0x312: {  	v63 =	vperm.xlane v4, v9;
	vm11 =	vge.f32 v13, v61;
	vm0 =	vge.f32 v17, v54  }
0x313: {  	v17 =	vperm.xlane v4, v34;
	vm6 =	vge.f32 v16, v57;
	v16 =	vperm.xlane v4, v30  }
0x314: {  	vm9 =	vge.f32 v10, v60;
	v10 =	vperm.xlane v4, v8;
	vm7 =	vge.f32 v14, v58  }
0x315: {  	v14 =	vperm.xlane v4, v29;
	vm8 =	vge.f32 v12, v59;
	v12 =	vperm.xlane v4, v27  }
0x316: {  	vm12 =	vge.f32 v18, v15;
	vm3 =	vge.f32 v22, v62;
	vm1 =	vge.f32 v24, v63  }
0x317: {  	v22 =	vsel vm5, $0x1, v3;
	v18 =	vsel vm9, $0x1, v3;
	vm10 =	vge.f32 v11, v17  }
0x318: {  	vm13 =	vge.f32 v19, v16;
	v11 =	vsel vm0, $0x1, v3;
	vm0 =	vge.f32 v25, v10  }
0x319: {  	v19 =	vsel vm8, $0x1, v3;
	v16 =	vsel vm11, $0x1, v3;
	v15 =	vsel vm12, $0x1, v3  }
0x31a: {  	s0 =	simm.s32 $0x8100;
	vm4 =	vge.f32 v21, v14;
	vm2 =	vge.f32 v23, v12;
	v21 =	vsel vm6, $0x1, v3  }
0x31b: {  	s6 =	simm.s32 $0x0;
	s8 =	simm.s32 $0x200;
	s2 =	simm.s32 $0x8100;
	[tilespmem:s0+$0x70] =	vst v20;
	v12 =	vsel vm7, $0x1, v3;
	v13 =	vsel vm10, $0x1, v3;
	v14 =	vsel vm13, $0x1, v3  }
.LBB2_12:
0x31c: {  	v23 =	vld [tilespmem:s8+$0x70];
	s6 =	sadd.s32 $0x2, s6;
	v20 =	vsel vm4, $0x1, v3;
	v24 =	vsel vm3, $0x1, v3;
	v25 =	vsel vm2, $0x1, v3  }
0x31d: {  	v39 =	vor.u32 v11, v26;
	v26 =	vsel vm1, $0x1, v3;
	v17 =	vsel vm0, $0x1, v3;
	v10 =	vld [tilespmem:s8+$0xFFFFFF90];
	p0 =	slt.u32 s6, $0x7E  }
0x31e: {  	v22 =	vor.u32 v22, v38;
	v21 =	vor.u32 v21, v36;
	v36 =	vor.u32 v12, v37;
	v11 =	vld [tilespmem:s8+$0xFFFFFFA0];
	[tilespmem:s0+$0xFFFFFF80] =	vst v39  }
0x31f: {  	v19 =	vor.u32 v19, v35;
	v18 =	vor.u32 v18, v33;
	v33 =	vor.u32 v13, v34;
	v12 =	vld [tilespmem:s8+$0xFFFFFFB0];
	[tilespmem:s0+$0xFFFFFF90] =	vst v22  }
0x320: {  	v30 =	vor.u32 v14, v30;
	v22 =	vor.u32 v16, v32;
	v13 =	vld [tilespmem:s8+$0xFFFFFFC0];
	[tilespmem:s0+$0xFFFFFFA0] =	vst v21;
	v21 =	vor.u32 v15, v31  }
0x321: {  	v20 =	vor.u32 v20, v29;
	v24 =	vor.u32 v24, v28;
	v14 =	vld [tilespmem:s8+$0xFFFFFFD0];
	vm0 =	vge.f32 v23, v5;
	[tilespmem:s0+$0xFFFFFFB0] =	vst v36  }
0x322: {  	v15 =	vld [tilespmem:s8+$0xFFFFFFE0];
	vm1 =	vge.f32 v10, v5;
	v29 =	vsel vm0, $0x8, v3;
	[tilespmem:s0+$0xFFFFFFC0] =	vst v19;
	v19 =	vor.u32 v25, v27  }
0x323: {  	v16 =	vld [tilespmem:s8+$0xFFFFFFF0];
	v27 =	vsel vm1, $0x8, v3;
	vm0 =	vge.f32 v11, v5;
	v25 =	vperm.xlane v6, v29;
	[tilespmem:s0+$0xFFFFFFD0] =	vst v18  }
0x324: {  	v18 =	vld [tilespmem:s8+$0xFFFFFF80];
	v28 =	vsel vm0, $0x8, v3;
	vm0 =	vge.f32 v12, v5;
	v31 =	vperm.xlane v6, v27;
	[tilespmem:s0+$0xFFFFFFE0] =	vst v33  }
0x325: {  	v32 =	vsel vm0, $0x8, v3;
	vm0 =	vge.f32 v13, v5;
	vm1 =	vge.f32 v23, v25;
	[tilespmem:s0+$0xFFFFFFF0] =	vst v22  }
0x326: {  	v33 =	vsel vm0, $0x8, v3;
	vm0 =	vge.f32 v14, v5;
	v22 =	vsel vm1, $0x4, v3;
	[tilespmem:s0+$0x0] =	vst v21  }
0x327: {  	v34 =	vsel vm0, $0x8, v3;
	vm0 =	vge.f32 v15, v5;
	v21 =	vor.u32 v29, v22;
	[tilespmem:s0+$0x10] =	vst v30  }
0x328: {  	v29 =	vsel vm0, $0x8, v3;
	vm0 =	vge.f32 v16, v5;
	v22 =	vperm.xlane v7, v21;
	[tilespmem:s0+$0x20] =	vst v20  }
0x329: {  	v25 =	vperm.xlane v6, v28;
	vm1 =	vge.f32 v18, v5;
	v30 =	vsel vm0, $0x8, v3;
	[tilespmem:s0+$0x30] =	vst v24  }
0x32a: {  	v24 =	vperm.xlane v6, v32;
	v35 =	vsel vm1, $0x8, v3;
	vm0 =	vge.f32 v23, v22;
	[tilespmem:s0+$0x40] =	vst v19  }
0x32b: {  	v22 =	vperm.xlane v6, v33;
	v20 =	vperm.xlane v6, v35;
	v36 =	vsel vm0, $0x2, v3  }
0x32c: {  	v37 =	vperm.xlane v6, v34;
	v38 =	vperm.xlane v6, v29;
	v19 =	vld [tilespmem:s8+$0x0];
	v36 =	vor.u32 v21, v36  }
0x32d: {  	v39 =	vperm.xlane v6, v30;
	vm6 =	vge.f32 v18, v20;
	v20 =	vld [tilespmem:s8+$0x10];
	v40 =	vperm.xlane v4, v36  }
0x32e: {  	vm7 =	vge.f32 v10, v31;
	vm0 =	vge.f32 v11, v25;
	vm1 =	vge.f32 v12, v24;
	v21 =	vld [tilespmem:s8+$0x20]  }
0x32f: {  	vm3 =	vge.f32 v14, v37;
	vm2 =	vge.f32 v13, v22;
	v22 =	vld [tilespmem:s8+$0x30];
	vm8 =	vge.f32 v23, v40  }
0x330: {  	vm5 =	vge.f32 v15, v38;
	vm4 =	vge.f32 v16, v39;
	v23 =	vld [tilespmem:s8+$0x40];
	v25 =	vsel vm8, $0x1, v3  }
0x331: {  	s0 =	sadd.s32 $0x100, s0;
	v31 =	vsel vm6, $0x4, v3;
	v24 =	vld [tilespmem:s8+$0x50];
	vm6 =	vge.f32 v19, v5;
	v36 =	vor.u32 v25, v36  }
0x332: {  	v37 =	vsel vm7, $0x4, v3;
	v25 =	vld [tilespmem:s8+$0x60];
	v38 =	vsel vm6, $0x8, v3;
	vm6 =	vge.f32 v20, v5;
	[tilespmem:s0+$0x70] =	vst v36  }
0x333: {  	v36 =	vsel vm6, $0x8, v3;
	vm6 =	vge.f32 v21, v5;
	v39 =	vperm.xlane v6, v38  }
0x334: {  	v40 =	vsel vm6, $0x8, v3;
	vm6 =	vge.f32 v22, v5;
	v41 =	vperm.xlane v6, v36  }
0x335: {  	v42 =	vsel vm6, $0x8, v3;
	vm6 =	vge.f32 v23, v5;
	v43 =	vperm.xlane v6, v40  }
0x336: {  	v44 =	vsel vm6, $0x8, v3;
	vm6 =	vge.f32 v24, v5;
	v45 =	vperm.xlane v6, v42  }
0x337: {  	v46 =	vsel vm6, $0x8, v3;
	vm6 =	vge.f32 v25, v5;
	v47 =	vperm.xlane v6, v44  }
0x338: {  	v48 =	vsel vm6, $0x8, v3;
	v49 =	vperm.xlane v6, v46;
	vm6 =	vge.f32 v19, v39  }
0x339: {  	vm7 =	vge.f32 v20, v41;
	vm8 =	vge.f32 v21, v43;
	v39 =	vperm.xlane v6, v48  }
0x33a: {  	vm9 =	vge.f32 v22, v45;
	vm10 =	vge.f32 v23, v47;
	vm11 =	vge.f32 v24, v49  }
0x33b: {  	v41 =	vsel vm0, $0x4, v3;
	v43 =	vsel vm1, $0x4, v3;
	vm0 =	vge.f32 v25, v39  }
0x33c: {  	v45 =	vsel vm3, $0x4, v3;
	v47 =	vsel vm5, $0x4, v3;
	v39 =	vsel vm2, $0x4, v3  }
0x33d: {  	v51 =	vsel vm7, $0x4, v3;
	v50 =	vsel vm6, $0x4, v3;
	v49 =	vsel vm4, $0x4, v3  }
0x33e: {  	v52 =	vsel vm8, $0x4, v3;
	v53 =	vsel vm9, $0x4, v3;
	v54 =	vsel vm10, $0x4, v3  }
0x33f: {  	v31 =	vor.u32 v35, v31;
	v35 =	vsel vm11, $0x4, v3;
	v55 =	vsel vm0, $0x4, v3  }
0x340: {  	v27 =	vor.u32 v27, v37;
	v28 =	vor.u32 v28, v41;
	v32 =	vor.u32 v32, v43  }
0x341: {  	v34 =	vor.u32 v34, v45;
	v29 =	vor.u32 v29, v47;
	v33 =	vor.u32 v33, v39  }
0x342: {  	v41 =	vor.u32 v36, v51;
	v30 =	vor.u32 v30, v49;
	v39 =	vor.u32 v38, v50  }
0x343: {  	v40 =	vor.u32 v40, v52;
	v42 =	vor.u32 v42, v53;
	v43 =	vor.u32 v44, v54  }
0x344: {  	v36 =	vperm.xlane v7, v31;
	v44 =	vor.u32 v46, v35;
	v45 =	vor.u32 v48, v55  }
0x345: {  	v9 =	vor.u32 v26, v9;
	v37 =	vperm.xlane v7, v28;
	v35 =	vperm.xlane v7, v27  }
0x346: {  	v26 =	vperm.xlane v7, v32;
	vm0 =	vge.f32 v18, v36;
	v38 =	vperm.xlane v7, v33;
	[tilespmem:s2+$0x50] =	vst v9  }
0x347: {  	v36 =	vperm.xlane v7, v29;
	vm1 =	vge.f32 v10, v35;
	v9 =	vperm.xlane v7, v34  }
0x348: {  	vm2 =	vge.f32 v11, v37;
	v37 =	vperm.xlane v7, v39;
	v35 =	vperm.xlane v7, v30  }
0x349: {  	vm3 =	vge.f32 v12, v26;
	v26 =	vperm.xlane v7, v41;
	v46 =	vperm.xlane v7, v40  }
0x34a: {  	v47 =	vperm.xlane v7, v43;
	vm4 =	vge.f32 v13, v38;
	v38 =	vperm.xlane v7, v42  }
0x34b: {  	v48 =	vperm.xlane v7, v45;
	vm5 =	vge.f32 v14, v9;
	v9 =	vperm.xlane v7, v44  }
0x34c: {  	vm6 =	vge.f32 v15, v36;
	vm8 =	vge.f32 v19, v37;
	vm7 =	vge.f32 v16, v35  }
0x34d: {  	vm9 =	vge.f32 v20, v26;
	vm10 =	vge.f32 v21, v46;
	vm11 =	vge.f32 v22, v38  }
0x34e: {  	vm12 =	vge.f32 v23, v47;
	vm14 =	vge.f32 v25, v48;
	vm13 =	vge.f32 v24, v9  }
0x34f: {  	v36 =	vsel vm2, $0x2, v3;
	v35 =	vsel vm1, $0x2, v3;
	v9 =	vsel vm0, $0x2, v3  }
0x350: {  	v37 =	vsel vm3, $0x2, v3;
	v46 =	vsel vm4, $0x2, v3;
	v47 =	vsel vm5, $0x2, v3  }
0x351: {  	v48 =	vsel vm6, $0x2, v3;
	v50 =	vsel vm8, $0x2, v3;
	v49 =	vsel vm7, $0x2, v3  }
0x352: {  	v51 =	vsel vm9, $0x2, v3;
	v52 =	vsel vm10, $0x2, v3;
	v53 =	vsel vm11, $0x2, v3  }
0x353: {  	v54 =	vsel vm12, $0x2, v3;
	v56 =	vsel vm14, $0x2, v3;
	v55 =	vsel vm13, $0x2, v3  }
0x354: {  	v36 =	vor.u32 v28, v36;
	v38 =	vor.u32 v27, v35;
	v26 =	vor.u32 v31, v9  }
0x355: {  	v37 =	vor.u32 v32, v37;
	v35 =	vor.u32 v33, v46;
	v33 =	vor.u32 v34, v47  }
0x356: {  	v32 =	vor.u32 v30, v49;
	v34 =	vor.u32 v29, v48;
	v31 =	vor.u32 v39, v50  }
0x357: {  	v30 =	vor.u32 v41, v51;
	v28 =	vor.u32 v42, v53;
	v29 =	vor.u32 v40, v52  }
0x358: {  	v27 =	vor.u32 v43, v54;
	v39 =	vor.u32 v45, v56;
	v9 =	vor.u32 v44, v55  }
0x359: {  	v17 =	vor.u32 v17, v8;
	v41 =	vperm.xlane v4, v38;
	v40 =	vperm.xlane v4, v26;
	v8 =	vmovc v39  }
0x35a: {  	v42 =	vperm.xlane v4, v37;
	v39 =	vperm.xlane v4, v36;
	[tilespmem:s2+$0x60] =	vst v17;
	s2 =	smov.u32 s0  }
0x35b: {  	v43 =	vperm.xlane v4, v33;
	vm0 =	vge.f32 v18, v40;
	v17 =	vperm.xlane v4, v35  }
0x35c: {  	vm5 =	vge.f32 v10, v41;
	v18 =	vperm.xlane v4, v34;
	v40 =	vperm.xlane v4, v32  }
0x35d: {  	v10 =	vperm.xlane v4, v31;
	vm6 =	vge.f32 v11, v39;
	v11 =	vperm.xlane v4, v30  }
0x35e: {  	vm7 =	vge.f32 v12, v42;
	v12 =	vperm.xlane v4, v29;
	v39 =	vperm.xlane v4, v28  }
0x35f: {  	vm8 =	vge.f32 v13, v17;
	v13 =	vperm.xlane v4, v27;
	v17 =	vperm.xlane v4, v9  }
0x360: {  	vm9 =	vge.f32 v14, v43;
	v14 =	vperm.xlane v4, v8;
	vm10 =	vge.f32 v15, v18  }
0x361: {  	vm12 =	vge.f32 v19, v10;
	vm11 =	vge.f32 v16, v40;
	vm13 =	vge.f32 v20, v11  }
.Ltmp5:
0x362: {  	vm4 =	vge.f32 v21, v12;
	vm3 =	vge.f32 v22, v39;
	vm2 =	vge.f32 v23, v13;
	(pc) =	sbr.rel @p0 .LBB2_12-.Ltmp5, $4  }
0x363: {  	v11 =	vsel vm0, $0x1, v3;
	vm0 =	vge.f32 v25, v14;
	vm1 =	vge.f32 v24, v17  }
0x364: {  	v12 =	vsel vm7, $0x1, v3;
	v21 =	vsel vm6, $0x1, v3;
	v22 =	vsel vm5, $0x1, v3  }
0x365: {  	v18 =	vsel vm9, $0x1, v3;
	v19 =	vsel vm8, $0x1, v3;
	v13 =	vsel vm10, $0x1, v3  }
0x366: {  	s8 =	sadd.s32 $0x100, s8;
	v15 =	vsel vm12, $0x1, v3;
	v16 =	vsel vm11, $0x1, v3;
	v14 =	vsel vm13, $0x1, v3  }
0x367: {  	v10 =	vor.u32 v11, v26  }
0x368: {  	v11 =	vor.u32 v22, v38;
	[tilespmem:s0+$0xFFFFFF80] =	vst v10  }
0x369: {  	v10 =	vor.u32 v21, v36;
	[tilespmem:s0+$0xFFFFFF90] =	vst v11  }
0x36a: {  	v11 =	vor.u32 v12, v37;
	[tilespmem:s0+$0xFFFFFFA0] =	vst v10  }
0x36b: {  	v12 =	vor.u32 v14, v30;
	[tilespmem:s0+$0xFFFFFFB0] =	vst v11  }
0x36c: {  	v10 =	vor.u32 v19, v35;
	[tilespmem:s0+$0x10] =	vst v12  }
0x36d: {  	v11 =	vor.u32 v18, v33;
	[tilespmem:s0+$0xFFFFFFC0] =	vst v10  }
0x36e: {  	v10 =	vor.u32 v13, v34;
	[tilespmem:s0+$0xFFFFFFD0] =	vst v11  }
0x36f: {  	v12 =	vsel vm2, $0x1, v3;
	v11 =	vor.u32 v16, v32;
	[tilespmem:s0+$0xFFFFFFE0] =	vst v10  }
0x370: {  	v12 =	vor.u32 v12, v27;
	[tilespmem:s0+$0xFFFFFFF0] =	vst v11  }
0x371: {  	v10 =	vor.u32 v15, v31;
	v11 =	vsel vm4, $0x1, v3;
	[tilespmem:s0+$0x40] =	vst v12  }
0x372: {  	[tilespmem:s0+$0x0] =	vst v10;
	v10 =	vsel vm3, $0x1, v3;
	v11 =	vor.u32 v11, v29  }
0x373: {  	v10 =	vor.u32 v10, v28;
	[tilespmem:s0+$0x20] =	vst v11;
	v11 =	vsel vm1, $0x1, v3  }
0x374: {  	[tilespmem:s0+$0x30] =	vst v10;
	v10 =	vsel vm0, $0x1, v3;
	v9 =	vor.u32 v11, v9  }
0x375: {  	[tilespmem:s2+$0x50] =	vst v9;
	v8 =	vor.u32 v10, v8  }
0x376: {  	[tilespmem:s2+$0x60] =	vst v8  }
0x377: {  	[hbm4b:s15+s4] =	stream.linear.scatter [tilespmem:s22], [sflag:$0x3], $0x4000, $0x38;
	[tilespmem:$0x10080] =	vst v63  }
0x378: {  	_ =	swait.ge [sflag:s23], $0x4000  }
0x379: {  	[sflag:s23] =	ssyncset.done $0x0  }
0x37a: {  	[sflag:s23] =	ssyncadd.s32 $0xFFFFC000  }
0x37b: {  	_ =	swait.ge [sflag:s26], $0x4000  }
0x37c: {  	[sflag:s26] =	ssyncset.done $0x0  }
0x37d: {  	s31 =	simm.s32 $0x4100;
	[sflag:s26] =	ssyncadd.s32 $0xFFFFC000  }
0x37e: {  	v8 =	vld [tilespmem:s31+$0x70]  }
0x37f: {  	v15 =	vld [tilespmem:s31+$0xFFFFFF90]  }
0x380: {  	v16 =	vld [tilespmem:s31+$0xFFFFFFA0]  }
0x381: {  	v14 =	vld [tilespmem:s31+$0xFFFFFFB0]  }
0x382: {  	v12 =	vld [tilespmem:s31+$0xFFFFFFC0]  }
0x383: {  	v10 =	vld [tilespmem:s31+$0xFFFFFFD0];
	vm0 =	vge.f32 v8, v5  }
0x384: {  	v11 =	vld [tilespmem:s31+$0xFFFFFFE0];
	vm1 =	vge.f32 v15, v5;
	v9 =	vsel vm0, $0x8, v3  }
0x385: {  	v17 =	vld [tilespmem:s31+$0xFFFFFF80];
	v26 =	vsel vm1, $0x8, v3;
	vm0 =	vge.f32 v16, v5;
	v18 =	vperm.xlane v6, v9  }
0x386: {  	v27 =	vsel vm0, $0x8, v3;
	vm0 =	vge.f32 v14, v5;
	v20 =	vperm.xlane v6, v26  }
0x387: {  	v13 =	vld [tilespmem:s31+$0xFFFFFFF0];
	v28 =	vsel vm0, $0x8, v3;
	vm0 =	vge.f32 v12, v5;
	v21 =	vperm.xlane v6, v27  }
0x388: {  	vm1 =	vge.f32 v8, v18;
	v29 =	vsel vm0, $0x8, v3;
	vm0 =	vge.f32 v10, v5  }
0x389: {  	v22 =	vperm.xlane v6, v28;
	vm7 =	vge.f32 v15, v20;
	v18 =	vsel vm1, $0x4, v3  }
0x38a: {  	v30 =	vsel vm0, $0x8, v3;
	vm0 =	vge.f32 v11, v5;
	vm1 =	vge.f32 v17, v5  }
0x38b: {  	v23 =	vperm.xlane v6, v29;
	v9 =	vor.u32 v9, v18;
	v31 =	vsel vm0, $0x8, v3  }
0x38c: {  	vm0 =	vge.f32 v13, v5;
	v50 =	vsel vm1, $0x8, v3;
	v25 =	vperm.xlane v6, v30  }
0x38d: {  	vm1 =	vge.f32 v14, v22;
	v18 =	vperm.xlane v7, v9;
	v32 =	vsel vm0, $0x8, v3  }
0x38e: {  	v19 =	vperm.xlane v6, v50;
	v51 =	vperm.xlane v6, v31;
	vm2 =	vge.f32 v12, v23  }
0x38f: {  	v58 =	vsel vm1, $0x4, v3;
	vm3 =	vge.f32 v10, v25;
	v59 =	vsel vm2, $0x4, v3  }
0x390: {  	v28 =	vor.u32 v28, v58;
	vm0 =	vge.f32 v8, v18;
	vm6 =	vge.f32 v17, v19  }
0x391: {  	vm4 =	vge.f32 v11, v51;
	v60 =	vsel vm3, $0x4, v3;
	v29 =	vor.u32 v29, v59  }
0x392: {  	v24 =	vsel vm0, $0x2, v3;
	vm0 =	vge.f32 v16, v21;
	v53 =	vsel vm6, $0x4, v3  }
0x393: {  	v18 =	vld [tilespmem:s31+$0x0];
	v61 =	vsel vm4, $0x4, v3;
	v30 =	vor.u32 v30, v60;
	v9 =	vor.u32 v9, v24  }
0x394: {  	v19 =	vld [tilespmem:s31+$0x10];
	v24 =	vperm.xlane v6, v32;
	v33 =	vor.u32 v50, v53;
	v52 =	vperm.xlane v4, v9  }
0x395: {  	v21 =	vld [tilespmem:s31+$0x20];
	v57 =	vsel vm0, $0x4, v3;
	v31 =	vor.u32 v31, v61;
	v53 =	vperm.xlane v7, v29  }
0x396: {  	v22 =	vld [tilespmem:s31+$0x30];
	v27 =	vor.u32 v27, v57;
	vm5 =	vge.f32 v13, v24;
	vm8 =	vge.f32 v8, v52  }
0x397: {  	v23 =	vld [tilespmem:s31+$0x40];
	vm4 =	vge.f32 v12, v53;
	v62 =	vsel vm5, $0x4, v3;
	v8 =	vsel vm8, $0x1, v3  }
0x398: {  	vm6 =	vge.f32 v18, v5;
	v32 =	vor.u32 v32, v62;
	v20 =	vor.u32 v8, v9  }
0x399: {  	v24 =	vld [tilespmem:s31+$0x50];
	v8 =	vsel vm7, $0x4, v3;
	v9 =	vsel vm6, $0x8, v3;
	vm6 =	vge.f32 v19, v5  }
0x39a: {  	v25 =	vld [tilespmem:s31+$0x60];
	v35 =	vsel vm6, $0x8, v3;
	vm6 =	vge.f32 v21, v5;
	v54 =	vperm.xlane v6, v9  }
0x39b: {  	v8 =	vor.u32 v26, v8;
	v37 =	vsel vm6, $0x8, v3;
	vm6 =	vge.f32 v22, v5  }
0x39c: {  	v55 =	vperm.xlane v6, v35;
	v39 =	vsel vm6, $0x8, v3;
	vm6 =	vge.f32 v23, v5  }
0x39d: {  	v26 =	vperm.xlane v7, v33;
	v40 =	vperm.xlane v6, v37;
	v41 =	vsel vm6, $0x8, v3  }
0x39e: {  	vm6 =	vge.f32 v24, v5;
	v42 =	vperm.xlane v6, v39;
	vm7 =	vge.f32 v19, v55  }
0x39f: {  	v55 =	vperm.xlane v7, v32;
	v43 =	vsel vm6, $0x8, v3;
	vm6 =	vge.f32 v25, v5  }
0x3a0: {  	v44 =	vperm.xlane v6, v41;
	vm15 =	vge.f32 v21, v40;
	v47 =	vsel vm7, $0x4, v3  }
0x3a1: {  	v45 =	vsel vm6, $0x8, v3;
	v46 =	vperm.xlane v6, v43;
	vm6 =	vge.f32 v18, v54  }
0x3a2: {  	vm9 =	vge.f32 v22, v42;
	v48 =	vsel vm15, $0x4, v3;
	v40 =	vor.u32 v35, v47  }
0x3a3: {  	v54 =	vperm.xlane v7, v31;
	v56 =	vperm.xlane v6, v45;
	vm10 =	vge.f32 v23, v44  }
0x3a4: {  	v63 =	vsel vm6, $0x4, v3;
	v49 =	vsel vm9, $0x4, v3;
	v42 =	vor.u32 v37, v48  }
0x3a5: {  	v57 =	vperm.xlane v7, v40;
	vm6 =	vge.f32 v13, v55;
	vm11 =	vge.f32 v24, v46  }
0x3a6: {  	v50 =	vsel vm10, $0x4, v3;
	v9 =	vor.u32 v9, v63;
	v39 =	vor.u32 v39, v49  }
0x3a7: {  	v58 =	vperm.xlane v7, v42;
	vm5 =	vge.f32 v11, v54;
	vm0 =	vge.f32 v25, v56  }
0x3a8: {  	v51 =	vsel vm11, $0x4, v3;
	v41 =	vor.u32 v41, v50;
	v50 =	vperm.xlane v7, v8  }
0x3a9: {  	v56 =	vperm.xlane v7, v9;
	v59 =	vperm.xlane v7, v39;
	vm8 =	vge.f32 v19, v57  }
0x3aa: {  	v52 =	vsel vm0, $0x4, v3;
	v43 =	vor.u32 v43, v51;
	v51 =	vperm.xlane v7, v27  }
0x3ab: {  	vm0 =	vge.f32 v17, v26;
	v26 =	vperm.xlane v7, v30;
	v60 =	vperm.xlane v7, v41  }
0x3ac: {  	vm9 =	vge.f32 v21, v58;
	v58 =	vsel vm5, $0x2, v3;
	v44 =	vor.u32 v45, v52  }
0x3ad: {  	v52 =	vperm.xlane v7, v28;
	vm1 =	vge.f32 v15, v50;
	v61 =	vsel vm0, $0x2, v3  }
0x3ae: {  	v62 =	vperm.xlane v7, v43;
	vm7 =	vge.f32 v18, v56;
	vm10 =	vge.f32 v22, v59  }
0x3af: {  	v45 =	vsel vm4, $0x2, v3;
	v59 =	vsel vm6, $0x2, v3;
	vm2 =	vge.f32 v16, v51  }
0x3b0: {  	vm0 =	vge.f32 v10, v26;
	v26 =	vor.u32 v33, v61;
	v63 =	vperm.xlane v7, v44  }
0x3b1: {  	vm11 =	vge.f32 v23, v60;
	v38 =	vsel vm1, $0x2, v3;
	v60 =	vsel vm7, $0x2, v3  }
0x3b2: {  	v61 =	vsel vm8, $0x2, v3;
	v32 =	vor.u32 v32, v59;
	vm3 =	vge.f32 v14, v52  }
0x3b3: {  	vm12 =	vge.f32 v24, v62;
	v34 =	vsel vm2, $0x2, v3;
	v57 =	vsel vm0, $0x2, v3  }
0x3b4: {  	v62 =	vsel vm9, $0x2, v3;
	v53 =	vsel vm11, $0x2, v3;
	v38 =	vor.u32 v8, v38  }
0x3b5: {  	vm13 =	vge.f32 v25, v63;
	v35 =	vsel vm3, $0x2, v3;
	v63 =	vsel vm10, $0x2, v3  }
0x3b6: {  	v54 =	vsel vm12, $0x2, v3;
	v36 =	vor.u32 v27, v34;
	v33 =	vor.u32 v30, v57  }
0x3b7: {  	v34 =	vor.u32 v31, v58;
	v31 =	vor.u32 v9, v60;
	v30 =	vor.u32 v40, v61  }
0x3b8: {  	v27 =	vor.u32 v41, v53;
	v56 =	vperm.xlane v4, v38;
	v61 =	vperm.xlane v4, v32  }
0x3b9: {  	v55 =	vsel vm13, $0x2, v3;
	v37 =	vor.u32 v28, v35;
	v35 =	vor.u32 v29, v45  }
0x3ba: {  	v29 =	vor.u32 v42, v62;
	v9 =	vor.u32 v43, v54;
	v54 =	vperm.xlane v4, v26  }
0x3bb: {  	v28 =	vor.u32 v39, v63;
	v57 =	vperm.xlane v4, v36;
	v60 =	vperm.xlane v4, v33  }
0x3bc: {  	v8 =	vor.u32 v44, v55;
	v58 =	vperm.xlane v4, v37;
	v59 =	vperm.xlane v4, v35  }
0x3bd: {  	vm5 =	vge.f32 v15, v56;
	v15 =	vperm.xlane v4, v31;
	v62 =	vperm.xlane v4, v28  }
0x3be: {  	v63 =	vperm.xlane v4, v9;
	vm11 =	vge.f32 v13, v61;
	vm0 =	vge.f32 v17, v54  }
0x3bf: {  	v17 =	vperm.xlane v4, v34;
	vm6 =	vge.f32 v16, v57;
	v16 =	vperm.xlane v4, v30  }
0x3c0: {  	vm9 =	vge.f32 v10, v60;
	v10 =	vperm.xlane v4, v8;
	vm7 =	vge.f32 v14, v58  }
0x3c1: {  	v14 =	vperm.xlane v4, v29;
	vm8 =	vge.f32 v12, v59;
	v12 =	vperm.xlane v4, v27  }
0x3c2: {  	vm12 =	vge.f32 v18, v15;
	vm3 =	vge.f32 v22, v62;
	vm1 =	vge.f32 v24, v63  }
0x3c3: {  	v22 =	vsel vm5, $0x1, v3;
	v18 =	vsel vm9, $0x1, v3;
	vm10 =	vge.f32 v11, v17  }
0x3c4: {  	vm13 =	vge.f32 v19, v16;
	v11 =	vsel vm0, $0x1, v3;
	vm0 =	vge.f32 v25, v10  }
0x3c5: {  	v19 =	vsel vm8, $0x1, v3;
	v16 =	vsel vm11, $0x1, v3;
	v15 =	vsel vm12, $0x1, v3  }
0x3c6: {  	s0 =	simm.s32 $0xC100;
	vm4 =	vge.f32 v21, v14;
	vm2 =	vge.f32 v23, v12;
	v21 =	vsel vm6, $0x1, v3  }
0x3c7: {  	s6 =	simm.s32 $0x0;
	s8 =	simm.s32 $0x4200;
	s2 =	simm.s32 $0xC100;
	[tilespmem:s0+$0x70] =	vst v20;
	v12 =	vsel vm7, $0x1, v3;
	v13 =	vsel vm10, $0x1, v3;
	v14 =	vsel vm13, $0x1, v3  }
.LBB2_14:
0x3c8: {  	v23 =	vld [tilespmem:s8+$0x70];
	s6 =	sadd.s32 $0x2, s6;
	v20 =	vsel vm4, $0x1, v3;
	v24 =	vsel vm3, $0x1, v3;
	v25 =	vsel vm2, $0x1, v3  }
0x3c9: {  	v39 =	vor.u32 v11, v26;
	v26 =	vsel vm1, $0x1, v3;
	v17 =	vsel vm0, $0x1, v3;
	v10 =	vld [tilespmem:s8+$0xFFFFFF90];
	p0 =	slt.u32 s6, $0x7E  }
0x3ca: {  	v22 =	vor.u32 v22, v38;
	v21 =	vor.u32 v21, v36;
	v36 =	vor.u32 v12, v37;
	v11 =	vld [tilespmem:s8+$0xFFFFFFA0];
	[tilespmem:s0+$0xFFFFFF80] =	vst v39  }
0x3cb: {  	v19 =	vor.u32 v19, v35;
	v18 =	vor.u32 v18, v33;
	v33 =	vor.u32 v13, v34;
	v12 =	vld [tilespmem:s8+$0xFFFFFFB0];
	[tilespmem:s0+$0xFFFFFF90] =	vst v22  }
0x3cc: {  	v30 =	vor.u32 v14, v30;
	v22 =	vor.u32 v16, v32;
	v13 =	vld [tilespmem:s8+$0xFFFFFFC0];
	[tilespmem:s0+$0xFFFFFFA0] =	vst v21;
	v21 =	vor.u32 v15, v31  }
0x3cd: {  	v20 =	vor.u32 v20, v29;
	v24 =	vor.u32 v24, v28;
	v14 =	vld [tilespmem:s8+$0xFFFFFFD0];
	vm0 =	vge.f32 v23, v5;
	[tilespmem:s0+$0xFFFFFFB0] =	vst v36  }
0x3ce: {  	v15 =	vld [tilespmem:s8+$0xFFFFFFE0];
	vm1 =	vge.f32 v10, v5;
	v29 =	vsel vm0, $0x8, v3;
	[tilespmem:s0+$0xFFFFFFC0] =	vst v19;
	v19 =	vor.u32 v25, v27  }
0x3cf: {  	v16 =	vld [tilespmem:s8+$0xFFFFFFF0];
	v27 =	vsel vm1, $0x8, v3;
	vm0 =	vge.f32 v11, v5;
	v25 =	vperm.xlane v6, v29;
	[tilespmem:s0+$0xFFFFFFD0] =	vst v18  }
0x3d0: {  	v18 =	vld [tilespmem:s8+$0xFFFFFF80];
	v28 =	vsel vm0, $0x8, v3;
	vm0 =	vge.f32 v12, v5;
	v31 =	vperm.xlane v6, v27;
	[tilespmem:s0+$0xFFFFFFE0] =	vst v33  }
0x3d1: {  	v32 =	vsel vm0, $0x8, v3;
	vm0 =	vge.f32 v13, v5;
	vm1 =	vge.f32 v23, v25;
	[tilespmem:s0+$0xFFFFFFF0] =	vst v22  }
0x3d2: {  	v33 =	vsel vm0, $0x8, v3;
	vm0 =	vge.f32 v14, v5;
	v22 =	vsel vm1, $0x4, v3;
	[tilespmem:s0+$0x0] =	vst v21  }
0x3d3: {  	v34 =	vsel vm0, $0x8, v3;
	vm0 =	vge.f32 v15, v5;
	v21 =	vor.u32 v29, v22;
	[tilespmem:s0+$0x10] =	vst v30  }
0x3d4: {  	v29 =	vsel vm0, $0x8, v3;
	vm0 =	vge.f32 v16, v5;
	v22 =	vperm.xlane v7, v21;
	[tilespmem:s0+$0x20] =	vst v20  }
0x3d5: {  	v25 =	vperm.xlane v6, v28;
	vm1 =	vge.f32 v18, v5;
	v30 =	vsel vm0, $0x8, v3;
	[tilespmem:s0+$0x30] =	vst v24  }
0x3d6: {  	v24 =	vperm.xlane v6, v32;
	v35 =	vsel vm1, $0x8, v3;
	vm0 =	vge.f32 v23, v22;
	[tilespmem:s0+$0x40] =	vst v19  }
0x3d7: {  	v22 =	vperm.xlane v6, v33;
	v20 =	vperm.xlane v6, v35;
	v36 =	vsel vm0, $0x2, v3  }
0x3d8: {  	v37 =	vperm.xlane v6, v34;
	v38 =	vperm.xlane v6, v29;
	v19 =	vld [tilespmem:s8+$0x0];
	v36 =	vor.u32 v21, v36  }
0x3d9: {  	v39 =	vperm.xlane v6, v30;
	vm6 =	vge.f32 v18, v20;
	v20 =	vld [tilespmem:s8+$0x10];
	v40 =	vperm.xlane v4, v36  }
0x3da: {  	vm7 =	vge.f32 v10, v31;
	vm0 =	vge.f32 v11, v25;
	vm1 =	vge.f32 v12, v24;
	v21 =	vld [tilespmem:s8+$0x20]  }
0x3db: {  	vm3 =	vge.f32 v14, v37;
	vm2 =	vge.f32 v13, v22;
	v22 =	vld [tilespmem:s8+$0x30];
	vm8 =	vge.f32 v23, v40  }
0x3dc: {  	vm5 =	vge.f32 v15, v38;
	vm4 =	vge.f32 v16, v39;
	v23 =	vld [tilespmem:s8+$0x40];
	v25 =	vsel vm8, $0x1, v3  }
0x3dd: {  	s0 =	sadd.s32 $0x100, s0;
	v31 =	vsel vm6, $0x4, v3;
	v24 =	vld [tilespmem:s8+$0x50];
	vm6 =	vge.f32 v19, v5;
	v36 =	vor.u32 v25, v36  }
0x3de: {  	v37 =	vsel vm7, $0x4, v3;
	v25 =	vld [tilespmem:s8+$0x60];
	v38 =	vsel vm6, $0x8, v3;
	vm6 =	vge.f32 v20, v5;
	[tilespmem:s0+$0x70] =	vst v36  }
0x3df: {  	v36 =	vsel vm6, $0x8, v3;
	vm6 =	vge.f32 v21, v5;
	v39 =	vperm.xlane v6, v38  }
0x3e0: {  	v40 =	vsel vm6, $0x8, v3;
	vm6 =	vge.f32 v22, v5;
	v41 =	vperm.xlane v6, v36  }
0x3e1: {  	v42 =	vsel vm6, $0x8, v3;
	vm6 =	vge.f32 v23, v5;
	v43 =	vperm.xlane v6, v40  }
0x3e2: {  	v44 =	vsel vm6, $0x8, v3;
	vm6 =	vge.f32 v24, v5;
	v45 =	vperm.xlane v6, v42  }
0x3e3: {  	v46 =	vsel vm6, $0x8, v3;
	vm6 =	vge.f32 v25, v5;
	v47 =	vperm.xlane v6, v44  }
0x3e4: {  	v48 =	vsel vm6, $0x8, v3;
	v49 =	vperm.xlane v6, v46;
	vm6 =	vge.f32 v19, v39  }
0x3e5: {  	vm7 =	vge.f32 v20, v41;
	vm8 =	vge.f32 v21, v43;
	v39 =	vperm.xlane v6, v48  }
0x3e6: {  	vm9 =	vge.f32 v22, v45;
	vm10 =	vge.f32 v23, v47;
	vm11 =	vge.f32 v24, v49  }
0x3e7: {  	v41 =	vsel vm0, $0x4, v3;
	v43 =	vsel vm1, $0x4, v3;
	vm0 =	vge.f32 v25, v39  }
0x3e8: {  	v45 =	vsel vm3, $0x4, v3;
	v47 =	vsel vm5, $0x4, v3;
	v39 =	vsel vm2, $0x4, v3  }
0x3e9: {  	v51 =	vsel vm7, $0x4, v3;
	v50 =	vsel vm6, $0x4, v3;
	v49 =	vsel vm4, $0x4, v3  }
0x3ea: {  	v52 =	vsel vm8, $0x4, v3;
	v53 =	vsel vm9, $0x4, v3;
	v54 =	vsel vm10, $0x4, v3  }
0x3eb: {  	v31 =	vor.u32 v35, v31;
	v35 =	vsel vm11, $0x4, v3;
	v55 =	vsel vm0, $0x4, v3  }
0x3ec: {  	v27 =	vor.u32 v27, v37;
	v28 =	vor.u32 v28, v41;
	v32 =	vor.u32 v32, v43  }
0x3ed: {  	v34 =	vor.u32 v34, v45;
	v29 =	vor.u32 v29, v47;
	v33 =	vor.u32 v33, v39  }
0x3ee: {  	v41 =	vor.u32 v36, v51;
	v30 =	vor.u32 v30, v49;
	v39 =	vor.u32 v38, v50  }
0x3ef: {  	v40 =	vor.u32 v40, v52;
	v42 =	vor.u32 v42, v53;
	v43 =	vor.u32 v44, v54  }
0x3f0: {  	v36 =	vperm.xlane v7, v31;
	v44 =	vor.u32 v46, v35;
	v45 =	vor.u32 v48, v55  }
0x3f1: {  	v9 =	vor.u32 v26, v9;
	v37 =	vperm.xlane v7, v28;
	v35 =	vperm.xlane v7, v27  }
0x3f2: {  	v26 =	vperm.xlane v7, v32;
	vm0 =	vge.f32 v18, v36;
	v38 =	vperm.xlane v7, v33;
	[tilespmem:s2+$0x50] =	vst v9  }
0x3f3: {  	v36 =	vperm.xlane v7, v29;
	vm1 =	vge.f32 v10, v35;
	v9 =	vperm.xlane v7, v34  }
0x3f4: {  	vm2 =	vge.f32 v11, v37;
	v37 =	vperm.xlane v7, v39;
	v35 =	vperm.xlane v7, v30  }
0x3f5: {  	vm3 =	vge.f32 v12, v26;
	v26 =	vperm.xlane v7, v41;
	v46 =	vperm.xlane v7, v40  }
0x3f6: {  	v47 =	vperm.xlane v7, v43;
	vm4 =	vge.f32 v13, v38;
	v38 =	vperm.xlane v7, v42  }
0x3f7: {  	v48 =	vperm.xlane v7, v45;
	vm5 =	vge.f32 v14, v9;
	v9 =	vperm.xlane v7, v44  }
0x3f8: {  	vm6 =	vge.f32 v15, v36;
	vm8 =	vge.f32 v19, v37;
	vm7 =	vge.f32 v16, v35  }
0x3f9: {  	vm9 =	vge.f32 v20, v26;
	vm10 =	vge.f32 v21, v46;
	vm11 =	vge.f32 v22, v38  }
0x3fa: {  	vm12 =	vge.f32 v23, v47;
	vm14 =	vge.f32 v25, v48;
	vm13 =	vge.f32 v24, v9  }
0x3fb: {  	v36 =	vsel vm2, $0x2, v3;
	v35 =	vsel vm1, $0x2, v3;
	v9 =	vsel vm0, $0x2, v3  }
0x3fc: {  	v37 =	vsel vm3, $0x2, v3;
	v46 =	vsel vm4, $0x2, v3;
	v47 =	vsel vm5, $0x2, v3  }
0x3fd: {  	v48 =	vsel vm6, $0x2, v3;
	v50 =	vsel vm8, $0x2, v3;
	v49 =	vsel vm7, $0x2, v3  }
0x3fe: {  	v51 =	vsel vm9, $0x2, v3;
	v52 =	vsel vm10, $0x2, v3;
	v53 =	vsel vm11, $0x2, v3  }
0x3ff: {  	v54 =	vsel vm12, $0x2, v3;
	v56 =	vsel vm14, $0x2, v3;
	v55 =	vsel vm13, $0x2, v3  }
0x400: {  	v36 =	vor.u32 v28, v36;
	v38 =	vor.u32 v27, v35;
	v26 =	vor.u32 v31, v9  }
0x401: {  	v37 =	vor.u32 v32, v37;
	v35 =	vor.u32 v33, v46;
	v33 =	vor.u32 v34, v47  }
0x402: {  	v32 =	vor.u32 v30, v49;
	v34 =	vor.u32 v29, v48;
	v31 =	vor.u32 v39, v50  }
0x403: {  	v30 =	vor.u32 v41, v51;
	v28 =	vor.u32 v42, v53;
	v29 =	vor.u32 v40, v52  }
0x404: {  	v27 =	vor.u32 v43, v54;
	v39 =	vor.u32 v45, v56;
	v9 =	vor.u32 v44, v55  }
0x405: {  	v17 =	vor.u32 v17, v8;
	v41 =	vperm.xlane v4, v38;
	v40 =	vperm.xlane v4, v26;
	v8 =	vmovc v39  }
0x406: {  	v42 =	vperm.xlane v4, v37;
	v39 =	vperm.xlane v4, v36;
	[tilespmem:s2+$0x60] =	vst v17;
	s2 =	smov.u32 s0  }
0x407: {  	v43 =	vperm.xlane v4, v33;
	vm0 =	vge.f32 v18, v40;
	v17 =	vperm.xlane v4, v35  }
0x408: {  	vm5 =	vge.f32 v10, v41;
	v18 =	vperm.xlane v4, v34;
	v40 =	vperm.xlane v4, v32  }
0x409: {  	v10 =	vperm.xlane v4, v31;
	vm6 =	vge.f32 v11, v39;
	v11 =	vperm.xlane v4, v30  }
0x40a: {  	vm7 =	vge.f32 v12, v42;
	v12 =	vperm.xlane v4, v29;
	v39 =	vperm.xlane v4, v28  }
0x40b: {  	vm8 =	vge.f32 v13, v17;
	v13 =	vperm.xlane v4, v27;
	v17 =	vperm.xlane v4, v9  }
0x40c: {  	vm9 =	vge.f32 v14, v43;
	v14 =	vperm.xlane v4, v8;
	vm10 =	vge.f32 v15, v18  }
0x40d: {  	vm12 =	vge.f32 v19, v10;
	vm11 =	vge.f32 v16, v40;
	vm13 =	vge.f32 v20, v11  }
.Ltmp6:
0x40e: {  	vm4 =	vge.f32 v21, v12;
	vm3 =	vge.f32 v22, v39;
	vm2 =	vge.f32 v23, v13;
	(pc) =	sbr.rel @p0 .LBB2_14-.Ltmp6, $4  }
0x40f: {  	v11 =	vsel vm0, $0x1, v3;
	vm0 =	vge.f32 v25, v14;
	vm1 =	vge.f32 v24, v17  }
0x410: {  	v12 =	vsel vm7, $0x1, v3;
	v21 =	vsel vm6, $0x1, v3;
	v22 =	vsel vm5, $0x1, v3  }
0x411: {  	v18 =	vsel vm9, $0x1, v3;
	v19 =	vsel vm8, $0x1, v3;
	v13 =	vsel vm10, $0x1, v3  }
0x412: {  	s8 =	sadd.s32 $0x100, s8;
	v15 =	vsel vm12, $0x1, v3;
	v16 =	vsel vm11, $0x1, v3;
	v14 =	vsel vm13, $0x1, v3  }
0x413: {  	v4 =	vor.u32 v11, v26  }
0x414: {  	v5 =	vor.u32 v22, v38;
	[tilespmem:s0+$0xFFFFFF80] =	vst v4  }
0x415: {  	v6 =	vor.u32 v14, v30;
	[tilespmem:s0+$0xFFFFFF90] =	vst v5  }
0x416: {  	v4 =	vor.u32 v21, v36;
	[tilespmem:s0+$0x10] =	vst v6  }
0x417: {  	v63 =	vsel vm2, $0x1, v3;
	v5 =	vor.u32 v12, v37;
	[tilespmem:s0+$0xFFFFFFA0] =	vst v4  }
0x418: {  	v6 =	vor.u32 v63, v27;
	[tilespmem:s0+$0xFFFFFFB0] =	vst v5  }
0x419: {  	v4 =	vor.u32 v19, v35;
	[tilespmem:s0+$0x40] =	vst v6  }
0x41a: {  	v5 =	vor.u32 v18, v33;
	[tilespmem:s0+$0xFFFFFFC0] =	vst v4  }
0x41b: {  	v4 =	vor.u32 v13, v34;
	[tilespmem:s0+$0xFFFFFFD0] =	vst v5  }
0x41c: {  	v5 =	vor.u32 v16, v32;
	[tilespmem:s0+$0xFFFFFFE0] =	vst v4  }
0x41d: {  	v4 =	vor.u32 v15, v31;
	[tilespmem:s0+$0xFFFFFFF0] =	vst v5;
	v5 =	vsel vm4, $0x1, v3  }
0x41e: {  	[tilespmem:s0+$0x0] =	vst v4;
	v4 =	vsel vm3, $0x1, v3;
	v5 =	vor.u32 v5, v29  }
0x41f: {  	v4 =	vor.u32 v4, v28;
	[tilespmem:s0+$0x20] =	vst v5;
	v5 =	vsel vm1, $0x1, v3  }
0x420: {  	[tilespmem:s0+$0x30] =	vst v4;
	v4 =	vsel vm0, $0x1, v3;
	v5 =	vor.u32 v5, v9  }
0x421: {  	[tilespmem:s2+$0x50] =	vst v5;
	v4 =	vor.u32 v4, v8  }
0x422: {  	s28 =	sadd.s32 $0x1, s28;
	[tilespmem:s2+$0x60] =	vst v4  }
0x423: {  	[hbm4b:s16+s4] =	stream.linear.scatter [tilespmem:s24], [sflag:$0x4], $0x4000, $0x38;
	[tilespmem:$0x10080] =	vst v63  }
0x424: {  	p0 =	sne.s32 s28, s17;
	_ =	swait.ge [sflag:s25], $0x4000  }
.Ltmp7:
0x425: {  	[sflag:s25] =	ssyncset.done $0x0;
	(pc) =	sbr.rel @p0 .LBB2_1-.Ltmp7, $4  }
0x426: {  	[sflag:s25] =	ssyncadd.s32 $0xFFFFC000  }
0x427: {  	_ =	swait.ge [sflag:s26], $0x4000  }
0x428: {  	[sflag:s26] =	ssyncset.done $0x0  }
0x429: {  	[sflag:s26] =	ssyncadd.s32 $0xFFFFC000  }
0x42a: {  	_ =	sfence.sel $0x180000  }
0x42b: {  	[bflag:$0x0] =	sbarrier.arrive $0xFFFF  }
0x42c: {  	_ =	strace $0x90000047  }
0x42d: {  	s0 =	stileid.u32;
	[bflag:$0x2] =	sbarrier.arrive $0xFFFF  }
0x42e: {  	p0 =	sne.s32 s0, $0x0;
	s0 =	rddreg [dreg:$0x3]  }
0x42f: {  	s0 =	sadd.s32 @!p0 $0x100000, s0  }
0x430: {  	[sflag:s0] =	ssyncadd.tile.s32 @!p0 $0x1;
	_ =	shalt  }
.Lfunc_end2:
_tile_overlayer_lowered:
.L_overlay_start_2:
0x431: {  	(tag) =	ssettag $0x2  }
0x432: {  	s0 =	rddreg [dreg:$0x0];
	s2 =	stileid.u32  }
0x433: {  	s1 =	rddreg [dreg:$0x1];
	p0 =	sne.s32 s2, $0x0  }
0x434: {  	s3 =	rddreg [dreg:$0x2];
	[bflag:$0x3] =	sbarrier.arrive $0xFFFF;
	s2 =	simm.s32 @!p0 $0x1C05  }
0x435: {  	[timem:s3], [sflag:s2] =	dma.local @!p0 [hbm:s0], s1  }
0x436: {  	s0 =	simm.s32 @!p0 $0x5  }
0x437: {  	_ =	swait.ge @!p0 [sflag:s0], s1  }
0x438: {  	s1 =	ssub.s32 @!p0 $0x0, s1;
	[sflag:s0] =	ssyncset.done @!p0 $0x0  }
0x439: {  	[sflag:s0] =	ssyncadd.s32 @!p0 s1  }
0x43a: {  	[bflag:$0x3] =	sbarrier.arrive $0xFFFF  }
0x43b: {  	_ =	shalt  }

</sc_bundles>
